<compile_context>
chip_gen: v7x
topology: tpu7x:2x2x1
jax: 0.10.2.dev20260603
libtpu: 0.0.44.dev20260713+nightly
codegen_flags: <defaults>
</compile_context>

<pallas_src>
import functools

import jax
import jax.numpy as jnp
from jax import lax
from jax.experimental import pallas as pl
from jax.experimental.pallas import tpu as pltpu
from jax.experimental.pallas import tpu_sc as plsc


def _ln_table_body(pe_ref, mask_ref, gamma_ref, beta_ref, out_ref):
    pre = pe_ref[...] + mask_ref[...]
    mu = jnp.mean(pre, axis=1, keepdims=True)
    xc = pre - mu
    var = jnp.mean(xc * xc, axis=1, keepdims=True)
    out_ref[...] = xc * lax.rsqrt(var + 1e-5) * gamma_ref[...] + beta_ref[...]


def _ln_table(pe, mask_vec, gamma, beta):
    t, k = pe.shape
    return pl.pallas_call(
        _ln_table_body,
        out_shape=jax.ShapeDtypeStruct((t, k), jnp.float32),
    )(pe, mask_vec, gamma, beta)


_CHUNK = 72


def _make_sc_gather(b, t, k, nm, nu):
    info = plsc.get_sparse_core_info()
    nc, ns = info.num_cores, info.num_subcores
    nw = nc * ns
    assert b % nw == 0
    bpw = b // nw
    assert nu % _CHUNK == 0 or nu < _CHUNK
    assert nm % _CHUNK == 0

    mesh = plsc.VectorSubcoreMesh(core_axis_name="c", subcore_axis_name="s")

    @functools.partial(
        pl.kernel,
        out_type=[
            jax.ShapeDtypeStruct((b * nu, k), jnp.float32),
            jax.ShapeDtypeStruct((b * nm, k), jnp.float32),
            jax.ShapeDtypeStruct((b * nu, k), jnp.float32),
        ],
        mesh=mesh,
        scratch_types=[
            pltpu.VMEM((nu,), jnp.int32),
            pltpu.VMEM((nm,), jnp.int32),
            pltpu.VMEM((nu,), jnp.int32),
            pltpu.VMEM((_CHUNK, k), jnp.float32),
            pltpu.SemaphoreType.DMA,
        ],
    )
    def sc(te_hbm, pe_hbm, ln_hbm, mi_hbm, ui_hbm,
           o_emb, o_mask, o_pos,
           ui_v, mi_v, tei_v, buf, sem):
        wid = lax.axis_index("s") * nc + lax.axis_index("c")

        def gather_rows(tab, idx_ref, n_rows, out, obase):
            for c0 in range(0, n_rows, _CHUNK):
                cc = min(_CHUNK, n_rows - c0)
                cp = pltpu.make_async_copy(
                    tab.at[idx_ref.at[pl.ds(c0, cc)]],
                    buf.at[pl.ds(0, cc)],
                    sem,
                )
                cp.start()
                cp.wait()
                pltpu.sync_copy(buf.at[pl.ds(0, cc)],
                                out.at[pl.ds(obase + c0, cc)])

        for bl in range(bpw):
            bb = wid * bpw + bl
            pltpu.sync_copy(ui_hbm.at[bb], ui_v)
            pltpu.sync_copy(mi_hbm.at[bb], mi_v)
            off = bb * t
            for i in range(nu // 16):
                tei_v[pl.ds(i * 16, 16)] = ui_v[pl.ds(i * 16, 16)] + off
            gather_rows(te_hbm, tei_v, nu, o_emb, bb * nu)
            gather_rows(pe_hbm, ui_v, nu, o_pos, bb * nu)
            gather_rows(ln_hbm, mi_v, nm, o_mask, bb * nm)

    return sc


def kernel(token_embedding, pe, mask_w, ln_gamma, ln_beta,
           mask_index, unmask_index):
    b, t, k = token_embedding.shape
    nm = mask_index.shape[1]
    nu = unmask_index.shape[1]

    mask_vec = jnp.reshape(mask_w, (1, k))
    ln_table = _ln_table(pe, mask_vec,
                         jnp.reshape(ln_gamma, (1, k)),
                         jnp.reshape(ln_beta, (1, k)))

    te_flat = jnp.reshape(token_embedding, (b * t, k))
    o_emb, o_mask, o_pos = _make_sc_gather(b, t, k, nm, nu)(
        te_flat, pe, ln_table, mask_index, unmask_index)

    return (
        jnp.reshape(o_emb, (b, nu, k)),
        jnp.reshape(o_mask, (b, nm, k)),
        jnp.reshape(o_pos, (b, nu, k)),
        mask_index,
        unmask_index,
    )

# --- scband reference (transcript-rebuilt; emitter-appended) ---
"""Pipeline reference for scband-mae-masking-image-12352325943964 (READ-ONLY COPY).

The authoritative reference and input builder live on the scoring server;
editing this copy changes nothing except your own understanding.
"""

import jax, jax.numpy as jnp
import numpy as np

B, T, K = 64, 576, 768
NUM_MASKED, NUM_UNMASKED = 432, 144


def setup_inputs(seed: int = 0) -> dict:
    key = jax.random.key(seed)
    k1, k2, k3 = jax.random.split(key, 3)
    token_embedding = jax.random.normal(k1, (B, T, K), dtype=jnp.float32)
    pe = jax.random.normal(k2, (T, K), dtype=jnp.float32)
    # nn.Linear(1, K, bias=False) weight: shape (K, 1)
    mask_w = jax.random.normal(k3, (K, 1), dtype=jnp.float32) * 0.02
    ln_gamma = jnp.ones((K,), dtype=jnp.float32)
    ln_beta = jnp.zeros((K,), dtype=jnp.float32)
    # Deterministic stand-in for the per-sample torch.randperm in forward
    rng = np.random.RandomState(0)
    mi = np.empty((B, NUM_MASKED), dtype=np.int32)
    ui = np.empty((B, NUM_UNMASKED), dtype=np.int32)
    for i in range(B):
        perm = rng.permutation(T)
        mi[i] = np.sort(perm[:NUM_MASKED])
        ui[i] = np.sort(perm[NUM_MASKED:])
    return {
        "token_embedding": token_embedding,
        "pe": pe,
        "mask_w": mask_w,
        "ln_gamma": ln_gamma,
        "ln_beta": ln_beta,
        "mask_index": jnp.asarray(mi),
        "unmask_index": jnp.asarray(ui),
    }


def reference(token_embedding, pe, mask_w, ln_gamma, ln_beta, mask_index, unmask_index):
    b, t, k = token_embedding.shape
    # mask = Linear(1, k, bias=False)([1.0]) == W @ [1.0] == W[:, 0]
    mask = (mask_w @ jnp.ones((1,), dtype=jnp.float32))  # (k,)
    bidx = jnp.arange(b)[:, None]
    # gather unmasked token embeddings: (b, num_unmasked, k)
    unmasked_embeddings = token_embedding[bidx, unmask_index]
    # pe gathers (pe is shared across batch, so per-row gather suffices)
    unmasked_positions = jnp.take(pe, unmask_index, axis=0)  # (b, num_unmasked, k)
    masked_pe = jnp.take(pe, mask_index, axis=0)  # (b, num_masked, k)
    pre = mask[None, None, :] + masked_pe
    mu = jnp.mean(pre, axis=-1, keepdims=True)
    var = jnp.var(pre, axis=-1, keepdims=True)
    mask_embedding = (pre - mu) / jnp.sqrt(var + 1e-5) * ln_gamma + ln_beta
    return (unmasked_embeddings, mask_embedding, unmasked_positions, mask_index, unmask_index)

if __name__ == "__main__":
    import jax
    _d = setup_inputs()
    print(jax.jit(kernel)(*tuple(_d.values())))

</pallas_src>

<mosaic_0001>
#map = affine_map<(d0, d1) -> (0, 0)>
module attributes {stable_mosaic.version = 14 : i64} {
  func.func @sc(%arg0: i32, %arg1: i32, %arg2: memref<36864x768xf32, #tpu.memory_space<hbm>>, %arg3: memref<576x768xf32, #tpu.memory_space<hbm>>, %arg4: memref<576x768xf32, #tpu.memory_space<hbm>>, %arg5: memref<64x432xi32, #tpu.memory_space<hbm>>, %arg6: memref<64x144xi32, #tpu.memory_space<hbm>>, %arg7: memref<9216x768xf32, #tpu.memory_space<hbm>>, %arg8: memref<27648x768xf32, #tpu.memory_space<hbm>>, %arg9: memref<9216x768xf32, #tpu.memory_space<hbm>>, %arg10: memref<144xi32, #tpu.memory_space<vmem>>, %arg11: memref<432xi32, #tpu.memory_space<vmem>>, %arg12: memref<144xi32, #tpu.memory_space<vmem>>, %arg13: memref<72x768xf32, #tpu.memory_space<vmem>>, %arg14: memref<!tpu.dma_semaphore, #tpu.memory_space<semaphore_mem>>) attributes {dimension_semantics = [#tpu.dimension_semantics<core_parallel>, #tpu.dimension_semantics<subcore_parallel>], iteration_bounds = array<i64: 2, 16>, scalar_prefetch = 0 : i64, scratch_operands = 5 : i64, tpu.core_type = #tpu.core_type<sc_vector_subcore>, window_params = [{transform_indices = #map}, {transform_indices = #map}, {transform_indices = #map}, {transform_indices = #map}, {transform_indices = #map}, {transform_indices = #map}, {transform_indices = #map}, {transform_indices = #map}]} {
    %mul3A = arith.constant 2 : i32
    %mul3A_0 = arith.muli %arg1, %mul3A : i32
    %add3A = arith.addi %mul3A_0, %arg0 : i32
    %mul3A_1 = arith.constant 2 : i32
    %mul3A_2 = arith.muli %add3A, %mul3A_1 : i32
    %add3A_3 = arith.constant 0 : i32
    %add3A_4 = arith.addi %mul3A_2, %add3A_3 : i32
    "tpu.region"() ({
      %run_scoped3A = tpu.sem_alloc : memref<!tpu.dma_semaphore, #tpu.memory_space<semaphore_mem>>
      %dma_start3A_543 = arith.constant 0 : i32
      %dma_start3A_544 = tpu.memref_slice %arg6[%add3A_4, %dma_start3A_543] : memref<64x144xi32, #tpu.memory_space<hbm>> -> memref<1x144xi32, #tpu.memory_space<hbm>>
      %dma_start3A_545 = tpu.memref_squeeze %dma_start3A_544 : memref<1x144xi32, #tpu.memory_space<hbm>> -> memref<144xi32, #tpu.memory_space<hbm>>
      %dma_start3A_546 = arith.constant 0 : i32
      %dma_start3A_547 = tpu.memref_slice %arg6[%add3A_4, %dma_start3A_546] : memref<64x144xi32, #tpu.memory_space<hbm>> -> memref<1x144xi32, #tpu.memory_space<hbm>>
      %dma_start3A_548 = tpu.memref_squeeze %dma_start3A_547 : memref<1x144xi32, #tpu.memory_space<hbm>> -> memref<144xi32, #tpu.memory_space<hbm>>
      tpu.enqueue_dma source(%dma_start3A_548 : memref<144xi32, #tpu.memory_space<hbm>>) target(%arg10 : memref<144xi32, #tpu.memory_space<vmem>>) target_semaphore(%run_scoped3A : memref<!tpu.dma_semaphore, #tpu.memory_space<semaphore_mem>>)
      %dma_wait3A_549 = arith.constant 0 : i32
      %dma_wait3A_550 = tpu.memref_slice %arg6[%add3A_4, %dma_wait3A_549] : memref<64x144xi32, #tpu.memory_space<hbm>> -> memref<1x144xi32, #tpu.memory_space<hbm>>
      %dma_wait3A_551 = tpu.memref_squeeze %dma_wait3A_550 : memref<1x144xi32, #tpu.memory_space<hbm>> -> memref<144xi32, #tpu.memory_space<hbm>>
      %dma_wait3A_552 = arith.constant 0 : i32
      %dma_wait3A_553 = tpu.memref_slice %arg6[%add3A_4, %dma_wait3A_552] : memref<64x144xi32, #tpu.memory_space<hbm>> -> memref<1x144xi32, #tpu.memory_space<hbm>>
      %dma_wait3A_554 = tpu.memref_squeeze %dma_wait3A_553 : memref<1x144xi32, #tpu.memory_space<hbm>> -> memref<144xi32, #tpu.memory_space<hbm>>
      tpu.wait_dma2 semaphore(%run_scoped3A : memref<!tpu.dma_semaphore, #tpu.memory_space<semaphore_mem>>) src(%dma_wait3A_554 : memref<144xi32, #tpu.memory_space<hbm>>) dst(%arg10 : memref<144xi32, #tpu.memory_space<vmem>>)
      tpu.yield
    }) : () -> ()
    "tpu.region"() ({
      %run_scoped3A = tpu.sem_alloc : memref<!tpu.dma_semaphore, #tpu.memory_space<semaphore_mem>>
      %dma_start3A_543 = arith.constant 0 : i32
      %dma_start3A_544 = tpu.memref_slice %arg5[%add3A_4, %dma_start3A_543] : memref<64x432xi32, #tpu.memory_space<hbm>> -> memref<1x432xi32, #tpu.memory_space<hbm>>
      %dma_start3A_545 = tpu.memref_squeeze %dma_start3A_544 : memref<1x432xi32, #tpu.memory_space<hbm>> -> memref<432xi32, #tpu.memory_space<hbm>>
      %dma_start3A_546 = arith.constant 0 : i32
      %dma_start3A_547 = tpu.memref_slice %arg5[%add3A_4, %dma_start3A_546] : memref<64x432xi32, #tpu.memory_space<hbm>> -> memref<1x432xi32, #tpu.memory_space<hbm>>
      %dma_start3A_548 = tpu.memref_squeeze %dma_start3A_547 : memref<1x432xi32, #tpu.memory_space<hbm>> -> memref<432xi32, #tpu.memory_space<hbm>>
      tpu.enqueue_dma source(%dma_start3A_548 : memref<432xi32, #tpu.memory_space<hbm>>) target(%arg11 : memref<432xi32, #tpu.memory_space<vmem>>) target_semaphore(%run_scoped3A : memref<!tpu.dma_semaphore, #tpu.memory_space<semaphore_mem>>)
      %dma_wait3A_549 = arith.constant 0 : i32
      %dma_wait3A_550 = tpu.memref_slice %arg5[%add3A_4, %dma_wait3A_549] : memref<64x432xi32, #tpu.memory_space<hbm>> -> memref<1x432xi32, #tpu.memory_space<hbm>>
      %dma_wait3A_551 = tpu.memref_squeeze %dma_wait3A_550 : memref<1x432xi32, #tpu.memory_space<hbm>> -> memref<432xi32, #tpu.memory_space<hbm>>
      %dma_wait3A_552 = arith.constant 0 : i32
      %dma_wait3A_553 = tpu.memref_slice %arg5[%add3A_4, %dma_wait3A_552] : memref<64x432xi32, #tpu.memory_space<hbm>> -> memref<1x432xi32, #tpu.memory_space<hbm>>
      %dma_wait3A_554 = tpu.memref_squeeze %dma_wait3A_553 : memref<1x432xi32, #tpu.memory_space<hbm>> -> memref<432xi32, #tpu.memory_space<hbm>>
      tpu.wait_dma2 semaphore(%run_scoped3A : memref<!tpu.dma_semaphore, #tpu.memory_space<semaphore_mem>>) src(%dma_wait3A_554 : memref<432xi32, #tpu.memory_space<hbm>>) dst(%arg11 : memref<432xi32, #tpu.memory_space<vmem>>)
      tpu.yield
    }) : () -> ()
    %mul3A_5 = arith.constant 576 : i32
    %mul3A_6 = arith.muli %add3A_4, %mul3A_5 : i32
    %get3A = arith.constant 0 : index
    %get3A_7 = tpu.vector_load %arg10[%get3A] {strides = array<i32>} : memref<144xi32, #tpu.memory_space<vmem>>, vector<16xi32>,
    %get3A_8 = vector.shape_cast %get3A_7 : vector<16xi32> to vector<16xi32>
    %add3A_9 = vector.broadcast %mul3A_6 : i32 to vector<16xi32>
    %add3A_10 = arith.addi %get3A_8, %add3A_9 : vector<16xi32>
    %swap3A = arith.constant 0 : index
    %swap3A_11 = tpu.vector_load %arg12[%swap3A] {strides = array<i32>} : memref<144xi32, #tpu.memory_space<vmem>>, vector<16xi32>,
    %swap3A_12 = vector.shape_cast %swap3A_11 : vector<16xi32> to vector<16xi32>
    %swap3A_13 = vector.shape_cast %add3A_10 : vector<16xi32> to vector<16xi32>
    tpu.vector_store %arg12[%swap3A], %swap3A_13 {strides = array<i32>} : memref<144xi32, #tpu.memory_space<vmem>>, vector<16xi32>,
    %get3A_14 = arith.constant 16 : index
    %get3A_15 = tpu.vector_load %arg10[%get3A_14] {strides = array<i32>} : memref<144xi32, #tpu.memory_space<vmem>>, vector<16xi32>,
    %get3A_16 = vector.shape_cast %get3A_15 : vector<16xi32> to vector<16xi32>
    %add3A_17 = vector.broadcast %mul3A_6 : i32 to vector<16xi32>
    %add3A_18 = arith.addi %get3A_16, %add3A_17 : vector<16xi32>
    %swap3A_19 = arith.constant 16 : index
    %swap3A_20 = tpu.vector_load %arg12[%swap3A_19] {strides = array<i32>} : memref<144xi32, #tpu.memory_space<vmem>>, vector<16xi32>,
    %swap3A_21 = vector.shape_cast %swap3A_20 : vector<16xi32> to vector<16xi32>
    %swap3A_22 = vector.shape_cast %add3A_18 : vector<16xi32> to vector<16xi32>
    tpu.vector_store %arg12[%swap3A_19], %swap3A_22 {strides = array<i32>} : memref<144xi32, #tpu.memory_space<vmem>>, vector<16xi32>,
    %get3A_23 = arith.constant 32 : index
    %get3A_24 = tpu.vector_load %arg10[%get3A_23] {strides = array<i32>} : memref<144xi32, #tpu.memory_space<vmem>>, vector<16xi32>,
    %get3A_25 = vector.shape_cast %get3A_24 : vector<16xi32> to vector<16xi32>
    %add3A_26 = vector.broadcast %mul3A_6 : i32 to vector<16xi32>
    %add3A_27 = arith.addi %get3A_25, %add3A_26 : vector<16xi32>
    %swap3A_28 = arith.constant 32 : index
    %swap3A_29 = tpu.vector_load %arg12[%swap3A_28] {strides = array<i32>} : memref<144xi32, #tpu.memory_space<vmem>>, vector<16xi32>,
    %swap3A_30 = vector.shape_cast %swap3A_29 : vector<16xi32> to vector<16xi32>
    %swap3A_31 = vector.shape_cast %add3A_27 : vector<16xi32> to vector<16xi32>
    tpu.vector_store %arg12[%swap3A_28], %swap3A_31 {strides = array<i32>} : memref<144xi32, #tpu.memory_space<vmem>>, vector<16xi32>,
    %get3A_32 = arith.constant 48 : index
    %get3A_33 = tpu.vector_load %arg10[%get3A_32] {strides = array<i32>} : memref<144xi32, #tpu.memory_space<vmem>>, vector<16xi32>,
    %get3A_34 = vector.shape_cast %get3A_33 : vector<16xi32> to vector<16xi32>
    %add3A_35 = vector.broadcast %mul3A_6 : i32 to vector<16xi32>
    %add3A_36 = arith.addi %get3A_34, %add3A_35 : vector<16xi32>
    %swap3A_37 = arith.constant 48 : index
    %swap3A_38 = tpu.vector_load %arg12[%swap3A_37] {strides = array<i32>} : memref<144xi32, #tpu.memory_space<vmem>>, vector<16xi32>,
    %swap3A_39 = vector.shape_cast %swap3A_38 : vector<16xi32> to vector<16xi32>
    %swap3A_40 = vector.shape_cast %add3A_36 : vector<16xi32> to vector<16xi32>
    tpu.vector_store %arg12[%swap3A_37], %swap3A_40 {strides = array<i32>} : memref<144xi32, #tpu.memory_space<vmem>>, vector<16xi32>,
    %get3A_41 = arith.constant 64 : index
    %get3A_42 = tpu.vector_load %arg10[%get3A_41] {strides = array<i32>} : memref<144xi32, #tpu.memory_space<vmem>>, vector<16xi32>,
    %get3A_43 = vector.shape_cast %get3A_42 : vector<16xi32> to vector<16xi32>
    %add3A_44 = vector.broadcast %mul3A_6 : i32 to vector<16xi32>
    %add3A_45 = arith.addi %get3A_43, %add3A_44 : vector<16xi32>
    %swap3A_46 = arith.constant 64 : index
    %swap3A_47 = tpu.vector_load %arg12[%swap3A_46] {strides = array<i32>} : memref<144xi32, #tpu.memory_space<vmem>>, vector<16xi32>,
    %swap3A_48 = vector.shape_cast %swap3A_47 : vector<16xi32> to vector<16xi32>
    %swap3A_49 = vector.shape_cast %add3A_45 : vector<16xi32> to vector<16xi32>
    tpu.vector_store %arg12[%swap3A_46], %swap3A_49 {strides = array<i32>} : memref<144xi32, #tpu.memory_space<vmem>>, vector<16xi32>,
    %get3A_50 = arith.constant 80 : index
    %get3A_51 = tpu.vector_load %arg10[%get3A_50] {strides = array<i32>} : memref<144xi32, #tpu.memory_space<vmem>>, vector<16xi32>,
    %get3A_52 = vector.shape_cast %get3A_51 : vector<16xi32> to vector<16xi32>
    %add3A_53 = vector.broadcast %mul3A_6 : i32 to vector<16xi32>
    %add3A_54 = arith.addi %get3A_52, %add3A_53 : vector<16xi32>
    %swap3A_55 = arith.constant 80 : index
    %swap3A_56 = tpu.vector_load %arg12[%swap3A_55] {strides = array<i32>} : memref<144xi32, #tpu.memory_space<vmem>>, vector<16xi32>,
    %swap3A_57 = vector.shape_cast %swap3A_56 : vector<16xi32> to vector<16xi32>
    %swap3A_58 = vector.shape_cast %add3A_54 : vector<16xi32> to vector<16xi32>
    tpu.vector_store %arg12[%swap3A_55], %swap3A_58 {strides = array<i32>} : memref<144xi32, #tpu.memory_space<vmem>>, vector<16xi32>,
    %get3A_59 = arith.constant 96 : index
    %get3A_60 = tpu.vector_load %arg10[%get3A_59] {strides = array<i32>} : memref<144xi32, #tpu.memory_space<vmem>>, vector<16xi32>,
    %get3A_61 = vector.shape_cast %get3A_60 : vector<16xi32> to vector<16xi32>
    %add3A_62 = vector.broadcast %mul3A_6 : i32 to vector<16xi32>
    %add3A_63 = arith.addi %get3A_61, %add3A_62 : vector<16xi32>
    %swap3A_64 = arith.constant 96 : index
    %swap3A_65 = tpu.vector_load %arg12[%swap3A_64] {strides = array<i32>} : memref<144xi32, #tpu.memory_space<vmem>>, vector<16xi32>,
    %swap3A_66 = vector.shape_cast %swap3A_65 : vector<16xi32> to vector<16xi32>
    %swap3A_67 = vector.shape_cast %add3A_63 : vector<16xi32> to vector<16xi32>
    tpu.vector_store %arg12[%swap3A_64], %swap3A_67 {strides = array<i32>} : memref<144xi32, #tpu.memory_space<vmem>>, vector<16xi32>,
    %get3A_68 = arith.constant 112 : index
    %get3A_69 = tpu.vector_load %arg10[%get3A_68] {strides = array<i32>} : memref<144xi32, #tpu.memory_space<vmem>>, vector<16xi32>,
    %get3A_70 = vector.shape_cast %get3A_69 : vector<16xi32> to vector<16xi32>
    %add3A_71 = vector.broadcast %mul3A_6 : i32 to vector<16xi32>
    %add3A_72 = arith.addi %get3A_70, %add3A_71 : vector<16xi32>
    %swap3A_73 = arith.constant 112 : index
    %swap3A_74 = tpu.vector_load %arg12[%swap3A_73] {strides = array<i32>} : memref<144xi32, #tpu.memory_space<vmem>>, vector<16xi32>,
    %swap3A_75 = vector.shape_cast %swap3A_74 : vector<16xi32> to vector<16xi32>
    %swap3A_76 = vector.shape_cast %add3A_72 : vector<16xi32> to vector<16xi32>
    tpu.vector_store %arg12[%swap3A_73], %swap3A_76 {strides = array<i32>} : memref<144xi32, #tpu.memory_space<vmem>>, vector<16xi32>,
    %get3A_77 = arith.constant 128 : index
    %get3A_78 = tpu.vector_load %arg10[%get3A_77] {strides = array<i32>} : memref<144xi32, #tpu.memory_space<vmem>>, vector<16xi32>,
    %get3A_79 = vector.shape_cast %get3A_78 : vector<16xi32> to vector<16xi32>
    %add3A_80 = vector.broadcast %mul3A_6 : i32 to vector<16xi32>
    %add3A_81 = arith.addi %get3A_79, %add3A_80 : vector<16xi32>
    %swap3A_82 = arith.constant 128 : index
    %swap3A_83 = tpu.vector_load %arg12[%swap3A_82] {strides = array<i32>} : memref<144xi32, #tpu.memory_space<vmem>>, vector<16xi32>,
    %swap3A_84 = vector.shape_cast %swap3A_83 : vector<16xi32> to vector<16xi32>
    %swap3A_85 = vector.shape_cast %add3A_81 : vector<16xi32> to vector<16xi32>
    tpu.vector_store %arg12[%swap3A_82], %swap3A_85 {strides = array<i32>} : memref<144xi32, #tpu.memory_space<vmem>>, vector<16xi32>,
    %mul3A_86 = arith.constant 144 : i32
    %mul3A_87 = arith.muli %add3A_4, %mul3A_86 : i32
    %dma_start3A = arith.constant 0 : i32
    %dma_start3A_88 = arith.constant 0 : i32
    %dma_start3A_89 = tpu.memref_slice %arg13[%dma_start3A, %dma_start3A_88] : memref<72x768xf32, #tpu.memory_space<vmem>> -> memref<72x768xf32, #tpu.memory_space<vmem>>
    %dma_start3A_90 = arith.constant 0 : i32
    %dma_start3A_91 = tpu.memref_slice %arg12[%dma_start3A_90] : memref<144xi32, #tpu.memory_space<vmem>> -> memref<72xi32, #tpu.memory_space<vmem>>
    %dma_start3A_92 = arith.constant 0 : i32
    %dma_start3A_93 = arith.constant 0 : i32
    %dma_start3A_94 = tpu.memref_slice %arg2[%dma_start3A_92, %dma_start3A_93] : memref<36864x768xf32, #tpu.memory_space<hbm>> -> memref<36864x768xf32, #tpu.memory_space<hbm>>
    tpu.enqueue_indirect_dma source(%dma_start3A_94 : memref<36864x768xf32, #tpu.memory_space<hbm>>) target(%dma_start3A_89 : memref<72x768xf32, #tpu.memory_space<vmem>>) offsets(%dma_start3A_91 : memref<72xi32, #tpu.memory_space<vmem>>) semaphore(%arg14 : memref<!tpu.dma_semaphore, #tpu.memory_space<semaphore_mem>>)
    %dma_wait3A = arith.constant 0 : i32
    %dma_wait3A_95 = arith.constant 0 : i32
    %dma_wait3A_96 = tpu.memref_slice %arg13[%dma_wait3A, %dma_wait3A_95] : memref<72x768xf32, #tpu.memory_space<vmem>> -> memref<72x768xf32, #tpu.memory_space<vmem>>
    %dma_wait3A_97 = arith.constant 0 : i32
    %dma_wait3A_98 = tpu.memref_slice %arg12[%dma_wait3A_97] : memref<144xi32, #tpu.memory_space<vmem>> -> memref<72xi32, #tpu.memory_space<vmem>>
    %dma_wait3A_99 = arith.constant 0 : i32
    %dma_wait3A_100 = arith.constant 0 : i32
    %dma_wait3A_101 = tpu.memref_slice %arg2[%dma_wait3A_99, %dma_wait3A_100] : memref<36864x768xf32, #tpu.memory_space<hbm>> -> memref<36864x768xf32, #tpu.memory_space<hbm>>
    tpu.wait_indirect_dma semaphore(%arg14 : memref<!tpu.dma_semaphore, #tpu.memory_space<semaphore_mem>>) src(%dma_wait3A_101 : memref<36864x768xf32, #tpu.memory_space<hbm>>) dst(%dma_wait3A_96 : memref<72x768xf32, #tpu.memory_space<vmem>>)
    %add3A_102 = arith.constant 0 : i32
    %add3A_103 = arith.addi %mul3A_87, %add3A_102 : i32
    "tpu.region"() ({
      %run_scoped3A = tpu.sem_alloc : memref<!tpu.dma_semaphore, #tpu.memory_space<semaphore_mem>>
      %dma_start3A_543 = arith.constant 0 : i32
      %dma_start3A_544 = arith.constant 0 : i32
      %dma_start3A_545 = tpu.memref_slice %arg13[%dma_start3A_543, %dma_start3A_544] : memref<72x768xf32, #tpu.memory_space<vmem>> -> memref<72x768xf32, #tpu.memory_space<vmem>>
      %dma_start3A_546 = arith.constant 0 : i32
      %dma_start3A_547 = tpu.memref_slice %arg7[%add3A_103, %dma_start3A_546] : memref<9216x768xf32, #tpu.memory_space<hbm>> -> memref<72x768xf32, #tpu.memory_space<hbm>>
      %dma_start3A_548 = arith.constant 0 : i32
      %dma_start3A_549 = tpu.memref_slice %arg7[%add3A_103, %dma_start3A_548] : memref<9216x768xf32, #tpu.memory_space<hbm>> -> memref<72x768xf32, #tpu.memory_space<hbm>>
      %dma_start3A_550 = arith.constant 0 : i32
      %dma_start3A_551 = arith.constant 0 : i32
      %dma_start3A_552 = tpu.memref_slice %arg13[%dma_start3A_550, %dma_start3A_551] : memref<72x768xf32, #tpu.memory_space<vmem>> -> memref<72x768xf32, #tpu.memory_space<vmem>>
      tpu.enqueue_dma source(%dma_start3A_552 : memref<72x768xf32, #tpu.memory_space<vmem>>) target(%dma_start3A_549 : memref<72x768xf32, #tpu.memory_space<hbm>>) target_semaphore(%run_scoped3A : memref<!tpu.dma_semaphore, #tpu.memory_space<semaphore_mem>>)
      %dma_wait3A_553 = arith.constant 0 : i32
      %dma_wait3A_554 = arith.constant 0 : i32
      %dma_wait3A_555 = tpu.memref_slice %arg13[%dma_wait3A_553, %dma_wait3A_554] : memref<72x768xf32, #tpu.memory_space<vmem>> -> memref<72x768xf32, #tpu.memory_space<vmem>>
      %dma_wait3A_556 = arith.constant 0 : i32
      %dma_wait3A_557 = tpu.memref_slice %arg7[%add3A_103, %dma_wait3A_556] : memref<9216x768xf32, #tpu.memory_space<hbm>> -> memref<72x768xf32, #tpu.memory_space<hbm>>
      %dma_wait3A_558 = arith.constant 0 : i32
      %dma_wait3A_559 = tpu.memref_slice %arg7[%add3A_103, %dma_wait3A_558] : memref<9216x768xf32, #tpu.memory_space<hbm>> -> memref<72x768xf32, #tpu.memory_space<hbm>>
      %dma_wait3A_560 = arith.constant 0 : i32
      %dma_wait3A_561 = arith.constant 0 : i32
      %dma_wait3A_562 = tpu.memref_slice %arg13[%dma_wait3A_560, %dma_wait3A_561] : memref<72x768xf32, #tpu.memory_space<vmem>> -> memref<72x768xf32, #tpu.memory_space<vmem>>
      tpu.wait_dma2 semaphore(%run_scoped3A : memref<!tpu.dma_semaphore, #tpu.memory_space<semaphore_mem>>) src(%dma_wait3A_562 : memref<72x768xf32, #tpu.memory_space<vmem>>) dst(%dma_wait3A_559 : memref<72x768xf32, #tpu.memory_space<hbm>>)
      tpu.yield
    }) : () -> ()
    %dma_start3A_104 = arith.constant 0 : i32
    %dma_start3A_105 = arith.constant 0 : i32
    %dma_start3A_106 = tpu.memref_slice %arg13[%dma_start3A_104, %dma_start3A_105] : memref<72x768xf32, #tpu.memory_space<vmem>> -> memref<72x768xf32, #tpu.memory_space<vmem>>
    %dma_start3A_107 = arith.constant 72 : i32
    %dma_start3A_108 = tpu.memref_slice %arg12[%dma_start3A_107] : memref<144xi32, #tpu.memory_space<vmem>> -> memref<72xi32, #tpu.memory_space<vmem>>
    %dma_start3A_109 = arith.constant 0 : i32
    %dma_start3A_110 = arith.constant 0 : i32
    %dma_start3A_111 = tpu.memref_slice %arg2[%dma_start3A_109, %dma_start3A_110] : memref<36864x768xf32, #tpu.memory_space<hbm>> -> memref<36864x768xf32, #tpu.memory_space<hbm>>
    tpu.enqueue_indirect_dma source(%dma_start3A_111 : memref<36864x768xf32, #tpu.memory_space<hbm>>) target(%dma_start3A_106 : memref<72x768xf32, #tpu.memory_space<vmem>>) offsets(%dma_start3A_108 : memref<72xi32, #tpu.memory_space<vmem>>) semaphore(%arg14 : memref<!tpu.dma_semaphore, #tpu.memory_space<semaphore_mem>>)
    %dma_wait3A_112 = arith.constant 0 : i32
    %dma_wait3A_113 = arith.constant 0 : i32
    %dma_wait3A_114 = tpu.memref_slice %arg13[%dma_wait3A_112, %dma_wait3A_113] : memref<72x768xf32, #tpu.memory_space<vmem>> -> memref<72x768xf32, #tpu.memory_space<vmem>>
    %dma_wait3A_115 = arith.constant 72 : i32
    %dma_wait3A_116 = tpu.memref_slice %arg12[%dma_wait3A_115] : memref<144xi32, #tpu.memory_space<vmem>> -> memref<72xi32, #tpu.memory_space<vmem>>
    %dma_wait3A_117 = arith.constant 0 : i32
    %dma_wait3A_118 = arith.constant 0 : i32
    %dma_wait3A_119 = tpu.memref_slice %arg2[%dma_wait3A_117, %dma_wait3A_118] : memref<36864x768xf32, #tpu.memory_space<hbm>> -> memref<36864x768xf32, #tpu.memory_space<hbm>>
    tpu.wait_indirect_dma semaphore(%arg14 : memref<!tpu.dma_semaphore, #tpu.memory_space<semaphore_mem>>) src(%dma_wait3A_119 : memref<36864x768xf32, #tpu.memory_space<hbm>>) dst(%dma_wait3A_114 : memref<72x768xf32, #tpu.memory_space<vmem>>)
    %add3A_120 = arith.constant 72 : i32
    %add3A_121 = arith.addi %mul3A_87, %add3A_120 : i32
    "tpu.region"() ({
      %run_scoped3A = tpu.sem_alloc : memref<!tpu.dma_semaphore, #tpu.memory_space<semaphore_mem>>
      %dma_start3A_543 = arith.constant 0 : i32
      %dma_start3A_544 = arith.constant 0 : i32
      %dma_start3A_545 = tpu.memref_slice %arg13[%dma_start3A_543, %dma_start3A_544] : memref<72x768xf32, #tpu.memory_space<vmem>> -> memref<72x768xf32, #tpu.memory_space<vmem>>
      %dma_start3A_546 = arith.constant 0 : i32
      %dma_start3A_547 = tpu.memref_slice %arg7[%add3A_121, %dma_start3A_546] : memref<9216x768xf32, #tpu.memory_space<hbm>> -> memref<72x768xf32, #tpu.memory_space<hbm>>
      %dma_start3A_548 = arith.constant 0 : i32
      %dma_start3A_549 = tpu.memref_slice %arg7[%add3A_121, %dma_start3A_548] : memref<9216x768xf32, #tpu.memory_space<hbm>> -> memref<72x768xf32, #tpu.memory_space<hbm>>
      %dma_start3A_550 = arith.constant 0 : i32
      %dma_start3A_551 = arith.constant 0 : i32
      %dma_start3A_552 = tpu.memref_slice %arg13[%dma_start3A_550, %dma_start3A_551] : memref<72x768xf32, #tpu.memory_space<vmem>> -> memref<72x768xf32, #tpu.memory_space<vmem>>
      tpu.enqueue_dma source(%dma_start3A_552 : memref<72x768xf32, #tpu.memory_space<vmem>>) target(%dma_start3A_549 : memref<72x768xf32, #tpu.memory_space<hbm>>) target_semaphore(%run_scoped3A : memref<!tpu.dma_semaphore, #tpu.memory_space<semaphore_mem>>)
      %dma_wait3A_553 = arith.constant 0 : i32
      %dma_wait3A_554 = arith.constant 0 : i32
      %dma_wait3A_555 = tpu.memref_slice %arg13[%dma_wait3A_553, %dma_wait3A_554] : memref<72x768xf32, #tpu.memory_space<vmem>> -> memref<72x768xf32, #tpu.memory_space<vmem>>
      %dma_wait3A_556 = arith.constant 0 : i32
      %dma_wait3A_557 = tpu.memref_slice %arg7[%add3A_121, %dma_wait3A_556] : memref<9216x768xf32, #tpu.memory_space<hbm>> -> memref<72x768xf32, #tpu.memory_space<hbm>>
      %dma_wait3A_558 = arith.constant 0 : i32
      %dma_wait3A_559 = tpu.memref_slice %arg7[%add3A_121, %dma_wait3A_558] : memref<9216x768xf32, #tpu.memory_space<hbm>> -> memref<72x768xf32, #tpu.memory_space<hbm>>
      %dma_wait3A_560 = arith.constant 0 : i32
      %dma_wait3A_561 = arith.constant 0 : i32
      %dma_wait3A_562 = tpu.memref_slice %arg13[%dma_wait3A_560, %dma_wait3A_561] : memref<72x768xf32, #tpu.memory_space<vmem>> -> memref<72x768xf32, #tpu.memory_space<vmem>>
      tpu.wait_dma2 semaphore(%run_scoped3A : memref<!tpu.dma_semaphore, #tpu.memory_space<semaphore_mem>>) src(%dma_wait3A_562 : memref<72x768xf32, #tpu.memory_space<vmem>>) dst(%dma_wait3A_559 : memref<72x768xf32, #tpu.memory_space<hbm>>)
      tpu.yield
    }) : () -> ()
    %mul3A_122 = arith.constant 144 : i32
    %mul3A_123 = arith.muli %add3A_4, %mul3A_122 : i32
    %dma_start3A_124 = arith.constant 0 : i32
    %dma_start3A_125 = arith.constant 0 : i32
    %dma_start3A_126 = tpu.memref_slice %arg13[%dma_start3A_124, %dma_start3A_125] : memref<72x768xf32, #tpu.memory_space<vmem>> -> memref<72x768xf32, #tpu.memory_space<vmem>>
    %dma_start3A_127 = arith.constant 0 : i32
    %dma_start3A_128 = tpu.memref_slice %arg10[%dma_start3A_127] : memref<144xi32, #tpu.memory_space<vmem>> -> memref<72xi32, #tpu.memory_space<vmem>>
    %dma_start3A_129 = arith.constant 0 : i32
    %dma_start3A_130 = arith.constant 0 : i32
    %dma_start3A_131 = tpu.memref_slice %arg3[%dma_start3A_129, %dma_start3A_130] : memref<576x768xf32, #tpu.memory_space<hbm>> -> memref<576x768xf32, #tpu.memory_space<hbm>>
    tpu.enqueue_indirect_dma source(%dma_start3A_131 : memref<576x768xf32, #tpu.memory_space<hbm>>) target(%dma_start3A_126 : memref<72x768xf32, #tpu.memory_space<vmem>>) offsets(%dma_start3A_128 : memref<72xi32, #tpu.memory_space<vmem>>) semaphore(%arg14 : memref<!tpu.dma_semaphore, #tpu.memory_space<semaphore_mem>>)
    %dma_wait3A_132 = arith.constant 0 : i32
    %dma_wait3A_133 = arith.constant 0 : i32
    %dma_wait3A_134 = tpu.memref_slice %arg13[%dma_wait3A_132, %dma_wait3A_133] : memref<72x768xf32, #tpu.memory_space<vmem>> -> memref<72x768xf32, #tpu.memory_space<vmem>>
    %dma_wait3A_135 = arith.constant 0 : i32
    %dma_wait3A_136 = tpu.memref_slice %arg10[%dma_wait3A_135] : memref<144xi32, #tpu.memory_space<vmem>> -> memref<72xi32, #tpu.memory_space<vmem>>
    %dma_wait3A_137 = arith.constant 0 : i32
    %dma_wait3A_138 = arith.constant 0 : i32
    %dma_wait3A_139 = tpu.memref_slice %arg3[%dma_wait3A_137, %dma_wait3A_138] : memref<576x768xf32, #tpu.memory_space<hbm>> -> memref<576x768xf32, #tpu.memory_space<hbm>>
    tpu.wait_indirect_dma semaphore(%arg14 : memref<!tpu.dma_semaphore, #tpu.memory_space<semaphore_mem>>) src(%dma_wait3A_139 : memref<576x768xf32, #tpu.memory_space<hbm>>) dst(%dma_wait3A_134 : memref<72x768xf32, #tpu.memory_space<vmem>>)
    %add3A_140 = arith.constant 0 : i32
    %add3A_141 = arith.addi %mul3A_123, %add3A_140 : i32
    "tpu.region"() ({
      %run_scoped3A = tpu.sem_alloc : memref<!tpu.dma_semaphore, #tpu.memory_space<semaphore_mem>>
      %dma_start3A_543 = arith.constant 0 : i32
      %dma_start3A_544 = arith.constant 0 : i32
      %dma_start3A_545 = tpu.memref_slice %arg13[%dma_start3A_543, %dma_start3A_544] : memref<72x768xf32, #tpu.memory_space<vmem>> -> memref<72x768xf32, #tpu.memory_space<vmem>>
      %dma_start3A_546 = arith.constant 0 : i32
      %dma_start3A_547 = tpu.memref_slice %arg9[%add3A_141, %dma_start3A_546] : memref<9216x768xf32, #tpu.memory_space<hbm>> -> memref<72x768xf32, #tpu.memory_space<hbm>>
      %dma_start3A_548 = arith.constant 0 : i32
      %dma_start3A_549 = tpu.memref_slice %arg9[%add3A_141, %dma_start3A_548] : memref<9216x768xf32, #tpu.memory_space<hbm>> -> memref<72x768xf32, #tpu.memory_space<hbm>>
      %dma_start3A_550 = arith.constant 0 : i32
      %dma_start3A_551 = arith.constant 0 : i32
      %dma_start3A_552 = tpu.memref_slice %arg13[%dma_start3A_550, %dma_start3A_551] : memref<72x768xf32, #tpu.memory_space<vmem>> -> memref<72x768xf32, #tpu.memory_space<vmem>>
      tpu.enqueue_dma source(%dma_start3A_552 : memref<72x768xf32, #tpu.memory_space<vmem>>) target(%dma_start3A_549 : memref<72x768xf32, #tpu.memory_space<hbm>>) target_semaphore(%run_scoped3A : memref<!tpu.dma_semaphore, #tpu.memory_space<semaphore_mem>>)
      %dma_wait3A_553 = arith.constant 0 : i32
      %dma_wait3A_554 = arith.constant 0 : i32
      %dma_wait3A_555 = tpu.memref_slice %arg13[%dma_wait3A_553, %dma_wait3A_554] : memref<72x768xf32, #tpu.memory_space<vmem>> -> memref<72x768xf32, #tpu.memory_space<vmem>>
      %dma_wait3A_556 = arith.constant 0 : i32
      %dma_wait3A_557 = tpu.memref_slice %arg9[%add3A_141, %dma_wait3A_556] : memref<9216x768xf32, #tpu.memory_space<hbm>> -> memref<72x768xf32, #tpu.memory_space<hbm>>
      %dma_wait3A_558 = arith.constant 0 : i32
      %dma_wait3A_559 = tpu.memref_slice %arg9[%add3A_141, %dma_wait3A_558] : memref<9216x768xf32, #tpu.memory_space<hbm>> -> memref<72x768xf32, #tpu.memory_space<hbm>>
      %dma_wait3A_560 = arith.constant 0 : i32
      %dma_wait3A_561 = arith.constant 0 : i32
      %dma_wait3A_562 = tpu.memref_slice %arg13[%dma_wait3A_560, %dma_wait3A_561] : memref<72x768xf32, #tpu.memory_space<vmem>> -> memref<72x768xf32, #tpu.memory_space<vmem>>
      tpu.wait_dma2 semaphore(%run_scoped3A : memref<!tpu.dma_semaphore, #tpu.memory_space<semaphore_mem>>) src(%dma_wait3A_562 : memref<72x768xf32, #tpu.memory_space<vmem>>) dst(%dma_wait3A_559 : memref<72x768xf32, #tpu.memory_space<hbm>>)
      tpu.yield
    }) : () -> ()
    %dma_start3A_142 = arith.constant 0 : i32
    %dma_start3A_143 = arith.constant 0 : i32
    %dma_start3A_144 = tpu.memref_slice %arg13[%dma_start3A_142, %dma_start3A_143] : memref<72x768xf32, #tpu.memory_space<vmem>> -> memref<72x768xf32, #tpu.memory_space<vmem>>
    %dma_start3A_145 = arith.constant 72 : i32
    %dma_start3A_146 = tpu.memref_slice %arg10[%dma_start3A_145] : memref<144xi32, #tpu.memory_space<vmem>> -> memref<72xi32, #tpu.memory_space<vmem>>
    %dma_start3A_147 = arith.constant 0 : i32
    %dma_start3A_148 = arith.constant 0 : i32
    %dma_start3A_149 = tpu.memref_slice %arg3[%dma_start3A_147, %dma_start3A_148] : memref<576x768xf32, #tpu.memory_space<hbm>> -> memref<576x768xf32, #tpu.memory_space<hbm>>
    tpu.enqueue_indirect_dma source(%dma_start3A_149 : memref<576x768xf32, #tpu.memory_space<hbm>>) target(%dma_start3A_144 : memref<72x768xf32, #tpu.memory_space<vmem>>) offsets(%dma_start3A_146 : memref<72xi32, #tpu.memory_space<vmem>>) semaphore(%arg14 : memref<!tpu.dma_semaphore, #tpu.memory_space<semaphore_mem>>)
    %dma_wait3A_150 = arith.constant 0 : i32
    %dma_wait3A_151 = arith.constant 0 : i32
    %dma_wait3A_152 = tpu.memref_slice %arg13[%dma_wait3A_150, %dma_wait3A_151] : memref<72x768xf32, #tpu.memory_space<vmem>> -> memref<72x768xf32, #tpu.memory_space<vmem>>
    %dma_wait3A_153 = arith.constant 72 : i32
    %dma_wait3A_154 = tpu.memref_slice %arg10[%dma_wait3A_153] : memref<144xi32, #tpu.memory_space<vmem>> -> memref<72xi32, #tpu.memory_space<vmem>>
    %dma_wait3A_155 = arith.constant 0 : i32
    %dma_wait3A_156 = arith.constant 0 : i32
    %dma_wait3A_157 = tpu.memref_slice %arg3[%dma_wait3A_155, %dma_wait3A_156] : memref<576x768xf32, #tpu.memory_space<hbm>> -> memref<576x768xf32, #tpu.memory_space<hbm>>
    tpu.wait_indirect_dma semaphore(%arg14 : memref<!tpu.dma_semaphore, #tpu.memory_space<semaphore_mem>>) src(%dma_wait3A_157 : memref<576x768xf32, #tpu.memory_space<hbm>>) dst(%dma_wait3A_152 : memref<72x768xf32, #tpu.memory_space<vmem>>)
    %add3A_158 = arith.constant 72 : i32
    %add3A_159 = arith.addi %mul3A_123, %add3A_158 : i32
    "tpu.region"() ({
      %run_scoped3A = tpu.sem_alloc : memref<!tpu.dma_semaphore, #tpu.memory_space<semaphore_mem>>
      %dma_start3A_543 = arith.constant 0 : i32
      %dma_start3A_544 = arith.constant 0 : i32
      %dma_start3A_545 = tpu.memref_slice %arg13[%dma_start3A_543, %dma_start3A_544] : memref<72x768xf32, #tpu.memory_space<vmem>> -> memref<72x768xf32, #tpu.memory_space<vmem>>
      %dma_start3A_546 = arith.constant 0 : i32
      %dma_start3A_547 = tpu.memref_slice %arg9[%add3A_159, %dma_start3A_546] : memref<9216x768xf32, #tpu.memory_space<hbm>> -> memref<72x768xf32, #tpu.memory_space<hbm>>
      %dma_start3A_548 = arith.constant 0 : i32
      %dma_start3A_549 = tpu.memref_slice %arg9[%add3A_159, %dma_start3A_548] : memref<9216x768xf32, #tpu.memory_space<hbm>> -> memref<72x768xf32, #tpu.memory_space<hbm>>
      %dma_start3A_550 = arith.constant 0 : i32
      %dma_start3A_551 = arith.constant 0 : i32
      %dma_start3A_552 = tpu.memref_slice %arg13[%dma_start3A_550, %dma_start3A_551] : memref<72x768xf32, #tpu.memory_space<vmem>> -> memref<72x768xf32, #tpu.memory_space<vmem>>
      tpu.enqueue_dma source(%dma_start3A_552 : memref<72x768xf32, #tpu.memory_space<vmem>>) target(%dma_start3A_549 : memref<72x768xf32, #tpu.memory_space<hbm>>) target_semaphore(%run_scoped3A : memref<!tpu.dma_semaphore, #tpu.memory_space<semaphore_mem>>)
      %dma_wait3A_553 = arith.constant 0 : i32
      %dma_wait3A_554 = arith.constant 0 : i32
      %dma_wait3A_555 = tpu.memref_slice %arg13[%dma_wait3A_553, %dma_wait3A_554] : memref<72x768xf32, #tpu.memory_space<vmem>> -> memref<72x768xf32, #tpu.memory_space<vmem>>
      %dma_wait3A_556 = arith.constant 0 : i32
      %dma_wait3A_557 = tpu.memref_slice %arg9[%add3A_159, %dma_wait3A_556] : memref<9216x768xf32, #tpu.memory_space<hbm>> -> memref<72x768xf32, #tpu.memory_space<hbm>>
      %dma_wait3A_558 = arith.constant 0 : i32
      %dma_wait3A_559 = tpu.memref_slice %arg9[%add3A_159, %dma_wait3A_558] : memref<9216x768xf32, #tpu.memory_space<hbm>> -> memref<72x768xf32, #tpu.memory_space<hbm>>
      %dma_wait3A_560 = arith.constant 0 : i32
      %dma_wait3A_561 = arith.constant 0 : i32
      %dma_wait3A_562 = tpu.memref_slice %arg13[%dma_wait3A_560, %dma_wait3A_561] : memref<72x768xf32, #tpu.memory_space<vmem>> -> memref<72x768xf32, #tpu.memory_space<vmem>>
      tpu.wait_dma2 semaphore(%run_scoped3A : memref<!tpu.dma_semaphore, #tpu.memory_space<semaphore_mem>>) src(%dma_wait3A_562 : memref<72x768xf32, #tpu.memory_space<vmem>>) dst(%dma_wait3A_559 : memref<72x768xf32, #tpu.memory_space<hbm>>)
      tpu.yield
    }) : () -> ()
    %mul3A_160 = arith.constant 432 : i32
    %mul3A_161 = arith.muli %add3A_4, %mul3A_160 : i32
    %dma_start3A_162 = arith.constant 0 : i32
    %dma_start3A_163 = arith.constant 0 : i32
    %dma_start3A_164 = tpu.memref_slice %arg13[%dma_start3A_162, %dma_start3A_163] : memref<72x768xf32, #tpu.memory_space<vmem>> -> memref<72x768xf32, #tpu.memory_space<vmem>>
    %dma_start3A_165 = arith.constant 0 : i32
    %dma_start3A_166 = tpu.memref_slice %arg11[%dma_start3A_165] : memref<432xi32, #tpu.memory_space<vmem>> -> memref<72xi32, #tpu.memory_space<vmem>>
    %dma_start3A_167 = arith.constant 0 : i32
    %dma_start3A_168 = arith.constant 0 : i32
    %dma_start3A_169 = tpu.memref_slice %arg4[%dma_start3A_167, %dma_start3A_168] : memref<576x768xf32, #tpu.memory_space<hbm>> -> memref<576x768xf32, #tpu.memory_space<hbm>>
    tpu.enqueue_indirect_dma source(%dma_start3A_169 : memref<576x768xf32, #tpu.memory_space<hbm>>) target(%dma_start3A_164 : memref<72x768xf32, #tpu.memory_space<vmem>>) offsets(%dma_start3A_166 : memref<72xi32, #tpu.memory_space<vmem>>) semaphore(%arg14 : memref<!tpu.dma_semaphore, #tpu.memory_space<semaphore_mem>>)
    %dma_wait3A_170 = arith.constant 0 : i32
    %dma_wait3A_171 = arith.constant 0 : i32
    %dma_wait3A_172 = tpu.memref_slice %arg13[%dma_wait3A_170, %dma_wait3A_171] : memref<72x768xf32, #tpu.memory_space<vmem>> -> memref<72x768xf32, #tpu.memory_space<vmem>>
    %dma_wait3A_173 = arith.constant 0 : i32
    %dma_wait3A_174 = tpu.memref_slice %arg11[%dma_wait3A_173] : memref<432xi32, #tpu.memory_space<vmem>> -> memref<72xi32, #tpu.memory_space<vmem>>
    %dma_wait3A_175 = arith.constant 0 : i32
    %dma_wait3A_176 = arith.constant 0 : i32
    %dma_wait3A_177 = tpu.memref_slice %arg4[%dma_wait3A_175, %dma_wait3A_176] : memref<576x768xf32, #tpu.memory_space<hbm>> -> memref<576x768xf32, #tpu.memory_space<hbm>>
    tpu.wait_indirect_dma semaphore(%arg14 : memref<!tpu.dma_semaphore, #tpu.memory_space<semaphore_mem>>) src(%dma_wait3A_177 : memref<576x768xf32, #tpu.memory_space<hbm>>) dst(%dma_wait3A_172 : memref<72x768xf32, #tpu.memory_space<vmem>>)
    %add3A_178 = arith.constant 0 : i32
    %add3A_179 = arith.addi %mul3A_161, %add3A_178 : i32
    "tpu.region"() ({
      %run_scoped3A = tpu.sem_alloc : memref<!tpu.dma_semaphore, #tpu.memory_space<semaphore_mem>>
      %dma_start3A_543 = arith.constant 0 : i32
      %dma_start3A_544 = arith.constant 0 : i32
      %dma_start3A_545 = tpu.memref_slice %arg13[%dma_start3A_543, %dma_start3A_544] : memref<72x768xf32, #tpu.memory_space<vmem>> -> memref<72x768xf32, #tpu.memory_space<vmem>>
      %dma_start3A_546 = arith.constant 0 : i32
      %dma_start3A_547 = tpu.memref_slice %arg8[%add3A_179, %dma_start3A_546] : memref<27648x768xf32, #tpu.memory_space<hbm>> -> memref<72x768xf32, #tpu.memory_space<hbm>>
      %dma_start3A_548 = arith.constant 0 : i32
      %dma_start3A_549 = tpu.memref_slice %arg8[%add3A_179, %dma_start3A_548] : memref<27648x768xf32, #tpu.memory_space<hbm>> -> memref<72x768xf32, #tpu.memory_space<hbm>>
      %dma_start3A_550 = arith.constant 0 : i32
      %dma_start3A_551 = arith.constant 0 : i32
      %dma_start3A_552 = tpu.memref_slice %arg13[%dma_start3A_550, %dma_start3A_551] : memref<72x768xf32, #tpu.memory_space<vmem>> -> memref<72x768xf32, #tpu.memory_space<vmem>>
      tpu.enqueue_dma source(%dma_start3A_552 : memref<72x768xf32, #tpu.memory_space<vmem>>) target(%dma_start3A_549 : memref<72x768xf32, #tpu.memory_space<hbm>>) target_semaphore(%run_scoped3A : memref<!tpu.dma_semaphore, #tpu.memory_space<semaphore_mem>>)
      %dma_wait3A_553 = arith.constant 0 : i32
      %dma_wait3A_554 = arith.constant 0 : i32
      %dma_wait3A_555 = tpu.memref_slice %arg13[%dma_wait3A_553, %dma_wait3A_554] : memref<72x768xf32, #tpu.memory_space<vmem>> -> memref<72x768xf32, #tpu.memory_space<vmem>>
      %dma_wait3A_556 = arith.constant 0 : i32
      %dma_wait3A_557 = tpu.memref_slice %arg8[%add3A_179, %dma_wait3A_556] : memref<27648x768xf32, #tpu.memory_space<hbm>> -> memref<72x768xf32, #tpu.memory_space<hbm>>
      %dma_wait3A_558 = arith.constant 0 : i32
      %dma_wait3A_559 = tpu.memref_slice %arg8[%add3A_179, %dma_wait3A_558] : memref<27648x768xf32, #tpu.memory_space<hbm>> -> memref<72x768xf32, #tpu.memory_space<hbm>>
      %dma_wait3A_560 = arith.constant 0 : i32
      %dma_wait3A_561 = arith.constant 0 : i32
      %dma_wait3A_562 = tpu.memref_slice %arg13[%dma_wait3A_560, %dma_wait3A_561] : memref<72x768xf32, #tpu.memory_space<vmem>> -> memref<72x768xf32, #tpu.memory_space<vmem>>
      tpu.wait_dma2 semaphore(%run_scoped3A : memref<!tpu.dma_semaphore, #tpu.memory_space<semaphore_mem>>) src(%dma_wait3A_562 : memref<72x768xf32, #tpu.memory_space<vmem>>) dst(%dma_wait3A_559 : memref<72x768xf32, #tpu.memory_space<hbm>>)
      tpu.yield
    }) : () -> ()
    %dma_start3A_180 = arith.constant 0 : i32
    %dma_start3A_181 = arith.constant 0 : i32
    %dma_start3A_182 = tpu.memref_slice %arg13[%dma_start3A_180, %dma_start3A_181] : memref<72x768xf32, #tpu.memory_space<vmem>> -> memref<72x768xf32, #tpu.memory_space<vmem>>
    %dma_start3A_183 = arith.constant 72 : i32
    %dma_start3A_184 = tpu.memref_slice %arg11[%dma_start3A_183] : memref<432xi32, #tpu.memory_space<vmem>> -> memref<72xi32, #tpu.memory_space<vmem>>
    %dma_start3A_185 = arith.constant 0 : i32
    %dma_start3A_186 = arith.constant 0 : i32
    %dma_start3A_187 = tpu.memref_slice %arg4[%dma_start3A_185, %dma_start3A_186] : memref<576x768xf32, #tpu.memory_space<hbm>> -> memref<576x768xf32, #tpu.memory_space<hbm>>
    tpu.enqueue_indirect_dma source(%dma_start3A_187 : memref<576x768xf32, #tpu.memory_space<hbm>>) target(%dma_start3A_182 : memref<72x768xf32, #tpu.memory_space<vmem>>) offsets(%dma_start3A_184 : memref<72xi32, #tpu.memory_space<vmem>>) semaphore(%arg14 : memref<!tpu.dma_semaphore, #tpu.memory_space<semaphore_mem>>)
    %dma_wait3A_188 = arith.constant 0 : i32
    %dma_wait3A_189 = arith.constant 0 : i32
    %dma_wait3A_190 = tpu.memref_slice %arg13[%dma_wait3A_188, %dma_wait3A_189] : memref<72x768xf32, #tpu.memory_space<vmem>> -> memref<72x768xf32, #tpu.memory_space<vmem>>
    %dma_wait3A_191 = arith.constant 72 : i32
    %dma_wait3A_192 = tpu.memref_slice %arg11[%dma_wait3A_191] : memref<432xi32, #tpu.memory_space<vmem>> -> memref<72xi32, #tpu.memory_space<vmem>>
    %dma_wait3A_193 = arith.constant 0 : i32
    %dma_wait3A_194 = arith.constant 0 : i32
    %dma_wait3A_195 = tpu.memref_slice %arg4[%dma_wait3A_193, %dma_wait3A_194] : memref<576x768xf32, #tpu.memory_space<hbm>> -> memref<576x768xf32, #tpu.memory_space<hbm>>
    tpu.wait_indirect_dma semaphore(%arg14 : memref<!tpu.dma_semaphore, #tpu.memory_space<semaphore_mem>>) src(%dma_wait3A_195 : memref<576x768xf32, #tpu.memory_space<hbm>>) dst(%dma_wait3A_190 : memref<72x768xf32, #tpu.memory_space<vmem>>)
    %add3A_196 = arith.constant 72 : i32
    %add3A_197 = arith.addi %mul3A_161, %add3A_196 : i32
    "tpu.region"() ({
      %run_scoped3A = tpu.sem_alloc : memref<!tpu.dma_semaphore, #tpu.memory_space<semaphore_mem>>
      %dma_start3A_543 = arith.constant 0 : i32
      %dma_start3A_544 = arith.constant 0 : i32
      %dma_start3A_545 = tpu.memref_slice %arg13[%dma_start3A_543, %dma_start3A_544] : memref<72x768xf32, #tpu.memory_space<vmem>> -> memref<72x768xf32, #tpu.memory_space<vmem>>
      %dma_start3A_546 = arith.constant 0 : i32
      %dma_start3A_547 = tpu.memref_slice %arg8[%add3A_197, %dma_start3A_546] : memref<27648x768xf32, #tpu.memory_space<hbm>> -> memref<72x768xf32, #tpu.memory_space<hbm>>
      %dma_start3A_548 = arith.constant 0 : i32
      %dma_start3A_549 = tpu.memref_slice %arg8[%add3A_197, %dma_start3A_548] : memref<27648x768xf32, #tpu.memory_space<hbm>> -> memref<72x768xf32, #tpu.memory_space<hbm>>
      %dma_start3A_550 = arith.constant 0 : i32
      %dma_start3A_551 = arith.constant 0 : i32
      %dma_start3A_552 = tpu.memref_slice %arg13[%dma_start3A_550, %dma_start3A_551] : memref<72x768xf32, #tpu.memory_space<vmem>> -> memref<72x768xf32, #tpu.memory_space<vmem>>
      tpu.enqueue_dma source(%dma_start3A_552 : memref<72x768xf32, #tpu.memory_space<vmem>>) target(%dma_start3A_549 : memref<72x768xf32, #tpu.memory_space<hbm>>) target_semaphore(%run_scoped3A : memref<!tpu.dma_semaphore, #tpu.memory_space<semaphore_mem>>)
      %dma_wait3A_553 = arith.constant 0 : i32
      %dma_wait3A_554 = arith.constant 0 : i32
      %dma_wait3A_555 = tpu.memref_slice %arg13[%dma_wait3A_553, %dma_wait3A_554] : memref<72x768xf32, #tpu.memory_space<vmem>> -> memref<72x768xf32, #tpu.memory_space<vmem>>
      %dma_wait3A_556 = arith.constant 0 : i32
      %dma_wait3A_557 = tpu.memref_slice %arg8[%add3A_197, %dma_wait3A_556] : memref<27648x768xf32, #tpu.memory_space<hbm>> -> memref<72x768xf32, #tpu.memory_space<hbm>>
      %dma_wait3A_558 = arith.constant 0 : i32
      %dma_wait3A_559 = tpu.memref_slice %arg8[%add3A_197, %dma_wait3A_558] : memref<27648x768xf32, #tpu.memory_space<hbm>> -> memref<72x768xf32, #tpu.memory_space<hbm>>
      %dma_wait3A_560 = arith.constant 0 : i32
      %dma_wait3A_561 = arith.constant 0 : i32
      %dma_wait3A_562 = tpu.memref_slice %arg13[%dma_wait3A_560, %dma_wait3A_561] : memref<72x768xf32, #tpu.memory_space<vmem>> -> memref<72x768xf32, #tpu.memory_space<vmem>>
      tpu.wait_dma2 semaphore(%run_scoped3A : memref<!tpu.dma_semaphore, #tpu.memory_space<semaphore_mem>>) src(%dma_wait3A_562 : memref<72x768xf32, #tpu.memory_space<vmem>>) dst(%dma_wait3A_559 : memref<72x768xf32, #tpu.memory_space<hbm>>)
      tpu.yield
    }) : () -> ()
    %dma_start3A_198 = arith.constant 0 : i32
    %dma_start3A_199 = arith.constant 0 : i32
    %dma_start3A_200 = tpu.memref_slice %arg13[%dma_start3A_198, %dma_start3A_199] : memref<72x768xf32, #tpu.memory_space<vmem>> -> memref<72x768xf32, #tpu.memory_space<vmem>>
    %dma_start3A_201 = arith.constant 144 : i32
    %dma_start3A_202 = tpu.memref_slice %arg11[%dma_start3A_201] : memref<432xi32, #tpu.memory_space<vmem>> -> memref<72xi32, #tpu.memory_space<vmem>>
    %dma_start3A_203 = arith.constant 0 : i32
    %dma_start3A_204 = arith.constant 0 : i32
    %dma_start3A_205 = tpu.memref_slice %arg4[%dma_start3A_203, %dma_start3A_204] : memref<576x768xf32, #tpu.memory_space<hbm>> -> memref<576x768xf32, #tpu.memory_space<hbm>>
    tpu.enqueue_indirect_dma source(%dma_start3A_205 : memref<576x768xf32, #tpu.memory_space<hbm>>) target(%dma_start3A_200 : memref<72x768xf32, #tpu.memory_space<vmem>>) offsets(%dma_start3A_202 : memref<72xi32, #tpu.memory_space<vmem>>) semaphore(%arg14 : memref<!tpu.dma_semaphore, #tpu.memory_space<semaphore_mem>>)
    %dma_wait3A_206 = arith.constant 0 : i32
    %dma_wait3A_207 = arith.constant 0 : i32
    %dma_wait3A_208 = tpu.memref_slice %arg13[%dma_wait3A_206, %dma_wait3A_207] : memref<72x768xf32, #tpu.memory_space<vmem>> -> memref<72x768xf32, #tpu.memory_space<vmem>>
    %dma_wait3A_209 = arith.constant 144 : i32
    %dma_wait3A_210 = tpu.memref_slice %arg11[%dma_wait3A_209] : memref<432xi32, #tpu.memory_space<vmem>> -> memref<72xi32, #tpu.memory_space<vmem>>
    %dma_wait3A_211 = arith.constant 0 : i32
    %dma_wait3A_212 = arith.constant 0 : i32
    %dma_wait3A_213 = tpu.memref_slice %arg4[%dma_wait3A_211, %dma_wait3A_212] : memref<576x768xf32, #tpu.memory_space<hbm>> -> memref<576x768xf32, #tpu.memory_space<hbm>>
    tpu.wait_indirect_dma semaphore(%arg14 : memref<!tpu.dma_semaphore, #tpu.memory_space<semaphore_mem>>) src(%dma_wait3A_213 : memref<576x768xf32, #tpu.memory_space<hbm>>) dst(%dma_wait3A_208 : memref<72x768xf32, #tpu.memory_space<vmem>>)
    %add3A_214 = arith.constant 144 : i32
    %add3A_215 = arith.addi %mul3A_161, %add3A_214 : i32
    "tpu.region"() ({
      %run_scoped3A = tpu.sem_alloc : memref<!tpu.dma_semaphore, #tpu.memory_space<semaphore_mem>>
      %dma_start3A_543 = arith.constant 0 : i32
      %dma_start3A_544 = arith.constant 0 : i32
      %dma_start3A_545 = tpu.memref_slice %arg13[%dma_start3A_543, %dma_start3A_544] : memref<72x768xf32, #tpu.memory_space<vmem>> -> memref<72x768xf32, #tpu.memory_space<vmem>>
      %dma_start3A_546 = arith.constant 0 : i32
      %dma_start3A_547 = tpu.memref_slice %arg8[%add3A_215, %dma_start3A_546] : memref<27648x768xf32, #tpu.memory_space<hbm>> -> memref<72x768xf32, #tpu.memory_space<hbm>>
      %dma_start3A_548 = arith.constant 0 : i32
      %dma_start3A_549 = tpu.memref_slice %arg8[%add3A_215, %dma_start3A_548] : memref<27648x768xf32, #tpu.memory_space<hbm>> -> memref<72x768xf32, #tpu.memory_space<hbm>>
      %dma_start3A_550 = arith.constant 0 : i32
      %dma_start3A_551 = arith.constant 0 : i32
      %dma_start3A_552 = tpu.memref_slice %arg13[%dma_start3A_550, %dma_start3A_551] : memref<72x768xf32, #tpu.memory_space<vmem>> -> memref<72x768xf32, #tpu.memory_space<vmem>>
      tpu.enqueue_dma source(%dma_start3A_552 : memref<72x768xf32, #tpu.memory_space<vmem>>) target(%dma_start3A_549 : memref<72x768xf32, #tpu.memory_space<hbm>>) target_semaphore(%run_scoped3A : memref<!tpu.dma_semaphore, #tpu.memory_space<semaphore_mem>>)
      %dma_wait3A_553 = arith.constant 0 : i32
      %dma_wait3A_554 = arith.constant 0 : i32
      %dma_wait3A_555 = tpu.memref_slice %arg13[%dma_wait3A_553, %dma_wait3A_554] : memref<72x768xf32, #tpu.memory_space<vmem>> -> memref<72x768xf32, #tpu.memory_space<vmem>>
      %dma_wait3A_556 = arith.constant 0 : i32
      %dma_wait3A_557 = tpu.memref_slice %arg8[%add3A_215, %dma_wait3A_556] : memref<27648x768xf32, #tpu.memory_space<hbm>> -> memref<72x768xf32, #tpu.memory_space<hbm>>
      %dma_wait3A_558 = arith.constant 0 : i32
      %dma_wait3A_559 = tpu.memref_slice %arg8[%add3A_215, %dma_wait3A_558] : memref<27648x768xf32, #tpu.memory_space<hbm>> -> memref<72x768xf32, #tpu.memory_space<hbm>>
      %dma_wait3A_560 = arith.constant 0 : i32
      %dma_wait3A_561 = arith.constant 0 : i32
      %dma_wait3A_562 = tpu.memref_slice %arg13[%dma_wait3A_560, %dma_wait3A_561] : memref<72x768xf32, #tpu.memory_space<vmem>> -> memref<72x768xf32, #tpu.memory_space<vmem>>
      tpu.wait_dma2 semaphore(%run_scoped3A : memref<!tpu.dma_semaphore, #tpu.memory_space<semaphore_mem>>) src(%dma_wait3A_562 : memref<72x768xf32, #tpu.memory_space<vmem>>) dst(%dma_wait3A_559 : memref<72x768xf32, #tpu.memory_space<hbm>>)
      tpu.yield
    }) : () -> ()
    %dma_start3A_216 = arith.constant 0 : i32
    %dma_start3A_217 = arith.constant 0 : i32
    %dma_start3A_218 = tpu.memref_slice %arg13[%dma_start3A_216, %dma_start3A_217] : memref<72x768xf32, #tpu.memory_space<vmem>> -> memref<72x768xf32, #tpu.memory_space<vmem>>
    %dma_start3A_219 = arith.constant 216 : i32
    %dma_start3A_220 = tpu.memref_slice %arg11[%dma_start3A_219] : memref<432xi32, #tpu.memory_space<vmem>> -> memref<72xi32, #tpu.memory_space<vmem>>
    %dma_start3A_221 = arith.constant 0 : i32
    %dma_start3A_222 = arith.constant 0 : i32
    %dma_start3A_223 = tpu.memref_slice %arg4[%dma_start3A_221, %dma_start3A_222] : memref<576x768xf32, #tpu.memory_space<hbm>> -> memref<576x768xf32, #tpu.memory_space<hbm>>
    tpu.enqueue_indirect_dma source(%dma_start3A_223 : memref<576x768xf32, #tpu.memory_space<hbm>>) target(%dma_start3A_218 : memref<72x768xf32, #tpu.memory_space<vmem>>) offsets(%dma_start3A_220 : memref<72xi32, #tpu.memory_space<vmem>>) semaphore(%arg14 : memref<!tpu.dma_semaphore, #tpu.memory_space<semaphore_mem>>)
    %dma_wait3A_224 = arith.constant 0 : i32
    %dma_wait3A_225 = arith.constant 0 : i32
    %dma_wait3A_226 = tpu.memref_slice %arg13[%dma_wait3A_224, %dma_wait3A_225] : memref<72x768xf32, #tpu.memory_space<vmem>> -> memref<72x768xf32, #tpu.memory_space<vmem>>
    %dma_wait3A_227 = arith.constant 216 : i32
    %dma_wait3A_228 = tpu.memref_slice %arg11[%dma_wait3A_227] : memref<432xi32, #tpu.memory_space<vmem>> -> memref<72xi32, #tpu.memory_space<vmem>>
    %dma_wait3A_229 = arith.constant 0 : i32
    %dma_wait3A_230 = arith.constant 0 : i32
    %dma_wait3A_231 = tpu.memref_slice %arg4[%dma_wait3A_229, %dma_wait3A_230] : memref<576x768xf32, #tpu.memory_space<hbm>> -> memref<576x768xf32, #tpu.memory_space<hbm>>
    tpu.wait_indirect_dma semaphore(%arg14 : memref<!tpu.dma_semaphore, #tpu.memory_space<semaphore_mem>>) src(%dma_wait3A_231 : memref<576x768xf32, #tpu.memory_space<hbm>>) dst(%dma_wait3A_226 : memref<72x768xf32, #tpu.memory_space<vmem>>)
    %add3A_232 = arith.constant 216 : i32
    %add3A_233 = arith.addi %mul3A_161, %add3A_232 : i32
    "tpu.region"() ({
      %run_scoped3A = tpu.sem_alloc : memref<!tpu.dma_semaphore, #tpu.memory_space<semaphore_mem>>
      %dma_start3A_543 = arith.constant 0 : i32
      %dma_start3A_544 = arith.constant 0 : i32
      %dma_start3A_545 = tpu.memref_slice %arg13[%dma_start3A_543, %dma_start3A_544] : memref<72x768xf32, #tpu.memory_space<vmem>> -> memref<72x768xf32, #tpu.memory_space<vmem>>
      %dma_start3A_546 = arith.constant 0 : i32
      %dma_start3A_547 = tpu.memref_slice %arg8[%add3A_233, %dma_start3A_546] : memref<27648x768xf32, #tpu.memory_space<hbm>> -> memref<72x768xf32, #tpu.memory_space<hbm>>
      %dma_start3A_548 = arith.constant 0 : i32
      %dma_start3A_549 = tpu.memref_slice %arg8[%add3A_233, %dma_start3A_548] : memref<27648x768xf32, #tpu.memory_space<hbm>> -> memref<72x768xf32, #tpu.memory_space<hbm>>
      %dma_start3A_550 = arith.constant 0 : i32
      %dma_start3A_551 = arith.constant 0 : i32
      %dma_start3A_552 = tpu.memref_slice %arg13[%dma_start3A_550, %dma_start3A_551] : memref<72x768xf32, #tpu.memory_space<vmem>> -> memref<72x768xf32, #tpu.memory_space<vmem>>
      tpu.enqueue_dma source(%dma_start3A_552 : memref<72x768xf32, #tpu.memory_space<vmem>>) target(%dma_start3A_549 : memref<72x768xf32, #tpu.memory_space<hbm>>) target_semaphore(%run_scoped3A : memref<!tpu.dma_semaphore, #tpu.memory_space<semaphore_mem>>)
      %dma_wait3A_553 = arith.constant 0 : i32
      %dma_wait3A_554 = arith.constant 0 : i32
      %dma_wait3A_555 = tpu.memref_slice %arg13[%dma_wait3A_553, %dma_wait3A_554] : memref<72x768xf32, #tpu.memory_space<vmem>> -> memref<72x768xf32, #tpu.memory_space<vmem>>
      %dma_wait3A_556 = arith.constant 0 : i32
      %dma_wait3A_557 = tpu.memref_slice %arg8[%add3A_233, %dma_wait3A_556] : memref<27648x768xf32, #tpu.memory_space<hbm>> -> memref<72x768xf32, #tpu.memory_space<hbm>>
      %dma_wait3A_558 = arith.constant 0 : i32
      %dma_wait3A_559 = tpu.memref_slice %arg8[%add3A_233, %dma_wait3A_558] : memref<27648x768xf32, #tpu.memory_space<hbm>> -> memref<72x768xf32, #tpu.memory_space<hbm>>
      %dma_wait3A_560 = arith.constant 0 : i32
      %dma_wait3A_561 = arith.constant 0 : i32
      %dma_wait3A_562 = tpu.memref_slice %arg13[%dma_wait3A_560, %dma_wait3A_561] : memref<72x768xf32, #tpu.memory_space<vmem>> -> memref<72x768xf32, #tpu.memory_space<vmem>>
      tpu.wait_dma2 semaphore(%run_scoped3A : memref<!tpu.dma_semaphore, #tpu.memory_space<semaphore_mem>>) src(%dma_wait3A_562 : memref<72x768xf32, #tpu.memory_space<vmem>>) dst(%dma_wait3A_559 : memref<72x768xf32, #tpu.memory_space<hbm>>)
      tpu.yield
    }) : () -> ()
    %dma_start3A_234 = arith.constant 0 : i32
    %dma_start3A_235 = arith.constant 0 : i32
    %dma_start3A_236 = tpu.memref_slice %arg13[%dma_start3A_234, %dma_start3A_235] : memref<72x768xf32, #tpu.memory_space<vmem>> -> memref<72x768xf32, #tpu.memory_space<vmem>>
    %dma_start3A_237 = arith.constant 288 : i32
    %dma_start3A_238 = tpu.memref_slice %arg11[%dma_start3A_237] : memref<432xi32, #tpu.memory_space<vmem>> -> memref<72xi32, #tpu.memory_space<vmem>>
    %dma_start3A_239 = arith.constant 0 : i32
    %dma_start3A_240 = arith.constant 0 : i32
    %dma_start3A_241 = tpu.memref_slice %arg4[%dma_start3A_239, %dma_start3A_240] : memref<576x768xf32, #tpu.memory_space<hbm>> -> memref<576x768xf32, #tpu.memory_space<hbm>>
    tpu.enqueue_indirect_dma source(%dma_start3A_241 : memref<576x768xf32, #tpu.memory_space<hbm>>) target(%dma_start3A_236 : memref<72x768xf32, #tpu.memory_space<vmem>>) offsets(%dma_start3A_238 : memref<72xi32, #tpu.memory_space<vmem>>) semaphore(%arg14 : memref<!tpu.dma_semaphore, #tpu.memory_space<semaphore_mem>>)
    %dma_wait3A_242 = arith.constant 0 : i32
    %dma_wait3A_243 = arith.constant 0 : i32
    %dma_wait3A_244 = tpu.memref_slice %arg13[%dma_wait3A_242, %dma_wait3A_243] : memref<72x768xf32, #tpu.memory_space<vmem>> -> memref<72x768xf32, #tpu.memory_space<vmem>>
    %dma_wait3A_245 = arith.constant 288 : i32
    %dma_wait3A_246 = tpu.memref_slice %arg11[%dma_wait3A_245] : memref<432xi32, #tpu.memory_space<vmem>> -> memref<72xi32, #tpu.memory_space<vmem>>
    %dma_wait3A_247 = arith.constant 0 : i32
    %dma_wait3A_248 = arith.constant 0 : i32
    %dma_wait3A_249 = tpu.memref_slice %arg4[%dma_wait3A_247, %dma_wait3A_248] : memref<576x768xf32, #tpu.memory_space<hbm>> -> memref<576x768xf32, #tpu.memory_space<hbm>>
    tpu.wait_indirect_dma semaphore(%arg14 : memref<!tpu.dma_semaphore, #tpu.memory_space<semaphore_mem>>) src(%dma_wait3A_249 : memref<576x768xf32, #tpu.memory_space<hbm>>) dst(%dma_wait3A_244 : memref<72x768xf32, #tpu.memory_space<vmem>>)
    %add3A_250 = arith.constant 288 : i32
    %add3A_251 = arith.addi %mul3A_161, %add3A_250 : i32
    "tpu.region"() ({
      %run_scoped3A = tpu.sem_alloc : memref<!tpu.dma_semaphore, #tpu.memory_space<semaphore_mem>>
      %dma_start3A_543 = arith.constant 0 : i32
      %dma_start3A_544 = arith.constant 0 : i32
      %dma_start3A_545 = tpu.memref_slice %arg13[%dma_start3A_543, %dma_start3A_544] : memref<72x768xf32, #tpu.memory_space<vmem>> -> memref<72x768xf32, #tpu.memory_space<vmem>>
      %dma_start3A_546 = arith.constant 0 : i32
      %dma_start3A_547 = tpu.memref_slice %arg8[%add3A_251, %dma_start3A_546] : memref<27648x768xf32, #tpu.memory_space<hbm>> -> memref<72x768xf32, #tpu.memory_space<hbm>>
      %dma_start3A_548 = arith.constant 0 : i32
      %dma_start3A_549 = tpu.memref_slice %arg8[%add3A_251, %dma_start3A_548] : memref<27648x768xf32, #tpu.memory_space<hbm>> -> memref<72x768xf32, #tpu.memory_space<hbm>>
      %dma_start3A_550 = arith.constant 0 : i32
      %dma_start3A_551 = arith.constant 0 : i32
      %dma_start3A_552 = tpu.memref_slice %arg13[%dma_start3A_550, %dma_start3A_551] : memref<72x768xf32, #tpu.memory_space<vmem>> -> memref<72x768xf32, #tpu.memory_space<vmem>>
      tpu.enqueue_dma source(%dma_start3A_552 : memref<72x768xf32, #tpu.memory_space<vmem>>) target(%dma_start3A_549 : memref<72x768xf32, #tpu.memory_space<hbm>>) target_semaphore(%run_scoped3A : memref<!tpu.dma_semaphore, #tpu.memory_space<semaphore_mem>>)
      %dma_wait3A_553 = arith.constant 0 : i32
      %dma_wait3A_554 = arith.constant 0 : i32
      %dma_wait3A_555 = tpu.memref_slice %arg13[%dma_wait3A_553, %dma_wait3A_554] : memref<72x768xf32, #tpu.memory_space<vmem>> -> memref<72x768xf32, #tpu.memory_space<vmem>>
      %dma_wait3A_556 = arith.constant 0 : i32
      %dma_wait3A_557 = tpu.memref_slice %arg8[%add3A_251, %dma_wait3A_556] : memref<27648x768xf32, #tpu.memory_space<hbm>> -> memref<72x768xf32, #tpu.memory_space<hbm>>
      %dma_wait3A_558 = arith.constant 0 : i32
      %dma_wait3A_559 = tpu.memref_slice %arg8[%add3A_251, %dma_wait3A_558] : memref<27648x768xf32, #tpu.memory_space<hbm>> -> memref<72x768xf32, #tpu.memory_space<hbm>>
      %dma_wait3A_560 = arith.constant 0 : i32
      %dma_wait3A_561 = arith.constant 0 : i32
      %dma_wait3A_562 = tpu.memref_slice %arg13[%dma_wait3A_560, %dma_wait3A_561] : memref<72x768xf32, #tpu.memory_space<vmem>> -> memref<72x768xf32, #tpu.memory_space<vmem>>
      tpu.wait_dma2 semaphore(%run_scoped3A : memref<!tpu.dma_semaphore, #tpu.memory_space<semaphore_mem>>) src(%dma_wait3A_562 : memref<72x768xf32, #tpu.memory_space<vmem>>) dst(%dma_wait3A_559 : memref<72x768xf32, #tpu.memory_space<hbm>>)
      tpu.yield
    }) : () -> ()
    %dma_start3A_252 = arith.constant 0 : i32
    %dma_start3A_253 = arith.constant 0 : i32
    %dma_start3A_254 = tpu.memref_slice %arg13[%dma_start3A_252, %dma_start3A_253] : memref<72x768xf32, #tpu.memory_space<vmem>> -> memref<72x768xf32, #tpu.memory_space<vmem>>
    %dma_start3A_255 = arith.constant 360 : i32
    %dma_start3A_256 = tpu.memref_slice %arg11[%dma_start3A_255] : memref<432xi32, #tpu.memory_space<vmem>> -> memref<72xi32, #tpu.memory_space<vmem>>
    %dma_start3A_257 = arith.constant 0 : i32
    %dma_start3A_258 = arith.constant 0 : i32
    %dma_start3A_259 = tpu.memref_slice %arg4[%dma_start3A_257, %dma_start3A_258] : memref<576x768xf32, #tpu.memory_space<hbm>> -> memref<576x768xf32, #tpu.memory_space<hbm>>
    tpu.enqueue_indirect_dma source(%dma_start3A_259 : memref<576x768xf32, #tpu.memory_space<hbm>>) target(%dma_start3A_254 : memref<72x768xf32, #tpu.memory_space<vmem>>) offsets(%dma_start3A_256 : memref<72xi32, #tpu.memory_space<vmem>>) semaphore(%arg14 : memref<!tpu.dma_semaphore, #tpu.memory_space<semaphore_mem>>)
    %dma_wait3A_260 = arith.constant 0 : i32
    %dma_wait3A_261 = arith.constant 0 : i32
    %dma_wait3A_262 = tpu.memref_slice %arg13[%dma_wait3A_260, %dma_wait3A_261] : memref<72x768xf32, #tpu.memory_space<vmem>> -> memref<72x768xf32, #tpu.memory_space<vmem>>
    %dma_wait3A_263 = arith.constant 360 : i32
    %dma_wait3A_264 = tpu.memref_slice %arg11[%dma_wait3A_263] : memref<432xi32, #tpu.memory_space<vmem>> -> memref<72xi32, #tpu.memory_space<vmem>>
    %dma_wait3A_265 = arith.constant 0 : i32
    %dma_wait3A_266 = arith.constant 0 : i32
    %dma_wait3A_267 = tpu.memref_slice %arg4[%dma_wait3A_265, %dma_wait3A_266] : memref<576x768xf32, #tpu.memory_space<hbm>> -> memref<576x768xf32, #tpu.memory_space<hbm>>
    tpu.wait_indirect_dma semaphore(%arg14 : memref<!tpu.dma_semaphore, #tpu.memory_space<semaphore_mem>>) src(%dma_wait3A_267 : memref<576x768xf32, #tpu.memory_space<hbm>>) dst(%dma_wait3A_262 : memref<72x768xf32, #tpu.memory_space<vmem>>)
    %add3A_268 = arith.constant 360 : i32
    %add3A_269 = arith.addi %mul3A_161, %add3A_268 : i32
    "tpu.region"() ({
      %run_scoped3A = tpu.sem_alloc : memref<!tpu.dma_semaphore, #tpu.memory_space<semaphore_mem>>
      %dma_start3A_543 = arith.constant 0 : i32
      %dma_start3A_544 = arith.constant 0 : i32
      %dma_start3A_545 = tpu.memref_slice %arg13[%dma_start3A_543, %dma_start3A_544] : memref<72x768xf32, #tpu.memory_space<vmem>> -> memref<72x768xf32, #tpu.memory_space<vmem>>
      %dma_start3A_546 = arith.constant 0 : i32
      %dma_start3A_547 = tpu.memref_slice %arg8[%add3A_269, %dma_start3A_546] : memref<27648x768xf32, #tpu.memory_space<hbm>> -> memref<72x768xf32, #tpu.memory_space<hbm>>
      %dma_start3A_548 = arith.constant 0 : i32
      %dma_start3A_549 = tpu.memref_slice %arg8[%add3A_269, %dma_start3A_548] : memref<27648x768xf32, #tpu.memory_space<hbm>> -> memref<72x768xf32, #tpu.memory_space<hbm>>
      %dma_start3A_550 = arith.constant 0 : i32
      %dma_start3A_551 = arith.constant 0 : i32
      %dma_start3A_552 = tpu.memref_slice %arg13[%dma_start3A_550, %dma_start3A_551] : memref<72x768xf32, #tpu.memory_space<vmem>> -> memref<72x768xf32, #tpu.memory_space<vmem>>
      tpu.enqueue_dma source(%dma_start3A_552 : memref<72x768xf32, #tpu.memory_space<vmem>>) target(%dma_start3A_549 : memref<72x768xf32, #tpu.memory_space<hbm>>) target_semaphore(%run_scoped3A : memref<!tpu.dma_semaphore, #tpu.memory_space<semaphore_mem>>)
      %dma_wait3A_553 = arith.constant 0 : i32
      %dma_wait3A_554 = arith.constant 0 : i32
      %dma_wait3A_555 = tpu.memref_slice %arg13[%dma_wait3A_553, %dma_wait3A_554] : memref<72x768xf32, #tpu.memory_space<vmem>> -> memref<72x768xf32, #tpu.memory_space<vmem>>
      %dma_wait3A_556 = arith.constant 0 : i32
      %dma_wait3A_557 = tpu.memref_slice %arg8[%add3A_269, %dma_wait3A_556] : memref<27648x768xf32, #tpu.memory_space<hbm>> -> memref<72x768xf32, #tpu.memory_space<hbm>>
      %dma_wait3A_558 = arith.constant 0 : i32
      %dma_wait3A_559 = tpu.memref_slice %arg8[%add3A_269, %dma_wait3A_558] : memref<27648x768xf32, #tpu.memory_space<hbm>> -> memref<72x768xf32, #tpu.memory_space<hbm>>
      %dma_wait3A_560 = arith.constant 0 : i32
      %dma_wait3A_561 = arith.constant 0 : i32
      %dma_wait3A_562 = tpu.memref_slice %arg13[%dma_wait3A_560, %dma_wait3A_561] : memref<72x768xf32, #tpu.memory_space<vmem>> -> memref<72x768xf32, #tpu.memory_space<vmem>>
      tpu.wait_dma2 semaphore(%run_scoped3A : memref<!tpu.dma_semaphore, #tpu.memory_space<semaphore_mem>>) src(%dma_wait3A_562 : memref<72x768xf32, #tpu.memory_space<vmem>>) dst(%dma_wait3A_559 : memref<72x768xf32, #tpu.memory_space<hbm>>)
      tpu.yield
    }) : () -> ()
    %mul3A_270 = arith.constant 2 : i32
    %mul3A_271 = arith.muli %add3A, %mul3A_270 : i32
    %add3A_272 = arith.constant 1 : i32
    %add3A_273 = arith.addi %mul3A_271, %add3A_272 : i32
    "tpu.region"() ({
      %run_scoped3A = tpu.sem_alloc : memref<!tpu.dma_semaphore, #tpu.memory_space<semaphore_mem>>
      %dma_start3A_543 = arith.constant 0 : i32
      %dma_start3A_544 = tpu.memref_slice %arg6[%add3A_273, %dma_start3A_543] : memref<64x144xi32, #tpu.memory_space<hbm>> -> memref<1x144xi32, #tpu.memory_space<hbm>>
      %dma_start3A_545 = tpu.memref_squeeze %dma_start3A_544 : memref<1x144xi32, #tpu.memory_space<hbm>> -> memref<144xi32, #tpu.memory_space<hbm>>
      %dma_start3A_546 = arith.constant 0 : i32
      %dma_start3A_547 = tpu.memref_slice %arg6[%add3A_273, %dma_start3A_546] : memref<64x144xi32, #tpu.memory_space<hbm>> -> memref<1x144xi32, #tpu.memory_space<hbm>>
      %dma_start3A_548 = tpu.memref_squeeze %dma_start3A_547 : memref<1x144xi32, #tpu.memory_space<hbm>> -> memref<144xi32, #tpu.memory_space<hbm>>
      tpu.enqueue_dma source(%dma_start3A_548 : memref<144xi32, #tpu.memory_space<hbm>>) target(%arg10 : memref<144xi32, #tpu.memory_space<vmem>>) target_semaphore(%run_scoped3A : memref<!tpu.dma_semaphore, #tpu.memory_space<semaphore_mem>>)
      %dma_wait3A_549 = arith.constant 0 : i32
      %dma_wait3A_550 = tpu.memref_slice %arg6[%add3A_273, %dma_wait3A_549] : memref<64x144xi32, #tpu.memory_space<hbm>> -> memref<1x144xi32, #tpu.memory_space<hbm>>
      %dma_wait3A_551 = tpu.memref_squeeze %dma_wait3A_550 : memref<1x144xi32, #tpu.memory_space<hbm>> -> memref<144xi32, #tpu.memory_space<hbm>>
      %dma_wait3A_552 = arith.constant 0 : i32
      %dma_wait3A_553 = tpu.memref_slice %arg6[%add3A_273, %dma_wait3A_552] : memref<64x144xi32, #tpu.memory_space<hbm>> -> memref<1x144xi32, #tpu.memory_space<hbm>>
      %dma_wait3A_554 = tpu.memref_squeeze %dma_wait3A_553 : memref<1x144xi32, #tpu.memory_space<hbm>> -> memref<144xi32, #tpu.memory_space<hbm>>
      tpu.wait_dma2 semaphore(%run_scoped3A : memref<!tpu.dma_semaphore, #tpu.memory_space<semaphore_mem>>) src(%dma_wait3A_554 : memref<144xi32, #tpu.memory_space<hbm>>) dst(%arg10 : memref<144xi32, #tpu.memory_space<vmem>>)
      tpu.yield
    }) : () -> ()
    "tpu.region"() ({
      %run_scoped3A = tpu.sem_alloc : memref<!tpu.dma_semaphore, #tpu.memory_space<semaphore_mem>>
      %dma_start3A_543 = arith.constant 0 : i32
      %dma_start3A_544 = tpu.memref_slice %arg5[%add3A_273, %dma_start3A_543] : memref<64x432xi32, #tpu.memory_space<hbm>> -> memref<1x432xi32, #tpu.memory_space<hbm>>
      %dma_start3A_545 = tpu.memref_squeeze %dma_start3A_544 : memref<1x432xi32, #tpu.memory_space<hbm>> -> memref<432xi32, #tpu.memory_space<hbm>>
      %dma_start3A_546 = arith.constant 0 : i32
      %dma_start3A_547 = tpu.memref_slice %arg5[%add3A_273, %dma_start3A_546] : memref<64x432xi32, #tpu.memory_space<hbm>> -> memref<1x432xi32, #tpu.memory_space<hbm>>
      %dma_start3A_548 = tpu.memref_squeeze %dma_start3A_547 : memref<1x432xi32, #tpu.memory_space<hbm>> -> memref<432xi32, #tpu.memory_space<hbm>>
      tpu.enqueue_dma source(%dma_start3A_548 : memref<432xi32, #tpu.memory_space<hbm>>) target(%arg11 : memref<432xi32, #tpu.memory_space<vmem>>) target_semaphore(%run_scoped3A : memref<!tpu.dma_semaphore, #tpu.memory_space<semaphore_mem>>)
      %dma_wait3A_549 = arith.constant 0 : i32
      %dma_wait3A_550 = tpu.memref_slice %arg5[%add3A_273, %dma_wait3A_549] : memref<64x432xi32, #tpu.memory_space<hbm>> -> memref<1x432xi32, #tpu.memory_space<hbm>>
      %dma_wait3A_551 = tpu.memref_squeeze %dma_wait3A_550 : memref<1x432xi32, #tpu.memory_space<hbm>> -> memref<432xi32, #tpu.memory_space<hbm>>
      %dma_wait3A_552 = arith.constant 0 : i32
      %dma_wait3A_553 = tpu.memref_slice %arg5[%add3A_273, %dma_wait3A_552] : memref<64x432xi32, #tpu.memory_space<hbm>> -> memref<1x432xi32, #tpu.memory_space<hbm>>
      %dma_wait3A_554 = tpu.memref_squeeze %dma_wait3A_553 : memref<1x432xi32, #tpu.memory_space<hbm>> -> memref<432xi32, #tpu.memory_space<hbm>>
      tpu.wait_dma2 semaphore(%run_scoped3A : memref<!tpu.dma_semaphore, #tpu.memory_space<semaphore_mem>>) src(%dma_wait3A_554 : memref<432xi32, #tpu.memory_space<hbm>>) dst(%arg11 : memref<432xi32, #tpu.memory_space<vmem>>)
      tpu.yield
    }) : () -> ()
    %mul3A_274 = arith.constant 576 : i32
    %mul3A_275 = arith.muli %add3A_273, %mul3A_274 : i32
    %get3A_276 = arith.constant 0 : index
    %get3A_277 = tpu.vector_load %arg10[%get3A_276] {strides = array<i32>} : memref<144xi32, #tpu.memory_space<vmem>>, vector<16xi32>,
    %get3A_278 = vector.shape_cast %get3A_277 : vector<16xi32> to vector<16xi32>
    %add3A_279 = vector.broadcast %mul3A_275 : i32 to vector<16xi32>
    %add3A_280 = arith.addi %get3A_278, %add3A_279 : vector<16xi32>
    %swap3A_281 = arith.constant 0 : index
    %swap3A_282 = tpu.vector_load %arg12[%swap3A_281] {strides = array<i32>} : memref<144xi32, #tpu.memory_space<vmem>>, vector<16xi32>,
    %swap3A_283 = vector.shape_cast %swap3A_282 : vector<16xi32> to vector<16xi32>
    %swap3A_284 = vector.shape_cast %add3A_280 : vector<16xi32> to vector<16xi32>
    tpu.vector_store %arg12[%swap3A_281], %swap3A_284 {strides = array<i32>} : memref<144xi32, #tpu.memory_space<vmem>>, vector<16xi32>,
    %get3A_285 = arith.constant 16 : index
    %get3A_286 = tpu.vector_load %arg10[%get3A_285] {strides = array<i32>} : memref<144xi32, #tpu.memory_space<vmem>>, vector<16xi32>,
    %get3A_287 = vector.shape_cast %get3A_286 : vector<16xi32> to vector<16xi32>
    %add3A_288 = vector.broadcast %mul3A_275 : i32 to vector<16xi32>
    %add3A_289 = arith.addi %get3A_287, %add3A_288 : vector<16xi32>
    %swap3A_290 = arith.constant 16 : index
    %swap3A_291 = tpu.vector_load %arg12[%swap3A_290] {strides = array<i32>} : memref<144xi32, #tpu.memory_space<vmem>>, vector<16xi32>,
    %swap3A_292 = vector.shape_cast %swap3A_291 : vector<16xi32> to vector<16xi32>
    %swap3A_293 = vector.shape_cast %add3A_289 : vector<16xi32> to vector<16xi32>
    tpu.vector_store %arg12[%swap3A_290], %swap3A_293 {strides = array<i32>} : memref<144xi32, #tpu.memory_space<vmem>>, vector<16xi32>,
    %get3A_294 = arith.constant 32 : index
    %get3A_295 = tpu.vector_load %arg10[%get3A_294] {strides = array<i32>} : memref<144xi32, #tpu.memory_space<vmem>>, vector<16xi32>,
    %get3A_296 = vector.shape_cast %get3A_295 : vector<16xi32> to vector<16xi32>
    %add3A_297 = vector.broadcast %mul3A_275 : i32 to vector<16xi32>
    %add3A_298 = arith.addi %get3A_296, %add3A_297 : vector<16xi32>
    %swap3A_299 = arith.constant 32 : index
    %swap3A_300 = tpu.vector_load %arg12[%swap3A_299] {strides = array<i32>} : memref<144xi32, #tpu.memory_space<vmem>>, vector<16xi32>,
    %swap3A_301 = vector.shape_cast %swap3A_300 : vector<16xi32> to vector<16xi32>
    %swap3A_302 = vector.shape_cast %add3A_298 : vector<16xi32> to vector<16xi32>
    tpu.vector_store %arg12[%swap3A_299], %swap3A_302 {strides = array<i32>} : memref<144xi32, #tpu.memory_space<vmem>>, vector<16xi32>,
    %get3A_303 = arith.constant 48 : index
    %get3A_304 = tpu.vector_load %arg10[%get3A_303] {strides = array<i32>} : memref<144xi32, #tpu.memory_space<vmem>>, vector<16xi32>,
    %get3A_305 = vector.shape_cast %get3A_304 : vector<16xi32> to vector<16xi32>
    %add3A_306 = vector.broadcast %mul3A_275 : i32 to vector<16xi32>
    %add3A_307 = arith.addi %get3A_305, %add3A_306 : vector<16xi32>
    %swap3A_308 = arith.constant 48 : index
    %swap3A_309 = tpu.vector_load %arg12[%swap3A_308] {strides = array<i32>} : memref<144xi32, #tpu.memory_space<vmem>>, vector<16xi32>,
    %swap3A_310 = vector.shape_cast %swap3A_309 : vector<16xi32> to vector<16xi32>
    %swap3A_311 = vector.shape_cast %add3A_307 : vector<16xi32> to vector<16xi32>
    tpu.vector_store %arg12[%swap3A_308], %swap3A_311 {strides = array<i32>} : memref<144xi32, #tpu.memory_space<vmem>>, vector<16xi32>,
    %get3A_312 = arith.constant 64 : index
    %get3A_313 = tpu.vector_load %arg10[%get3A_312] {strides = array<i32>} : memref<144xi32, #tpu.memory_space<vmem>>, vector<16xi32>,
    %get3A_314 = vector.shape_cast %get3A_313 : vector<16xi32> to vector<16xi32>
    %add3A_315 = vector.broadcast %mul3A_275 : i32 to vector<16xi32>
    %add3A_316 = arith.addi %get3A_314, %add3A_315 : vector<16xi32>
    %swap3A_317 = arith.constant 64 : index
    %swap3A_318 = tpu.vector_load %arg12[%swap3A_317] {strides = array<i32>} : memref<144xi32, #tpu.memory_space<vmem>>, vector<16xi32>,
    %swap3A_319 = vector.shape_cast %swap3A_318 : vector<16xi32> to vector<16xi32>
    %swap3A_320 = vector.shape_cast %add3A_316 : vector<16xi32> to vector<16xi32>
    tpu.vector_store %arg12[%swap3A_317], %swap3A_320 {strides = array<i32>} : memref<144xi32, #tpu.memory_space<vmem>>, vector<16xi32>,
    %get3A_321 = arith.constant 80 : index
    %get3A_322 = tpu.vector_load %arg10[%get3A_321] {strides = array<i32>} : memref<144xi32, #tpu.memory_space<vmem>>, vector<16xi32>,
    %get3A_323 = vector.shape_cast %get3A_322 : vector<16xi32> to vector<16xi32>
    %add3A_324 = vector.broadcast %mul3A_275 : i32 to vector<16xi32>
    %add3A_325 = arith.addi %get3A_323, %add3A_324 : vector<16xi32>
    %swap3A_326 = arith.constant 80 : index
    %swap3A_327 = tpu.vector_load %arg12[%swap3A_326] {strides = array<i32>} : memref<144xi32, #tpu.memory_space<vmem>>, vector<16xi32>,
    %swap3A_328 = vector.shape_cast %swap3A_327 : vector<16xi32> to vector<16xi32>
    %swap3A_329 = vector.shape_cast %add3A_325 : vector<16xi32> to vector<16xi32>
    tpu.vector_store %arg12[%swap3A_326], %swap3A_329 {strides = array<i32>} : memref<144xi32, #tpu.memory_space<vmem>>, vector<16xi32>,
    %get3A_330 = arith.constant 96 : index
    %get3A_331 = tpu.vector_load %arg10[%get3A_330] {strides = array<i32>} : memref<144xi32, #tpu.memory_space<vmem>>, vector<16xi32>,
    %get3A_332 = vector.shape_cast %get3A_331 : vector<16xi32> to vector<16xi32>
    %add3A_333 = vector.broadcast %mul3A_275 : i32 to vector<16xi32>
    %add3A_334 = arith.addi %get3A_332, %add3A_333 : vector<16xi32>
    %swap3A_335 = arith.constant 96 : index
    %swap3A_336 = tpu.vector_load %arg12[%swap3A_335] {strides = array<i32>} : memref<144xi32, #tpu.memory_space<vmem>>, vector<16xi32>,
    %swap3A_337 = vector.shape_cast %swap3A_336 : vector<16xi32> to vector<16xi32>
    %swap3A_338 = vector.shape_cast %add3A_334 : vector<16xi32> to vector<16xi32>
    tpu.vector_store %arg12[%swap3A_335], %swap3A_338 {strides = array<i32>} : memref<144xi32, #tpu.memory_space<vmem>>, vector<16xi32>,
    %get3A_339 = arith.constant 112 : index
    %get3A_340 = tpu.vector_load %arg10[%get3A_339] {strides = array<i32>} : memref<144xi32, #tpu.memory_space<vmem>>, vector<16xi32>,
    %get3A_341 = vector.shape_cast %get3A_340 : vector<16xi32> to vector<16xi32>
    %add3A_342 = vector.broadcast %mul3A_275 : i32 to vector<16xi32>
    %add3A_343 = arith.addi %get3A_341, %add3A_342 : vector<16xi32>
    %swap3A_344 = arith.constant 112 : index
    %swap3A_345 = tpu.vector_load %arg12[%swap3A_344] {strides = array<i32>} : memref<144xi32, #tpu.memory_space<vmem>>, vector<16xi32>,
    %swap3A_346 = vector.shape_cast %swap3A_345 : vector<16xi32> to vector<16xi32>
    %swap3A_347 = vector.shape_cast %add3A_343 : vector<16xi32> to vector<16xi32>
    tpu.vector_store %arg12[%swap3A_344], %swap3A_347 {strides = array<i32>} : memref<144xi32, #tpu.memory_space<vmem>>, vector<16xi32>,
    %get3A_348 = arith.constant 128 : index
    %get3A_349 = tpu.vector_load %arg10[%get3A_348] {strides = array<i32>} : memref<144xi32, #tpu.memory_space<vmem>>, vector<16xi32>,
    %get3A_350 = vector.shape_cast %get3A_349 : vector<16xi32> to vector<16xi32>
    %add3A_351 = vector.broadcast %mul3A_275 : i32 to vector<16xi32>
    %add3A_352 = arith.addi %get3A_350, %add3A_351 : vector<16xi32>
    %swap3A_353 = arith.constant 128 : index
    %swap3A_354 = tpu.vector_load %arg12[%swap3A_353] {strides = array<i32>} : memref<144xi32, #tpu.memory_space<vmem>>, vector<16xi32>,
    %swap3A_355 = vector.shape_cast %swap3A_354 : vector<16xi32> to vector<16xi32>
    %swap3A_356 = vector.shape_cast %add3A_352 : vector<16xi32> to vector<16xi32>
    tpu.vector_store %arg12[%swap3A_353], %swap3A_356 {strides = array<i32>} : memref<144xi32, #tpu.memory_space<vmem>>, vector<16xi32>,
    %mul3A_357 = arith.constant 144 : i32
    %mul3A_358 = arith.muli %add3A_273, %mul3A_357 : i32
    %dma_start3A_359 = arith.constant 0 : i32
    %dma_start3A_360 = arith.constant 0 : i32
    %dma_start3A_361 = tpu.memref_slice %arg13[%dma_start3A_359, %dma_start3A_360] : memref<72x768xf32, #tpu.memory_space<vmem>> -> memref<72x768xf32, #tpu.memory_space<vmem>>
    %dma_start3A_362 = arith.constant 0 : i32
    %dma_start3A_363 = tpu.memref_slice %arg12[%dma_start3A_362] : memref<144xi32, #tpu.memory_space<vmem>> -> memref<72xi32, #tpu.memory_space<vmem>>
    %dma_start3A_364 = arith.constant 0 : i32
    %dma_start3A_365 = arith.constant 0 : i32
    %dma_start3A_366 = tpu.memref_slice %arg2[%dma_start3A_364, %dma_start3A_365] : memref<36864x768xf32, #tpu.memory_space<hbm>> -> memref<36864x768xf32, #tpu.memory_space<hbm>>
    tpu.enqueue_indirect_dma source(%dma_start3A_366 : memref<36864x768xf32, #tpu.memory_space<hbm>>) target(%dma_start3A_361 : memref<72x768xf32, #tpu.memory_space<vmem>>) offsets(%dma_start3A_363 : memref<72xi32, #tpu.memory_space<vmem>>) semaphore(%arg14 : memref<!tpu.dma_semaphore, #tpu.memory_space<semaphore_mem>>)
    %dma_wait3A_367 = arith.constant 0 : i32
    %dma_wait3A_368 = arith.constant 0 : i32
    %dma_wait3A_369 = tpu.memref_slice %arg13[%dma_wait3A_367, %dma_wait3A_368] : memref<72x768xf32, #tpu.memory_space<vmem>> -> memref<72x768xf32, #tpu.memory_space<vmem>>
    %dma_wait3A_370 = arith.constant 0 : i32
    %dma_wait3A_371 = tpu.memref_slice %arg12[%dma_wait3A_370] : memref<144xi32, #tpu.memory_space<vmem>> -> memref<72xi32, #tpu.memory_space<vmem>>
    %dma_wait3A_372 = arith.constant 0 : i32
    %dma_wait3A_373 = arith.constant 0 : i32
    %dma_wait3A_374 = tpu.memref_slice %arg2[%dma_wait3A_372, %dma_wait3A_373] : memref<36864x768xf32, #tpu.memory_space<hbm>> -> memref<36864x768xf32, #tpu.memory_space<hbm>>
    tpu.wait_indirect_dma semaphore(%arg14 : memref<!tpu.dma_semaphore, #tpu.memory_space<semaphore_mem>>) src(%dma_wait3A_374 : memref<36864x768xf32, #tpu.memory_space<hbm>>) dst(%dma_wait3A_369 : memref<72x768xf32, #tpu.memory_space<vmem>>)
    %add3A_375 = arith.constant 0 : i32
    %add3A_376 = arith.addi %mul3A_358, %add3A_375 : i32
    "tpu.region"() ({
      %run_scoped3A = tpu.sem_alloc : memref<!tpu.dma_semaphore, #tpu.memory_space<semaphore_mem>>
      %dma_start3A_543 = arith.constant 0 : i32
      %dma_start3A_544 = arith.constant 0 : i32
      %dma_start3A_545 = tpu.memref_slice %arg13[%dma_start3A_543, %dma_start3A_544] : memref<72x768xf32, #tpu.memory_space<vmem>> -> memref<72x768xf32, #tpu.memory_space<vmem>>
      %dma_start3A_546 = arith.constant 0 : i32
      %dma_start3A_547 = tpu.memref_slice %arg7[%add3A_376, %dma_start3A_546] : memref<9216x768xf32, #tpu.memory_space<hbm>> -> memref<72x768xf32, #tpu.memory_space<hbm>>
      %dma_start3A_548 = arith.constant 0 : i32
      %dma_start3A_549 = tpu.memref_slice %arg7[%add3A_376, %dma_start3A_548] : memref<9216x768xf32, #tpu.memory_space<hbm>> -> memref<72x768xf32, #tpu.memory_space<hbm>>
      %dma_start3A_550 = arith.constant 0 : i32
      %dma_start3A_551 = arith.constant 0 : i32
      %dma_start3A_552 = tpu.memref_slice %arg13[%dma_start3A_550, %dma_start3A_551] : memref<72x768xf32, #tpu.memory_space<vmem>> -> memref<72x768xf32, #tpu.memory_space<vmem>>
      tpu.enqueue_dma source(%dma_start3A_552 : memref<72x768xf32, #tpu.memory_space<vmem>>) target(%dma_start3A_549 : memref<72x768xf32, #tpu.memory_space<hbm>>) target_semaphore(%run_scoped3A : memref<!tpu.dma_semaphore, #tpu.memory_space<semaphore_mem>>)
      %dma_wait3A_553 = arith.constant 0 : i32
      %dma_wait3A_554 = arith.constant 0 : i32
      %dma_wait3A_555 = tpu.memref_slice %arg13[%dma_wait3A_553, %dma_wait3A_554] : memref<72x768xf32, #tpu.memory_space<vmem>> -> memref<72x768xf32, #tpu.memory_space<vmem>>
      %dma_wait3A_556 = arith.constant 0 : i32
      %dma_wait3A_557 = tpu.memref_slice %arg7[%add3A_376, %dma_wait3A_556] : memref<9216x768xf32, #tpu.memory_space<hbm>> -> memref<72x768xf32, #tpu.memory_space<hbm>>
      %dma_wait3A_558 = arith.constant 0 : i32
      %dma_wait3A_559 = tpu.memref_slice %arg7[%add3A_376, %dma_wait3A_558] : memref<9216x768xf32, #tpu.memory_space<hbm>> -> memref<72x768xf32, #tpu.memory_space<hbm>>
      %dma_wait3A_560 = arith.constant 0 : i32
      %dma_wait3A_561 = arith.constant 0 : i32
      %dma_wait3A_562 = tpu.memref_slice %arg13[%dma_wait3A_560, %dma_wait3A_561] : memref<72x768xf32, #tpu.memory_space<vmem>> -> memref<72x768xf32, #tpu.memory_space<vmem>>
      tpu.wait_dma2 semaphore(%run_scoped3A : memref<!tpu.dma_semaphore, #tpu.memory_space<semaphore_mem>>) src(%dma_wait3A_562 : memref<72x768xf32, #tpu.memory_space<vmem>>) dst(%dma_wait3A_559 : memref<72x768xf32, #tpu.memory_space<hbm>>)
      tpu.yield
    }) : () -> ()
    %dma_start3A_377 = arith.constant 0 : i32
    %dma_start3A_378 = arith.constant 0 : i32
    %dma_start3A_379 = tpu.memref_slice %arg13[%dma_start3A_377, %dma_start3A_378] : memref<72x768xf32, #tpu.memory_space<vmem>> -> memref<72x768xf32, #tpu.memory_space<vmem>>
    %dma_start3A_380 = arith.constant 72 : i32
    %dma_start3A_381 = tpu.memref_slice %arg12[%dma_start3A_380] : memref<144xi32, #tpu.memory_space<vmem>> -> memref<72xi32, #tpu.memory_space<vmem>>
    %dma_start3A_382 = arith.constant 0 : i32
    %dma_start3A_383 = arith.constant 0 : i32
    %dma_start3A_384 = tpu.memref_slice %arg2[%dma_start3A_382, %dma_start3A_383] : memref<36864x768xf32, #tpu.memory_space<hbm>> -> memref<36864x768xf32, #tpu.memory_space<hbm>>
    tpu.enqueue_indirect_dma source(%dma_start3A_384 : memref<36864x768xf32, #tpu.memory_space<hbm>>) target(%dma_start3A_379 : memref<72x768xf32, #tpu.memory_space<vmem>>) offsets(%dma_start3A_381 : memref<72xi32, #tpu.memory_space<vmem>>) semaphore(%arg14 : memref<!tpu.dma_semaphore, #tpu.memory_space<semaphore_mem>>)
    %dma_wait3A_385 = arith.constant 0 : i32
    %dma_wait3A_386 = arith.constant 0 : i32
    %dma_wait3A_387 = tpu.memref_slice %arg13[%dma_wait3A_385, %dma_wait3A_386] : memref<72x768xf32, #tpu.memory_space<vmem>> -> memref<72x768xf32, #tpu.memory_space<vmem>>
    %dma_wait3A_388 = arith.constant 72 : i32
    %dma_wait3A_389 = tpu.memref_slice %arg12[%dma_wait3A_388] : memref<144xi32, #tpu.memory_space<vmem>> -> memref<72xi32, #tpu.memory_space<vmem>>
    %dma_wait3A_390 = arith.constant 0 : i32
    %dma_wait3A_391 = arith.constant 0 : i32
    %dma_wait3A_392 = tpu.memref_slice %arg2[%dma_wait3A_390, %dma_wait3A_391] : memref<36864x768xf32, #tpu.memory_space<hbm>> -> memref<36864x768xf32, #tpu.memory_space<hbm>>
    tpu.wait_indirect_dma semaphore(%arg14 : memref<!tpu.dma_semaphore, #tpu.memory_space<semaphore_mem>>) src(%dma_wait3A_392 : memref<36864x768xf32, #tpu.memory_space<hbm>>) dst(%dma_wait3A_387 : memref<72x768xf32, #tpu.memory_space<vmem>>)
    %add3A_393 = arith.constant 72 : i32
    %add3A_394 = arith.addi %mul3A_358, %add3A_393 : i32
    "tpu.region"() ({
      %run_scoped3A = tpu.sem_alloc : memref<!tpu.dma_semaphore, #tpu.memory_space<semaphore_mem>>
      %dma_start3A_543 = arith.constant 0 : i32
      %dma_start3A_544 = arith.constant 0 : i32
      %dma_start3A_545 = tpu.memref_slice %arg13[%dma_start3A_543, %dma_start3A_544] : memref<72x768xf32, #tpu.memory_space<vmem>> -> memref<72x768xf32, #tpu.memory_space<vmem>>
      %dma_start3A_546 = arith.constant 0 : i32
      %dma_start3A_547 = tpu.memref_slice %arg7[%add3A_394, %dma_start3A_546] : memref<9216x768xf32, #tpu.memory_space<hbm>> -> memref<72x768xf32, #tpu.memory_space<hbm>>
      %dma_start3A_548 = arith.constant 0 : i32
      %dma_start3A_549 = tpu.memref_slice %arg7[%add3A_394, %dma_start3A_548] : memref<9216x768xf32, #tpu.memory_space<hbm>> -> memref<72x768xf32, #tpu.memory_space<hbm>>
      %dma_start3A_550 = arith.constant 0 : i32
      %dma_start3A_551 = arith.constant 0 : i32
      %dma_start3A_552 = tpu.memref_slice %arg13[%dma_start3A_550, %dma_start3A_551] : memref<72x768xf32, #tpu.memory_space<vmem>> -> memref<72x768xf32, #tpu.memory_space<vmem>>
      tpu.enqueue_dma source(%dma_start3A_552 : memref<72x768xf32, #tpu.memory_space<vmem>>) target(%dma_start3A_549 : memref<72x768xf32, #tpu.memory_space<hbm>>) target_semaphore(%run_scoped3A : memref<!tpu.dma_semaphore, #tpu.memory_space<semaphore_mem>>)
      %dma_wait3A_553 = arith.constant 0 : i32
      %dma_wait3A_554 = arith.constant 0 : i32
      %dma_wait3A_555 = tpu.memref_slice %arg13[%dma_wait3A_553, %dma_wait3A_554] : memref<72x768xf32, #tpu.memory_space<vmem>> -> memref<72x768xf32, #tpu.memory_space<vmem>>
      %dma_wait3A_556 = arith.constant 0 : i32
      %dma_wait3A_557 = tpu.memref_slice %arg7[%add3A_394, %dma_wait3A_556] : memref<9216x768xf32, #tpu.memory_space<hbm>> -> memref<72x768xf32, #tpu.memory_space<hbm>>
      %dma_wait3A_558 = arith.constant 0 : i32
      %dma_wait3A_559 = tpu.memref_slice %arg7[%add3A_394, %dma_wait3A_558] : memref<9216x768xf32, #tpu.memory_space<hbm>> -> memref<72x768xf32, #tpu.memory_space<hbm>>
      %dma_wait3A_560 = arith.constant 0 : i32
      %dma_wait3A_561 = arith.constant 0 : i32
      %dma_wait3A_562 = tpu.memref_slice %arg13[%dma_wait3A_560, %dma_wait3A_561] : memref<72x768xf32, #tpu.memory_space<vmem>> -> memref<72x768xf32, #tpu.memory_space<vmem>>
      tpu.wait_dma2 semaphore(%run_scoped3A : memref<!tpu.dma_semaphore, #tpu.memory_space<semaphore_mem>>) src(%dma_wait3A_562 : memref<72x768xf32, #tpu.memory_space<vmem>>) dst(%dma_wait3A_559 : memref<72x768xf32, #tpu.memory_space<hbm>>)
      tpu.yield
    }) : () -> ()
    %mul3A_395 = arith.constant 144 : i32
    %mul3A_396 = arith.muli %add3A_273, %mul3A_395 : i32
    %dma_start3A_397 = arith.constant 0 : i32
    %dma_start3A_398 = arith.constant 0 : i32
    %dma_start3A_399 = tpu.memref_slice %arg13[%dma_start3A_397, %dma_start3A_398] : memref<72x768xf32, #tpu.memory_space<vmem>> -> memref<72x768xf32, #tpu.memory_space<vmem>>
    %dma_start3A_400 = arith.constant 0 : i32
    %dma_start3A_401 = tpu.memref_slice %arg10[%dma_start3A_400] : memref<144xi32, #tpu.memory_space<vmem>> -> memref<72xi32, #tpu.memory_space<vmem>>
    %dma_start3A_402 = arith.constant 0 : i32
    %dma_start3A_403 = arith.constant 0 : i32
    %dma_start3A_404 = tpu.memref_slice %arg3[%dma_start3A_402, %dma_start3A_403] : memref<576x768xf32, #tpu.memory_space<hbm>> -> memref<576x768xf32, #tpu.memory_space<hbm>>
    tpu.enqueue_indirect_dma source(%dma_start3A_404 : memref<576x768xf32, #tpu.memory_space<hbm>>) target(%dma_start3A_399 : memref<72x768xf32, #tpu.memory_space<vmem>>) offsets(%dma_start3A_401 : memref<72xi32, #tpu.memory_space<vmem>>) semaphore(%arg14 : memref<!tpu.dma_semaphore, #tpu.memory_space<semaphore_mem>>)
    %dma_wait3A_405 = arith.constant 0 : i32
    %dma_wait3A_406 = arith.constant 0 : i32
    %dma_wait3A_407 = tpu.memref_slice %arg13[%dma_wait3A_405, %dma_wait3A_406] : memref<72x768xf32, #tpu.memory_space<vmem>> -> memref<72x768xf32, #tpu.memory_space<vmem>>
    %dma_wait3A_408 = arith.constant 0 : i32
    %dma_wait3A_409 = tpu.memref_slice %arg10[%dma_wait3A_408] : memref<144xi32, #tpu.memory_space<vmem>> -> memref<72xi32, #tpu.memory_space<vmem>>
    %dma_wait3A_410 = arith.constant 0 : i32
    %dma_wait3A_411 = arith.constant 0 : i32
    %dma_wait3A_412 = tpu.memref_slice %arg3[%dma_wait3A_410, %dma_wait3A_411] : memref<576x768xf32, #tpu.memory_space<hbm>> -> memref<576x768xf32, #tpu.memory_space<hbm>>
    tpu.wait_indirect_dma semaphore(%arg14 : memref<!tpu.dma_semaphore, #tpu.memory_space<semaphore_mem>>) src(%dma_wait3A_412 : memref<576x768xf32, #tpu.memory_space<hbm>>) dst(%dma_wait3A_407 : memref<72x768xf32, #tpu.memory_space<vmem>>)
    %add3A_413 = arith.constant 0 : i32
    %add3A_414 = arith.addi %mul3A_396, %add3A_413 : i32
    "tpu.region"() ({
      %run_scoped3A = tpu.sem_alloc : memref<!tpu.dma_semaphore, #tpu.memory_space<semaphore_mem>>
      %dma_start3A_543 = arith.constant 0 : i32
      %dma_start3A_544 = arith.constant 0 : i32
      %dma_start3A_545 = tpu.memref_slice %arg13[%dma_start3A_543, %dma_start3A_544] : memref<72x768xf32, #tpu.memory_space<vmem>> -> memref<72x768xf32, #tpu.memory_space<vmem>>
      %dma_start3A_546 = arith.constant 0 : i32
      %dma_start3A_547 = tpu.memref_slice %arg9[%add3A_414, %dma_start3A_546] : memref<9216x768xf32, #tpu.memory_space<hbm>> -> memref<72x768xf32, #tpu.memory_space<hbm>>
      %dma_start3A_548 = arith.constant 0 : i32
      %dma_start3A_549 = tpu.memref_slice %arg9[%add3A_414, %dma_start3A_548] : memref<9216x768xf32, #tpu.memory_space<hbm>> -> memref<72x768xf32, #tpu.memory_space<hbm>>
      %dma_start3A_550 = arith.constant 0 : i32
      %dma_start3A_551 = arith.constant 0 : i32
      %dma_start3A_552 = tpu.memref_slice %arg13[%dma_start3A_550, %dma_start3A_551] : memref<72x768xf32, #tpu.memory_space<vmem>> -> memref<72x768xf32, #tpu.memory_space<vmem>>
      tpu.enqueue_dma source(%dma_start3A_552 : memref<72x768xf32, #tpu.memory_space<vmem>>) target(%dma_start3A_549 : memref<72x768xf32, #tpu.memory_space<hbm>>) target_semaphore(%run_scoped3A : memref<!tpu.dma_semaphore, #tpu.memory_space<semaphore_mem>>)
      %dma_wait3A_553 = arith.constant 0 : i32
      %dma_wait3A_554 = arith.constant 0 : i32
      %dma_wait3A_555 = tpu.memref_slice %arg13[%dma_wait3A_553, %dma_wait3A_554] : memref<72x768xf32, #tpu.memory_space<vmem>> -> memref<72x768xf32, #tpu.memory_space<vmem>>
      %dma_wait3A_556 = arith.constant 0 : i32
      %dma_wait3A_557 = tpu.memref_slice %arg9[%add3A_414, %dma_wait3A_556] : memref<9216x768xf32, #tpu.memory_space<hbm>> -> memref<72x768xf32, #tpu.memory_space<hbm>>
      %dma_wait3A_558 = arith.constant 0 : i32
      %dma_wait3A_559 = tpu.memref_slice %arg9[%add3A_414, %dma_wait3A_558] : memref<9216x768xf32, #tpu.memory_space<hbm>> -> memref<72x768xf32, #tpu.memory_space<hbm>>
      %dma_wait3A_560 = arith.constant 0 : i32
      %dma_wait3A_561 = arith.constant 0 : i32
      %dma_wait3A_562 = tpu.memref_slice %arg13[%dma_wait3A_560, %dma_wait3A_561] : memref<72x768xf32, #tpu.memory_space<vmem>> -> memref<72x768xf32, #tpu.memory_space<vmem>>
      tpu.wait_dma2 semaphore(%run_scoped3A : memref<!tpu.dma_semaphore, #tpu.memory_space<semaphore_mem>>) src(%dma_wait3A_562 : memref<72x768xf32, #tpu.memory_space<vmem>>) dst(%dma_wait3A_559 : memref<72x768xf32, #tpu.memory_space<hbm>>)
      tpu.yield
    }) : () -> ()
    %dma_start3A_415 = arith.constant 0 : i32
    %dma_start3A_416 = arith.constant 0 : i32
    %dma_start3A_417 = tpu.memref_slice %arg13[%dma_start3A_415, %dma_start3A_416] : memref<72x768xf32, #tpu.memory_space<vmem>> -> memref<72x768xf32, #tpu.memory_space<vmem>>
    %dma_start3A_418 = arith.constant 72 : i32
    %dma_start3A_419 = tpu.memref_slice %arg10[%dma_start3A_418] : memref<144xi32, #tpu.memory_space<vmem>> -> memref<72xi32, #tpu.memory_space<vmem>>
    %dma_start3A_420 = arith.constant 0 : i32
    %dma_start3A_421 = arith.constant 0 : i32
    %dma_start3A_422 = tpu.memref_slice %arg3[%dma_start3A_420, %dma_start3A_421] : memref<576x768xf32, #tpu.memory_space<hbm>> -> memref<576x768xf32, #tpu.memory_space<hbm>>
    tpu.enqueue_indirect_dma source(%dma_start3A_422 : memref<576x768xf32, #tpu.memory_space<hbm>>) target(%dma_start3A_417 : memref<72x768xf32, #tpu.memory_space<vmem>>) offsets(%dma_start3A_419 : memref<72xi32, #tpu.memory_space<vmem>>) semaphore(%arg14 : memref<!tpu.dma_semaphore, #tpu.memory_space<semaphore_mem>>)
    %dma_wait3A_423 = arith.constant 0 : i32
    %dma_wait3A_424 = arith.constant 0 : i32
    %dma_wait3A_425 = tpu.memref_slice %arg13[%dma_wait3A_423, %dma_wait3A_424] : memref<72x768xf32, #tpu.memory_space<vmem>> -> memref<72x768xf32, #tpu.memory_space<vmem>>
    %dma_wait3A_426 = arith.constant 72 : i32
    %dma_wait3A_427 = tpu.memref_slice %arg10[%dma_wait3A_426] : memref<144xi32, #tpu.memory_space<vmem>> -> memref<72xi32, #tpu.memory_space<vmem>>
    %dma_wait3A_428 = arith.constant 0 : i32
    %dma_wait3A_429 = arith.constant 0 : i32
    %dma_wait3A_430 = tpu.memref_slice %arg3[%dma_wait3A_428, %dma_wait3A_429] : memref<576x768xf32, #tpu.memory_space<hbm>> -> memref<576x768xf32, #tpu.memory_space<hbm>>
    tpu.wait_indirect_dma semaphore(%arg14 : memref<!tpu.dma_semaphore, #tpu.memory_space<semaphore_mem>>) src(%dma_wait3A_430 : memref<576x768xf32, #tpu.memory_space<hbm>>) dst(%dma_wait3A_425 : memref<72x768xf32, #tpu.memory_space<vmem>>)
    %add3A_431 = arith.constant 72 : i32
    %add3A_432 = arith.addi %mul3A_396, %add3A_431 : i32
    "tpu.region"() ({
      %run_scoped3A = tpu.sem_alloc : memref<!tpu.dma_semaphore, #tpu.memory_space<semaphore_mem>>
      %dma_start3A_543 = arith.constant 0 : i32
      %dma_start3A_544 = arith.constant 0 : i32
      %dma_start3A_545 = tpu.memref_slice %arg13[%dma_start3A_543, %dma_start3A_544] : memref<72x768xf32, #tpu.memory_space<vmem>> -> memref<72x768xf32, #tpu.memory_space<vmem>>
      %dma_start3A_546 = arith.constant 0 : i32
      %dma_start3A_547 = tpu.memref_slice %arg9[%add3A_432, %dma_start3A_546] : memref<9216x768xf32, #tpu.memory_space<hbm>> -> memref<72x768xf32, #tpu.memory_space<hbm>>
      %dma_start3A_548 = arith.constant 0 : i32
      %dma_start3A_549 = tpu.memref_slice %arg9[%add3A_432, %dma_start3A_548] : memref<9216x768xf32, #tpu.memory_space<hbm>> -> memref<72x768xf32, #tpu.memory_space<hbm>>
      %dma_start3A_550 = arith.constant 0 : i32
      %dma_start3A_551 = arith.constant 0 : i32
      %dma_start3A_552 = tpu.memref_slice %arg13[%dma_start3A_550, %dma_start3A_551] : memref<72x768xf32, #tpu.memory_space<vmem>> -> memref<72x768xf32, #tpu.memory_space<vmem>>
      tpu.enqueue_dma source(%dma_start3A_552 : memref<72x768xf32, #tpu.memory_space<vmem>>) target(%dma_start3A_549 : memref<72x768xf32, #tpu.memory_space<hbm>>) target_semaphore(%run_scoped3A : memref<!tpu.dma_semaphore, #tpu.memory_space<semaphore_mem>>)
      %dma_wait3A_553 = arith.constant 0 : i32
      %dma_wait3A_554 = arith.constant 0 : i32
      %dma_wait3A_555 = tpu.memref_slice %arg13[%dma_wait3A_553, %dma_wait3A_554] : memref<72x768xf32, #tpu.memory_space<vmem>> -> memref<72x768xf32, #tpu.memory_space<vmem>>
      %dma_wait3A_556 = arith.constant 0 : i32
      %dma_wait3A_557 = tpu.memref_slice %arg9[%add3A_432, %dma_wait3A_556] : memref<9216x768xf32, #tpu.memory_space<hbm>> -> memref<72x768xf32, #tpu.memory_space<hbm>>
      %dma_wait3A_558 = arith.constant 0 : i32
      %dma_wait3A_559 = tpu.memref_slice %arg9[%add3A_432, %dma_wait3A_558] : memref<9216x768xf32, #tpu.memory_space<hbm>> -> memref<72x768xf32, #tpu.memory_space<hbm>>
      %dma_wait3A_560 = arith.constant 0 : i32
      %dma_wait3A_561 = arith.constant 0 : i32
      %dma_wait3A_562 = tpu.memref_slice %arg13[%dma_wait3A_560, %dma_wait3A_561] : memref<72x768xf32, #tpu.memory_space<vmem>> -> memref<72x768xf32, #tpu.memory_space<vmem>>
      tpu.wait_dma2 semaphore(%run_scoped3A : memref<!tpu.dma_semaphore, #tpu.memory_space<semaphore_mem>>) src(%dma_wait3A_562 : memref<72x768xf32, #tpu.memory_space<vmem>>) dst(%dma_wait3A_559 : memref<72x768xf32, #tpu.memory_space<hbm>>)
      tpu.yield
    }) : () -> ()
    %mul3A_433 = arith.constant 432 : i32
    %mul3A_434 = arith.muli %add3A_273, %mul3A_433 : i32
    %dma_start3A_435 = arith.constant 0 : i32
    %dma_start3A_436 = arith.constant 0 : i32
    %dma_start3A_437 = tpu.memref_slice %arg13[%dma_start3A_435, %dma_start3A_436] : memref<72x768xf32, #tpu.memory_space<vmem>> -> memref<72x768xf32, #tpu.memory_space<vmem>>
    %dma_start3A_438 = arith.constant 0 : i32
    %dma_start3A_439 = tpu.memref_slice %arg11[%dma_start3A_438] : memref<432xi32, #tpu.memory_space<vmem>> -> memref<72xi32, #tpu.memory_space<vmem>>
    %dma_start3A_440 = arith.constant 0 : i32
    %dma_start3A_441 = arith.constant 0 : i32
    %dma_start3A_442 = tpu.memref_slice %arg4[%dma_start3A_440, %dma_start3A_441] : memref<576x768xf32, #tpu.memory_space<hbm>> -> memref<576x768xf32, #tpu.memory_space<hbm>>
    tpu.enqueue_indirect_dma source(%dma_start3A_442 : memref<576x768xf32, #tpu.memory_space<hbm>>) target(%dma_start3A_437 : memref<72x768xf32, #tpu.memory_space<vmem>>) offsets(%dma_start3A_439 : memref<72xi32, #tpu.memory_space<vmem>>) semaphore(%arg14 : memref<!tpu.dma_semaphore, #tpu.memory_space<semaphore_mem>>)
    %dma_wait3A_443 = arith.constant 0 : i32
    %dma_wait3A_444 = arith.constant 0 : i32
    %dma_wait3A_445 = tpu.memref_slice %arg13[%dma_wait3A_443, %dma_wait3A_444] : memref<72x768xf32, #tpu.memory_space<vmem>> -> memref<72x768xf32, #tpu.memory_space<vmem>>
    %dma_wait3A_446 = arith.constant 0 : i32
    %dma_wait3A_447 = tpu.memref_slice %arg11[%dma_wait3A_446] : memref<432xi32, #tpu.memory_space<vmem>> -> memref<72xi32, #tpu.memory_space<vmem>>
    %dma_wait3A_448 = arith.constant 0 : i32
    %dma_wait3A_449 = arith.constant 0 : i32
    %dma_wait3A_450 = tpu.memref_slice %arg4[%dma_wait3A_448, %dma_wait3A_449] : memref<576x768xf32, #tpu.memory_space<hbm>> -> memref<576x768xf32, #tpu.memory_space<hbm>>
    tpu.wait_indirect_dma semaphore(%arg14 : memref<!tpu.dma_semaphore, #tpu.memory_space<semaphore_mem>>) src(%dma_wait3A_450 : memref<576x768xf32, #tpu.memory_space<hbm>>) dst(%dma_wait3A_445 : memref<72x768xf32, #tpu.memory_space<vmem>>)
    %add3A_451 = arith.constant 0 : i32
    %add3A_452 = arith.addi %mul3A_434, %add3A_451 : i32
    "tpu.region"() ({
      %run_scoped3A = tpu.sem_alloc : memref<!tpu.dma_semaphore, #tpu.memory_space<semaphore_mem>>
      %dma_start3A_543 = arith.constant 0 : i32
      %dma_start3A_544 = arith.constant 0 : i32
      %dma_start3A_545 = tpu.memref_slice %arg13[%dma_start3A_543, %dma_start3A_544] : memref<72x768xf32, #tpu.memory_space<vmem>> -> memref<72x768xf32, #tpu.memory_space<vmem>>
      %dma_start3A_546 = arith.constant 0 : i32
      %dma_start3A_547 = tpu.memref_slice %arg8[%add3A_452, %dma_start3A_546] : memref<27648x768xf32, #tpu.memory_space<hbm>> -> memref<72x768xf32, #tpu.memory_space<hbm>>
      %dma_start3A_548 = arith.constant 0 : i32
      %dma_start3A_549 = tpu.memref_slice %arg8[%add3A_452, %dma_start3A_548] : memref<27648x768xf32, #tpu.memory_space<hbm>> -> memref<72x768xf32, #tpu.memory_space<hbm>>
      %dma_start3A_550 = arith.constant 0 : i32
      %dma_start3A_551 = arith.constant 0 : i32
      %dma_start3A_552 = tpu.memref_slice %arg13[%dma_start3A_550, %dma_start3A_551] : memref<72x768xf32, #tpu.memory_space<vmem>> -> memref<72x768xf32, #tpu.memory_space<vmem>>
      tpu.enqueue_dma source(%dma_start3A_552 : memref<72x768xf32, #tpu.memory_space<vmem>>) target(%dma_start3A_549 : memref<72x768xf32, #tpu.memory_space<hbm>>) target_semaphore(%run_scoped3A : memref<!tpu.dma_semaphore, #tpu.memory_space<semaphore_mem>>)
      %dma_wait3A_553 = arith.constant 0 : i32
      %dma_wait3A_554 = arith.constant 0 : i32
      %dma_wait3A_555 = tpu.memref_slice %arg13[%dma_wait3A_553, %dma_wait3A_554] : memref<72x768xf32, #tpu.memory_space<vmem>> -> memref<72x768xf32, #tpu.memory_space<vmem>>
      %dma_wait3A_556 = arith.constant 0 : i32
      %dma_wait3A_557 = tpu.memref_slice %arg8[%add3A_452, %dma_wait3A_556] : memref<27648x768xf32, #tpu.memory_space<hbm>> -> memref<72x768xf32, #tpu.memory_space<hbm>>
      %dma_wait3A_558 = arith.constant 0 : i32
      %dma_wait3A_559 = tpu.memref_slice %arg8[%add3A_452, %dma_wait3A_558] : memref<27648x768xf32, #tpu.memory_space<hbm>> -> memref<72x768xf32, #tpu.memory_space<hbm>>
      %dma_wait3A_560 = arith.constant 0 : i32
      %dma_wait3A_561 = arith.constant 0 : i32
      %dma_wait3A_562 = tpu.memref_slice %arg13[%dma_wait3A_560, %dma_wait3A_561] : memref<72x768xf32, #tpu.memory_space<vmem>> -> memref<72x768xf32, #tpu.memory_space<vmem>>
      tpu.wait_dma2 semaphore(%run_scoped3A : memref<!tpu.dma_semaphore, #tpu.memory_space<semaphore_mem>>) src(%dma_wait3A_562 : memref<72x768xf32, #tpu.memory_space<vmem>>) dst(%dma_wait3A_559 : memref<72x768xf32, #tpu.memory_space<hbm>>)
      tpu.yield
    }) : () -> ()
    %dma_start3A_453 = arith.constant 0 : i32
    %dma_start3A_454 = arith.constant 0 : i32
    %dma_start3A_455 = tpu.memref_slice %arg13[%dma_start3A_453, %dma_start3A_454] : memref<72x768xf32, #tpu.memory_space<vmem>> -> memref<72x768xf32, #tpu.memory_space<vmem>>
    %dma_start3A_456 = arith.constant 72 : i32
    %dma_start3A_457 = tpu.memref_slice %arg11[%dma_start3A_456] : memref<432xi32, #tpu.memory_space<vmem>> -> memref<72xi32, #tpu.memory_space<vmem>>
    %dma_start3A_458 = arith.constant 0 : i32
    %dma_start3A_459 = arith.constant 0 : i32
    %dma_start3A_460 = tpu.memref_slice %arg4[%dma_start3A_458, %dma_start3A_459] : memref<576x768xf32, #tpu.memory_space<hbm>> -> memref<576x768xf32, #tpu.memory_space<hbm>>
    tpu.enqueue_indirect_dma source(%dma_start3A_460 : memref<576x768xf32, #tpu.memory_space<hbm>>) target(%dma_start3A_455 : memref<72x768xf32, #tpu.memory_space<vmem>>) offsets(%dma_start3A_457 : memref<72xi32, #tpu.memory_space<vmem>>) semaphore(%arg14 : memref<!tpu.dma_semaphore, #tpu.memory_space<semaphore_mem>>)
    %dma_wait3A_461 = arith.constant 0 : i32
    %dma_wait3A_462 = arith.constant 0 : i32
    %dma_wait3A_463 = tpu.memref_slice %arg13[%dma_wait3A_461, %dma_wait3A_462] : memref<72x768xf32, #tpu.memory_space<vmem>> -> memref<72x768xf32, #tpu.memory_space<vmem>>
    %dma_wait3A_464 = arith.constant 72 : i32
    %dma_wait3A_465 = tpu.memref_slice %arg11[%dma_wait3A_464] : memref<432xi32, #tpu.memory_space<vmem>> -> memref<72xi32, #tpu.memory_space<vmem>>
    %dma_wait3A_466 = arith.constant 0 : i32
    %dma_wait3A_467 = arith.constant 0 : i32
    %dma_wait3A_468 = tpu.memref_slice %arg4[%dma_wait3A_466, %dma_wait3A_467] : memref<576x768xf32, #tpu.memory_space<hbm>> -> memref<576x768xf32, #tpu.memory_space<hbm>>
    tpu.wait_indirect_dma semaphore(%arg14 : memref<!tpu.dma_semaphore, #tpu.memory_space<semaphore_mem>>) src(%dma_wait3A_468 : memref<576x768xf32, #tpu.memory_space<hbm>>) dst(%dma_wait3A_463 : memref<72x768xf32, #tpu.memory_space<vmem>>)
    %add3A_469 = arith.constant 72 : i32
    %add3A_470 = arith.addi %mul3A_434, %add3A_469 : i32
    "tpu.region"() ({
      %run_scoped3A = tpu.sem_alloc : memref<!tpu.dma_semaphore, #tpu.memory_space<semaphore_mem>>
      %dma_start3A_543 = arith.constant 0 : i32
      %dma_start3A_544 = arith.constant 0 : i32
      %dma_start3A_545 = tpu.memref_slice %arg13[%dma_start3A_543, %dma_start3A_544] : memref<72x768xf32, #tpu.memory_space<vmem>> -> memref<72x768xf32, #tpu.memory_space<vmem>>
      %dma_start3A_546 = arith.constant 0 : i32
      %dma_start3A_547 = tpu.memref_slice %arg8[%add3A_470, %dma_start3A_546] : memref<27648x768xf32, #tpu.memory_space<hbm>> -> memref<72x768xf32, #tpu.memory_space<hbm>>
      %dma_start3A_548 = arith.constant 0 : i32
      %dma_start3A_549 = tpu.memref_slice %arg8[%add3A_470, %dma_start3A_548] : memref<27648x768xf32, #tpu.memory_space<hbm>> -> memref<72x768xf32, #tpu.memory_space<hbm>>
      %dma_start3A_550 = arith.constant 0 : i32
      %dma_start3A_551 = arith.constant 0 : i32
      %dma_start3A_552 = tpu.memref_slice %arg13[%dma_start3A_550, %dma_start3A_551] : memref<72x768xf32, #tpu.memory_space<vmem>> -> memref<72x768xf32, #tpu.memory_space<vmem>>
      tpu.enqueue_dma source(%dma_start3A_552 : memref<72x768xf32, #tpu.memory_space<vmem>>) target(%dma_start3A_549 : memref<72x768xf32, #tpu.memory_space<hbm>>) target_semaphore(%run_scoped3A : memref<!tpu.dma_semaphore, #tpu.memory_space<semaphore_mem>>)
      %dma_wait3A_553 = arith.constant 0 : i32
      %dma_wait3A_554 = arith.constant 0 : i32
      %dma_wait3A_555 = tpu.memref_slice %arg13[%dma_wait3A_553, %dma_wait3A_554] : memref<72x768xf32, #tpu.memory_space<vmem>> -> memref<72x768xf32, #tpu.memory_space<vmem>>
      %dma_wait3A_556 = arith.constant 0 : i32
      %dma_wait3A_557 = tpu.memref_slice %arg8[%add3A_470, %dma_wait3A_556] : memref<27648x768xf32, #tpu.memory_space<hbm>> -> memref<72x768xf32, #tpu.memory_space<hbm>>
      %dma_wait3A_558 = arith.constant 0 : i32
      %dma_wait3A_559 = tpu.memref_slice %arg8[%add3A_470, %dma_wait3A_558] : memref<27648x768xf32, #tpu.memory_space<hbm>> -> memref<72x768xf32, #tpu.memory_space<hbm>>
      %dma_wait3A_560 = arith.constant 0 : i32
      %dma_wait3A_561 = arith.constant 0 : i32
      %dma_wait3A_562 = tpu.memref_slice %arg13[%dma_wait3A_560, %dma_wait3A_561] : memref<72x768xf32, #tpu.memory_space<vmem>> -> memref<72x768xf32, #tpu.memory_space<vmem>>
      tpu.wait_dma2 semaphore(%run_scoped3A : memref<!tpu.dma_semaphore, #tpu.memory_space<semaphore_mem>>) src(%dma_wait3A_562 : memref<72x768xf32, #tpu.memory_space<vmem>>) dst(%dma_wait3A_559 : memref<72x768xf32, #tpu.memory_space<hbm>>)
      tpu.yield
    }) : () -> ()
    %dma_start3A_471 = arith.constant 0 : i32
    %dma_start3A_472 = arith.constant 0 : i32
    %dma_start3A_473 = tpu.memref_slice %arg13[%dma_start3A_471, %dma_start3A_472] : memref<72x768xf32, #tpu.memory_space<vmem>> -> memref<72x768xf32, #tpu.memory_space<vmem>>
    %dma_start3A_474 = arith.constant 144 : i32
    %dma_start3A_475 = tpu.memref_slice %arg11[%dma_start3A_474] : memref<432xi32, #tpu.memory_space<vmem>> -> memref<72xi32, #tpu.memory_space<vmem>>
    %dma_start3A_476 = arith.constant 0 : i32
    %dma_start3A_477 = arith.constant 0 : i32
    %dma_start3A_478 = tpu.memref_slice %arg4[%dma_start3A_476, %dma_start3A_477] : memref<576x768xf32, #tpu.memory_space<hbm>> -> memref<576x768xf32, #tpu.memory_space<hbm>>
    tpu.enqueue_indirect_dma source(%dma_start3A_478 : memref<576x768xf32, #tpu.memory_space<hbm>>) target(%dma_start3A_473 : memref<72x768xf32, #tpu.memory_space<vmem>>) offsets(%dma_start3A_475 : memref<72xi32, #tpu.memory_space<vmem>>) semaphore(%arg14 : memref<!tpu.dma_semaphore, #tpu.memory_space<semaphore_mem>>)
    %dma_wait3A_479 = arith.constant 0 : i32
    %dma_wait3A_480 = arith.constant 0 : i32
    %dma_wait3A_481 = tpu.memref_slice %arg13[%dma_wait3A_479, %dma_wait3A_480] : memref<72x768xf32, #tpu.memory_space<vmem>> -> memref<72x768xf32, #tpu.memory_space<vmem>>
    %dma_wait3A_482 = arith.constant 144 : i32
    %dma_wait3A_483 = tpu.memref_slice %arg11[%dma_wait3A_482] : memref<432xi32, #tpu.memory_space<vmem>> -> memref<72xi32, #tpu.memory_space<vmem>>
    %dma_wait3A_484 = arith.constant 0 : i32
    %dma_wait3A_485 = arith.constant 0 : i32
    %dma_wait3A_486 = tpu.memref_slice %arg4[%dma_wait3A_484, %dma_wait3A_485] : memref<576x768xf32, #tpu.memory_space<hbm>> -> memref<576x768xf32, #tpu.memory_space<hbm>>
    tpu.wait_indirect_dma semaphore(%arg14 : memref<!tpu.dma_semaphore, #tpu.memory_space<semaphore_mem>>) src(%dma_wait3A_486 : memref<576x768xf32, #tpu.memory_space<hbm>>) dst(%dma_wait3A_481 : memref<72x768xf32, #tpu.memory_space<vmem>>)
    %add3A_487 = arith.constant 144 : i32
    %add3A_488 = arith.addi %mul3A_434, %add3A_487 : i32
    "tpu.region"() ({
      %run_scoped3A = tpu.sem_alloc : memref<!tpu.dma_semaphore, #tpu.memory_space<semaphore_mem>>
      %dma_start3A_543 = arith.constant 0 : i32
      %dma_start3A_544 = arith.constant 0 : i32
      %dma_start3A_545 = tpu.memref_slice %arg13[%dma_start3A_543, %dma_start3A_544] : memref<72x768xf32, #tpu.memory_space<vmem>> -> memref<72x768xf32, #tpu.memory_space<vmem>>
      %dma_start3A_546 = arith.constant 0 : i32
      %dma_start3A_547 = tpu.memref_slice %arg8[%add3A_488, %dma_start3A_546] : memref<27648x768xf32, #tpu.memory_space<hbm>> -> memref<72x768xf32, #tpu.memory_space<hbm>>
      %dma_start3A_548 = arith.constant 0 : i32
      %dma_start3A_549 = tpu.memref_slice %arg8[%add3A_488, %dma_start3A_548] : memref<27648x768xf32, #tpu.memory_space<hbm>> -> memref<72x768xf32, #tpu.memory_space<hbm>>
      %dma_start3A_550 = arith.constant 0 : i32
      %dma_start3A_551 = arith.constant 0 : i32
      %dma_start3A_552 = tpu.memref_slice %arg13[%dma_start3A_550, %dma_start3A_551] : memref<72x768xf32, #tpu.memory_space<vmem>> -> memref<72x768xf32, #tpu.memory_space<vmem>>
      tpu.enqueue_dma source(%dma_start3A_552 : memref<72x768xf32, #tpu.memory_space<vmem>>) target(%dma_start3A_549 : memref<72x768xf32, #tpu.memory_space<hbm>>) target_semaphore(%run_scoped3A : memref<!tpu.dma_semaphore, #tpu.memory_space<semaphore_mem>>)
      %dma_wait3A_553 = arith.constant 0 : i32
      %dma_wait3A_554 = arith.constant 0 : i32
      %dma_wait3A_555 = tpu.memref_slice %arg13[%dma_wait3A_553, %dma_wait3A_554] : memref<72x768xf32, #tpu.memory_space<vmem>> -> memref<72x768xf32, #tpu.memory_space<vmem>>
      %dma_wait3A_556 = arith.constant 0 : i32
      %dma_wait3A_557 = tpu.memref_slice %arg8[%add3A_488, %dma_wait3A_556] : memref<27648x768xf32, #tpu.memory_space<hbm>> -> memref<72x768xf32, #tpu.memory_space<hbm>>
      %dma_wait3A_558 = arith.constant 0 : i32
      %dma_wait3A_559 = tpu.memref_slice %arg8[%add3A_488, %dma_wait3A_558] : memref<27648x768xf32, #tpu.memory_space<hbm>> -> memref<72x768xf32, #tpu.memory_space<hbm>>
      %dma_wait3A_560 = arith.constant 0 : i32
      %dma_wait3A_561 = arith.constant 0 : i32
      %dma_wait3A_562 = tpu.memref_slice %arg13[%dma_wait3A_560, %dma_wait3A_561] : memref<72x768xf32, #tpu.memory_space<vmem>> -> memref<72x768xf32, #tpu.memory_space<vmem>>
      tpu.wait_dma2 semaphore(%run_scoped3A : memref<!tpu.dma_semaphore, #tpu.memory_space<semaphore_mem>>) src(%dma_wait3A_562 : memref<72x768xf32, #tpu.memory_space<vmem>>) dst(%dma_wait3A_559 : memref<72x768xf32, #tpu.memory_space<hbm>>)
      tpu.yield
    }) : () -> ()
    %dma_start3A_489 = arith.constant 0 : i32
    %dma_start3A_490 = arith.constant 0 : i32
    %dma_start3A_491 = tpu.memref_slice %arg13[%dma_start3A_489, %dma_start3A_490] : memref<72x768xf32, #tpu.memory_space<vmem>> -> memref<72x768xf32, #tpu.memory_space<vmem>>
    %dma_start3A_492 = arith.constant 216 : i32
    %dma_start3A_493 = tpu.memref_slice %arg11[%dma_start3A_492] : memref<432xi32, #tpu.memory_space<vmem>> -> memref<72xi32, #tpu.memory_space<vmem>>
    %dma_start3A_494 = arith.constant 0 : i32
    %dma_start3A_495 = arith.constant 0 : i32
    %dma_start3A_496 = tpu.memref_slice %arg4[%dma_start3A_494, %dma_start3A_495] : memref<576x768xf32, #tpu.memory_space<hbm>> -> memref<576x768xf32, #tpu.memory_space<hbm>>
    tpu.enqueue_indirect_dma source(%dma_start3A_496 : memref<576x768xf32, #tpu.memory_space<hbm>>) target(%dma_start3A_491 : memref<72x768xf32, #tpu.memory_space<vmem>>) offsets(%dma_start3A_493 : memref<72xi32, #tpu.memory_space<vmem>>) semaphore(%arg14 : memref<!tpu.dma_semaphore, #tpu.memory_space<semaphore_mem>>)
    %dma_wait3A_497 = arith.constant 0 : i32
    %dma_wait3A_498 = arith.constant 0 : i32
    %dma_wait3A_499 = tpu.memref_slice %arg13[%dma_wait3A_497, %dma_wait3A_498] : memref<72x768xf32, #tpu.memory_space<vmem>> -> memref<72x768xf32, #tpu.memory_space<vmem>>
    %dma_wait3A_500 = arith.constant 216 : i32
    %dma_wait3A_501 = tpu.memref_slice %arg11[%dma_wait3A_500] : memref<432xi32, #tpu.memory_space<vmem>> -> memref<72xi32, #tpu.memory_space<vmem>>
    %dma_wait3A_502 = arith.constant 0 : i32
    %dma_wait3A_503 = arith.constant 0 : i32
    %dma_wait3A_504 = tpu.memref_slice %arg4[%dma_wait3A_502, %dma_wait3A_503] : memref<576x768xf32, #tpu.memory_space<hbm>> -> memref<576x768xf32, #tpu.memory_space<hbm>>
    tpu.wait_indirect_dma semaphore(%arg14 : memref<!tpu.dma_semaphore, #tpu.memory_space<semaphore_mem>>) src(%dma_wait3A_504 : memref<576x768xf32, #tpu.memory_space<hbm>>) dst(%dma_wait3A_499 : memref<72x768xf32, #tpu.memory_space<vmem>>)
    %add3A_505 = arith.constant 216 : i32
    %add3A_506 = arith.addi %mul3A_434, %add3A_505 : i32
    "tpu.region"() ({
      %run_scoped3A = tpu.sem_alloc : memref<!tpu.dma_semaphore, #tpu.memory_space<semaphore_mem>>
      %dma_start3A_543 = arith.constant 0 : i32
      %dma_start3A_544 = arith.constant 0 : i32
      %dma_start3A_545 = tpu.memref_slice %arg13[%dma_start3A_543, %dma_start3A_544] : memref<72x768xf32, #tpu.memory_space<vmem>> -> memref<72x768xf32, #tpu.memory_space<vmem>>
      %dma_start3A_546 = arith.constant 0 : i32
      %dma_start3A_547 = tpu.memref_slice %arg8[%add3A_506, %dma_start3A_546] : memref<27648x768xf32, #tpu.memory_space<hbm>> -> memref<72x768xf32, #tpu.memory_space<hbm>>
      %dma_start3A_548 = arith.constant 0 : i32
      %dma_start3A_549 = tpu.memref_slice %arg8[%add3A_506, %dma_start3A_548] : memref<27648x768xf32, #tpu.memory_space<hbm>> -> memref<72x768xf32, #tpu.memory_space<hbm>>
      %dma_start3A_550 = arith.constant 0 : i32
      %dma_start3A_551 = arith.constant 0 : i32
      %dma_start3A_552 = tpu.memref_slice %arg13[%dma_start3A_550, %dma_start3A_551] : memref<72x768xf32, #tpu.memory_space<vmem>> -> memref<72x768xf32, #tpu.memory_space<vmem>>
      tpu.enqueue_dma source(%dma_start3A_552 : memref<72x768xf32, #tpu.memory_space<vmem>>) target(%dma_start3A_549 : memref<72x768xf32, #tpu.memory_space<hbm>>) target_semaphore(%run_scoped3A : memref<!tpu.dma_semaphore, #tpu.memory_space<semaphore_mem>>)
      %dma_wait3A_553 = arith.constant 0 : i32
      %dma_wait3A_554 = arith.constant 0 : i32
      %dma_wait3A_555 = tpu.memref_slice %arg13[%dma_wait3A_553, %dma_wait3A_554] : memref<72x768xf32, #tpu.memory_space<vmem>> -> memref<72x768xf32, #tpu.memory_space<vmem>>
      %dma_wait3A_556 = arith.constant 0 : i32
      %dma_wait3A_557 = tpu.memref_slice %arg8[%add3A_506, %dma_wait3A_556] : memref<27648x768xf32, #tpu.memory_space<hbm>> -> memref<72x768xf32, #tpu.memory_space<hbm>>
      %dma_wait3A_558 = arith.constant 0 : i32
      %dma_wait3A_559 = tpu.memref_slice %arg8[%add3A_506, %dma_wait3A_558] : memref<27648x768xf32, #tpu.memory_space<hbm>> -> memref<72x768xf32, #tpu.memory_space<hbm>>
      %dma_wait3A_560 = arith.constant 0 : i32
      %dma_wait3A_561 = arith.constant 0 : i32
      %dma_wait3A_562 = tpu.memref_slice %arg13[%dma_wait3A_560, %dma_wait3A_561] : memref<72x768xf32, #tpu.memory_space<vmem>> -> memref<72x768xf32, #tpu.memory_space<vmem>>
      tpu.wait_dma2 semaphore(%run_scoped3A : memref<!tpu.dma_semaphore, #tpu.memory_space<semaphore_mem>>) src(%dma_wait3A_562 : memref<72x768xf32, #tpu.memory_space<vmem>>) dst(%dma_wait3A_559 : memref<72x768xf32, #tpu.memory_space<hbm>>)
      tpu.yield
    }) : () -> ()
    %dma_start3A_507 = arith.constant 0 : i32
    %dma_start3A_508 = arith.constant 0 : i32
    %dma_start3A_509 = tpu.memref_slice %arg13[%dma_start3A_507, %dma_start3A_508] : memref<72x768xf32, #tpu.memory_space<vmem>> -> memref<72x768xf32, #tpu.memory_space<vmem>>
    %dma_start3A_510 = arith.constant 288 : i32
    %dma_start3A_511 = tpu.memref_slice %arg11[%dma_start3A_510] : memref<432xi32, #tpu.memory_space<vmem>> -> memref<72xi32, #tpu.memory_space<vmem>>
    %dma_start3A_512 = arith.constant 0 : i32
    %dma_start3A_513 = arith.constant 0 : i32
    %dma_start3A_514 = tpu.memref_slice %arg4[%dma_start3A_512, %dma_start3A_513] : memref<576x768xf32, #tpu.memory_space<hbm>> -> memref<576x768xf32, #tpu.memory_space<hbm>>
    tpu.enqueue_indirect_dma source(%dma_start3A_514 : memref<576x768xf32, #tpu.memory_space<hbm>>) target(%dma_start3A_509 : memref<72x768xf32, #tpu.memory_space<vmem>>) offsets(%dma_start3A_511 : memref<72xi32, #tpu.memory_space<vmem>>) semaphore(%arg14 : memref<!tpu.dma_semaphore, #tpu.memory_space<semaphore_mem>>)
    %dma_wait3A_515 = arith.constant 0 : i32
    %dma_wait3A_516 = arith.constant 0 : i32
    %dma_wait3A_517 = tpu.memref_slice %arg13[%dma_wait3A_515, %dma_wait3A_516] : memref<72x768xf32, #tpu.memory_space<vmem>> -> memref<72x768xf32, #tpu.memory_space<vmem>>
    %dma_wait3A_518 = arith.constant 288 : i32
    %dma_wait3A_519 = tpu.memref_slice %arg11[%dma_wait3A_518] : memref<432xi32, #tpu.memory_space<vmem>> -> memref<72xi32, #tpu.memory_space<vmem>>
    %dma_wait3A_520 = arith.constant 0 : i32
    %dma_wait3A_521 = arith.constant 0 : i32
    %dma_wait3A_522 = tpu.memref_slice %arg4[%dma_wait3A_520, %dma_wait3A_521] : memref<576x768xf32, #tpu.memory_space<hbm>> -> memref<576x768xf32, #tpu.memory_space<hbm>>
    tpu.wait_indirect_dma semaphore(%arg14 : memref<!tpu.dma_semaphore, #tpu.memory_space<semaphore_mem>>) src(%dma_wait3A_522 : memref<576x768xf32, #tpu.memory_space<hbm>>) dst(%dma_wait3A_517 : memref<72x768xf32, #tpu.memory_space<vmem>>)
    %add3A_523 = arith.constant 288 : i32
    %add3A_524 = arith.addi %mul3A_434, %add3A_523 : i32
    "tpu.region"() ({
      %run_scoped3A = tpu.sem_alloc : memref<!tpu.dma_semaphore, #tpu.memory_space<semaphore_mem>>
      %dma_start3A_543 = arith.constant 0 : i32
      %dma_start3A_544 = arith.constant 0 : i32
      %dma_start3A_545 = tpu.memref_slice %arg13[%dma_start3A_543, %dma_start3A_544] : memref<72x768xf32, #tpu.memory_space<vmem>> -> memref<72x768xf32, #tpu.memory_space<vmem>>
      %dma_start3A_546 = arith.constant 0 : i32
      %dma_start3A_547 = tpu.memref_slice %arg8[%add3A_524, %dma_start3A_546] : memref<27648x768xf32, #tpu.memory_space<hbm>> -> memref<72x768xf32, #tpu.memory_space<hbm>>
      %dma_start3A_548 = arith.constant 0 : i32
      %dma_start3A_549 = tpu.memref_slice %arg8[%add3A_524, %dma_start3A_548] : memref<27648x768xf32, #tpu.memory_space<hbm>> -> memref<72x768xf32, #tpu.memory_space<hbm>>
      %dma_start3A_550 = arith.constant 0 : i32
      %dma_start3A_551 = arith.constant 0 : i32
      %dma_start3A_552 = tpu.memref_slice %arg13[%dma_start3A_550, %dma_start3A_551] : memref<72x768xf32, #tpu.memory_space<vmem>> -> memref<72x768xf32, #tpu.memory_space<vmem>>
      tpu.enqueue_dma source(%dma_start3A_552 : memref<72x768xf32, #tpu.memory_space<vmem>>) target(%dma_start3A_549 : memref<72x768xf32, #tpu.memory_space<hbm>>) target_semaphore(%run_scoped3A : memref<!tpu.dma_semaphore, #tpu.memory_space<semaphore_mem>>)
      %dma_wait3A_553 = arith.constant 0 : i32
      %dma_wait3A_554 = arith.constant 0 : i32
      %dma_wait3A_555 = tpu.memref_slice %arg13[%dma_wait3A_553, %dma_wait3A_554] : memref<72x768xf32, #tpu.memory_space<vmem>> -> memref<72x768xf32, #tpu.memory_space<vmem>>
      %dma_wait3A_556 = arith.constant 0 : i32
      %dma_wait3A_557 = tpu.memref_slice %arg8[%add3A_524, %dma_wait3A_556] : memref<27648x768xf32, #tpu.memory_space<hbm>> -> memref<72x768xf32, #tpu.memory_space<hbm>>
      %dma_wait3A_558 = arith.constant 0 : i32
      %dma_wait3A_559 = tpu.memref_slice %arg8[%add3A_524, %dma_wait3A_558] : memref<27648x768xf32, #tpu.memory_space<hbm>> -> memref<72x768xf32, #tpu.memory_space<hbm>>
      %dma_wait3A_560 = arith.constant 0 : i32
      %dma_wait3A_561 = arith.constant 0 : i32
      %dma_wait3A_562 = tpu.memref_slice %arg13[%dma_wait3A_560, %dma_wait3A_561] : memref<72x768xf32, #tpu.memory_space<vmem>> -> memref<72x768xf32, #tpu.memory_space<vmem>>
      tpu.wait_dma2 semaphore(%run_scoped3A : memref<!tpu.dma_semaphore, #tpu.memory_space<semaphore_mem>>) src(%dma_wait3A_562 : memref<72x768xf32, #tpu.memory_space<vmem>>) dst(%dma_wait3A_559 : memref<72x768xf32, #tpu.memory_space<hbm>>)
      tpu.yield
    }) : () -> ()
    %dma_start3A_525 = arith.constant 0 : i32
    %dma_start3A_526 = arith.constant 0 : i32
    %dma_start3A_527 = tpu.memref_slice %arg13[%dma_start3A_525, %dma_start3A_526] : memref<72x768xf32, #tpu.memory_space<vmem>> -> memref<72x768xf32, #tpu.memory_space<vmem>>
    %dma_start3A_528 = arith.constant 360 : i32
    %dma_start3A_529 = tpu.memref_slice %arg11[%dma_start3A_528] : memref<432xi32, #tpu.memory_space<vmem>> -> memref<72xi32, #tpu.memory_space<vmem>>
    %dma_start3A_530 = arith.constant 0 : i32
    %dma_start3A_531 = arith.constant 0 : i32
    %dma_start3A_532 = tpu.memref_slice %arg4[%dma_start3A_530, %dma_start3A_531] : memref<576x768xf32, #tpu.memory_space<hbm>> -> memref<576x768xf32, #tpu.memory_space<hbm>>
    tpu.enqueue_indirect_dma source(%dma_start3A_532 : memref<576x768xf32, #tpu.memory_space<hbm>>) target(%dma_start3A_527 : memref<72x768xf32, #tpu.memory_space<vmem>>) offsets(%dma_start3A_529 : memref<72xi32, #tpu.memory_space<vmem>>) semaphore(%arg14 : memref<!tpu.dma_semaphore, #tpu.memory_space<semaphore_mem>>)
    %dma_wait3A_533 = arith.constant 0 : i32
    %dma_wait3A_534 = arith.constant 0 : i32
    %dma_wait3A_535 = tpu.memref_slice %arg13[%dma_wait3A_533, %dma_wait3A_534] : memref<72x768xf32, #tpu.memory_space<vmem>> -> memref<72x768xf32, #tpu.memory_space<vmem>>
    %dma_wait3A_536 = arith.constant 360 : i32
    %dma_wait3A_537 = tpu.memref_slice %arg11[%dma_wait3A_536] : memref<432xi32, #tpu.memory_space<vmem>> -> memref<72xi32, #tpu.memory_space<vmem>>
    %dma_wait3A_538 = arith.constant 0 : i32
    %dma_wait3A_539 = arith.constant 0 : i32
    %dma_wait3A_540 = tpu.memref_slice %arg4[%dma_wait3A_538, %dma_wait3A_539] : memref<576x768xf32, #tpu.memory_space<hbm>> -> memref<576x768xf32, #tpu.memory_space<hbm>>
    tpu.wait_indirect_dma semaphore(%arg14 : memref<!tpu.dma_semaphore, #tpu.memory_space<semaphore_mem>>) src(%dma_wait3A_540 : memref<576x768xf32, #tpu.memory_space<hbm>>) dst(%dma_wait3A_535 : memref<72x768xf32, #tpu.memory_space<vmem>>)
    %add3A_541 = arith.constant 360 : i32
    %add3A_542 = arith.addi %mul3A_434, %add3A_541 : i32
    "tpu.region"() ({
      %run_scoped3A = tpu.sem_alloc : memref<!tpu.dma_semaphore, #tpu.memory_space<semaphore_mem>>
      %dma_start3A_543 = arith.constant 0 : i32
      %dma_start3A_544 = arith.constant 0 : i32
      %dma_start3A_545 = tpu.memref_slice %arg13[%dma_start3A_543, %dma_start3A_544] : memref<72x768xf32, #tpu.memory_space<vmem>> -> memref<72x768xf32, #tpu.memory_space<vmem>>
      %dma_start3A_546 = arith.constant 0 : i32
      %dma_start3A_547 = tpu.memref_slice %arg8[%add3A_542, %dma_start3A_546] : memref<27648x768xf32, #tpu.memory_space<hbm>> -> memref<72x768xf32, #tpu.memory_space<hbm>>
      %dma_start3A_548 = arith.constant 0 : i32
      %dma_start3A_549 = tpu.memref_slice %arg8[%add3A_542, %dma_start3A_548] : memref<27648x768xf32, #tpu.memory_space<hbm>> -> memref<72x768xf32, #tpu.memory_space<hbm>>
      %dma_start3A_550 = arith.constant 0 : i32
      %dma_start3A_551 = arith.constant 0 : i32
      %dma_start3A_552 = tpu.memref_slice %arg13[%dma_start3A_550, %dma_start3A_551] : memref<72x768xf32, #tpu.memory_space<vmem>> -> memref<72x768xf32, #tpu.memory_space<vmem>>
      tpu.enqueue_dma source(%dma_start3A_552 : memref<72x768xf32, #tpu.memory_space<vmem>>) target(%dma_start3A_549 : memref<72x768xf32, #tpu.memory_space<hbm>>) target_semaphore(%run_scoped3A : memref<!tpu.dma_semaphore, #tpu.memory_space<semaphore_mem>>)
      %dma_wait3A_553 = arith.constant 0 : i32
      %dma_wait3A_554 = arith.constant 0 : i32
      %dma_wait3A_555 = tpu.memref_slice %arg13[%dma_wait3A_553, %dma_wait3A_554] : memref<72x768xf32, #tpu.memory_space<vmem>> -> memref<72x768xf32, #tpu.memory_space<vmem>>
      %dma_wait3A_556 = arith.constant 0 : i32
      %dma_wait3A_557 = tpu.memref_slice %arg8[%add3A_542, %dma_wait3A_556] : memref<27648x768xf32, #tpu.memory_space<hbm>> -> memref<72x768xf32, #tpu.memory_space<hbm>>
      %dma_wait3A_558 = arith.constant 0 : i32
      %dma_wait3A_559 = tpu.memref_slice %arg8[%add3A_542, %dma_wait3A_558] : memref<27648x768xf32, #tpu.memory_space<hbm>> -> memref<72x768xf32, #tpu.memory_space<hbm>>
      %dma_wait3A_560 = arith.constant 0 : i32
      %dma_wait3A_561 = arith.constant 0 : i32
      %dma_wait3A_562 = tpu.memref_slice %arg13[%dma_wait3A_560, %dma_wait3A_561] : memref<72x768xf32, #tpu.memory_space<vmem>> -> memref<72x768xf32, #tpu.memory_space<vmem>>
      tpu.wait_dma2 semaphore(%run_scoped3A : memref<!tpu.dma_semaphore, #tpu.memory_space<semaphore_mem>>) src(%dma_wait3A_562 : memref<72x768xf32, #tpu.memory_space<vmem>>) dst(%dma_wait3A_559 : memref<72x768xf32, #tpu.memory_space<hbm>>)
      tpu.yield
    }) : () -> ()
    return
  }
}

module attributes {stable_mosaic.version = 14 : i64} {
  func.func @_ln_table_body(%arg0: memref<576x768xf32, #tpu.memory_space<vmem>>, %arg1: memref<1x768xf32, #tpu.memory_space<vmem>>, %arg2: memref<1x768xf32, #tpu.memory_space<vmem>>, %arg3: memref<1x768xf32, #tpu.memory_space<vmem>>, %arg4: memref<576x768xf32, #tpu.memory_space<vmem>>) attributes {dimension_semantics = [], scalar_prefetch = 0 : i64, scratch_operands = 0 : i64, tpu.core_type = #tpu.core_type<tc>} {
    %get3A = arith.constant 0 : index
    %get3A_0 = arith.constant 0 : index
    %get3A_1 = vector.load %arg0[%get3A, %get3A_0] : memref<576x768xf32, #tpu.memory_space<vmem>>, vector<576x768xf32>
    %get3A_2 = arith.constant 0 : index
    %get3A_3 = arith.constant 0 : index
    %get3A_4 = vector.load %arg1[%get3A_2, %get3A_3] : memref<1x768xf32, #tpu.memory_space<vmem>>, vector<1x768xf32>
    %add3A = vector.broadcast %get3A_4 : vector<1x768xf32> to vector<576x768xf32>
    %add3A_5 = arith.addf %get3A_1, %add3A : vector<576x768xf32>
    %reduce_sum3A = arith.constant dense<0.000000e+00> : vector<576xf32>
    %reduce_sum3A_6 = vector.multi_reduction <add>, %add3A_5, %reduce_sum3A [1] : vector<576x768xf32> to vector<576xf32>
    %broadcast_in_dim3A = vector.shape_cast %reduce_sum3A_6 : vector<576xf32> to vector<576x1xf32>
    %div3A = arith.constant 7.680000e+02 : f32
    %div3A_7 = vector.broadcast %div3A : f32 to vector<576x1xf32>
    %div3A_8 = arith.divf %broadcast_in_dim3A, %div3A_7 : vector<576x1xf32>
    %sub3A = vector.broadcast %div3A_8 : vector<576x1xf32> to vector<576x768xf32>
    %sub3A_9 = arith.subf %add3A_5, %sub3A : vector<576x768xf32>
    %mul3A = arith.mulf %sub3A_9, %sub3A_9 : vector<576x768xf32>
    %reduce_sum3A_10 = arith.constant dense<0.000000e+00> : vector<576xf32>
    %reduce_sum3A_11 = vector.multi_reduction <add>, %mul3A, %reduce_sum3A_10 [1] : vector<576x768xf32> to vector<576xf32>
    %broadcast_in_dim3A_12 = vector.shape_cast %reduce_sum3A_11 : vector<576xf32> to vector<576x1xf32>
    %div3A_13 = arith.constant 7.680000e+02 : f32
    %div3A_14 = vector.broadcast %div3A_13 : f32 to vector<576x1xf32>
    %div3A_15 = arith.divf %broadcast_in_dim3A_12, %div3A_14 : vector<576x1xf32>
    %add3A_16 = arith.constant 9.99999974E-6 : f32
    %add3A_17 = vector.broadcast %add3A_16 : f32 to vector<576x1xf32>
    %add3A_18 = arith.addf %div3A_15, %add3A_17 : vector<576x1xf32>
    %rsqrt3A = math.rsqrt %add3A_18 : vector<576x1xf32>
    %mul3A_19 = vector.broadcast %rsqrt3A : vector<576x1xf32> to vector<576x768xf32>
    %mul3A_20 = arith.mulf %sub3A_9, %mul3A_19 : vector<576x768xf32>
    %get3A_21 = arith.constant 0 : index
    %get3A_22 = arith.constant 0 : index
    %get3A_23 = vector.load %arg2[%get3A_21, %get3A_22] : memref<1x768xf32, #tpu.memory_space<vmem>>, vector<1x768xf32>
    %mul3A_24 = vector.broadcast %get3A_23 : vector<1x768xf32> to vector<576x768xf32>
    %mul3A_25 = arith.mulf %mul3A_20, %mul3A_24 : vector<576x768xf32>
    %get3A_26 = arith.constant 0 : index
    %get3A_27 = arith.constant 0 : index
    %get3A_28 = vector.load %arg3[%get3A_26, %get3A_27] : memref<1x768xf32, #tpu.memory_space<vmem>>, vector<1x768xf32>
    %add3A_29 = vector.broadcast %get3A_28 : vector<1x768xf32> to vector<576x768xf32>
    %add3A_30 = arith.addf %mul3A_25, %add3A_29 : vector<576x768xf32>
    %swap3A = arith.constant 0 : index
    %swap3A_31 = arith.constant 0 : index
    %swap3A_32 = vector.load %arg4[%swap3A, %swap3A_31] : memref<576x768xf32, #tpu.memory_space<vmem>>, vector<576x768xf32>
    tpu.vector_store %arg4[%swap3A, %swap3A_31], %add3A_30 {strides = array<i32>} : memref<576x768xf32, #tpu.memory_space<vmem>>, vector<576x768xf32>,
    return
  }
}

</mosaic_0001>

<sc_bundles>
// kernel: kernel.4.cloned.1.call-start
scs
__scs_entry_jumppad:
0x0: {  	(pc) =	sbr.rel $0x88, $3  }
0x1: {  	(tag) =	ssettag $0x0;
	lr =	simm.s32 $0x1  }
0x2: {  	[smem:$0x3F9A] =	sst lr;
	_ =	strace $0xD0000000  }
0x3: {  	_ = 	snop  }
0x4: {  	_ = 	snop  }
0x5: {  	_ = 	snop  }
0x6: {  	_ = 	snop  }
0x7: {  	_ = 	snop  }
__scs_overlays_trampoline_lowered:
0x8: {  	[smem:$0x3FA9] =	sst s0  }
0x9: {  	[smem:$0x3FAA] =	sst s1  }
0xa: {  	[smem:$0x3FAB] =	sst s2  }
0xb: {  	[smem:$0x3FAC] =	sst s3  }
0xc: {  	[smem:$0x3FAD] =	sst s4  }
0xd: {  	[smem:$0x3FAE] =	sst s5  }
0xe: {  	[smem:$0x3FAF] =	sst s6  }
0xf: {  	[smem:$0x3FB0] =	sst s7  }
0x10: {  	[smem:$0x3FB1] =	sst s8  }
0x11: {  	[smem:$0x3FB2] =	sst s9;
	s0 =	simm.s32 @!p0 $0x0  }
0x12: {  	s1 =	sld [smem:$0x3F98];
	s0 =	simm.s32 @p0 $0x1  }
0x13: {  	[smem:$0x3FB3] =	sst s0;
	s0 =	simm.s32 @!p1 $0x0  }
0x14: {  	s2 =	sld [smem:$0x3F97];
	s0 =	simm.s32 @p1 $0x1  }
0x15: {  	[smem:$0x3FB4] =	sst s0;
	s0 =	simm.s32 @!p2 $0x0  }
0x16: {  	s3 =	sld [smem:$0x3FDB];
	s0 =	simm.s32 @p2 $0x1  }
0x17: {  	s4 =	simm.s32 $0x1BF5;
	[smem:$0x3FB6] =	sst s0  }
0x18: {  	s0 =	sld [smem:$0x3F99];
	_ =	swait.ge [sflag:s4], $0x0  }
0x19: {  	s7 =	sld [smem:$0x3F9A]  }
0x1a: {  	s8 =	sadd.s32 $0xFFFFE003, lr  }
0x1b: {  	s9 =	sadd.s32 $0xFFFFFEF7, lr;
	s5 =	simm.s32 $0xFFFFFFFF;
	p2 =	slt.u32 s8, $0xFFFFF086  }
0x1c: {  	p1 =	slt.u32 s9, $0xF7A;
	s5 =	simm.s32 @!p2 $0x0  }
0x1d: {  	s5 =	simm.s32 @p1 $0x1;
	p0 =	seq.s32 s7, s2  }
0x1e: {  	s7 =	smul.u32 @!p0 $0xF7A, s2;
	p2 =	seq.s32 @!p0 s5, $0x0  }
0x1f: {  	s9 =	smul.u32 $0xF7A, s1;
	s8 =	simm.s32 @!p0 $0x1BF5;
	p2 =	por !p2, p0  }
0x20: {  	[sflag:s8] =	ssyncset.s32 @!p0 $0xFFFFF086;
	s6 =	sadd.s32 @!p0 s3, s7;
	s7 =	simm.s32 @!p0 $0x108  }
0x21: {  	s3 =	sadd.s32 s3, s9;
	s6 =	sadd.s32 @!p0 $0x88, s6;
	s7 =	simm.s32 @p2 $0x1082  }
0x22: {  	[simem:s7], [sflag:s8] =	dma.local @!p0 [hbm:s6], $0xF7A  }
0x23: {  	s9 =	sor.u32 $0xD0000000, s2;
	s6 =	simm.s32 $0x108;
	_ =	swait.ge @!p0 [sflag:s8], $0x0  }
0x24: {  	s3 =	sadd.s32 $0x88, s3;
	s6 =	simm.s32 @!p1 $0x1082;
	[sflag:s4] =	ssyncset.s32 $0xFFFFF086  }
0x25: {  	[simem:s6], [sflag:s4] =	dma.local [hbm:s3], $0xF7A  }
0x26: {  	[smem:$0x3F9A] =	sst s1;
	(tag) =	ssettag s2;
	_ =	strace s9  }
0x27: {  	s1 =	sld [smem:$0x3FAA]  }
0x28: {  	s2 =	sld [smem:$0x3FAB]  }
0x29: {  	s4 =	sld [smem:$0x3FAD]  }
0x2a: {  	p0 =	seq.s32 s5, $0x0;
	s5 =	sld [smem:$0x3FAE]  }
0x2b: {  	s6 =	sld [smem:$0x3FAF]  }
0x2c: {  	s7 =	sld [smem:$0x3FB0]  }
0x2d: {  	s3 =	simm.s32 $0x108;
	s8 =	sld [smem:$0x3FB1]  }
0x2e: {  	s3 =	simm.s32 @!p0 $0x1082;
	s9 =	sld [smem:$0x3FB2]  }
0x2f: {  	lr =	sadd.s32 s0, s3;
	s0 =	sld [smem:$0x3FA9]  }
0x30: {  	s3 =	sld [smem:$0x3FAC]  }
0x31: {  	[smem:$0x3FB5] =	sst s10  }
0x32: {  	s10 =	sld [smem:$0x3FB3];
	_ =	sdelay $0x3  }
0x33: {  	p0 =	seq.s32 s10, $0x1;
	s10 =	sld [smem:$0x3FB5];
	_ =	sdelay $0x3  }
0x34: {  	[smem:$0x3FB5] =	sst s10  }
0x35: {  	s10 =	sld [smem:$0x3FB4];
	_ =	sdelay $0x3  }
0x36: {  	p1 =	seq.s32 s10, $0x1;
	s10 =	sld [smem:$0x3FB5];
	_ =	sdelay $0x3  }
0x37: {  	[smem:$0x3FB5] =	sst s10  }
0x38: {  	s10 =	sld [smem:$0x3FB6]  }
0x39: {  	_ = 	snop;
	(pc) =	sbr.ind lr, $3  }
0x3a: {  	_ = 	snop  }
0x3b: {  	_ = 	snop  }
0x3c: {  	p2 =	seq.s32 s10, $0x1;
	s10 =	sld [smem:$0x3FB5]  }
0x3d: {  	_ =	shalt  }
0x3e: {  	_ =	shalt  }
0x3f: {  	_ =	shalt  }
0x40: {  	_ =	shalt  }
0x41: {  	_ =	shalt  }
0x42: {  	_ =	shalt  }
0x43: {  	_ =	shalt  }
0x44: {  	_ =	shalt  }
0x45: {  	_ =	shalt  }
0x46: {  	_ =	shalt  }
0x47: {  	_ =	shalt  }
0x48: {  	_ =	shalt  }
0x49: {  	_ =	shalt  }
0x4a: {  	_ =	shalt  }
0x4b: {  	_ =	shalt  }
0x4c: {  	_ =	shalt  }
0x4d: {  	_ =	shalt  }
0x4e: {  	_ =	shalt  }
0x4f: {  	_ =	shalt  }
0x50: {  	_ =	shalt  }
0x51: {  	_ =	shalt  }
0x52: {  	_ =	shalt  }
0x53: {  	_ =	shalt  }
0x54: {  	_ =	shalt  }
0x55: {  	_ =	shalt  }
0x56: {  	_ =	shalt  }
0x57: {  	_ =	shalt  }
0x58: {  	_ =	shalt  }
0x59: {  	_ =	shalt  }
0x5a: {  	_ =	shalt  }
0x5b: {  	_ =	shalt  }
0x5c: {  	_ =	shalt  }
0x5d: {  	_ =	shalt  }
0x5e: {  	_ =	shalt  }
0x5f: {  	_ =	shalt  }
0x60: {  	_ =	shalt  }
0x61: {  	_ =	shalt  }
0x62: {  	_ =	shalt  }
0x63: {  	_ =	shalt  }
0x64: {  	_ =	shalt  }
0x65: {  	_ =	shalt  }
0x66: {  	_ =	shalt  }
0x67: {  	_ =	shalt  }
0x68: {  	_ =	shalt  }
0x69: {  	_ =	shalt  }
0x6a: {  	_ =	shalt  }
0x6b: {  	_ =	shalt  }
0x6c: {  	_ =	shalt  }
0x6d: {  	_ =	shalt  }
0x6e: {  	_ =	shalt  }
0x6f: {  	_ =	shalt  }
0x70: {  	_ =	shalt  }
0x71: {  	_ =	shalt  }
0x72: {  	_ =	shalt  }
0x73: {  	_ =	shalt  }
0x74: {  	_ =	shalt  }
0x75: {  	_ =	shalt  }
0x76: {  	_ =	shalt  }
0x77: {  	_ =	shalt  }
0x78: {  	_ =	shalt  }
0x79: {  	_ =	shalt  }
0x7a: {  	_ =	shalt  }
0x7b: {  	_ =	shalt  }
0x7c: {  	_ =	shalt  }
0x7d: {  	_ =	shalt  }
0x7e: {  	_ =	shalt  }
0x7f: {  	_ =	shalt  }
0x80: {  	_ =	shalt  }
0x81: {  	_ =	shalt  }
0x82: {  	_ =	shalt  }
0x83: {  	_ =	shalt  }
0x84: {  	_ =	shalt  }
0x85: {  	_ =	shalt  }
0x86: {  	_ =	shalt  }
0x87: {  	_ =	shalt  }
.Lfunc_end0:
.L_simem_size_0:
called_computation_lowered:
.L_overlay_start_0:
0x88: {  	s2 =	sld [smem:$0x3FD9]  }
0x89: {  	s3 =	sld [smem:$0x3FFE];
	_ =	sdelay $0x1  }
0x8a: {  	s1 =	srdreg.scid  }
0x8b: {  	s0 =	sand.u32 $0x1, s1  }
0x8c: {  	s14 =	sshll.u32 s0, $0xA;
	s2 =	sadd.s32 s3, s2  }
0x8d: {  	s2 =	sadd.s32 s2, s14  }
0x8e: {  	[smem:$0x3FC1] =	sst s2  }
0x8f: {  	_ = 	snop  }
0x90: {  	s2 =	sld [smem:$0x3FC9]  }
0x91: {  	s15 =	sld [smem:$0x3FD0]  }
0x92: {  	s4 =	sld [smem:$0x3FC8]  }
0x93: {  	s5 =	sld [smem:$0x3FC4]  }
0x94: {  	s7 =	simm.s32 $0xA;
	s8 =	simm.s32 $0x10;
	s6 =	sld [smem:$0x3FC3]  }
0x95: {  	[smem:s8], [sflag:s7] =	dma.local [hbm:s15], $0x1  }
0x96: {  	_ =	swait.eq [sflag:s7], $0x1  }
0x97: {  	s16 =	sld [smem:$0x10];
	[sflag:s7] =	ssyncset.done $0x0  }
0x98: {  	s17 =	sld [smem:$0x11];
	[sflag:s7] =	ssyncadd.s32 $0xFFFFFFFF  }
0x99: {  	s18 =	sld [smem:$0x12];
	(tm) =	ssettm $0x1  }
0x9a: {  	s9 =	sld [smem:$0x3FFB];
	_ =	sdelay $0x3  }
0x9b: {  	_ =	strace s9  }
0x9c: {  	s9 =	sld [smem:$0x3FFC];
	_ =	sdelay $0x3  }
0x9d: {  	_ =	strace s9  }
0x9e: {  	s9 =	sld [smem:$0x3FFD];
	_ =	sdelay $0x3  }
0x9f: {  	_ =	strace s9  }
0xa0: {  	_ =	strace $0x8FFFFFFF  }
0xa1: {  	s19 =	sld [smem:$0x3FDB];
	_ =	sdelay $0x1  }
0xa2: {  	s10 =	simm.s32 $_scs_section_size  }
0xa3: {  	s11 =	simm.s32 $_size__tile_overlayer_lowered;
	s12 =	simm.s32 $_tile_overlayer_lowered  }
0xa4: {  	s22 =	simm.s32 $0x1BFF;
	s21 =	sshll.u32 s12, $0x1;
	s9 =	sadd.s32 s10, s19  }
0xa5: {  	s13 =	simm.s32 $0x0;
	s20 =	sshll.u32 s11, $0x1;
	s11 =	sadd.s32 s21, s9  }
0xa6: {  	[timem:s13], [sflag:s22] =	dma.local [hbm:s11], s20  }
0xa7: {  	_ =	swait.ge [sflag:s22], s20  }
0xa8: {  	s10 =	ssub.s32 $0x0, s20;
	[sflag:s22] =	ssyncset.done $0x0  }
0xa9: {  	[sflag:s22] =	ssyncadd.s32 s10;
	_ =	sdelay $0x1  }
0xaa: {  	s23 =	simm.s32 $0x1B8B  }
0xab: {  	_ =	swait.ge [sflag:s23], $0x1  }
0xac: {  	[sflag:s23] =	ssyncset.done $0x0  }
0xad: {  	s25 =	simm.s32 $0x1B8E;
	s24 =	sld [smem:$0x3FFE];
	[sflag:s23] =	ssyncadd.s32 $0xFFFFFFFF  }
0xae: {  	s26 =	simm.s32 $execute0_lowered;
	[smem:$0x3FD2] =	sst s25  }
0xaf: {  	s11 =	sshll.u32 s26, $0x1;
	_ =	strace $0x80000046;
	[dreg:$0x1] =	wrdreg $0xFFFFFFFF  }
0xb0: {  	s28 =	simm.s32 $_size_execute0_lowered;
	s9 =	sadd.s32 s9, s11;
	[dreg:$0x0] =	wrdreg $0x0  }
0xb1: {  	s11 =	sshll.u32 s28, $0x1;
	[dreg:$0x2] =	wrdreg s9  }
0xb2: {  	[dreg:$0x3] =	wrdreg s11  }
0xb3: {  	[dreg:$0x4] =	wrdreg $0xC0  }
0xb4: {  	_ =	task [dreg:s13], $0x5FFFF  }
0xb5: {  	[dreg:$0x1] =	wrdreg $0xFFFFFFFF  }
0xb6: {  	[dreg:$0x0] =	wrdreg $0x60  }
0xb7: {  	[dreg:$0x2] =	wrdreg s2  }
0xb8: {  	[dreg:$0x3] =	wrdreg s4  }
0xb9: {  	[dreg:$0x4] =	wrdreg s24  }
0xba: {  	[dreg:$0x5] =	wrdreg s5  }
0xbb: {  	[dreg:$0x6] =	wrdreg s6  }
0xbc: {  	[dreg:$0x7] =	wrdreg s16  }
0xbd: {  	[dreg:$0x8] =	wrdreg s17  }
0xbe: {  	[dreg:$0x9] =	wrdreg s18  }
0xbf: {  	[dreg:$0xa] =	wrdreg $0x9  }
0xc0: {  	_ =	task.clear_ibuf [dreg:s13], $0xBFFFF;
	_ =	strace $0x90000046  }
0xc1: {  	s29 =	simm.s32 $0x9;
	_ =	strace $0x80000048  }
0xc2: {  	_ =	swait.ge [sflag:s29], $0x1  }
0xc3: {  	[sflag:s29] =	ssyncadd.s32 $0xFFFFFFFF  }
0xc4: {  	_ =	strace $0x90000048  }
0xc5: {  	_ =	sfence  }
0xc6: {  	s30 =	sld [smem:$0x0];
	_ =	sdelay $0x2  }
0xc7: {  	s31 =	sshll.u32 s1, $0xD;
	s1 =	sshrl.u32 s1, $0x2  }
0xc8: {  	s3 =	sand.u32 $0x4000, s31;
	s1 =	sadd.s32 s1, s30  }
0xc9: {  	s0 =	sor.u32 s3, s0;
	s1 =	sshll.u32 s1, $0x11  }
0xca: {  	s0 =	sor.u32 s1, s0  }
0xcb: {  	s0 =	sadd.s32 $0x8F2B, s0  }
0xcc: {  	[sflag:s0] =	ssyncadd.remote.s32 $0x1  }
0xcd: {  	_ =	sfence.sel $0xFFFF  }
0xce: {  	[dreg:$0x0] =	wrdreg $0xFFFFFFFF;
	(pc) =	sbr.abs _section_cstart, $3  }
0xcf: {  	[dreg:$0x1] =	wrdreg $0xFFFFFFFF  }
0xd0: {  	_ =	task.clear_ibuf [dreg:s13], $0x2FFFF;
	_ =	strace $0x9FFFFFFF  }
0xd1: {  	(tm) =	ssettm $0x7FFFFFFF  }
tec
execute0_lowered:
.L_overlay_start_1:
0x0: {  	(tag) =	ssettag $0x1  }
0x1: {  	s1 =	rddreg [dreg:$0x0]  }
0x2: {  	s20 =	rddreg [dreg:$0x1]  }
0x3: {  	s2 =	rddreg [dreg:$0x2]  }
0x4: {  	s9 =	rddreg [dreg:$0x3]  }
0x5: {  	s11 =	rddreg [dreg:$0x4]  }
0x6: {  	s10 =	rddreg [dreg:$0x5]  }
0x7: {  	s4 =	srdreg.scid;
	s3 =	rddreg [dreg:$0x6]  }
0x8: {  	s5 =	stileid.u32;
	s6 =	rddreg [dreg:$0x7];
	s7 =	sand.u32 $0x1, s4  }
0x9: {  	s19 =	sshll.u32 s5, $0x1;
	s12 =	sshrl.u32 s5, $0x1;
	s4 =	simm.s32 $0x0  }
0xa: {  	s8 =	sor.u32 s7, s19;
	s13 =	sshll.u32 s12, $0xB;
	[smem:$0x7FF] =	sst s4  }
0xb: {  	s17 =	sshll.u32 s12, $0xC;
	s7 =	ssub.s32 $0x2, s7;
	s21 =	sshll.u32 s8, $0x8  }
0xc: {  	_ =	strace $0x80000047;
	s16 =	smul.u32 $0x120, s8;
	s14 =	sand.u32 $0x300, s21  }
0xd: {  	s31 =	sshrl.u32 s7, $0x1;
	s5 =	sor.u32 s13, s14;
	s12 =	sor.u32 s17, s14  }
0xe: {  	s22 =	sshrl.u32 s16, $0x3;
	s16 =	sadd.s32 $0x48, s16;
	s15 =	sshrl.u32 s5, $0x3  }
0xf: {  	s5 =	sadd.s32 $0x1200, s2;
	s14 =	smul.u32 $0x300, s22;
	s16 =	sshrl.u32 s16, $0x3  }
0x10: {  	s12 =	sshrl.u32 s12, $0x3;
	s15 =	sadd.s32 s11, s15;
	s23 =	smul.u32 $0x300, s16  }
0x11: {  	s12 =	sadd.s32 s9, s12;
	s16 =	smul.u32 $0x360, s8;
	[dreg:$0x9] =	wrdreg s15  }
0x12: {  	[dreg:$0xa] =	wrdreg s12;
	s24 =	sadd.s32 s10, s14;
	s14 =	sadd.s32 s6, s14  }
0x13: {  	[dreg:$0xb] =	wrdreg s24;
	s25 =	sadd.s32 s10, s23;
	s26 =	sshrl.u32 s16, $0x3  }
0x14: {  	s0 =	sadd.s32 $0x48, s16;
	[dreg:$0xd] =	wrdreg s14;
	s29 =	sadd.s32 s6, s23  }
0x15: {  	s21 =	sadd.s32 $0xD8, s16;
	s12 =	smul.u32 $0x300, s26;
	s0 =	sshrl.u32 s0, $0x3  }
0x16: {  	[dreg:$0xc] =	wrdreg s25;
	s14 =	sshrl.u32 s21, $0x3;
	s30 =	smul.u32 $0x300, s0  }
0x17: {  	[dreg:$0xe] =	wrdreg s29;
	s25 =	sadd.s32 $0x168, s16;
	s18 =	smul.u32 $0x300, s14  }
0x18: {  	s16 =	sshllo.u32 s8, $0x1;
	s14 =	smul.u32 $0x480, s8;
	s26 =	sshrl.u32 s25, $0x3  }
0x19: {  	s8 =	sshll.u32 s16, $0x7;
	s21 =	smul.u32 $0x90, s16;
	s19 =	sadd.s32 s3, s12  }
0x1a: {  	s12 =	ssub.s32 s7, s31;
	s22 =	sadd.s32 s3, s30;
	[dreg:$0x1f] =	wrdreg s19  }
0x1b: {  	s31 =	sand.u32 $0x380, s8;
	s23 =	sadd.s32 $0x3600, s19;
	[dreg:$0xf] =	wrdreg s22  }
0x1c: {  	s7 =	sadd.s32 $0x100, s1;
	s24 =	sadd.s32 s3, s18;
	[dreg:$0x10] =	wrdreg s23  }
0x1d: {  	s29 =	sadd.s32 $0x6C00, s19;
	s30 =	smul.u32 $0x300, s26;
	[dreg:$0x11] =	wrdreg s24  }
0x1e: {  	s8 =	sor.u32 s13, s31;
	s28 =	smax.u32 s12, $0x1;
	[dreg:$0x12] =	wrdreg s29  }
0x1f: {  	s19 =	sshrl.u32 s8, $0x3;
	s8 =	sadd.s32 $0x200, s1;
	s22 =	sor.u32 s17, s31  }
0x20: {  	s23 =	sshrl.u32 s21, $0x3;
	s24 =	sadd.s32 $0x48, s21;
	s15 =	sadd.s32 s3, s30  }
0x21: {  	s11 =	sadd.s32 s11, s19;
	s13 =	sshrl.u32 s22, $0x3;
	s30 =	smul.u32 $0x1B0, s16  }
0x22: {  	s17 =	sshrl.u32 s24, $0x3;
	[dreg:$0x13] =	wrdreg s15;
	s15 =	smul.u32 $0x300, s23  }
0x23: {  	[dreg:$0x14] =	wrdreg s11;
	s25 =	sadd.s32 s9, s13;
	s26 =	smul.u32 $0x300, s17  }
0x24: {  	s9 =	sadd.s32 $0x100, s20;
	s11 =	sadd.s32 $0x1300, s2;
	[dreg:$0x15] =	wrdreg s25  }
0x25: {  	s31 =	sshrl.u32 s30, $0x3;
	s1 =	sadd.s32 $0x48, s30;
	s22 =	sadd.s32 $0xD8, s30  }
0x26: {  	s25 =	sadd.s32 $0x168, s30;
	s29 =	sadd.s32 s10, s15;
	s17 =	sadd.s32 s10, s26  }
0x27: {  	s10 =	sadd.s32 $0x200, s20;
	s15 =	sadd.s32 s6, s15;
	[dreg:$0x16] =	wrdreg s29  }
0x28: {  	s19 =	smul.u32 $0x300, s31;
	s20 =	sshrl.u32 s1, $0x3;
	[dreg:$0x17] =	wrdreg s17  }
0x29: {  	s6 =	sadd.s32 s6, s26;
	[dreg:$0x18] =	wrdreg s15;
	s21 =	smul.u32 $0x300, s20  }
0x2a: {  	s24 =	sshrl.u32 s22, $0x3;
	[dreg:$0x19] =	wrdreg s6;
	s23 =	sadd.s32 s3, s19  }
0x2b: {  	s6 =	smul.u32 $0x300, s24;
	s13 =	sadd.s32 s3, s21;
	[smem:$0x7FD] =	sst s23  }
0x2c: {  	s15 =	sshrl.u32 s25, $0x3;
	s26 =	sadd.s32 $0x3600, s23;
	[dreg:$0x1a] =	wrdreg s13  }
0x2d: {  	s15 =	smul.u32 $0x300, s15;
	s6 =	sadd.s32 s3, s6;
	[dreg:$0x1b] =	wrdreg s26  }
0x2e: {  	v4 =	vlaneseq.u32;
	vm0 =	vmmov $0xffff;
	s30 =	smul.u32 $0x240, s16;
	s29 =	sadd.s32 $0x6C00, s23;
	[dreg:$0x1c] =	wrdreg s6  }
0x2f: {  	v2 =	vand.u32 $0x7, v4;
	v3 =	vshrl.u32 v4, $0x3;
	v4 =	vor.u32 $0x8, v4;
	s17 =	simm.s32 $0x2;
	[dreg:$0x1d] =	wrdreg s29;
	s31 =	sadd.s32 s3, s15  }
0x30: {  	v3 =	vmul.u32 $0x8, v3;
	v0 =	vmov s14;
	v1 =	vmov s30;
	s13 =	sadd.s32 $0x1400, s2;
	s26 =	simm.s32 $0x1;
	[dreg:$0x1e] =	wrdreg s31  }
.LBB2_1:
0x31: {  	[smem:$0x7FC] =	sst s28  }
0x32: {  	s28 =	rddreg [dreg:$0x9];
	s0 =	simm.s32 $0x80;
	s1 =	simm.s32 $0x400  }
0x33: {  	[tilespmem:s4], [sflag:$0x2] =	stream.strided.gather [hbm4b:s28+s0], $0x100, s1, s0, $0x38;
	[tilespmem:$0xDC00] =	vst v63  }
0x34: {  	_ =	swait.ge [sflag:s17], $0x100  }
0x35: {  	[sflag:s17] =	ssyncset.done $0x0  }
0x36: {  	s2 =	simm.s32 $0x100;
	s28 =	rddreg [dreg:$0xa];
	[sflag:s17] =	ssyncadd.s32 $0xFFFFFF00  }
0x37: {  	[tilespmem:s2], [sflag:$0x2] =	stream.strided.gather [hbm4b:s28+s0], $0x200, s1, s0, $0x38;
	[tilespmem:$0xDC00] =	vst v63  }
0x38: {  	_ =	swait.ge [sflag:s17], $0x200  }
0x39: {  	[sflag:s17] =	ssyncset.done $0x0  }
0x3a: {  	[sflag:s17] =	ssyncadd.s32 $0xFFFFFE00  }
0x3b: {  	v5 =	vld [tilespmem:$0x0];
	_ =	sdelay $0x2  }
0x3c: {  	v6 =	vld [tilespmem:$0x10]  }
0x3d: {  	v7 =	vld [tilespmem:$0x20]  }
0x3e: {  	v9 =	vld [tilespmem:$0x30];
	v8 =	vadd.s32 v0, v5  }
0x3f: {  	v10 =	vld [tilespmem:$0x40];
	v11 =	vshrl.u32 v8, $0x3  }
0x40: {  	v12 =	vld [tilespmem:$0x50];
	v11 =	vmul.u32 $0x30, v11  }
0x41: {  	v53 =	vld [tilespmem:$0x60];
	v6 =	vadd.s32 v0, v6;
	v5 =	vand.u32 $0x7, v5;
	[tilespmem:$0x300] =	vst v8  }
0x42: {  	[tilespmem:$0x310] =	vst v6;
	v6 =	vadd.s32 v0, v7;
	v7 =	vld [tilespmem:$0x70];
	v5 =	vor.u32 v5, v11  }
0x43: {  	v54 =	vld [tilespmem:$0x80];
	[tilespmem:$0x320] =	vst v6;
	v6 =	vadd.s32 v0, v9;
	v11 =	vperm.xlane v5, v2  }
0x44: {  	[tilespmem:$0x330] =	vst v6;
	v6 =	vadd.s32 v0, v10  }
0x45: {  	[tilespmem:$0x340] =	vst v6;
	v6 =	vadd.s32 v0, v12;
	v55 =	vadd.s32 v3, v11  }
0x46: {  	[tilespmem:$0x350] =	vst v6;
	v6 =	vadd.s32 v0, v53  }
0x47: {  	[tilespmem:$0x360] =	vst v6;
	v6 =	vadd.s32 v0, v7  }
0x48: {  	[tilespmem:$0x370] =	vst v6;
	v6 =	vadd.s32 v0, v54  }
0x49: {  	s24 =	simm.s32 $0x400;
	s1 =	rddreg [dreg:$0x0];
	v5 =	vperm.xlane v5, v4;
	[tilespmem:$0x380] =	vst v6  }
0x4a: {  	[tilespmem:s24], [sflag:$0x1] =	stream.indirect_vreg.gather [hbm4b:s1+s4], $0x80, v55, vm0, $0xb8;
	[tilespmem:$0xDC00] =	vst v63  }
0x4b: {  	s25 =	simm.s32 $0xC00;
	v5 =	vadd.s32 v3, v5  }
0x4c: {  	[tilespmem:s25], [sflag:$0x1] =	stream.indirect_vreg.gather [hbm4b:s7+s4], $0x80, v55, vm0, $0xb8;
	[tilespmem:$0xDC00] =	vst v63  }
0x4d: {  	s29 =	simm.s32 $0x1400  }
0x4e: {  	[tilespmem:s29], [sflag:$0x1] =	stream.indirect_vreg.gather [hbm4b:s8+s4], $0x80, v55, vm0, $0xb8;
	[tilespmem:$0xDC00] =	vst v63  }
0x4f: {  	s30 =	simm.s32 $0x1C00  }
0x50: {  	[tilespmem:s30], [sflag:$0x1] =	stream.indirect_vreg.gather [hbm4b:s1+s4], $0x80, v5, vm0, $0xb8;
	[tilespmem:$0xDC00] =	vst v63  }
0x51: {  	s31 =	simm.s32 $0x2400  }
0x52: {  	[tilespmem:s31], [sflag:$0x1] =	stream.indirect_vreg.gather [hbm4b:s7+s4], $0x80, v5, vm0, $0xb8;
	[tilespmem:$0xDC00] =	vst v63  }
0x53: {  	s0 =	simm.s32 $0x2C00  }
0x54: {  	[tilespmem:s0], [sflag:$0x1] =	stream.indirect_vreg.gather [hbm4b:s8+s4], $0x80, v5, vm0, $0xb8;
	[tilespmem:$0xDC00] =	vst v63  }
0x55: {  	v5 =	vld [tilespmem:$0x310];
	_ =	sdelay $0x4  }
0x56: {  	v6 =	vshrl.u32 v5, $0x3  }
0x57: {  	v6 =	vmul.u32 $0x30, v6  }
0x58: {  	v5 =	vand.u32 $0x7, v5  }
0x59: {  	v5 =	vor.u32 v5, v6  }
0x5a: {  	v6 =	vperm.xlane v5, v2;
	_ =	sdelay $0x1  }
0x5b: {  	v6 =	vadd.s32 v3, v6;
	_ =	sdelay $0x3  }
0x5c: {  	s2 =	simm.s32 $0x3400;
	v5 =	vperm.xlane v5, v4  }
0x5d: {  	[tilespmem:s2], [sflag:$0x1] =	stream.indirect_vreg.gather [hbm4b:s1+s4], $0x80, v6, vm0, $0xb8;
	[tilespmem:$0xDC00] =	vst v63  }
0x5e: {  	s3 =	simm.s32 $0x3C00;
	v5 =	vadd.s32 v3, v5  }
0x5f: {  	[tilespmem:s3], [sflag:$0x1] =	stream.indirect_vreg.gather [hbm4b:s7+s4], $0x80, v6, vm0, $0xb8;
	[tilespmem:$0xDC00] =	vst v63  }
0x60: {  	s6 =	simm.s32 $0x4400  }
0x61: {  	[tilespmem:s6], [sflag:$0x1] =	stream.indirect_vreg.gather [hbm4b:s8+s4], $0x80, v6, vm0, $0xb8;
	[tilespmem:$0xDC00] =	vst v63  }
0x62: {  	s12 =	simm.s32 $0x4C00  }
0x63: {  	[tilespmem:s12], [sflag:$0x1] =	stream.indirect_vreg.gather [hbm4b:s1+s4], $0x80, v5, vm0, $0xb8;
	[tilespmem:$0xDC00] =	vst v63  }
0x64: {  	s14 =	simm.s32 $0x5400  }
0x65: {  	[tilespmem:s14], [sflag:$0x1] =	stream.indirect_vreg.gather [hbm4b:s7+s4], $0x80, v5, vm0, $0xb8;
	[tilespmem:$0xDC00] =	vst v63  }
0x66: {  	s15 =	simm.s32 $0x5C00  }
0x67: {  	[tilespmem:s15], [sflag:$0x1] =	stream.indirect_vreg.gather [hbm4b:s8+s4], $0x80, v5, vm0, $0xb8;
	[tilespmem:$0xDC00] =	vst v63  }
0x68: {  	v5 =	vld [tilespmem:$0x320];
	_ =	sdelay $0x4  }
0x69: {  	v6 =	vshrl.u32 v5, $0x3  }
0x6a: {  	v6 =	vmul.u32 $0x30, v6  }
0x6b: {  	v5 =	vand.u32 $0x7, v5  }
0x6c: {  	v5 =	vor.u32 v5, v6  }
0x6d: {  	v6 =	vperm.xlane v5, v2;
	_ =	sdelay $0x1  }
0x6e: {  	v6 =	vadd.s32 v3, v6;
	_ =	sdelay $0x3  }
0x6f: {  	s16 =	simm.s32 $0x6400;
	v5 =	vperm.xlane v5, v4  }
0x70: {  	[tilespmem:s16], [sflag:$0x1] =	stream.indirect_vreg.gather [hbm4b:s1+s4], $0x80, v6, vm0, $0xb8;
	[tilespmem:$0xDC00] =	vst v63  }
0x71: {  	s21 =	simm.s32 $0x6C00;
	v5 =	vadd.s32 v3, v5  }
0x72: {  	[tilespmem:s21], [sflag:$0x1] =	stream.indirect_vreg.gather [hbm4b:s7+s4], $0x80, v6, vm0, $0xb8;
	[tilespmem:$0xDC00] =	vst v63  }
0x73: {  	s22 =	simm.s32 $0x7400  }
0x74: {  	[tilespmem:s22], [sflag:$0x1] =	stream.indirect_vreg.gather [hbm4b:s8+s4], $0x80, v6, vm0, $0xb8;
	[tilespmem:$0xDC00] =	vst v63  }
0x75: {  	s23 =	simm.s32 $0x7C00  }
0x76: {  	[tilespmem:s23], [sflag:$0x1] =	stream.indirect_vreg.gather [hbm4b:s1+s4], $0x80, v5, vm0, $0xb8;
	[tilespmem:$0xDC00] =	vst v63  }
0x77: {  	s24 =	simm.s32 $0x8400  }
0x78: {  	[tilespmem:s24], [sflag:$0x1] =	stream.indirect_vreg.gather [hbm4b:s7+s4], $0x80, v5, vm0, $0xb8;
	[tilespmem:$0xDC00] =	vst v63  }
0x79: {  	s25 =	simm.s32 $0x8C00  }
0x7a: {  	[tilespmem:s25], [sflag:$0x1] =	stream.indirect_vreg.gather [hbm4b:s8+s4], $0x80, v5, vm0, $0xb8;
	[tilespmem:$0xDC00] =	vst v63  }
0x7b: {  	v5 =	vld [tilespmem:$0x330];
	_ =	sdelay $0x4  }
0x7c: {  	v6 =	vshrl.u32 v5, $0x3  }
0x7d: {  	v6 =	vmul.u32 $0x30, v6  }
0x7e: {  	v5 =	vand.u32 $0x7, v5  }
0x7f: {  	v5 =	vor.u32 v5, v6  }
0x80: {  	v6 =	vperm.xlane v5, v2;
	_ =	sdelay $0x1  }
0x81: {  	v6 =	vadd.s32 v3, v6;
	_ =	sdelay $0x3  }
0x82: {  	s28 =	simm.s32 $0x9400;
	v5 =	vperm.xlane v5, v4  }
0x83: {  	[tilespmem:s28], [sflag:$0x1] =	stream.indirect_vreg.gather [hbm4b:s1+s4], $0x80, v6, vm0, $0xb8;
	[tilespmem:$0xDC00] =	vst v63  }
0x84: {  	v5 =	vadd.s32 v3, v5;
	s28 =	simm.s32 $0x9C00  }
0x85: {  	[tilespmem:s28], [sflag:$0x1] =	stream.indirect_vreg.gather [hbm4b:s7+s4], $0x80, v6, vm0, $0xb8;
	[tilespmem:$0xDC00] =	vst v63  }
0x86: {  	s28 =	simm.s32 $0xA400  }
0x87: {  	[tilespmem:s28], [sflag:$0x1] =	stream.indirect_vreg.gather [hbm4b:s8+s4], $0x80, v6, vm0, $0xb8;
	[tilespmem:$0xDC00] =	vst v63  }
0x88: {  	s28 =	simm.s32 $0xAC00  }
0x89: {  	[tilespmem:s28], [sflag:$0x1] =	stream.indirect_vreg.gather [hbm4b:s1+s4], $0x80, v5, vm0, $0xb8;
	[tilespmem:$0xDC00] =	vst v63  }
0x8a: {  	s28 =	simm.s32 $0xB400  }
0x8b: {  	[tilespmem:s28], [sflag:$0x1] =	stream.indirect_vreg.gather [hbm4b:s7+s4], $0x80, v5, vm0, $0xb8;
	[tilespmem:$0xDC00] =	vst v63  }
0x8c: {  	s28 =	simm.s32 $0xBC00  }
0x8d: {  	[tilespmem:s28], [sflag:$0x1] =	stream.indirect_vreg.gather [hbm4b:s8+s4], $0x80, v5, vm0, $0xb8;
	[tilespmem:$0xDC00] =	vst v63  }
0x8e: {  	v5 =	vld.msk [tilespmem:$0x340], $0xff;
	_ =	sdelay $0x4  }
0x8f: {  	v6 =	vshrl.u32 v5, $0x3  }
0x90: {  	v6 =	vmul.u32 $0x30, v6  }
0x91: {  	v5 =	vand.u32 $0x7, v5  }
0x92: {  	v5 =	vor.u32 v5, v6  }
0x93: {  	v5 =	vperm.xlane v5, v2;
	_ =	sdelay $0x1  }
0x94: {  	v5 =	vadd.s32 v3, v5;
	_ =	sdelay $0x3  }
0x95: {  	s28 =	simm.s32 $0xC400  }
0x96: {  	[tilespmem:s28], [sflag:$0x1] =	stream.indirect_vreg.gather [hbm4b:s1+s4], $0x80, v5, vm0, $0xb8;
	[tilespmem:$0xDC00] =	vst v63  }
0x97: {  	s28 =	simm.s32 $0xCC00  }
0x98: {  	[tilespmem:s28], [sflag:$0x1] =	stream.indirect_vreg.gather [hbm4b:s7+s4], $0x80, v5, vm0, $0xb8;
	[tilespmem:$0xDC00] =	vst v63  }
0x99: {  	s28 =	simm.s32 $0xD400  }
0x9a: {  	[tilespmem:s28], [sflag:$0x1] =	stream.indirect_vreg.gather [hbm4b:s8+s4], $0x80, v5, vm0, $0xb8;
	[tilespmem:$0xDC00] =	vst v63  }
0x9b: {  	_ =	swait.ge [sflag:s26], $0xD800  }
0x9c: {  	[sflag:s26] =	ssyncset.done $0x0  }
0x9d: {  	s29 =	simm.s32 $0x400;
	s28 =	rddreg [dreg:$0xb];
	[sflag:s26] =	ssyncadd.s32 $0xFFFF2800  }
0x9e: {  	[hbm4b:s28+s4] =	stream.linear.scatter [tilespmem:s29], [sflag:$0x2], $0xD800, $0x38;
	[tilespmem:$0xDC00] =	vst v63  }
0x9f: {  	_ =	swait.ge [sflag:s17], $0xD800  }
0xa0: {  	[sflag:s17] =	ssyncset.done $0x0  }
0xa1: {  	[sflag:s17] =	ssyncadd.s32 $0xFFFF2800  }
0xa2: {  	v5 =	vld [tilespmem:$0x348];
	_ =	sdelay $0x4  }
0xa3: {  	v6 =	vshrl.u32 v5, $0x3  }
0xa4: {  	v6 =	vmul.u32 $0x30, v6  }
0xa5: {  	v5 =	vand.u32 $0x7, v5  }
0xa6: {  	v5 =	vor.u32 v5, v6  }
0xa7: {  	v6 =	vperm.xlane v5, v2;
	_ =	sdelay $0x1  }
0xa8: {  	v6 =	vadd.s32 v3, v6;
	_ =	sdelay $0x3  }
0xa9: {  	v5 =	vperm.xlane v5, v4  }
0xaa: {  	[tilespmem:s29], [sflag:$0x1] =	stream.indirect_vreg.gather [hbm4b:s1+s4], $0x80, v6, vm0, $0xb8;
	[tilespmem:$0xDC00] =	vst v63  }
0xab: {  	s18 =	simm.s32 $0xC00;
	v5 =	vadd.s32 v3, v5  }
0xac: {  	[tilespmem:s18], [sflag:$0x1] =	stream.indirect_vreg.gather [hbm4b:s7+s4], $0x80, v6, vm0, $0xb8;
	[tilespmem:$0xDC00] =	vst v63  }
0xad: {  	s19 =	simm.s32 $0x1400  }
0xae: {  	[tilespmem:s19], [sflag:$0x1] =	stream.indirect_vreg.gather [hbm4b:s8+s4], $0x80, v6, vm0, $0xb8;
	[tilespmem:$0xDC00] =	vst v63  }
0xaf: {  	s21 =	simm.s32 $0x1C00  }
0xb0: {  	[tilespmem:s21], [sflag:$0x1] =	stream.indirect_vreg.gather [hbm4b:s1+s4], $0x80, v5, vm0, $0xb8;
	[tilespmem:$0xDC00] =	vst v63  }
0xb1: {  	s0 =	simm.s32 $0x2400  }
0xb2: {  	[tilespmem:s0], [sflag:$0x1] =	stream.indirect_vreg.gather [hbm4b:s7+s4], $0x80, v5, vm0, $0xb8;
	[tilespmem:$0xDC00] =	vst v63  }
0xb3: {  	s22 =	simm.s32 $0x2C00  }
0xb4: {  	[tilespmem:s22], [sflag:$0x1] =	stream.indirect_vreg.gather [hbm4b:s8+s4], $0x80, v5, vm0, $0xb8;
	[tilespmem:$0xDC00] =	vst v63  }
0xb5: {  	v5 =	vld [tilespmem:$0x358];
	_ =	sdelay $0x4  }
0xb6: {  	v6 =	vshrl.u32 v5, $0x3  }
0xb7: {  	v6 =	vmul.u32 $0x30, v6  }
0xb8: {  	v5 =	vand.u32 $0x7, v5  }
0xb9: {  	v5 =	vor.u32 v5, v6  }
0xba: {  	v6 =	vperm.xlane v5, v2;
	_ =	sdelay $0x1  }
0xbb: {  	v6 =	vadd.s32 v3, v6;
	_ =	sdelay $0x3  }
0xbc: {  	s23 =	simm.s32 $0x3400;
	v5 =	vperm.xlane v5, v4  }
0xbd: {  	[tilespmem:s23], [sflag:$0x1] =	stream.indirect_vreg.gather [hbm4b:s1+s4], $0x80, v6, vm0, $0xb8;
	[tilespmem:$0xDC00] =	vst v63  }
0xbe: {  	s18 =	simm.s32 $0x3C00;
	v5 =	vadd.s32 v3, v5  }
0xbf: {  	[tilespmem:s18], [sflag:$0x1] =	stream.indirect_vreg.gather [hbm4b:s7+s4], $0x80, v6, vm0, $0xb8;
	[tilespmem:$0xDC00] =	vst v63  }
0xc0: {  	s19 =	simm.s32 $0x4400  }
0xc1: {  	[tilespmem:s19], [sflag:$0x1] =	stream.indirect_vreg.gather [hbm4b:s8+s4], $0x80, v6, vm0, $0xb8;
	[tilespmem:$0xDC00] =	vst v63  }
0xc2: {  	s20 =	simm.s32 $0x4C00  }
0xc3: {  	[tilespmem:s20], [sflag:$0x1] =	stream.indirect_vreg.gather [hbm4b:s1+s4], $0x80, v5, vm0, $0xb8;
	[tilespmem:$0xDC00] =	vst v63  }
0xc4: {  	s20 =	simm.s32 $0x5400  }
0xc5: {  	[tilespmem:s20], [sflag:$0x1] =	stream.indirect_vreg.gather [hbm4b:s7+s4], $0x80, v5, vm0, $0xb8;
	[tilespmem:$0xDC00] =	vst v63  }
0xc6: {  	s24 =	simm.s32 $0x5C00  }
0xc7: {  	[tilespmem:s24], [sflag:$0x1] =	stream.indirect_vreg.gather [hbm4b:s8+s4], $0x80, v5, vm0, $0xb8;
	[tilespmem:$0xDC00] =	vst v63  }
0xc8: {  	v5 =	vld [tilespmem:$0x368];
	_ =	sdelay $0x4  }
0xc9: {  	v6 =	vshrl.u32 v5, $0x3  }
0xca: {  	v6 =	vmul.u32 $0x30, v6  }
0xcb: {  	v5 =	vand.u32 $0x7, v5  }
0xcc: {  	v5 =	vor.u32 v5, v6  }
0xcd: {  	v6 =	vperm.xlane v5, v2;
	_ =	sdelay $0x1  }
0xce: {  	v6 =	vadd.s32 v3, v6;
	_ =	sdelay $0x3  }
0xcf: {  	s25 =	simm.s32 $0x6400;
	v5 =	vperm.xlane v5, v4  }
0xd0: {  	[tilespmem:s25], [sflag:$0x1] =	stream.indirect_vreg.gather [hbm4b:s1+s4], $0x80, v6, vm0, $0xb8;
	[tilespmem:$0xDC00] =	vst v63  }
0xd1: {  	s31 =	simm.s32 $0x6C00;
	v5 =	vadd.s32 v3, v5  }
0xd2: {  	[tilespmem:s31], [sflag:$0x1] =	stream.indirect_vreg.gather [hbm4b:s7+s4], $0x80, v6, vm0, $0xb8;
	[tilespmem:$0xDC00] =	vst v63  }
0xd3: {  	s28 =	simm.s32 $0x7400  }
0xd4: {  	[tilespmem:s28], [sflag:$0x1] =	stream.indirect_vreg.gather [hbm4b:s8+s4], $0x80, v6, vm0, $0xb8;
	[tilespmem:$0xDC00] =	vst v63  }
0xd5: {  	s28 =	simm.s32 $0x7C00  }
0xd6: {  	[tilespmem:s28], [sflag:$0x1] =	stream.indirect_vreg.gather [hbm4b:s1+s4], $0x80, v5, vm0, $0xb8;
	[tilespmem:$0xDC00] =	vst v63  }
0xd7: {  	s28 =	simm.s32 $0x8400  }
0xd8: {  	[tilespmem:s28], [sflag:$0x1] =	stream.indirect_vreg.gather [hbm4b:s7+s4], $0x80, v5, vm0, $0xb8;
	[tilespmem:$0xDC00] =	vst v63  }
0xd9: {  	s12 =	simm.s32 $0x8C00  }
0xda: {  	[tilespmem:s12], [sflag:$0x1] =	stream.indirect_vreg.gather [hbm4b:s8+s4], $0x80, v5, vm0, $0xb8;
	[tilespmem:$0xDC00] =	vst v63  }
0xdb: {  	v5 =	vld [tilespmem:$0x378];
	_ =	sdelay $0x4  }
0xdc: {  	v6 =	vshrl.u32 v5, $0x3  }
0xdd: {  	v6 =	vmul.u32 $0x30, v6  }
0xde: {  	v5 =	vand.u32 $0x7, v5  }
0xdf: {  	v5 =	vor.u32 v5, v6  }
0xe0: {  	v6 =	vperm.xlane v5, v2;
	_ =	sdelay $0x1  }
0xe1: {  	v6 =	vadd.s32 v3, v6;
	_ =	sdelay $0x3  }
0xe2: {  	s2 =	simm.s32 $0x9400;
	v5 =	vperm.xlane v5, v4  }
0xe3: {  	[tilespmem:s2], [sflag:$0x1] =	stream.indirect_vreg.gather [hbm4b:s1+s4], $0x80, v6, vm0, $0xb8;
	[tilespmem:$0xDC00] =	vst v63  }
0xe4: {  	s15 =	simm.s32 $0x9C00;
	v5 =	vadd.s32 v3, v5  }
0xe5: {  	[tilespmem:s15], [sflag:$0x1] =	stream.indirect_vreg.gather [hbm4b:s7+s4], $0x80, v6, vm0, $0xb8;
	[tilespmem:$0xDC00] =	vst v63  }
0xe6: {  	s30 =	simm.s32 $0xA400  }
0xe7: {  	[tilespmem:s30], [sflag:$0x1] =	stream.indirect_vreg.gather [hbm4b:s8+s4], $0x80, v6, vm0, $0xb8;
	[tilespmem:$0xDC00] =	vst v63  }
0xe8: {  	s14 =	simm.s32 $0xAC00  }
0xe9: {  	[tilespmem:s14], [sflag:$0x1] =	stream.indirect_vreg.gather [hbm4b:s1+s4], $0x80, v5, vm0, $0xb8;
	[tilespmem:$0xDC00] =	vst v63  }
0xea: {  	s16 =	simm.s32 $0xB400  }
0xeb: {  	[tilespmem:s16], [sflag:$0x1] =	stream.indirect_vreg.gather [hbm4b:s7+s4], $0x80, v5, vm0, $0xb8;
	[tilespmem:$0xDC00] =	vst v63  }
0xec: {  	s3 =	simm.s32 $0xBC00  }
0xed: {  	[tilespmem:s3], [sflag:$0x1] =	stream.indirect_vreg.gather [hbm4b:s8+s4], $0x80, v5, vm0, $0xb8;
	[tilespmem:$0xDC00] =	vst v63  }
0xee: {  	v5 =	vld.msk [tilespmem:$0x388], $0xff;
	_ =	sdelay $0x4  }
0xef: {  	v6 =	vshrl.u32 v5, $0x3  }
0xf0: {  	v6 =	vmul.u32 $0x30, v6  }
0xf1: {  	v5 =	vand.u32 $0x7, v5  }
0xf2: {  	v5 =	vor.u32 v5, v6  }
0xf3: {  	v5 =	vperm.xlane v5, v2;
	_ =	sdelay $0x1  }
0xf4: {  	v5 =	vadd.s32 v3, v5;
	_ =	sdelay $0x3  }
0xf5: {  	s16 =	simm.s32 $0xC400  }
0xf6: {  	[tilespmem:s16], [sflag:$0x1] =	stream.indirect_vreg.gather [hbm4b:s1+s4], $0x80, v5, vm0, $0xb8;
	[tilespmem:$0xDC00] =	vst v63  }
0xf7: {  	s30 =	simm.s32 $0xCC00  }
0xf8: {  	[tilespmem:s30], [sflag:$0x1] =	stream.indirect_vreg.gather [hbm4b:s7+s4], $0x80, v5, vm0, $0xb8;
	[tilespmem:$0xDC00] =	vst v63  }
0xf9: {  	s6 =	simm.s32 $0xD400  }
0xfa: {  	[tilespmem:s6], [sflag:$0x1] =	stream.indirect_vreg.gather [hbm4b:s8+s4], $0x80, v5, vm0, $0xb8;
	[tilespmem:$0xDC00] =	vst v63  }
0xfb: {  	_ =	swait.ge [sflag:s26], $0xD800  }
0xfc: {  	[sflag:s26] =	ssyncset.done $0x0  }
0xfd: {  	s29 =	simm.s32 $0x400;
	s28 =	rddreg [dreg:$0xc];
	[sflag:s26] =	ssyncadd.s32 $0xFFFF2800  }
0xfe: {  	[hbm4b:s28+s4] =	stream.linear.scatter [tilespmem:s29], [sflag:$0x2], $0xD800, $0x38;
	[tilespmem:$0xDC00] =	vst v63  }
0xff: {  	_ =	swait.ge [sflag:s17], $0xD800  }
0x100: {  	[sflag:s17] =	ssyncset.done $0x0  }
0x101: {  	[sflag:s17] =	ssyncadd.s32 $0xFFFF2800  }
0x102: {  	v5 =	vld [tilespmem:$0x0];
	_ =	sdelay $0x4  }
0x103: {  	v6 =	vshrl.u32 v5, $0x3  }
0x104: {  	v6 =	vmul.u32 $0x30, v6  }
0x105: {  	v5 =	vand.u32 $0x7, v5  }
0x106: {  	v5 =	vor.u32 v5, v6  }
0x107: {  	v6 =	vperm.xlane v5, v2;
	_ =	sdelay $0x1  }
0x108: {  	v6 =	vadd.s32 v3, v6;
	_ =	sdelay $0x3  }
0x109: {  	s16 =	rddreg [dreg:$0x1];
	v5 =	vperm.xlane v5, v4  }
0x10a: {  	[tilespmem:s29], [sflag:$0x1] =	stream.indirect_vreg.gather [hbm4b:s16+s4], $0x80, v6, vm0, $0xb8;
	[tilespmem:$0xDC00] =	vst v63  }
0x10b: {  	s28 =	simm.s32 $0xC00;
	v5 =	vadd.s32 v3, v5  }
0x10c: {  	[tilespmem:s28], [sflag:$0x1] =	stream.indirect_vreg.gather [hbm4b:s9+s4], $0x80, v6, vm0, $0xb8;
	[tilespmem:$0xDC00] =	vst v63  }
0x10d: {  	s28 =	simm.s32 $0x1400  }
0x10e: {  	[tilespmem:s28], [sflag:$0x1] =	stream.indirect_vreg.gather [hbm4b:s10+s4], $0x80, v6, vm0, $0xb8;
	[tilespmem:$0xDC00] =	vst v63  }
0x10f: {  	_ = 	snop  }
0x110: {  	[tilespmem:s21], [sflag:$0x1] =	stream.indirect_vreg.gather [hbm4b:s16+s4], $0x80, v5, vm0, $0xb8;
	[tilespmem:$0xDC00] =	vst v63  }
0x111: {  	_ = 	snop  }
0x112: {  	[tilespmem:s0], [sflag:$0x1] =	stream.indirect_vreg.gather [hbm4b:s9+s4], $0x80, v5, vm0, $0xb8;
	[tilespmem:$0xDC00] =	vst v63  }
0x113: {  	_ = 	snop  }
0x114: {  	[tilespmem:s22], [sflag:$0x1] =	stream.indirect_vreg.gather [hbm4b:s10+s4], $0x80, v5, vm0, $0xb8;
	[tilespmem:$0xDC00] =	vst v63  }
0x115: {  	v5 =	vld [tilespmem:$0x10];
	_ =	sdelay $0x4  }
0x116: {  	v6 =	vshrl.u32 v5, $0x3  }
0x117: {  	v6 =	vmul.u32 $0x30, v6  }
0x118: {  	v5 =	vand.u32 $0x7, v5  }
0x119: {  	v5 =	vor.u32 v5, v6  }
0x11a: {  	v6 =	vperm.xlane v5, v2;
	_ =	sdelay $0x1  }
0x11b: {  	v6 =	vadd.s32 v3, v6;
	_ =	sdelay $0x3  }
0x11c: {  	v5 =	vperm.xlane v5, v4  }
0x11d: {  	[tilespmem:s23], [sflag:$0x1] =	stream.indirect_vreg.gather [hbm4b:s16+s4], $0x80, v6, vm0, $0xb8;
	[tilespmem:$0xDC00] =	vst v63  }
0x11e: {  	v5 =	vadd.s32 v3, v5  }
0x11f: {  	[tilespmem:s18], [sflag:$0x1] =	stream.indirect_vreg.gather [hbm4b:s9+s4], $0x80, v6, vm0, $0xb8;
	[tilespmem:$0xDC00] =	vst v63  }
0x120: {  	_ = 	snop  }
0x121: {  	[tilespmem:s19], [sflag:$0x1] =	stream.indirect_vreg.gather [hbm4b:s10+s4], $0x80, v6, vm0, $0xb8;
	[tilespmem:$0xDC00] =	vst v63  }
0x122: {  	s28 =	simm.s32 $0x4C00  }
0x123: {  	[tilespmem:s28], [sflag:$0x1] =	stream.indirect_vreg.gather [hbm4b:s16+s4], $0x80, v5, vm0, $0xb8;
	[tilespmem:$0xDC00] =	vst v63  }
0x124: {  	_ = 	snop  }
0x125: {  	[tilespmem:s20], [sflag:$0x1] =	stream.indirect_vreg.gather [hbm4b:s9+s4], $0x80, v5, vm0, $0xb8;
	[tilespmem:$0xDC00] =	vst v63  }
0x126: {  	_ = 	snop  }
0x127: {  	[tilespmem:s24], [sflag:$0x1] =	stream.indirect_vreg.gather [hbm4b:s10+s4], $0x80, v5, vm0, $0xb8;
	[tilespmem:$0xDC00] =	vst v63  }
0x128: {  	v5 =	vld [tilespmem:$0x20];
	_ =	sdelay $0x4  }
0x129: {  	v6 =	vshrl.u32 v5, $0x3  }
0x12a: {  	v6 =	vmul.u32 $0x30, v6  }
0x12b: {  	v5 =	vand.u32 $0x7, v5  }
0x12c: {  	v5 =	vor.u32 v5, v6  }
0x12d: {  	v6 =	vperm.xlane v5, v2;
	_ =	sdelay $0x1  }
0x12e: {  	v6 =	vadd.s32 v3, v6;
	_ =	sdelay $0x3  }
0x12f: {  	v5 =	vperm.xlane v5, v4  }
0x130: {  	[tilespmem:s25], [sflag:$0x1] =	stream.indirect_vreg.gather [hbm4b:s16+s4], $0x80, v6, vm0, $0xb8;
	[tilespmem:$0xDC00] =	vst v63  }
0x131: {  	s31 =	simm.s32 $0x6C00;
	v5 =	vadd.s32 v3, v5  }
0x132: {  	[tilespmem:s31], [sflag:$0x1] =	stream.indirect_vreg.gather [hbm4b:s9+s4], $0x80, v6, vm0, $0xb8;
	[tilespmem:$0xDC00] =	vst v63  }
0x133: {  	s28 =	simm.s32 $0x7400  }
0x134: {  	[tilespmem:s28], [sflag:$0x1] =	stream.indirect_vreg.gather [hbm4b:s10+s4], $0x80, v6, vm0, $0xb8;
	[tilespmem:$0xDC00] =	vst v63  }
0x135: {  	s28 =	simm.s32 $0x7C00  }
0x136: {  	[tilespmem:s28], [sflag:$0x1] =	stream.indirect_vreg.gather [hbm4b:s16+s4], $0x80, v5, vm0, $0xb8;
	[tilespmem:$0xDC00] =	vst v63  }
0x137: {  	s28 =	simm.s32 $0x8400  }
0x138: {  	[tilespmem:s28], [sflag:$0x1] =	stream.indirect_vreg.gather [hbm4b:s9+s4], $0x80, v5, vm0, $0xb8;
	[tilespmem:$0xDC00] =	vst v63  }
0x139: {  	s28 =	simm.s32 $0x8C00  }
0x13a: {  	[tilespmem:s28], [sflag:$0x1] =	stream.indirect_vreg.gather [hbm4b:s10+s4], $0x80, v5, vm0, $0xb8;
	[tilespmem:$0xDC00] =	vst v63  }
0x13b: {  	v5 =	vld [tilespmem:$0x30];
	_ =	sdelay $0x4  }
0x13c: {  	v6 =	vshrl.u32 v5, $0x3  }
0x13d: {  	v6 =	vmul.u32 $0x30, v6  }
0x13e: {  	v5 =	vand.u32 $0x7, v5  }
0x13f: {  	v5 =	vor.u32 v5, v6  }
0x140: {  	v6 =	vperm.xlane v5, v2;
	_ =	sdelay $0x1  }
0x141: {  	v6 =	vadd.s32 v3, v6;
	_ =	sdelay $0x3  }
0x142: {  	s28 =	simm.s32 $0x9400;
	v5 =	vperm.xlane v5, v4  }
0x143: {  	[tilespmem:s28], [sflag:$0x1] =	stream.indirect_vreg.gather [hbm4b:s16+s4], $0x80, v6, vm0, $0xb8;
	[tilespmem:$0xDC00] =	vst v63  }
0x144: {  	s2 =	simm.s32 $0x9C00;
	v5 =	vadd.s32 v3, v5  }
0x145: {  	[tilespmem:s2], [sflag:$0x1] =	stream.indirect_vreg.gather [hbm4b:s9+s4], $0x80, v6, vm0, $0xb8;
	[tilespmem:$0xDC00] =	vst v63  }
0x146: {  	s12 =	simm.s32 $0xA400  }
0x147: {  	[tilespmem:s12], [sflag:$0x1] =	stream.indirect_vreg.gather [hbm4b:s10+s4], $0x80, v6, vm0, $0xb8;
	[tilespmem:$0xDC00] =	vst v63  }
0x148: {  	s14 =	simm.s32 $0xAC00  }
0x149: {  	[tilespmem:s14], [sflag:$0x1] =	stream.indirect_vreg.gather [hbm4b:s16+s4], $0x80, v5, vm0, $0xb8;
	[tilespmem:$0xDC00] =	vst v63  }
0x14a: {  	s15 =	simm.s32 $0xB400  }
0x14b: {  	[tilespmem:s15], [sflag:$0x1] =	stream.indirect_vreg.gather [hbm4b:s9+s4], $0x80, v5, vm0, $0xb8;
	[tilespmem:$0xDC00] =	vst v63  }
0x14c: {  	s28 =	simm.s32 $0xBC00  }
0x14d: {  	[tilespmem:s28], [sflag:$0x1] =	stream.indirect_vreg.gather [hbm4b:s10+s4], $0x80, v5, vm0, $0xb8;
	[tilespmem:$0xDC00] =	vst v63  }
0x14e: {  	v5 =	vld.msk [tilespmem:$0x40], $0xff;
	_ =	sdelay $0x4  }
0x14f: {  	v6 =	vshrl.u32 v5, $0x3  }
0x150: {  	v6 =	vmul.u32 $0x30, v6  }
0x151: {  	v5 =	vand.u32 $0x7, v5  }
0x152: {  	v5 =	vor.u32 v5, v6  }
0x153: {  	v5 =	vperm.xlane v5, v2;
	_ =	sdelay $0x1  }
0x154: {  	v5 =	vadd.s32 v3, v5;
	_ =	sdelay $0x3  }
0x155: {  	s3 =	simm.s32 $0xC400  }
0x156: {  	[tilespmem:s3], [sflag:$0x1] =	stream.indirect_vreg.gather [hbm4b:s16+s4], $0x80, v5, vm0, $0xb8;
	[tilespmem:$0xDC00] =	vst v63  }
0x157: {  	s30 =	simm.s32 $0xCC00  }
0x158: {  	[tilespmem:s30], [sflag:$0x1] =	stream.indirect_vreg.gather [hbm4b:s9+s4], $0x80, v5, vm0, $0xb8;
	[tilespmem:$0xDC00] =	vst v63  }
0x159: {  	s6 =	simm.s32 $0xD400  }
0x15a: {  	[tilespmem:s6], [sflag:$0x1] =	stream.indirect_vreg.gather [hbm4b:s10+s4], $0x80, v5, vm0, $0xb8;
	[tilespmem:$0xDC00] =	vst v63  }
0x15b: {  	_ =	swait.ge [sflag:s26], $0xD800  }
0x15c: {  	[sflag:s26] =	ssyncset.done $0x0  }
0x15d: {  	s28 =	rddreg [dreg:$0xd];
	[sflag:s26] =	ssyncadd.s32 $0xFFFF2800  }
0x15e: {  	[hbm4b:s28+s4] =	stream.linear.scatter [tilespmem:s29], [sflag:$0x2], $0xD800, $0x38;
	[tilespmem:$0xDC00] =	vst v63  }
0x15f: {  	_ =	swait.ge [sflag:s17], $0xD800  }
0x160: {  	[sflag:s17] =	ssyncset.done $0x0  }
0x161: {  	[sflag:s17] =	ssyncadd.s32 $0xFFFF2800  }
0x162: {  	v5 =	vld [tilespmem:$0x48];
	_ =	sdelay $0x4  }
0x163: {  	v6 =	vshrl.u32 v5, $0x3  }
0x164: {  	v6 =	vmul.u32 $0x30, v6  }
0x165: {  	v5 =	vand.u32 $0x7, v5  }
0x166: {  	v5 =	vor.u32 v5, v6  }
0x167: {  	v6 =	vperm.xlane v5, v2;
	_ =	sdelay $0x1  }
0x168: {  	v6 =	vadd.s32 v3, v6;
	_ =	sdelay $0x3  }
0x169: {  	v5 =	vperm.xlane v5, v4  }
0x16a: {  	[tilespmem:s29], [sflag:$0x1] =	stream.indirect_vreg.gather [hbm4b:s16+s4], $0x80, v6, vm0, $0xb8;
	[tilespmem:$0xDC00] =	vst v63  }
0x16b: {  	s28 =	simm.s32 $0xC00;
	v5 =	vadd.s32 v3, v5  }
0x16c: {  	[tilespmem:s28], [sflag:$0x1] =	stream.indirect_vreg.gather [hbm4b:s9+s4], $0x80, v6, vm0, $0xb8;
	[tilespmem:$0xDC00] =	vst v63  }
0x16d: {  	s28 =	simm.s32 $0x1400  }
0x16e: {  	[tilespmem:s28], [sflag:$0x1] =	stream.indirect_vreg.gather [hbm4b:s10+s4], $0x80, v6, vm0, $0xb8;
	[tilespmem:$0xDC00] =	vst v63  }
0x16f: {  	s21 =	simm.s32 $0x1C00  }
0x170: {  	[tilespmem:s21], [sflag:$0x1] =	stream.indirect_vreg.gather [hbm4b:s16+s4], $0x80, v5, vm0, $0xb8;
	[tilespmem:$0xDC00] =	vst v63  }
0x171: {  	s0 =	simm.s32 $0x2400  }
0x172: {  	[tilespmem:s0], [sflag:$0x1] =	stream.indirect_vreg.gather [hbm4b:s9+s4], $0x80, v5, vm0, $0xb8;
	[tilespmem:$0xDC00] =	vst v63  }
0x173: {  	s22 =	simm.s32 $0x2C00  }
0x174: {  	[tilespmem:s22], [sflag:$0x1] =	stream.indirect_vreg.gather [hbm4b:s10+s4], $0x80, v5, vm0, $0xb8;
	[tilespmem:$0xDC00] =	vst v63  }
0x175: {  	v5 =	vld [tilespmem:$0x58];
	_ =	sdelay $0x4  }
0x176: {  	v6 =	vshrl.u32 v5, $0x3  }
0x177: {  	v6 =	vmul.u32 $0x30, v6  }
0x178: {  	v5 =	vand.u32 $0x7, v5  }
0x179: {  	v5 =	vor.u32 v5, v6  }
0x17a: {  	v6 =	vperm.xlane v5, v2;
	_ =	sdelay $0x1  }
0x17b: {  	v6 =	vadd.s32 v3, v6;
	_ =	sdelay $0x3  }
0x17c: {  	s23 =	simm.s32 $0x3400;
	v5 =	vperm.xlane v5, v4  }
0x17d: {  	[tilespmem:s23], [sflag:$0x1] =	stream.indirect_vreg.gather [hbm4b:s16+s4], $0x80, v6, vm0, $0xb8;
	[tilespmem:$0xDC00] =	vst v63  }
0x17e: {  	s18 =	simm.s32 $0x3C00;
	v5 =	vadd.s32 v3, v5  }
0x17f: {  	[tilespmem:s18], [sflag:$0x1] =	stream.indirect_vreg.gather [hbm4b:s9+s4], $0x80, v6, vm0, $0xb8;
	[tilespmem:$0xDC00] =	vst v63  }
0x180: {  	s19 =	simm.s32 $0x4400  }
0x181: {  	[tilespmem:s19], [sflag:$0x1] =	stream.indirect_vreg.gather [hbm4b:s10+s4], $0x80, v6, vm0, $0xb8;
	[tilespmem:$0xDC00] =	vst v63  }
0x182: {  	s28 =	simm.s32 $0x4C00  }
0x183: {  	[tilespmem:s28], [sflag:$0x1] =	stream.indirect_vreg.gather [hbm4b:s16+s4], $0x80, v5, vm0, $0xb8;
	[tilespmem:$0xDC00] =	vst v63  }
0x184: {  	s20 =	simm.s32 $0x5400  }
0x185: {  	[tilespmem:s20], [sflag:$0x1] =	stream.indirect_vreg.gather [hbm4b:s9+s4], $0x80, v5, vm0, $0xb8;
	[tilespmem:$0xDC00] =	vst v63  }
0x186: {  	s24 =	simm.s32 $0x5C00  }
0x187: {  	[tilespmem:s24], [sflag:$0x1] =	stream.indirect_vreg.gather [hbm4b:s10+s4], $0x80, v5, vm0, $0xb8;
	[tilespmem:$0xDC00] =	vst v63  }
0x188: {  	v5 =	vld [tilespmem:$0x68];
	_ =	sdelay $0x4  }
0x189: {  	v6 =	vshrl.u32 v5, $0x3  }
0x18a: {  	v6 =	vmul.u32 $0x30, v6  }
0x18b: {  	v5 =	vand.u32 $0x7, v5  }
0x18c: {  	v5 =	vor.u32 v5, v6  }
0x18d: {  	v6 =	vperm.xlane v5, v2;
	_ =	sdelay $0x1  }
0x18e: {  	v6 =	vadd.s32 v3, v6;
	_ =	sdelay $0x3  }
0x18f: {  	s25 =	simm.s32 $0x6400;
	v5 =	vperm.xlane v5, v4  }
0x190: {  	[tilespmem:s25], [sflag:$0x1] =	stream.indirect_vreg.gather [hbm4b:s16+s4], $0x80, v6, vm0, $0xb8;
	[tilespmem:$0xDC00] =	vst v63  }
0x191: {  	s31 =	simm.s32 $0x6C00;
	v5 =	vadd.s32 v3, v5  }
0x192: {  	[tilespmem:s31], [sflag:$0x1] =	stream.indirect_vreg.gather [hbm4b:s9+s4], $0x80, v6, vm0, $0xb8;
	[tilespmem:$0xDC00] =	vst v63  }
0x193: {  	s28 =	simm.s32 $0x7400  }
0x194: {  	[tilespmem:s28], [sflag:$0x1] =	stream.indirect_vreg.gather [hbm4b:s10+s4], $0x80, v6, vm0, $0xb8;
	[tilespmem:$0xDC00] =	vst v63  }
0x195: {  	s28 =	simm.s32 $0x7C00  }
0x196: {  	[tilespmem:s28], [sflag:$0x1] =	stream.indirect_vreg.gather [hbm4b:s16+s4], $0x80, v5, vm0, $0xb8;
	[tilespmem:$0xDC00] =	vst v63  }
0x197: {  	s28 =	simm.s32 $0x8400  }
0x198: {  	[tilespmem:s28], [sflag:$0x1] =	stream.indirect_vreg.gather [hbm4b:s9+s4], $0x80, v5, vm0, $0xb8;
	[tilespmem:$0xDC00] =	vst v63  }
0x199: {  	s28 =	simm.s32 $0x8C00  }
0x19a: {  	[tilespmem:s28], [sflag:$0x1] =	stream.indirect_vreg.gather [hbm4b:s10+s4], $0x80, v5, vm0, $0xb8;
	[tilespmem:$0xDC00] =	vst v63  }
0x19b: {  	v5 =	vld [tilespmem:$0x78];
	_ =	sdelay $0x4  }
0x19c: {  	v6 =	vshrl.u32 v5, $0x3  }
0x19d: {  	v6 =	vmul.u32 $0x30, v6  }
0x19e: {  	v5 =	vand.u32 $0x7, v5  }
0x19f: {  	v5 =	vor.u32 v5, v6  }
0x1a0: {  	v6 =	vperm.xlane v5, v2;
	_ =	sdelay $0x1  }
0x1a1: {  	v6 =	vadd.s32 v3, v6;
	_ =	sdelay $0x3  }
0x1a2: {  	s28 =	simm.s32 $0x9400;
	v5 =	vperm.xlane v5, v4  }
0x1a3: {  	[tilespmem:s28], [sflag:$0x1] =	stream.indirect_vreg.gather [hbm4b:s16+s4], $0x80, v6, vm0, $0xb8;
	[tilespmem:$0xDC00] =	vst v63  }
0x1a4: {  	s2 =	simm.s32 $0x9C00;
	v5 =	vadd.s32 v3, v5  }
0x1a5: {  	[tilespmem:s2], [sflag:$0x1] =	stream.indirect_vreg.gather [hbm4b:s9+s4], $0x80, v6, vm0, $0xb8;
	[tilespmem:$0xDC00] =	vst v63  }
0x1a6: {  	s12 =	simm.s32 $0xA400  }
0x1a7: {  	[tilespmem:s12], [sflag:$0x1] =	stream.indirect_vreg.gather [hbm4b:s10+s4], $0x80, v6, vm0, $0xb8;
	[tilespmem:$0xDC00] =	vst v63  }
0x1a8: {  	s14 =	simm.s32 $0xAC00  }
0x1a9: {  	[tilespmem:s14], [sflag:$0x1] =	stream.indirect_vreg.gather [hbm4b:s16+s4], $0x80, v5, vm0, $0xb8;
	[tilespmem:$0xDC00] =	vst v63  }
0x1aa: {  	s15 =	simm.s32 $0xB400  }
0x1ab: {  	[tilespmem:s15], [sflag:$0x1] =	stream.indirect_vreg.gather [hbm4b:s9+s4], $0x80, v5, vm0, $0xb8;
	[tilespmem:$0xDC00] =	vst v63  }
0x1ac: {  	s2 =	simm.s32 $0xBC00  }
0x1ad: {  	[tilespmem:s2], [sflag:$0x1] =	stream.indirect_vreg.gather [hbm4b:s10+s4], $0x80, v5, vm0, $0xb8;
	[tilespmem:$0xDC00] =	vst v63  }
0x1ae: {  	v5 =	vld.msk [tilespmem:$0x88], $0xff;
	_ =	sdelay $0x4  }
0x1af: {  	v6 =	vshrl.u32 v5, $0x3  }
0x1b0: {  	v6 =	vmul.u32 $0x30, v6  }
0x1b1: {  	v5 =	vand.u32 $0x7, v5  }
0x1b2: {  	v5 =	vor.u32 v5, v6  }
0x1b3: {  	v5 =	vperm.xlane v5, v2;
	_ =	sdelay $0x1  }
0x1b4: {  	v5 =	vadd.s32 v3, v5;
	_ =	sdelay $0x3  }
0x1b5: {  	s3 =	simm.s32 $0xC400  }
0x1b6: {  	[tilespmem:s3], [sflag:$0x1] =	stream.indirect_vreg.gather [hbm4b:s16+s4], $0x80, v5, vm0, $0xb8;
	[tilespmem:$0xDC00] =	vst v63  }
0x1b7: {  	s30 =	simm.s32 $0xCC00  }
0x1b8: {  	[tilespmem:s30], [sflag:$0x1] =	stream.indirect_vreg.gather [hbm4b:s9+s4], $0x80, v5, vm0, $0xb8;
	[tilespmem:$0xDC00] =	vst v63  }
0x1b9: {  	s6 =	simm.s32 $0xD400  }
0x1ba: {  	[tilespmem:s6], [sflag:$0x1] =	stream.indirect_vreg.gather [hbm4b:s10+s4], $0x80, v5, vm0, $0xb8;
	[tilespmem:$0xDC00] =	vst v63  }
0x1bb: {  	_ =	swait.ge [sflag:s26], $0xD800  }
0x1bc: {  	[sflag:s26] =	ssyncset.done $0x0  }
0x1bd: {  	s28 =	rddreg [dreg:$0xe];
	[sflag:s26] =	ssyncadd.s32 $0xFFFF2800  }
0x1be: {  	[hbm4b:s28+s4] =	stream.linear.scatter [tilespmem:s29], [sflag:$0x2], $0xD800, $0x38;
	[tilespmem:$0xDC00] =	vst v63  }
0x1bf: {  	_ =	swait.ge [sflag:s17], $0xD800  }
0x1c0: {  	[sflag:s17] =	ssyncset.done $0x0  }
0x1c1: {  	[sflag:s17] =	ssyncadd.s32 $0xFFFF2800  }
0x1c2: {  	v5 =	vld [tilespmem:$0x100];
	_ =	sdelay $0x4  }
0x1c3: {  	v6 =	vshrl.u32 v5, $0x3  }
0x1c4: {  	v6 =	vmul.u32 $0x30, v6  }
0x1c5: {  	v5 =	vand.u32 $0x7, v5  }
0x1c6: {  	v5 =	vor.u32 v5, v6  }
0x1c7: {  	v6 =	vperm.xlane v5, v2;
	_ =	sdelay $0x1  }
0x1c8: {  	v6 =	vadd.s32 v3, v6;
	_ =	sdelay $0x3  }
0x1c9: {  	v5 =	vperm.xlane v5, v4  }
0x1ca: {  	[tilespmem:s29], [sflag:$0x1] =	stream.indirect_vreg.gather [hbm4b:s5+s4], $0x80, v6, vm0, $0xb8;
	[tilespmem:$0xDC00] =	vst v63  }
0x1cb: {  	s3 =	simm.s32 $0xC00;
	v5 =	vadd.s32 v3, v5  }
0x1cc: {  	[tilespmem:s3], [sflag:$0x1] =	stream.indirect_vreg.gather [hbm4b:s11+s4], $0x80, v6, vm0, $0xb8;
	[tilespmem:$0xDC00] =	vst v63  }
0x1cd: {  	s6 =	simm.s32 $0x1400  }
0x1ce: {  	[tilespmem:s6], [sflag:$0x1] =	stream.indirect_vreg.gather [hbm4b:s13+s4], $0x80, v6, vm0, $0xb8;
	[tilespmem:$0xDC00] =	vst v63  }
0x1cf: {  	s21 =	simm.s32 $0x1C00  }
0x1d0: {  	[tilespmem:s21], [sflag:$0x1] =	stream.indirect_vreg.gather [hbm4b:s5+s4], $0x80, v5, vm0, $0xb8;
	[tilespmem:$0xDC00] =	vst v63  }
0x1d1: {  	s0 =	simm.s32 $0x2400  }
0x1d2: {  	[tilespmem:s0], [sflag:$0x1] =	stream.indirect_vreg.gather [hbm4b:s11+s4], $0x80, v5, vm0, $0xb8;
	[tilespmem:$0xDC00] =	vst v63  }
0x1d3: {  	s22 =	simm.s32 $0x2C00  }
0x1d4: {  	[tilespmem:s22], [sflag:$0x1] =	stream.indirect_vreg.gather [hbm4b:s13+s4], $0x80, v5, vm0, $0xb8;
	[tilespmem:$0xDC00] =	vst v63  }
0x1d5: {  	v5 =	vld [tilespmem:$0x110];
	_ =	sdelay $0x4  }
0x1d6: {  	v6 =	vshrl.u32 v5, $0x3  }
0x1d7: {  	v6 =	vmul.u32 $0x30, v6  }
0x1d8: {  	v5 =	vand.u32 $0x7, v5  }
0x1d9: {  	v5 =	vor.u32 v5, v6  }
0x1da: {  	v6 =	vperm.xlane v5, v2;
	_ =	sdelay $0x1  }
0x1db: {  	v6 =	vadd.s32 v3, v6;
	_ =	sdelay $0x3  }
0x1dc: {  	s23 =	simm.s32 $0x3400;
	v5 =	vperm.xlane v5, v4  }
0x1dd: {  	[tilespmem:s23], [sflag:$0x1] =	stream.indirect_vreg.gather [hbm4b:s5+s4], $0x80, v6, vm0, $0xb8;
	[tilespmem:$0xDC00] =	vst v63  }
0x1de: {  	s18 =	simm.s32 $0x3C00;
	v5 =	vadd.s32 v3, v5  }
0x1df: {  	[tilespmem:s18], [sflag:$0x1] =	stream.indirect_vreg.gather [hbm4b:s11+s4], $0x80, v6, vm0, $0xb8;
	[tilespmem:$0xDC00] =	vst v63  }
0x1e0: {  	s19 =	simm.s32 $0x4400  }
0x1e1: {  	[tilespmem:s19], [sflag:$0x1] =	stream.indirect_vreg.gather [hbm4b:s13+s4], $0x80, v6, vm0, $0xb8;
	[tilespmem:$0xDC00] =	vst v63  }
0x1e2: {  	s21 =	simm.s32 $0x4C00  }
0x1e3: {  	[tilespmem:s21], [sflag:$0x1] =	stream.indirect_vreg.gather [hbm4b:s5+s4], $0x80, v5, vm0, $0xb8;
	[tilespmem:$0xDC00] =	vst v63  }
0x1e4: {  	s20 =	simm.s32 $0x5400  }
0x1e5: {  	[tilespmem:s20], [sflag:$0x1] =	stream.indirect_vreg.gather [hbm4b:s11+s4], $0x80, v5, vm0, $0xb8;
	[tilespmem:$0xDC00] =	vst v63  }
0x1e6: {  	s24 =	simm.s32 $0x5C00  }
0x1e7: {  	[tilespmem:s24], [sflag:$0x1] =	stream.indirect_vreg.gather [hbm4b:s13+s4], $0x80, v5, vm0, $0xb8;
	[tilespmem:$0xDC00] =	vst v63  }
0x1e8: {  	v5 =	vld [tilespmem:$0x120];
	_ =	sdelay $0x4  }
0x1e9: {  	v6 =	vshrl.u32 v5, $0x3  }
0x1ea: {  	v6 =	vmul.u32 $0x30, v6  }
0x1eb: {  	v5 =	vand.u32 $0x7, v5  }
0x1ec: {  	v5 =	vor.u32 v5, v6  }
0x1ed: {  	v6 =	vperm.xlane v5, v2;
	_ =	sdelay $0x1  }
0x1ee: {  	v6 =	vadd.s32 v3, v6;
	_ =	sdelay $0x3  }
0x1ef: {  	s25 =	simm.s32 $0x6400;
	v5 =	vperm.xlane v5, v4  }
0x1f0: {  	[tilespmem:s25], [sflag:$0x1] =	stream.indirect_vreg.gather [hbm4b:s5+s4], $0x80, v6, vm0, $0xb8;
	[tilespmem:$0xDC00] =	vst v63  }
0x1f1: {  	s31 =	simm.s32 $0x6C00;
	v5 =	vadd.s32 v3, v5  }
0x1f2: {  	[tilespmem:s31], [sflag:$0x1] =	stream.indirect_vreg.gather [hbm4b:s11+s4], $0x80, v6, vm0, $0xb8;
	[tilespmem:$0xDC00] =	vst v63  }
0x1f3: {  	s25 =	simm.s32 $0x7400  }
0x1f4: {  	[tilespmem:s25], [sflag:$0x1] =	stream.indirect_vreg.gather [hbm4b:s13+s4], $0x80, v6, vm0, $0xb8;
	[tilespmem:$0xDC00] =	vst v63  }
0x1f5: {  	s25 =	simm.s32 $0x7C00  }
0x1f6: {  	[tilespmem:s25], [sflag:$0x1] =	stream.indirect_vreg.gather [hbm4b:s5+s4], $0x80, v5, vm0, $0xb8;
	[tilespmem:$0xDC00] =	vst v63  }
0x1f7: {  	s25 =	simm.s32 $0x8400  }
0x1f8: {  	[tilespmem:s25], [sflag:$0x1] =	stream.indirect_vreg.gather [hbm4b:s11+s4], $0x80, v5, vm0, $0xb8;
	[tilespmem:$0xDC00] =	vst v63  }
0x1f9: {  	s25 =	simm.s32 $0x8C00  }
0x1fa: {  	[tilespmem:s25], [sflag:$0x1] =	stream.indirect_vreg.gather [hbm4b:s13+s4], $0x80, v5, vm0, $0xb8;
	[tilespmem:$0xDC00] =	vst v63  }
0x1fb: {  	v5 =	vld [tilespmem:$0x130];
	_ =	sdelay $0x4  }
0x1fc: {  	v6 =	vshrl.u32 v5, $0x3  }
0x1fd: {  	v6 =	vmul.u32 $0x30, v6  }
0x1fe: {  	v5 =	vand.u32 $0x7, v5  }
0x1ff: {  	v5 =	vor.u32 v5, v6  }
0x200: {  	v6 =	vperm.xlane v5, v2;
	_ =	sdelay $0x1  }
0x201: {  	v6 =	vadd.s32 v3, v6;
	_ =	sdelay $0x3  }
0x202: {  	s25 =	simm.s32 $0x9400;
	v5 =	vperm.xlane v5, v4  }
0x203: {  	[tilespmem:s25], [sflag:$0x1] =	stream.indirect_vreg.gather [hbm4b:s5+s4], $0x80, v6, vm0, $0xb8;
	[tilespmem:$0xDC00] =	vst v63  }
0x204: {  	v5 =	vadd.s32 v3, v5;
	s25 =	simm.s32 $0x9C00  }
0x205: {  	[tilespmem:s25], [sflag:$0x1] =	stream.indirect_vreg.gather [hbm4b:s11+s4], $0x80, v6, vm0, $0xb8;
	[tilespmem:$0xDC00] =	vst v63  }
0x206: {  	s12 =	simm.s32 $0xA400  }
0x207: {  	[tilespmem:s12], [sflag:$0x1] =	stream.indirect_vreg.gather [hbm4b:s13+s4], $0x80, v6, vm0, $0xb8;
	[tilespmem:$0xDC00] =	vst v63  }
0x208: {  	s14 =	simm.s32 $0xAC00  }
0x209: {  	[tilespmem:s14], [sflag:$0x1] =	stream.indirect_vreg.gather [hbm4b:s5+s4], $0x80, v5, vm0, $0xb8;
	[tilespmem:$0xDC00] =	vst v63  }
0x20a: {  	s15 =	simm.s32 $0xB400  }
0x20b: {  	[tilespmem:s15], [sflag:$0x1] =	stream.indirect_vreg.gather [hbm4b:s11+s4], $0x80, v5, vm0, $0xb8;
	[tilespmem:$0xDC00] =	vst v63  }
0x20c: {  	s15 =	simm.s32 $0xBC00  }
0x20d: {  	[tilespmem:s15], [sflag:$0x1] =	stream.indirect_vreg.gather [hbm4b:s13+s4], $0x80, v5, vm0, $0xb8;
	[tilespmem:$0xDC00] =	vst v63  }
0x20e: {  	v5 =	vld.msk [tilespmem:$0x140], $0xff;
	_ =	sdelay $0x4  }
0x20f: {  	v6 =	vshrl.u32 v5, $0x3  }
0x210: {  	v6 =	vmul.u32 $0x30, v6  }
0x211: {  	v5 =	vand.u32 $0x7, v5  }
0x212: {  	v5 =	vor.u32 v5, v6  }
0x213: {  	v5 =	vperm.xlane v5, v2;
	_ =	sdelay $0x1  }
0x214: {  	v5 =	vadd.s32 v3, v5;
	_ =	sdelay $0x3  }
0x215: {  	s15 =	simm.s32 $0xC400  }
0x216: {  	[tilespmem:s15], [sflag:$0x1] =	stream.indirect_vreg.gather [hbm4b:s5+s4], $0x80, v5, vm0, $0xb8;
	[tilespmem:$0xDC00] =	vst v63  }
0x217: {  	s30 =	simm.s32 $0xCC00  }
0x218: {  	[tilespmem:s30], [sflag:$0x1] =	stream.indirect_vreg.gather [hbm4b:s11+s4], $0x80, v5, vm0, $0xb8;
	[tilespmem:$0xDC00] =	vst v63  }
0x219: {  	s28 =	simm.s32 $0xD400  }
0x21a: {  	[tilespmem:s28], [sflag:$0x1] =	stream.indirect_vreg.gather [hbm4b:s13+s4], $0x80, v5, vm0, $0xb8;
	[tilespmem:$0xDC00] =	vst v63  }
0x21b: {  	_ =	swait.ge [sflag:s26], $0xD800  }
0x21c: {  	[sflag:s26] =	ssyncset.done $0x0  }
0x21d: {  	s28 =	rddreg [dreg:$0x1f];
	[sflag:s26] =	ssyncadd.s32 $0xFFFF2800  }
0x21e: {  	[hbm4b:s28+s4] =	stream.linear.scatter [tilespmem:s29], [sflag:$0x2], $0xD800, $0x38;
	[tilespmem:$0xDC00] =	vst v63  }
0x21f: {  	_ =	swait.ge [sflag:s17], $0xD800  }
0x220: {  	[sflag:s17] =	ssyncset.done $0x0  }
0x221: {  	[sflag:s17] =	ssyncadd.s32 $0xFFFF2800  }
0x222: {  	v5 =	vld [tilespmem:$0x148];
	_ =	sdelay $0x4  }
0x223: {  	v6 =	vshrl.u32 v5, $0x3  }
0x224: {  	v6 =	vmul.u32 $0x30, v6  }
0x225: {  	v5 =	vand.u32 $0x7, v5  }
0x226: {  	v5 =	vor.u32 v5, v6  }
0x227: {  	v6 =	vperm.xlane v5, v2;
	_ =	sdelay $0x1  }
0x228: {  	v6 =	vadd.s32 v3, v6;
	_ =	sdelay $0x3  }
0x229: {  	v5 =	vperm.xlane v5, v4  }
0x22a: {  	[tilespmem:s29], [sflag:$0x1] =	stream.indirect_vreg.gather [hbm4b:s5+s4], $0x80, v6, vm0, $0xb8;
	[tilespmem:$0xDC00] =	vst v63  }
0x22b: {  	s28 =	simm.s32 $0xC00;
	v5 =	vadd.s32 v3, v5  }
0x22c: {  	[tilespmem:s28], [sflag:$0x1] =	stream.indirect_vreg.gather [hbm4b:s11+s4], $0x80, v6, vm0, $0xb8;
	[tilespmem:$0xDC00] =	vst v63  }
0x22d: {  	s28 =	simm.s32 $0x1400  }
0x22e: {  	[tilespmem:s28], [sflag:$0x1] =	stream.indirect_vreg.gather [hbm4b:s13+s4], $0x80, v6, vm0, $0xb8;
	[tilespmem:$0xDC00] =	vst v63  }
0x22f: {  	s3 =	simm.s32 $0x1C00  }
0x230: {  	[tilespmem:s3], [sflag:$0x1] =	stream.indirect_vreg.gather [hbm4b:s5+s4], $0x80, v5, vm0, $0xb8;
	[tilespmem:$0xDC00] =	vst v63  }
0x231: {  	s0 =	simm.s32 $0x2400  }
0x232: {  	[tilespmem:s0], [sflag:$0x1] =	stream.indirect_vreg.gather [hbm4b:s11+s4], $0x80, v5, vm0, $0xb8;
	[tilespmem:$0xDC00] =	vst v63  }
0x233: {  	s22 =	simm.s32 $0x2C00  }
0x234: {  	[tilespmem:s22], [sflag:$0x1] =	stream.indirect_vreg.gather [hbm4b:s13+s4], $0x80, v5, vm0, $0xb8;
	[tilespmem:$0xDC00] =	vst v63  }
0x235: {  	v5 =	vld [tilespmem:$0x158];
	_ =	sdelay $0x4  }
0x236: {  	v6 =	vshrl.u32 v5, $0x3  }
0x237: {  	v6 =	vmul.u32 $0x30, v6  }
0x238: {  	v5 =	vand.u32 $0x7, v5  }
0x239: {  	v5 =	vor.u32 v5, v6  }
0x23a: {  	v6 =	vperm.xlane v5, v2;
	_ =	sdelay $0x1  }
0x23b: {  	v6 =	vadd.s32 v3, v6;
	_ =	sdelay $0x3  }
0x23c: {  	s23 =	simm.s32 $0x3400;
	v5 =	vperm.xlane v5, v4  }
0x23d: {  	[tilespmem:s23], [sflag:$0x1] =	stream.indirect_vreg.gather [hbm4b:s5+s4], $0x80, v6, vm0, $0xb8;
	[tilespmem:$0xDC00] =	vst v63  }
0x23e: {  	s2 =	simm.s32 $0x3C00;
	v5 =	vadd.s32 v3, v5  }
0x23f: {  	[tilespmem:s2], [sflag:$0x1] =	stream.indirect_vreg.gather [hbm4b:s11+s4], $0x80, v6, vm0, $0xb8;
	[tilespmem:$0xDC00] =	vst v63  }
0x240: {  	s19 =	simm.s32 $0x4400  }
0x241: {  	[tilespmem:s19], [sflag:$0x1] =	stream.indirect_vreg.gather [hbm4b:s13+s4], $0x80, v6, vm0, $0xb8;
	[tilespmem:$0xDC00] =	vst v63  }
0x242: {  	s6 =	simm.s32 $0x4C00  }
0x243: {  	[tilespmem:s6], [sflag:$0x1] =	stream.indirect_vreg.gather [hbm4b:s5+s4], $0x80, v5, vm0, $0xb8;
	[tilespmem:$0xDC00] =	vst v63  }
0x244: {  	s20 =	simm.s32 $0x5400  }
0x245: {  	[tilespmem:s20], [sflag:$0x1] =	stream.indirect_vreg.gather [hbm4b:s11+s4], $0x80, v5, vm0, $0xb8;
	[tilespmem:$0xDC00] =	vst v63  }
0x246: {  	s21 =	simm.s32 $0x5C00  }
0x247: {  	[tilespmem:s21], [sflag:$0x1] =	stream.indirect_vreg.gather [hbm4b:s13+s4], $0x80, v5, vm0, $0xb8;
	[tilespmem:$0xDC00] =	vst v63  }
0x248: {  	v5 =	vld [tilespmem:$0x168];
	_ =	sdelay $0x4  }
0x249: {  	v6 =	vshrl.u32 v5, $0x3  }
0x24a: {  	v6 =	vmul.u32 $0x30, v6  }
0x24b: {  	v5 =	vand.u32 $0x7, v5  }
0x24c: {  	v5 =	vor.u32 v5, v6  }
0x24d: {  	v6 =	vperm.xlane v5, v2;
	_ =	sdelay $0x1  }
0x24e: {  	v6 =	vadd.s32 v3, v6;
	_ =	sdelay $0x3  }
0x24f: {  	s24 =	simm.s32 $0x6400;
	v5 =	vperm.xlane v5, v4  }
0x250: {  	[tilespmem:s24], [sflag:$0x1] =	stream.indirect_vreg.gather [hbm4b:s5+s4], $0x80, v6, vm0, $0xb8;
	[tilespmem:$0xDC00] =	vst v63  }
0x251: {  	s31 =	simm.s32 $0x6C00;
	v5 =	vadd.s32 v3, v5  }
0x252: {  	[tilespmem:s31], [sflag:$0x1] =	stream.indirect_vreg.gather [hbm4b:s11+s4], $0x80, v6, vm0, $0xb8;
	[tilespmem:$0xDC00] =	vst v63  }
0x253: {  	s24 =	simm.s32 $0x7400  }
0x254: {  	[tilespmem:s24], [sflag:$0x1] =	stream.indirect_vreg.gather [hbm4b:s13+s4], $0x80, v6, vm0, $0xb8;
	[tilespmem:$0xDC00] =	vst v63  }
0x255: {  	s24 =	simm.s32 $0x7C00  }
0x256: {  	[tilespmem:s24], [sflag:$0x1] =	stream.indirect_vreg.gather [hbm4b:s5+s4], $0x80, v5, vm0, $0xb8;
	[tilespmem:$0xDC00] =	vst v63  }
0x257: {  	s24 =	simm.s32 $0x8400  }
0x258: {  	[tilespmem:s24], [sflag:$0x1] =	stream.indirect_vreg.gather [hbm4b:s11+s4], $0x80, v5, vm0, $0xb8;
	[tilespmem:$0xDC00] =	vst v63  }
0x259: {  	s24 =	simm.s32 $0x8C00  }
0x25a: {  	[tilespmem:s24], [sflag:$0x1] =	stream.indirect_vreg.gather [hbm4b:s13+s4], $0x80, v5, vm0, $0xb8;
	[tilespmem:$0xDC00] =	vst v63  }
0x25b: {  	v5 =	vld [tilespmem:$0x178];
	_ =	sdelay $0x4  }
0x25c: {  	v6 =	vshrl.u32 v5, $0x3  }
0x25d: {  	v6 =	vmul.u32 $0x30, v6  }
0x25e: {  	v5 =	vand.u32 $0x7, v5  }
0x25f: {  	v5 =	vor.u32 v5, v6  }
0x260: {  	v6 =	vperm.xlane v5, v2;
	_ =	sdelay $0x1  }
0x261: {  	v6 =	vadd.s32 v3, v6;
	_ =	sdelay $0x3  }
0x262: {  	s24 =	simm.s32 $0x9400;
	v5 =	vperm.xlane v5, v4  }
0x263: {  	[tilespmem:s24], [sflag:$0x1] =	stream.indirect_vreg.gather [hbm4b:s5+s4], $0x80, v6, vm0, $0xb8;
	[tilespmem:$0xDC00] =	vst v63  }
0x264: {  	s25 =	simm.s32 $0x9C00;
	v5 =	vadd.s32 v3, v5  }
0x265: {  	[tilespmem:s25], [sflag:$0x1] =	stream.indirect_vreg.gather [hbm4b:s11+s4], $0x80, v6, vm0, $0xb8;
	[tilespmem:$0xDC00] =	vst v63  }
0x266: {  	s12 =	simm.s32 $0xA400  }
0x267: {  	[tilespmem:s12], [sflag:$0x1] =	stream.indirect_vreg.gather [hbm4b:s13+s4], $0x80, v6, vm0, $0xb8;
	[tilespmem:$0xDC00] =	vst v63  }
0x268: {  	s14 =	simm.s32 $0xAC00  }
0x269: {  	[tilespmem:s14], [sflag:$0x1] =	stream.indirect_vreg.gather [hbm4b:s5+s4], $0x80, v5, vm0, $0xb8;
	[tilespmem:$0xDC00] =	vst v63  }
0x26a: {  	s18 =	simm.s32 $0xB400  }
0x26b: {  	[tilespmem:s18], [sflag:$0x1] =	stream.indirect_vreg.gather [hbm4b:s11+s4], $0x80, v5, vm0, $0xb8;
	[tilespmem:$0xDC00] =	vst v63  }
0x26c: {  	s25 =	simm.s32 $0xBC00  }
0x26d: {  	[tilespmem:s25], [sflag:$0x1] =	stream.indirect_vreg.gather [hbm4b:s13+s4], $0x80, v5, vm0, $0xb8;
	[tilespmem:$0xDC00] =	vst v63  }
0x26e: {  	v5 =	vld.msk [tilespmem:$0x188], $0xff;
	_ =	sdelay $0x4  }
0x26f: {  	v6 =	vshrl.u32 v5, $0x3  }
0x270: {  	v6 =	vmul.u32 $0x30, v6  }
0x271: {  	v5 =	vand.u32 $0x7, v5  }
0x272: {  	v5 =	vor.u32 v5, v6  }
0x273: {  	v5 =	vperm.xlane v5, v2;
	_ =	sdelay $0x1  }
0x274: {  	v5 =	vadd.s32 v3, v5;
	_ =	sdelay $0x3  }
0x275: {  	s15 =	simm.s32 $0xC400  }
0x276: {  	[tilespmem:s15], [sflag:$0x1] =	stream.indirect_vreg.gather [hbm4b:s5+s4], $0x80, v5, vm0, $0xb8;
	[tilespmem:$0xDC00] =	vst v63  }
0x277: {  	s30 =	simm.s32 $0xCC00  }
0x278: {  	[tilespmem:s30], [sflag:$0x1] =	stream.indirect_vreg.gather [hbm4b:s11+s4], $0x80, v5, vm0, $0xb8;
	[tilespmem:$0xDC00] =	vst v63  }
0x279: {  	s28 =	simm.s32 $0xD400  }
0x27a: {  	[tilespmem:s28], [sflag:$0x1] =	stream.indirect_vreg.gather [hbm4b:s13+s4], $0x80, v5, vm0, $0xb8;
	[tilespmem:$0xDC00] =	vst v63  }
0x27b: {  	_ =	swait.ge [sflag:s26], $0xD800  }
0x27c: {  	[sflag:s26] =	ssyncset.done $0x0  }
0x27d: {  	s28 =	rddreg [dreg:$0xf];
	[sflag:s26] =	ssyncadd.s32 $0xFFFF2800  }
0x27e: {  	[hbm4b:s28+s4] =	stream.linear.scatter [tilespmem:s29], [sflag:$0x2], $0xD800, $0x38;
	[tilespmem:$0xDC00] =	vst v63  }
0x27f: {  	_ =	swait.ge [sflag:s17], $0xD800  }
0x280: {  	[sflag:s17] =	ssyncset.done $0x0  }
0x281: {  	[sflag:s17] =	ssyncadd.s32 $0xFFFF2800  }
0x282: {  	v5 =	vld [tilespmem:$0x190];
	_ =	sdelay $0x4  }
0x283: {  	v6 =	vshrl.u32 v5, $0x3  }
0x284: {  	v6 =	vmul.u32 $0x30, v6  }
0x285: {  	v5 =	vand.u32 $0x7, v5  }
0x286: {  	v5 =	vor.u32 v5, v6  }
0x287: {  	v6 =	vperm.xlane v5, v2;
	_ =	sdelay $0x1  }
0x288: {  	v6 =	vadd.s32 v3, v6;
	_ =	sdelay $0x3  }
0x289: {  	v5 =	vperm.xlane v5, v4  }
0x28a: {  	[tilespmem:s29], [sflag:$0x1] =	stream.indirect_vreg.gather [hbm4b:s5+s4], $0x80, v6, vm0, $0xb8;
	[tilespmem:$0xDC00] =	vst v63  }
0x28b: {  	s28 =	simm.s32 $0xC00;
	v5 =	vadd.s32 v3, v5  }
0x28c: {  	[tilespmem:s28], [sflag:$0x1] =	stream.indirect_vreg.gather [hbm4b:s11+s4], $0x80, v6, vm0, $0xb8;
	[tilespmem:$0xDC00] =	vst v63  }
0x28d: {  	s28 =	simm.s32 $0x1400  }
0x28e: {  	[tilespmem:s28], [sflag:$0x1] =	stream.indirect_vreg.gather [hbm4b:s13+s4], $0x80, v6, vm0, $0xb8;
	[tilespmem:$0xDC00] =	vst v63  }
0x28f: {  	s28 =	simm.s32 $0x1C00  }
0x290: {  	[tilespmem:s28], [sflag:$0x1] =	stream.indirect_vreg.gather [hbm4b:s5+s4], $0x80, v5, vm0, $0xb8;
	[tilespmem:$0xDC00] =	vst v63  }
0x291: {  	s0 =	simm.s32 $0x2400  }
0x292: {  	[tilespmem:s0], [sflag:$0x1] =	stream.indirect_vreg.gather [hbm4b:s11+s4], $0x80, v5, vm0, $0xb8;
	[tilespmem:$0xDC00] =	vst v63  }
0x293: {  	s0 =	simm.s32 $0x2C00  }
0x294: {  	[tilespmem:s0], [sflag:$0x1] =	stream.indirect_vreg.gather [hbm4b:s13+s4], $0x80, v5, vm0, $0xb8;
	[tilespmem:$0xDC00] =	vst v63  }
0x295: {  	v5 =	vld [tilespmem:$0x1A0];
	_ =	sdelay $0x4  }
0x296: {  	v6 =	vshrl.u32 v5, $0x3  }
0x297: {  	v6 =	vmul.u32 $0x30, v6  }
0x298: {  	v5 =	vand.u32 $0x7, v5  }
0x299: {  	v5 =	vor.u32 v5, v6  }
0x29a: {  	v6 =	vperm.xlane v5, v2;
	_ =	sdelay $0x1  }
0x29b: {  	v6 =	vadd.s32 v3, v6;
	_ =	sdelay $0x3  }
0x29c: {  	s23 =	simm.s32 $0x3400;
	v5 =	vperm.xlane v5, v4  }
0x29d: {  	[tilespmem:s23], [sflag:$0x1] =	stream.indirect_vreg.gather [hbm4b:s5+s4], $0x80, v6, vm0, $0xb8;
	[tilespmem:$0xDC00] =	vst v63  }
0x29e: {  	s2 =	simm.s32 $0x3C00;
	v5 =	vadd.s32 v3, v5  }
0x29f: {  	[tilespmem:s2], [sflag:$0x1] =	stream.indirect_vreg.gather [hbm4b:s11+s4], $0x80, v6, vm0, $0xb8;
	[tilespmem:$0xDC00] =	vst v63  }
0x2a0: {  	s22 =	simm.s32 $0x4400  }
0x2a1: {  	[tilespmem:s22], [sflag:$0x1] =	stream.indirect_vreg.gather [hbm4b:s13+s4], $0x80, v6, vm0, $0xb8;
	[tilespmem:$0xDC00] =	vst v63  }
0x2a2: {  	s3 =	simm.s32 $0x4C00  }
0x2a3: {  	[tilespmem:s3], [sflag:$0x1] =	stream.indirect_vreg.gather [hbm4b:s5+s4], $0x80, v5, vm0, $0xb8;
	[tilespmem:$0xDC00] =	vst v63  }
0x2a4: {  	s6 =	simm.s32 $0x5400  }
0x2a5: {  	[tilespmem:s6], [sflag:$0x1] =	stream.indirect_vreg.gather [hbm4b:s11+s4], $0x80, v5, vm0, $0xb8;
	[tilespmem:$0xDC00] =	vst v63  }
0x2a6: {  	s20 =	simm.s32 $0x5C00  }
0x2a7: {  	[tilespmem:s20], [sflag:$0x1] =	stream.indirect_vreg.gather [hbm4b:s13+s4], $0x80, v5, vm0, $0xb8;
	[tilespmem:$0xDC00] =	vst v63  }
0x2a8: {  	v5 =	vld [tilespmem:$0x1B0];
	_ =	sdelay $0x4  }
0x2a9: {  	v6 =	vshrl.u32 v5, $0x3  }
0x2aa: {  	v6 =	vmul.u32 $0x30, v6  }
0x2ab: {  	v5 =	vand.u32 $0x7, v5  }
0x2ac: {  	v5 =	vor.u32 v5, v6  }
0x2ad: {  	v6 =	vperm.xlane v5, v2;
	_ =	sdelay $0x1  }
0x2ae: {  	v6 =	vadd.s32 v3, v6;
	_ =	sdelay $0x3  }
0x2af: {  	s21 =	simm.s32 $0x6400;
	v5 =	vperm.xlane v5, v4  }
0x2b0: {  	[tilespmem:s21], [sflag:$0x1] =	stream.indirect_vreg.gather [hbm4b:s5+s4], $0x80, v6, vm0, $0xb8;
	[tilespmem:$0xDC00] =	vst v63  }
0x2b1: {  	s31 =	simm.s32 $0x6C00;
	v5 =	vadd.s32 v3, v5  }
0x2b2: {  	[tilespmem:s31], [sflag:$0x1] =	stream.indirect_vreg.gather [hbm4b:s11+s4], $0x80, v6, vm0, $0xb8;
	[tilespmem:$0xDC00] =	vst v63  }
0x2b3: {  	s20 =	simm.s32 $0x7400  }
0x2b4: {  	[tilespmem:s20], [sflag:$0x1] =	stream.indirect_vreg.gather [hbm4b:s13+s4], $0x80, v6, vm0, $0xb8;
	[tilespmem:$0xDC00] =	vst v63  }
0x2b5: {  	s20 =	simm.s32 $0x7C00  }
0x2b6: {  	[tilespmem:s20], [sflag:$0x1] =	stream.indirect_vreg.gather [hbm4b:s5+s4], $0x80, v5, vm0, $0xb8;
	[tilespmem:$0xDC00] =	vst v63  }
0x2b7: {  	s20 =	simm.s32 $0x8400  }
0x2b8: {  	[tilespmem:s20], [sflag:$0x1] =	stream.indirect_vreg.gather [hbm4b:s11+s4], $0x80, v5, vm0, $0xb8;
	[tilespmem:$0xDC00] =	vst v63  }
0x2b9: {  	s20 =	simm.s32 $0x8C00  }
0x2ba: {  	[tilespmem:s20], [sflag:$0x1] =	stream.indirect_vreg.gather [hbm4b:s13+s4], $0x80, v5, vm0, $0xb8;
	[tilespmem:$0xDC00] =	vst v63  }
0x2bb: {  	v5 =	vld [tilespmem:$0x1C0];
	_ =	sdelay $0x4  }
0x2bc: {  	v6 =	vshrl.u32 v5, $0x3  }
0x2bd: {  	v6 =	vmul.u32 $0x30, v6  }
0x2be: {  	v5 =	vand.u32 $0x7, v5  }
0x2bf: {  	v5 =	vor.u32 v5, v6  }
0x2c0: {  	v6 =	vperm.xlane v5, v2;
	_ =	sdelay $0x1  }
0x2c1: {  	v6 =	vadd.s32 v3, v6;
	_ =	sdelay $0x3  }
0x2c2: {  	s20 =	simm.s32 $0x9400;
	v5 =	vperm.xlane v5, v4  }
0x2c3: {  	[tilespmem:s20], [sflag:$0x1] =	stream.indirect_vreg.gather [hbm4b:s5+s4], $0x80, v6, vm0, $0xb8;
	[tilespmem:$0xDC00] =	vst v63  }
0x2c4: {  	s24 =	simm.s32 $0x9C00;
	v5 =	vadd.s32 v3, v5  }
0x2c5: {  	[tilespmem:s24], [sflag:$0x1] =	stream.indirect_vreg.gather [hbm4b:s11+s4], $0x80, v6, vm0, $0xb8;
	[tilespmem:$0xDC00] =	vst v63  }
0x2c6: {  	s12 =	simm.s32 $0xA400  }
0x2c7: {  	[tilespmem:s12], [sflag:$0x1] =	stream.indirect_vreg.gather [hbm4b:s13+s4], $0x80, v6, vm0, $0xb8;
	[tilespmem:$0xDC00] =	vst v63  }
0x2c8: {  	s14 =	simm.s32 $0xAC00  }
0x2c9: {  	[tilespmem:s14], [sflag:$0x1] =	stream.indirect_vreg.gather [hbm4b:s5+s4], $0x80, v5, vm0, $0xb8;
	[tilespmem:$0xDC00] =	vst v63  }
0x2ca: {  	s19 =	simm.s32 $0xB400  }
0x2cb: {  	[tilespmem:s19], [sflag:$0x1] =	stream.indirect_vreg.gather [hbm4b:s11+s4], $0x80, v5, vm0, $0xb8;
	[tilespmem:$0xDC00] =	vst v63  }
0x2cc: {  	s25 =	simm.s32 $0xBC00  }
0x2cd: {  	[tilespmem:s25], [sflag:$0x1] =	stream.indirect_vreg.gather [hbm4b:s13+s4], $0x80, v5, vm0, $0xb8;
	[tilespmem:$0xDC00] =	vst v63  }
0x2ce: {  	v5 =	vld.msk [tilespmem:$0x1D0], $0xff;
	_ =	sdelay $0x4  }
0x2cf: {  	v6 =	vshrl.u32 v5, $0x3  }
0x2d0: {  	v6 =	vmul.u32 $0x30, v6  }
0x2d1: {  	v5 =	vand.u32 $0x7, v5  }
0x2d2: {  	v5 =	vor.u32 v5, v6  }
0x2d3: {  	v5 =	vperm.xlane v5, v2;
	_ =	sdelay $0x1  }
0x2d4: {  	v5 =	vadd.s32 v3, v5;
	_ =	sdelay $0x3  }
0x2d5: {  	s15 =	simm.s32 $0xC400  }
0x2d6: {  	[tilespmem:s15], [sflag:$0x1] =	stream.indirect_vreg.gather [hbm4b:s5+s4], $0x80, v5, vm0, $0xb8;
	[tilespmem:$0xDC00] =	vst v63  }
0x2d7: {  	s18 =	simm.s32 $0xCC00  }
0x2d8: {  	[tilespmem:s18], [sflag:$0x1] =	stream.indirect_vreg.gather [hbm4b:s11+s4], $0x80, v5, vm0, $0xb8;
	[tilespmem:$0xDC00] =	vst v63  }
0x2d9: {  	s30 =	simm.s32 $0xD400  }
0x2da: {  	[tilespmem:s30], [sflag:$0x1] =	stream.indirect_vreg.gather [hbm4b:s13+s4], $0x80, v5, vm0, $0xb8;
	[tilespmem:$0xDC00] =	vst v63  }
0x2db: {  	_ =	swait.ge [sflag:s26], $0xD800  }
0x2dc: {  	[sflag:s26] =	ssyncset.done $0x0  }
0x2dd: {  	s28 =	rddreg [dreg:$0x10];
	[sflag:s26] =	ssyncadd.s32 $0xFFFF2800  }
0x2de: {  	[hbm4b:s28+s4] =	stream.linear.scatter [tilespmem:s29], [sflag:$0x2], $0xD800, $0x38;
	[tilespmem:$0xDC00] =	vst v63  }
0x2df: {  	_ =	swait.ge [sflag:s17], $0xD800  }
0x2e0: {  	[sflag:s17] =	ssyncset.done $0x0  }
0x2e1: {  	[sflag:s17] =	ssyncadd.s32 $0xFFFF2800  }
0x2e2: {  	v5 =	vld [tilespmem:$0x1D8];
	_ =	sdelay $0x4  }
0x2e3: {  	v6 =	vshrl.u32 v5, $0x3  }
0x2e4: {  	v6 =	vmul.u32 $0x30, v6  }
0x2e5: {  	v5 =	vand.u32 $0x7, v5  }
0x2e6: {  	v5 =	vor.u32 v5, v6  }
0x2e7: {  	v6 =	vperm.xlane v5, v2;
	_ =	sdelay $0x1  }
0x2e8: {  	v6 =	vadd.s32 v3, v6;
	_ =	sdelay $0x3  }
0x2e9: {  	v5 =	vperm.xlane v5, v4  }
0x2ea: {  	[tilespmem:s29], [sflag:$0x1] =	stream.indirect_vreg.gather [hbm4b:s5+s4], $0x80, v6, vm0, $0xb8;
	[tilespmem:$0xDC00] =	vst v63  }
0x2eb: {  	s30 =	simm.s32 $0xC00;
	v5 =	vadd.s32 v3, v5  }
0x2ec: {  	[tilespmem:s30], [sflag:$0x1] =	stream.indirect_vreg.gather [hbm4b:s11+s4], $0x80, v6, vm0, $0xb8;
	[tilespmem:$0xDC00] =	vst v63  }
0x2ed: {  	s30 =	simm.s32 $0x1400  }
0x2ee: {  	[tilespmem:s30], [sflag:$0x1] =	stream.indirect_vreg.gather [hbm4b:s13+s4], $0x80, v6, vm0, $0xb8;
	[tilespmem:$0xDC00] =	vst v63  }
0x2ef: {  	s30 =	simm.s32 $0x1C00  }
0x2f0: {  	[tilespmem:s30], [sflag:$0x1] =	stream.indirect_vreg.gather [hbm4b:s5+s4], $0x80, v5, vm0, $0xb8;
	[tilespmem:$0xDC00] =	vst v63  }
0x2f1: {  	s30 =	simm.s32 $0x2400  }
0x2f2: {  	[tilespmem:s30], [sflag:$0x1] =	stream.indirect_vreg.gather [hbm4b:s11+s4], $0x80, v5, vm0, $0xb8;
	[tilespmem:$0xDC00] =	vst v63  }
0x2f3: {  	s0 =	simm.s32 $0x2C00  }
0x2f4: {  	[tilespmem:s0], [sflag:$0x1] =	stream.indirect_vreg.gather [hbm4b:s13+s4], $0x80, v5, vm0, $0xb8;
	[tilespmem:$0xDC00] =	vst v63  }
0x2f5: {  	v5 =	vld [tilespmem:$0x1E8];
	_ =	sdelay $0x4  }
0x2f6: {  	v6 =	vshrl.u32 v5, $0x3  }
0x2f7: {  	v6 =	vmul.u32 $0x30, v6  }
0x2f8: {  	v5 =	vand.u32 $0x7, v5  }
0x2f9: {  	v5 =	vor.u32 v5, v6  }
0x2fa: {  	v6 =	vperm.xlane v5, v2;
	_ =	sdelay $0x1  }
0x2fb: {  	v6 =	vadd.s32 v3, v6;
	_ =	sdelay $0x3  }
0x2fc: {  	s0 =	simm.s32 $0x3400;
	v5 =	vperm.xlane v5, v4  }
0x2fd: {  	[tilespmem:s0], [sflag:$0x1] =	stream.indirect_vreg.gather [hbm4b:s5+s4], $0x80, v6, vm0, $0xb8;
	[tilespmem:$0xDC00] =	vst v63  }
0x2fe: {  	s2 =	simm.s32 $0x3C00;
	v5 =	vadd.s32 v3, v5  }
0x2ff: {  	[tilespmem:s2], [sflag:$0x1] =	stream.indirect_vreg.gather [hbm4b:s11+s4], $0x80, v6, vm0, $0xb8;
	[tilespmem:$0xDC00] =	vst v63  }
0x300: {  	s2 =	simm.s32 $0x4400  }
0x301: {  	[tilespmem:s2], [sflag:$0x1] =	stream.indirect_vreg.gather [hbm4b:s13+s4], $0x80, v6, vm0, $0xb8;
	[tilespmem:$0xDC00] =	vst v63  }
0x302: {  	s3 =	simm.s32 $0x4C00  }
0x303: {  	[tilespmem:s3], [sflag:$0x1] =	stream.indirect_vreg.gather [hbm4b:s5+s4], $0x80, v5, vm0, $0xb8;
	[tilespmem:$0xDC00] =	vst v63  }
0x304: {  	s23 =	simm.s32 $0x5400  }
0x305: {  	[tilespmem:s23], [sflag:$0x1] =	stream.indirect_vreg.gather [hbm4b:s11+s4], $0x80, v5, vm0, $0xb8;
	[tilespmem:$0xDC00] =	vst v63  }
0x306: {  	s22 =	simm.s32 $0x5C00  }
0x307: {  	[tilespmem:s22], [sflag:$0x1] =	stream.indirect_vreg.gather [hbm4b:s13+s4], $0x80, v5, vm0, $0xb8;
	[tilespmem:$0xDC00] =	vst v63  }
0x308: {  	v5 =	vld [tilespmem:$0x1F8];
	_ =	sdelay $0x4  }
0x309: {  	v6 =	vshrl.u32 v5, $0x3  }
0x30a: {  	v6 =	vmul.u32 $0x30, v6  }
0x30b: {  	v5 =	vand.u32 $0x7, v5  }
0x30c: {  	v5 =	vor.u32 v5, v6  }
0x30d: {  	v6 =	vperm.xlane v5, v2;
	_ =	sdelay $0x1  }
0x30e: {  	v6 =	vadd.s32 v3, v6;
	_ =	sdelay $0x3  }
0x30f: {  	s21 =	simm.s32 $0x6400;
	v5 =	vperm.xlane v5, v4  }
0x310: {  	[tilespmem:s21], [sflag:$0x1] =	stream.indirect_vreg.gather [hbm4b:s5+s4], $0x80, v6, vm0, $0xb8;
	[tilespmem:$0xDC00] =	vst v63  }
0x311: {  	s31 =	simm.s32 $0x6C00;
	v5 =	vadd.s32 v3, v5  }
0x312: {  	[tilespmem:s31], [sflag:$0x1] =	stream.indirect_vreg.gather [hbm4b:s11+s4], $0x80, v6, vm0, $0xb8;
	[tilespmem:$0xDC00] =	vst v63  }
0x313: {  	s3 =	simm.s32 $0x7400  }
0x314: {  	[tilespmem:s3], [sflag:$0x1] =	stream.indirect_vreg.gather [hbm4b:s13+s4], $0x80, v6, vm0, $0xb8;
	[tilespmem:$0xDC00] =	vst v63  }
0x315: {  	s3 =	simm.s32 $0x7C00  }
0x316: {  	[tilespmem:s3], [sflag:$0x1] =	stream.indirect_vreg.gather [hbm4b:s5+s4], $0x80, v5, vm0, $0xb8;
	[tilespmem:$0xDC00] =	vst v63  }
0x317: {  	s3 =	simm.s32 $0x8400  }
0x318: {  	[tilespmem:s3], [sflag:$0x1] =	stream.indirect_vreg.gather [hbm4b:s11+s4], $0x80, v5, vm0, $0xb8;
	[tilespmem:$0xDC00] =	vst v63  }
0x319: {  	s3 =	simm.s32 $0x8C00  }
0x31a: {  	[tilespmem:s3], [sflag:$0x1] =	stream.indirect_vreg.gather [hbm4b:s13+s4], $0x80, v5, vm0, $0xb8;
	[tilespmem:$0xDC00] =	vst v63  }
0x31b: {  	v5 =	vld [tilespmem:$0x208];
	_ =	sdelay $0x4  }
0x31c: {  	v6 =	vshrl.u32 v5, $0x3  }
0x31d: {  	v6 =	vmul.u32 $0x30, v6  }
0x31e: {  	v5 =	vand.u32 $0x7, v5  }
0x31f: {  	v5 =	vor.u32 v5, v6  }
0x320: {  	v6 =	vperm.xlane v5, v2;
	_ =	sdelay $0x1  }
0x321: {  	v6 =	vadd.s32 v3, v6;
	_ =	sdelay $0x3  }
0x322: {  	s3 =	simm.s32 $0x9400;
	v5 =	vperm.xlane v5, v4  }
0x323: {  	[tilespmem:s3], [sflag:$0x1] =	stream.indirect_vreg.gather [hbm4b:s5+s4], $0x80, v6, vm0, $0xb8;
	[tilespmem:$0xDC00] =	vst v63  }
0x324: {  	s24 =	simm.s32 $0x9C00;
	v5 =	vadd.s32 v3, v5  }
0x325: {  	[tilespmem:s24], [sflag:$0x1] =	stream.indirect_vreg.gather [hbm4b:s11+s4], $0x80, v6, vm0, $0xb8;
	[tilespmem:$0xDC00] =	vst v63  }
0x326: {  	s6 =	simm.s32 $0xA400  }
0x327: {  	[tilespmem:s6], [sflag:$0x1] =	stream.indirect_vreg.gather [hbm4b:s13+s4], $0x80, v6, vm0, $0xb8;
	[tilespmem:$0xDC00] =	vst v63  }
0x328: {  	s12 =	simm.s32 $0xAC00  }
0x329: {  	[tilespmem:s12], [sflag:$0x1] =	stream.indirect_vreg.gather [hbm4b:s5+s4], $0x80, v5, vm0, $0xb8;
	[tilespmem:$0xDC00] =	vst v63  }
0x32a: {  	s20 =	simm.s32 $0xB400  }
0x32b: {  	[tilespmem:s20], [sflag:$0x1] =	stream.indirect_vreg.gather [hbm4b:s11+s4], $0x80, v5, vm0, $0xb8;
	[tilespmem:$0xDC00] =	vst v63  }
0x32c: {  	s19 =	simm.s32 $0xBC00  }
0x32d: {  	[tilespmem:s19], [sflag:$0x1] =	stream.indirect_vreg.gather [hbm4b:s13+s4], $0x80, v5, vm0, $0xb8;
	[tilespmem:$0xDC00] =	vst v63  }
0x32e: {  	v5 =	vld.msk [tilespmem:$0x218], $0xff;
	_ =	sdelay $0x4  }
0x32f: {  	v6 =	vshrl.u32 v5, $0x3  }
0x330: {  	v6 =	vmul.u32 $0x30, v6  }
0x331: {  	v5 =	vand.u32 $0x7, v5  }
0x332: {  	v5 =	vor.u32 v5, v6  }
0x333: {  	v5 =	vperm.xlane v5, v2;
	_ =	sdelay $0x1  }
0x334: {  	v5 =	vadd.s32 v3, v5;
	_ =	sdelay $0x3  }
0x335: {  	s14 =	simm.s32 $0xC400  }
0x336: {  	[tilespmem:s14], [sflag:$0x1] =	stream.indirect_vreg.gather [hbm4b:s5+s4], $0x80, v5, vm0, $0xb8;
	[tilespmem:$0xDC00] =	vst v63  }
0x337: {  	s15 =	simm.s32 $0xCC00  }
0x338: {  	[tilespmem:s15], [sflag:$0x1] =	stream.indirect_vreg.gather [hbm4b:s11+s4], $0x80, v5, vm0, $0xb8;
	[tilespmem:$0xDC00] =	vst v63  }
0x339: {  	s18 =	simm.s32 $0xD400  }
0x33a: {  	[tilespmem:s18], [sflag:$0x1] =	stream.indirect_vreg.gather [hbm4b:s13+s4], $0x80, v5, vm0, $0xb8;
	[tilespmem:$0xDC00] =	vst v63  }
0x33b: {  	_ =	swait.ge [sflag:s26], $0xD800  }
0x33c: {  	[sflag:s26] =	ssyncset.done $0x0  }
0x33d: {  	s28 =	rddreg [dreg:$0x11];
	[sflag:s26] =	ssyncadd.s32 $0xFFFF2800  }
0x33e: {  	[hbm4b:s28+s4] =	stream.linear.scatter [tilespmem:s29], [sflag:$0x2], $0xD800, $0x38;
	[tilespmem:$0xDC00] =	vst v63  }
0x33f: {  	_ =	swait.ge [sflag:s17], $0xD800  }
0x340: {  	[sflag:s17] =	ssyncset.done $0x0  }
0x341: {  	[sflag:s17] =	ssyncadd.s32 $0xFFFF2800  }
0x342: {  	v5 =	vld [tilespmem:$0x220];
	_ =	sdelay $0x4  }
0x343: {  	v6 =	vshrl.u32 v5, $0x3  }
0x344: {  	v6 =	vmul.u32 $0x30, v6  }
0x345: {  	v5 =	vand.u32 $0x7, v5  }
0x346: {  	v5 =	vor.u32 v5, v6  }
0x347: {  	v6 =	vperm.xlane v5, v2;
	_ =	sdelay $0x1  }
0x348: {  	v6 =	vadd.s32 v3, v6;
	_ =	sdelay $0x3  }
0x349: {  	v5 =	vperm.xlane v5, v4  }
0x34a: {  	[tilespmem:s29], [sflag:$0x1] =	stream.indirect_vreg.gather [hbm4b:s5+s4], $0x80, v6, vm0, $0xb8;
	[tilespmem:$0xDC00] =	vst v63  }
0x34b: {  	s18 =	simm.s32 $0xC00;
	v5 =	vadd.s32 v3, v5  }
0x34c: {  	[tilespmem:s18], [sflag:$0x1] =	stream.indirect_vreg.gather [hbm4b:s11+s4], $0x80, v6, vm0, $0xb8;
	[tilespmem:$0xDC00] =	vst v63  }
0x34d: {  	s18 =	simm.s32 $0x1400  }
0x34e: {  	[tilespmem:s18], [sflag:$0x1] =	stream.indirect_vreg.gather [hbm4b:s13+s4], $0x80, v6, vm0, $0xb8;
	[tilespmem:$0xDC00] =	vst v63  }
0x34f: {  	s18 =	simm.s32 $0x1C00  }
0x350: {  	[tilespmem:s18], [sflag:$0x1] =	stream.indirect_vreg.gather [hbm4b:s5+s4], $0x80, v5, vm0, $0xb8;
	[tilespmem:$0xDC00] =	vst v63  }
0x351: {  	s25 =	simm.s32 $0x2400  }
0x352: {  	[tilespmem:s25], [sflag:$0x1] =	stream.indirect_vreg.gather [hbm4b:s11+s4], $0x80, v5, vm0, $0xb8;
	[tilespmem:$0xDC00] =	vst v63  }
0x353: {  	s30 =	simm.s32 $0x2C00  }
0x354: {  	[tilespmem:s30], [sflag:$0x1] =	stream.indirect_vreg.gather [hbm4b:s13+s4], $0x80, v5, vm0, $0xb8;
	[tilespmem:$0xDC00] =	vst v63  }
0x355: {  	v5 =	vld [tilespmem:$0x230];
	_ =	sdelay $0x4  }
0x356: {  	v6 =	vshrl.u32 v5, $0x3  }
0x357: {  	v6 =	vmul.u32 $0x30, v6  }
0x358: {  	v5 =	vand.u32 $0x7, v5  }
0x359: {  	v5 =	vor.u32 v5, v6  }
0x35a: {  	v6 =	vperm.xlane v5, v2;
	_ =	sdelay $0x1  }
0x35b: {  	v6 =	vadd.s32 v3, v6;
	_ =	sdelay $0x3  }
0x35c: {  	s28 =	simm.s32 $0x3400;
	v5 =	vperm.xlane v5, v4  }
0x35d: {  	[tilespmem:s28], [sflag:$0x1] =	stream.indirect_vreg.gather [hbm4b:s5+s4], $0x80, v6, vm0, $0xb8;
	[tilespmem:$0xDC00] =	vst v63  }
0x35e: {  	s0 =	simm.s32 $0x3C00;
	v5 =	vadd.s32 v3, v5  }
0x35f: {  	[tilespmem:s0], [sflag:$0x1] =	stream.indirect_vreg.gather [hbm4b:s11+s4], $0x80, v6, vm0, $0xb8;
	[tilespmem:$0xDC00] =	vst v63  }
0x360: {  	s28 =	simm.s32 $0x4400  }
0x361: {  	[tilespmem:s28], [sflag:$0x1] =	stream.indirect_vreg.gather [hbm4b:s13+s4], $0x80, v6, vm0, $0xb8;
	[tilespmem:$0xDC00] =	vst v63  }
0x362: {  	s2 =	simm.s32 $0x4C00  }
0x363: {  	[tilespmem:s2], [sflag:$0x1] =	stream.indirect_vreg.gather [hbm4b:s5+s4], $0x80, v5, vm0, $0xb8;
	[tilespmem:$0xDC00] =	vst v63  }
0x364: {  	s23 =	simm.s32 $0x5400  }
0x365: {  	[tilespmem:s23], [sflag:$0x1] =	stream.indirect_vreg.gather [hbm4b:s11+s4], $0x80, v5, vm0, $0xb8;
	[tilespmem:$0xDC00] =	vst v63  }
0x366: {  	s22 =	simm.s32 $0x5C00  }
0x367: {  	[tilespmem:s22], [sflag:$0x1] =	stream.indirect_vreg.gather [hbm4b:s13+s4], $0x80, v5, vm0, $0xb8;
	[tilespmem:$0xDC00] =	vst v63  }
0x368: {  	v5 =	vld [tilespmem:$0x240];
	_ =	sdelay $0x4  }
0x369: {  	v6 =	vshrl.u32 v5, $0x3  }
0x36a: {  	v6 =	vmul.u32 $0x30, v6  }
0x36b: {  	v5 =	vand.u32 $0x7, v5  }
0x36c: {  	v5 =	vor.u32 v5, v6  }
0x36d: {  	v6 =	vperm.xlane v5, v2;
	_ =	sdelay $0x1  }
0x36e: {  	v6 =	vadd.s32 v3, v6;
	_ =	sdelay $0x3  }
0x36f: {  	s21 =	simm.s32 $0x6400;
	v5 =	vperm.xlane v5, v4  }
0x370: {  	[tilespmem:s21], [sflag:$0x1] =	stream.indirect_vreg.gather [hbm4b:s5+s4], $0x80, v6, vm0, $0xb8;
	[tilespmem:$0xDC00] =	vst v63  }
0x371: {  	s31 =	simm.s32 $0x6C00;
	v5 =	vadd.s32 v3, v5  }
0x372: {  	[tilespmem:s31], [sflag:$0x1] =	stream.indirect_vreg.gather [hbm4b:s11+s4], $0x80, v6, vm0, $0xb8;
	[tilespmem:$0xDC00] =	vst v63  }
0x373: {  	s28 =	simm.s32 $0x7400  }
0x374: {  	[tilespmem:s28], [sflag:$0x1] =	stream.indirect_vreg.gather [hbm4b:s13+s4], $0x80, v6, vm0, $0xb8;
	[tilespmem:$0xDC00] =	vst v63  }
0x375: {  	s28 =	simm.s32 $0x7C00  }
0x376: {  	[tilespmem:s28], [sflag:$0x1] =	stream.indirect_vreg.gather [hbm4b:s5+s4], $0x80, v5, vm0, $0xb8;
	[tilespmem:$0xDC00] =	vst v63  }
0x377: {  	s28 =	simm.s32 $0x8400  }
0x378: {  	[tilespmem:s28], [sflag:$0x1] =	stream.indirect_vreg.gather [hbm4b:s11+s4], $0x80, v5, vm0, $0xb8;
	[tilespmem:$0xDC00] =	vst v63  }
0x379: {  	s28 =	simm.s32 $0x8C00  }
0x37a: {  	[tilespmem:s28], [sflag:$0x1] =	stream.indirect_vreg.gather [hbm4b:s13+s4], $0x80, v5, vm0, $0xb8;
	[tilespmem:$0xDC00] =	vst v63  }
0x37b: {  	v5 =	vld [tilespmem:$0x250];
	_ =	sdelay $0x4  }
0x37c: {  	v6 =	vshrl.u32 v5, $0x3  }
0x37d: {  	v6 =	vmul.u32 $0x30, v6  }
0x37e: {  	v5 =	vand.u32 $0x7, v5  }
0x37f: {  	v5 =	vor.u32 v5, v6  }
0x380: {  	v6 =	vperm.xlane v5, v2;
	_ =	sdelay $0x1  }
0x381: {  	v6 =	vadd.s32 v3, v6;
	_ =	sdelay $0x3  }
0x382: {  	s28 =	simm.s32 $0x9400;
	v5 =	vperm.xlane v5, v4  }
0x383: {  	[tilespmem:s28], [sflag:$0x1] =	stream.indirect_vreg.gather [hbm4b:s5+s4], $0x80, v6, vm0, $0xb8;
	[tilespmem:$0xDC00] =	vst v63  }
0x384: {  	s24 =	simm.s32 $0x9C00;
	v5 =	vadd.s32 v3, v5  }
0x385: {  	[tilespmem:s24], [sflag:$0x1] =	stream.indirect_vreg.gather [hbm4b:s11+s4], $0x80, v6, vm0, $0xb8;
	[tilespmem:$0xDC00] =	vst v63  }
0x386: {  	s3 =	simm.s32 $0xA400  }
0x387: {  	[tilespmem:s3], [sflag:$0x1] =	stream.indirect_vreg.gather [hbm4b:s13+s4], $0x80, v6, vm0, $0xb8;
	[tilespmem:$0xDC00] =	vst v63  }
0x388: {  	s6 =	simm.s32 $0xAC00  }
0x389: {  	[tilespmem:s6], [sflag:$0x1] =	stream.indirect_vreg.gather [hbm4b:s5+s4], $0x80, v5, vm0, $0xb8;
	[tilespmem:$0xDC00] =	vst v63  }
0x38a: {  	s20 =	simm.s32 $0xB400  }
0x38b: {  	[tilespmem:s20], [sflag:$0x1] =	stream.indirect_vreg.gather [hbm4b:s11+s4], $0x80, v5, vm0, $0xb8;
	[tilespmem:$0xDC00] =	vst v63  }
0x38c: {  	s19 =	simm.s32 $0xBC00  }
0x38d: {  	[tilespmem:s19], [sflag:$0x1] =	stream.indirect_vreg.gather [hbm4b:s13+s4], $0x80, v5, vm0, $0xb8;
	[tilespmem:$0xDC00] =	vst v63  }
0x38e: {  	v5 =	vld.msk [tilespmem:$0x260], $0xff;
	_ =	sdelay $0x4  }
0x38f: {  	v6 =	vshrl.u32 v5, $0x3  }
0x390: {  	v6 =	vmul.u32 $0x30, v6  }
0x391: {  	v5 =	vand.u32 $0x7, v5  }
0x392: {  	v5 =	vor.u32 v5, v6  }
0x393: {  	v5 =	vperm.xlane v5, v2;
	_ =	sdelay $0x1  }
0x394: {  	v5 =	vadd.s32 v3, v5;
	_ =	sdelay $0x3  }
0x395: {  	s12 =	simm.s32 $0xC400  }
0x396: {  	[tilespmem:s12], [sflag:$0x1] =	stream.indirect_vreg.gather [hbm4b:s5+s4], $0x80, v5, vm0, $0xb8;
	[tilespmem:$0xDC00] =	vst v63  }
0x397: {  	s14 =	simm.s32 $0xCC00  }
0x398: {  	[tilespmem:s14], [sflag:$0x1] =	stream.indirect_vreg.gather [hbm4b:s11+s4], $0x80, v5, vm0, $0xb8;
	[tilespmem:$0xDC00] =	vst v63  }
0x399: {  	s15 =	simm.s32 $0xD400  }
0x39a: {  	[tilespmem:s15], [sflag:$0x1] =	stream.indirect_vreg.gather [hbm4b:s13+s4], $0x80, v5, vm0, $0xb8;
	[tilespmem:$0xDC00] =	vst v63  }
0x39b: {  	_ =	swait.ge [sflag:s26], $0xD800  }
0x39c: {  	[sflag:s26] =	ssyncset.done $0x0  }
0x39d: {  	s28 =	rddreg [dreg:$0x12];
	[sflag:s26] =	ssyncadd.s32 $0xFFFF2800  }
0x39e: {  	[hbm4b:s28+s4] =	stream.linear.scatter [tilespmem:s29], [sflag:$0x2], $0xD800, $0x38;
	[tilespmem:$0xDC00] =	vst v63  }
0x39f: {  	_ =	swait.ge [sflag:s17], $0xD800  }
0x3a0: {  	[sflag:s17] =	ssyncset.done $0x0  }
0x3a1: {  	[sflag:s17] =	ssyncadd.s32 $0xFFFF2800  }
0x3a2: {  	v5 =	vld [tilespmem:$0x268];
	_ =	sdelay $0x4  }
0x3a3: {  	v6 =	vshrl.u32 v5, $0x3  }
0x3a4: {  	v6 =	vmul.u32 $0x30, v6  }
0x3a5: {  	v5 =	vand.u32 $0x7, v5  }
0x3a6: {  	v5 =	vor.u32 v5, v6  }
0x3a7: {  	v6 =	vperm.xlane v5, v2;
	_ =	sdelay $0x1  }
0x3a8: {  	v6 =	vadd.s32 v3, v6;
	_ =	sdelay $0x3  }
0x3a9: {  	v5 =	vperm.xlane v5, v4  }
0x3aa: {  	[tilespmem:s29], [sflag:$0x1] =	stream.indirect_vreg.gather [hbm4b:s5+s4], $0x80, v6, vm0, $0xb8;
	[tilespmem:$0xDC00] =	vst v63  }
0x3ab: {  	s28 =	simm.s32 $0xC00;
	v5 =	vadd.s32 v3, v5  }
0x3ac: {  	[tilespmem:s28], [sflag:$0x1] =	stream.indirect_vreg.gather [hbm4b:s11+s4], $0x80, v6, vm0, $0xb8;
	[tilespmem:$0xDC00] =	vst v63  }
0x3ad: {  	s28 =	simm.s32 $0x1400  }
0x3ae: {  	[tilespmem:s28], [sflag:$0x1] =	stream.indirect_vreg.gather [hbm4b:s13+s4], $0x80, v6, vm0, $0xb8;
	[tilespmem:$0xDC00] =	vst v63  }
0x3af: {  	s18 =	simm.s32 $0x1C00  }
0x3b0: {  	[tilespmem:s18], [sflag:$0x1] =	stream.indirect_vreg.gather [hbm4b:s5+s4], $0x80, v5, vm0, $0xb8;
	[tilespmem:$0xDC00] =	vst v63  }
0x3b1: {  	s25 =	simm.s32 $0x2400  }
0x3b2: {  	[tilespmem:s25], [sflag:$0x1] =	stream.indirect_vreg.gather [hbm4b:s11+s4], $0x80, v5, vm0, $0xb8;
	[tilespmem:$0xDC00] =	vst v63  }
0x3b3: {  	s30 =	simm.s32 $0x2C00  }
0x3b4: {  	[tilespmem:s30], [sflag:$0x1] =	stream.indirect_vreg.gather [hbm4b:s13+s4], $0x80, v5, vm0, $0xb8;
	[tilespmem:$0xDC00] =	vst v63  }
0x3b5: {  	v5 =	vld [tilespmem:$0x278];
	_ =	sdelay $0x4  }
0x3b6: {  	v6 =	vshrl.u32 v5, $0x3  }
0x3b7: {  	v6 =	vmul.u32 $0x30, v6  }
0x3b8: {  	v5 =	vand.u32 $0x7, v5  }
0x3b9: {  	v5 =	vor.u32 v5, v6  }
0x3ba: {  	v6 =	vperm.xlane v5, v2;
	_ =	sdelay $0x1  }
0x3bb: {  	v6 =	vadd.s32 v3, v6;
	_ =	sdelay $0x3  }
0x3bc: {  	s30 =	simm.s32 $0x3400;
	v5 =	vperm.xlane v5, v4  }
0x3bd: {  	[tilespmem:s30], [sflag:$0x1] =	stream.indirect_vreg.gather [hbm4b:s5+s4], $0x80, v6, vm0, $0xb8;
	[tilespmem:$0xDC00] =	vst v63  }
0x3be: {  	s0 =	simm.s32 $0x3C00;
	v5 =	vadd.s32 v3, v5  }
0x3bf: {  	[tilespmem:s0], [sflag:$0x1] =	stream.indirect_vreg.gather [hbm4b:s11+s4], $0x80, v6, vm0, $0xb8;
	[tilespmem:$0xDC00] =	vst v63  }
0x3c0: {  	s18 =	simm.s32 $0x4400  }
0x3c1: {  	[tilespmem:s18], [sflag:$0x1] =	stream.indirect_vreg.gather [hbm4b:s13+s4], $0x80, v6, vm0, $0xb8;
	[tilespmem:$0xDC00] =	vst v63  }
0x3c2: {  	s2 =	simm.s32 $0x4C00  }
0x3c3: {  	[tilespmem:s2], [sflag:$0x1] =	stream.indirect_vreg.gather [hbm4b:s5+s4], $0x80, v5, vm0, $0xb8;
	[tilespmem:$0xDC00] =	vst v63  }
0x3c4: {  	s23 =	simm.s32 $0x5400  }
0x3c5: {  	[tilespmem:s23], [sflag:$0x1] =	stream.indirect_vreg.gather [hbm4b:s11+s4], $0x80, v5, vm0, $0xb8;
	[tilespmem:$0xDC00] =	vst v63  }
0x3c6: {  	s22 =	simm.s32 $0x5C00  }
0x3c7: {  	[tilespmem:s22], [sflag:$0x1] =	stream.indirect_vreg.gather [hbm4b:s13+s4], $0x80, v5, vm0, $0xb8;
	[tilespmem:$0xDC00] =	vst v63  }
0x3c8: {  	v5 =	vld [tilespmem:$0x288];
	_ =	sdelay $0x4  }
0x3c9: {  	v6 =	vshrl.u32 v5, $0x3  }
0x3ca: {  	v6 =	vmul.u32 $0x30, v6  }
0x3cb: {  	v5 =	vand.u32 $0x7, v5  }
0x3cc: {  	v5 =	vor.u32 v5, v6  }
0x3cd: {  	v6 =	vperm.xlane v5, v2;
	_ =	sdelay $0x1  }
0x3ce: {  	v6 =	vadd.s32 v3, v6;
	_ =	sdelay $0x3  }
0x3cf: {  	s21 =	simm.s32 $0x6400;
	v5 =	vperm.xlane v5, v4  }
0x3d0: {  	[tilespmem:s21], [sflag:$0x1] =	stream.indirect_vreg.gather [hbm4b:s5+s4], $0x80, v6, vm0, $0xb8;
	[tilespmem:$0xDC00] =	vst v63  }
0x3d1: {  	s31 =	simm.s32 $0x6C00;
	v5 =	vadd.s32 v3, v5  }
0x3d2: {  	[tilespmem:s31], [sflag:$0x1] =	stream.indirect_vreg.gather [hbm4b:s11+s4], $0x80, v6, vm0, $0xb8;
	[tilespmem:$0xDC00] =	vst v63  }
0x3d3: {  	s25 =	simm.s32 $0x7400  }
0x3d4: {  	[tilespmem:s25], [sflag:$0x1] =	stream.indirect_vreg.gather [hbm4b:s13+s4], $0x80, v6, vm0, $0xb8;
	[tilespmem:$0xDC00] =	vst v63  }
0x3d5: {  	s29 =	simm.s32 $0x7C00  }
0x3d6: {  	[tilespmem:s29], [sflag:$0x1] =	stream.indirect_vreg.gather [hbm4b:s5+s4], $0x80, v5, vm0, $0xb8;
	[tilespmem:$0xDC00] =	vst v63  }
0x3d7: {  	s30 =	simm.s32 $0x8400  }
0x3d8: {  	[tilespmem:s30], [sflag:$0x1] =	stream.indirect_vreg.gather [hbm4b:s11+s4], $0x80, v5, vm0, $0xb8;
	[tilespmem:$0xDC00] =	vst v63  }
0x3d9: {  	s31 =	simm.s32 $0x8C00  }
0x3da: {  	[tilespmem:s31], [sflag:$0x1] =	stream.indirect_vreg.gather [hbm4b:s13+s4], $0x80, v5, vm0, $0xb8;
	[tilespmem:$0xDC00] =	vst v63  }
0x3db: {  	v5 =	vld [tilespmem:$0x298];
	_ =	sdelay $0x4  }
0x3dc: {  	v6 =	vshrl.u32 v5, $0x3  }
0x3dd: {  	v6 =	vmul.u32 $0x30, v6  }
0x3de: {  	v5 =	vand.u32 $0x7, v5  }
0x3df: {  	v5 =	vor.u32 v5, v6  }
0x3e0: {  	v6 =	vperm.xlane v5, v2;
	_ =	sdelay $0x1  }
0x3e1: {  	v6 =	vadd.s32 v3, v6;
	_ =	sdelay $0x3  }
0x3e2: {  	s2 =	simm.s32 $0x9400;
	v5 =	vperm.xlane v5, v4  }
0x3e3: {  	[tilespmem:s2], [sflag:$0x1] =	stream.indirect_vreg.gather [hbm4b:s5+s4], $0x80, v6, vm0, $0xb8;
	[tilespmem:$0xDC00] =	vst v63  }
0x3e4: {  	s24 =	simm.s32 $0x9C00;
	v5 =	vadd.s32 v3, v5  }
0x3e5: {  	[tilespmem:s24], [sflag:$0x1] =	stream.indirect_vreg.gather [hbm4b:s11+s4], $0x80, v6, vm0, $0xb8;
	[tilespmem:$0xDC00] =	vst v63  }
0x3e6: {  	s3 =	simm.s32 $0xA400  }
0x3e7: {  	[tilespmem:s3], [sflag:$0x1] =	stream.indirect_vreg.gather [hbm4b:s13+s4], $0x80, v6, vm0, $0xb8;
	[tilespmem:$0xDC00] =	vst v63  }
0x3e8: {  	s6 =	simm.s32 $0xAC00  }
0x3e9: {  	[tilespmem:s6], [sflag:$0x1] =	stream.indirect_vreg.gather [hbm4b:s5+s4], $0x80, v5, vm0, $0xb8;
	[tilespmem:$0xDC00] =	vst v63  }
0x3ea: {  	s20 =	simm.s32 $0xB400  }
0x3eb: {  	[tilespmem:s20], [sflag:$0x1] =	stream.indirect_vreg.gather [hbm4b:s11+s4], $0x80, v5, vm0, $0xb8;
	[tilespmem:$0xDC00] =	vst v63  }
0x3ec: {  	s19 =	simm.s32 $0xBC00  }
0x3ed: {  	[tilespmem:s19], [sflag:$0x1] =	stream.indirect_vreg.gather [hbm4b:s13+s4], $0x80, v5, vm0, $0xb8;
	[tilespmem:$0xDC00] =	vst v63  }
0x3ee: {  	v5 =	vld.msk [tilespmem:$0x2A8], $0xff;
	_ =	sdelay $0x4  }
0x3ef: {  	v6 =	vshrl.u32 v5, $0x3  }
0x3f0: {  	v6 =	vmul.u32 $0x30, v6  }
0x3f1: {  	v5 =	vand.u32 $0x7, v5  }
0x3f2: {  	v5 =	vor.u32 v5, v6  }
0x3f3: {  	v5 =	vperm.xlane v5, v2;
	_ =	sdelay $0x1  }
0x3f4: {  	v5 =	vadd.s32 v3, v5;
	_ =	sdelay $0x3  }
0x3f5: {  	s12 =	simm.s32 $0xC400  }
0x3f6: {  	[tilespmem:s12], [sflag:$0x1] =	stream.indirect_vreg.gather [hbm4b:s5+s4], $0x80, v5, vm0, $0xb8;
	[tilespmem:$0xDC00] =	vst v63  }
0x3f7: {  	s14 =	simm.s32 $0xCC00  }
0x3f8: {  	[tilespmem:s14], [sflag:$0x1] =	stream.indirect_vreg.gather [hbm4b:s11+s4], $0x80, v5, vm0, $0xb8;
	[tilespmem:$0xDC00] =	vst v63  }
0x3f9: {  	s15 =	simm.s32 $0xD400  }
0x3fa: {  	[tilespmem:s15], [sflag:$0x1] =	stream.indirect_vreg.gather [hbm4b:s13+s4], $0x80, v5, vm0, $0xb8;
	[tilespmem:$0xDC00] =	vst v63  }
0x3fb: {  	_ =	swait.ge [sflag:s26], $0xD800  }
0x3fc: {  	[sflag:s26] =	ssyncset.done $0x0  }
0x3fd: {  	s14 =	simm.s32 $0x400;
	s28 =	rddreg [dreg:$0x13];
	[sflag:s26] =	ssyncadd.s32 $0xFFFF2800  }
0x3fe: {  	[hbm4b:s28+s4] =	stream.linear.scatter [tilespmem:s14], [sflag:$0x2], $0xD800, $0x38;
	[tilespmem:$0xDC00] =	vst v63  }
0x3ff: {  	_ =	swait.ge [sflag:s17], $0xD800  }
0x400: {  	[sflag:s17] =	ssyncset.done $0x0  }
0x401: {  	s15 =	simm.s32 $0x80;
	s28 =	rddreg [dreg:$0x14];
	[sflag:s17] =	ssyncadd.s32 $0xFFFF2800  }
0x402: {  	[tilespmem:s4], [sflag:$0x2] =	stream.strided.gather [hbm4b:s28+s15], $0x100, s14, s15, $0x38;
	[tilespmem:$0xDC00] =	vst v63  }
0x403: {  	_ =	swait.ge [sflag:s17], $0x100  }
0x404: {  	[sflag:s17] =	ssyncset.done $0x0  }
0x405: {  	s18 =	simm.s32 $0x100;
	s28 =	rddreg [dreg:$0x15];
	[sflag:s17] =	ssyncadd.s32 $0xFFFFFF00  }
0x406: {  	[tilespmem:s18], [sflag:$0x2] =	stream.strided.gather [hbm4b:s28+s15], $0x200, s14, s15, $0x38;
	[tilespmem:$0xDC00] =	vst v63  }
0x407: {  	_ =	swait.ge [sflag:s17], $0x200  }
0x408: {  	[sflag:s17] =	ssyncset.done $0x0  }
0x409: {  	[sflag:s17] =	ssyncadd.s32 $0xFFFFFE00  }
0x40a: {  	v5 =	vld [tilespmem:$0x0];
	_ =	sdelay $0x2  }
0x40b: {  	v6 =	vld [tilespmem:$0x10]  }
0x40c: {  	v7 =	vld [tilespmem:$0x20]  }
0x40d: {  	v57 =	vld [tilespmem:$0x30];
	v56 =	vadd.s32 v1, v5  }
0x40e: {  	v58 =	vld [tilespmem:$0x40];
	v59 =	vshrl.u32 v56, $0x3  }
0x40f: {  	v60 =	vld [tilespmem:$0x50];
	v11 =	vmul.u32 $0x30, v59  }
0x410: {  	v61 =	vld [tilespmem:$0x60];
	v6 =	vadd.s32 v1, v6;
	v5 =	vand.u32 $0x7, v5;
	[tilespmem:$0x300] =	vst v56  }
0x411: {  	[tilespmem:$0x310] =	vst v6;
	v6 =	vadd.s32 v1, v7;
	v7 =	vld [tilespmem:$0x70];
	v5 =	vor.u32 v5, v11  }
0x412: {  	v62 =	vld [tilespmem:$0x80];
	[tilespmem:$0x320] =	vst v6;
	v6 =	vadd.s32 v1, v57;
	v11 =	vperm.xlane v5, v2  }
0x413: {  	[tilespmem:$0x330] =	vst v6;
	v6 =	vadd.s32 v1, v58  }
0x414: {  	[tilespmem:$0x340] =	vst v6;
	v6 =	vadd.s32 v1, v60;
	v63 =	vadd.s32 v3, v11  }
0x415: {  	[tilespmem:$0x350] =	vst v6;
	v6 =	vadd.s32 v1, v61  }
0x416: {  	[tilespmem:$0x360] =	vst v6;
	v6 =	vadd.s32 v1, v7  }
0x417: {  	[tilespmem:$0x370] =	vst v6;
	v6 =	vadd.s32 v1, v62  }
0x418: {  	s19 =	simm.s32 $0x400;
	v5 =	vperm.xlane v5, v4;
	[tilespmem:$0x380] =	vst v6  }
0x419: {  	[tilespmem:s19], [sflag:$0x1] =	stream.indirect_vreg.gather [hbm4b:s1+s4], $0x80, v63, vm0, $0xb8;
	[tilespmem:$0xDC00] =	vst v63  }
0x41a: {  	s20 =	simm.s32 $0xC00;
	v5 =	vadd.s32 v3, v5  }
0x41b: {  	[tilespmem:s20], [sflag:$0x1] =	stream.indirect_vreg.gather [hbm4b:s7+s4], $0x80, v63, vm0, $0xb8;
	[tilespmem:$0xDC00] =	vst v63  }
0x41c: {  	s21 =	simm.s32 $0x1400  }
0x41d: {  	[tilespmem:s21], [sflag:$0x1] =	stream.indirect_vreg.gather [hbm4b:s8+s4], $0x80, v63, vm0, $0xb8;
	[tilespmem:$0xDC00] =	vst v63  }
0x41e: {  	s19 =	simm.s32 $0x1C00  }
0x41f: {  	[tilespmem:s19], [sflag:$0x1] =	stream.indirect_vreg.gather [hbm4b:s1+s4], $0x80, v5, vm0, $0xb8;
	[tilespmem:$0xDC00] =	vst v63  }
0x420: {  	s20 =	simm.s32 $0x2400  }
0x421: {  	[tilespmem:s20], [sflag:$0x1] =	stream.indirect_vreg.gather [hbm4b:s7+s4], $0x80, v5, vm0, $0xb8;
	[tilespmem:$0xDC00] =	vst v63  }
0x422: {  	s24 =	simm.s32 $0x2C00  }
0x423: {  	[tilespmem:s24], [sflag:$0x1] =	stream.indirect_vreg.gather [hbm4b:s8+s4], $0x80, v5, vm0, $0xb8;
	[tilespmem:$0xDC00] =	vst v63  }
0x424: {  	v5 =	vld [tilespmem:$0x310];
	_ =	sdelay $0x4  }
0x425: {  	v6 =	vshrl.u32 v5, $0x3  }
0x426: {  	v6 =	vmul.u32 $0x30, v6  }
0x427: {  	v5 =	vand.u32 $0x7, v5  }
0x428: {  	v5 =	vor.u32 v5, v6  }
0x429: {  	v6 =	vperm.xlane v5, v2;
	_ =	sdelay $0x1  }
0x42a: {  	v6 =	vadd.s32 v3, v6;
	_ =	sdelay $0x3  }
0x42b: {  	s22 =	simm.s32 $0x3400;
	v5 =	vperm.xlane v5, v4  }
0x42c: {  	[tilespmem:s22], [sflag:$0x1] =	stream.indirect_vreg.gather [hbm4b:s1+s4], $0x80, v6, vm0, $0xb8;
	[tilespmem:$0xDC00] =	vst v63  }
0x42d: {  	s15 =	simm.s32 $0x3C00;
	v5 =	vadd.s32 v3, v5  }
0x42e: {  	[tilespmem:s15], [sflag:$0x1] =	stream.indirect_vreg.gather [hbm4b:s7+s4], $0x80, v6, vm0, $0xb8;
	[tilespmem:$0xDC00] =	vst v63  }
0x42f: {  	s31 =	simm.s32 $0x4400  }
0x430: {  	[tilespmem:s31], [sflag:$0x1] =	stream.indirect_vreg.gather [hbm4b:s8+s4], $0x80, v6, vm0, $0xb8;
	[tilespmem:$0xDC00] =	vst v63  }
0x431: {  	s2 =	simm.s32 $0x4C00  }
0x432: {  	[tilespmem:s2], [sflag:$0x1] =	stream.indirect_vreg.gather [hbm4b:s1+s4], $0x80, v5, vm0, $0xb8;
	[tilespmem:$0xDC00] =	vst v63  }
0x433: {  	s25 =	simm.s32 $0x5400  }
0x434: {  	[tilespmem:s25], [sflag:$0x1] =	stream.indirect_vreg.gather [hbm4b:s7+s4], $0x80, v5, vm0, $0xb8;
	[tilespmem:$0xDC00] =	vst v63  }
0x435: {  	s30 =	simm.s32 $0x5C00  }
0x436: {  	[tilespmem:s30], [sflag:$0x1] =	stream.indirect_vreg.gather [hbm4b:s8+s4], $0x80, v5, vm0, $0xb8;
	[tilespmem:$0xDC00] =	vst v63  }
0x437: {  	v5 =	vld [tilespmem:$0x320];
	_ =	sdelay $0x4  }
0x438: {  	v6 =	vshrl.u32 v5, $0x3  }
0x439: {  	v6 =	vmul.u32 $0x30, v6  }
0x43a: {  	v5 =	vand.u32 $0x7, v5  }
0x43b: {  	v5 =	vor.u32 v5, v6  }
0x43c: {  	v6 =	vperm.xlane v5, v2;
	_ =	sdelay $0x1  }
0x43d: {  	v6 =	vadd.s32 v3, v6;
	_ =	sdelay $0x3  }
0x43e: {  	s18 =	simm.s32 $0x6400;
	v5 =	vperm.xlane v5, v4  }
0x43f: {  	[tilespmem:s18], [sflag:$0x1] =	stream.indirect_vreg.gather [hbm4b:s1+s4], $0x80, v6, vm0, $0xb8;
	[tilespmem:$0xDC00] =	vst v63  }
0x440: {  	s21 =	simm.s32 $0x6C00;
	v5 =	vadd.s32 v3, v5  }
0x441: {  	[tilespmem:s21], [sflag:$0x1] =	stream.indirect_vreg.gather [hbm4b:s7+s4], $0x80, v6, vm0, $0xb8;
	[tilespmem:$0xDC00] =	vst v63  }
0x442: {  	s29 =	simm.s32 $0x7400  }
0x443: {  	[tilespmem:s29], [sflag:$0x1] =	stream.indirect_vreg.gather [hbm4b:s8+s4], $0x80, v6, vm0, $0xb8;
	[tilespmem:$0xDC00] =	vst v63  }
0x444: {  	s23 =	simm.s32 $0x7C00  }
0x445: {  	[tilespmem:s23], [sflag:$0x1] =	stream.indirect_vreg.gather [hbm4b:s1+s4], $0x80, v5, vm0, $0xb8;
	[tilespmem:$0xDC00] =	vst v63  }
0x446: {  	s3 =	simm.s32 $0x8400  }
0x447: {  	[tilespmem:s3], [sflag:$0x1] =	stream.indirect_vreg.gather [hbm4b:s7+s4], $0x80, v5, vm0, $0xb8;
	[tilespmem:$0xDC00] =	vst v63  }
0x448: {  	s6 =	simm.s32 $0x8C00  }
0x449: {  	[tilespmem:s6], [sflag:$0x1] =	stream.indirect_vreg.gather [hbm4b:s8+s4], $0x80, v5, vm0, $0xb8;
	[tilespmem:$0xDC00] =	vst v63  }
0x44a: {  	v5 =	vld [tilespmem:$0x330];
	_ =	sdelay $0x4  }
0x44b: {  	v6 =	vshrl.u32 v5, $0x3  }
0x44c: {  	v6 =	vmul.u32 $0x30, v6  }
0x44d: {  	v5 =	vand.u32 $0x7, v5  }
0x44e: {  	v5 =	vor.u32 v5, v6  }
0x44f: {  	v6 =	vperm.xlane v5, v2;
	_ =	sdelay $0x1  }
0x450: {  	v6 =	vadd.s32 v3, v6;
	_ =	sdelay $0x3  }
0x451: {  	s12 =	simm.s32 $0x9400;
	v5 =	vperm.xlane v5, v4  }
0x452: {  	[tilespmem:s12], [sflag:$0x1] =	stream.indirect_vreg.gather [hbm4b:s1+s4], $0x80, v6, vm0, $0xb8;
	[tilespmem:$0xDC00] =	vst v63  }
0x453: {  	s22 =	simm.s32 $0x9C00;
	v5 =	vadd.s32 v3, v5  }
0x454: {  	[tilespmem:s22], [sflag:$0x1] =	stream.indirect_vreg.gather [hbm4b:s7+s4], $0x80, v6, vm0, $0xb8;
	[tilespmem:$0xDC00] =	vst v63  }
0x455: {  	s3 =	simm.s32 $0xA400  }
0x456: {  	[tilespmem:s3], [sflag:$0x1] =	stream.indirect_vreg.gather [hbm4b:s8+s4], $0x80, v6, vm0, $0xb8;
	[tilespmem:$0xDC00] =	vst v63  }
0x457: {  	s6 =	simm.s32 $0xAC00  }
0x458: {  	[tilespmem:s6], [sflag:$0x1] =	stream.indirect_vreg.gather [hbm4b:s1+s4], $0x80, v5, vm0, $0xb8;
	[tilespmem:$0xDC00] =	vst v63  }
0x459: {  	s23 =	simm.s32 $0xB400  }
0x45a: {  	[tilespmem:s23], [sflag:$0x1] =	stream.indirect_vreg.gather [hbm4b:s7+s4], $0x80, v5, vm0, $0xb8;
	[tilespmem:$0xDC00] =	vst v63  }
0x45b: {  	s14 =	simm.s32 $0xBC00  }
0x45c: {  	[tilespmem:s14], [sflag:$0x1] =	stream.indirect_vreg.gather [hbm4b:s8+s4], $0x80, v5, vm0, $0xb8;
	[tilespmem:$0xDC00] =	vst v63  }
0x45d: {  	v5 =	vld.msk [tilespmem:$0x340], $0xff;
	_ =	sdelay $0x4  }
0x45e: {  	v6 =	vshrl.u32 v5, $0x3  }
0x45f: {  	v6 =	vmul.u32 $0x30, v6  }
0x460: {  	v5 =	vand.u32 $0x7, v5  }
0x461: {  	v5 =	vor.u32 v5, v6  }
0x462: {  	v5 =	vperm.xlane v5, v2;
	_ =	sdelay $0x1  }
0x463: {  	v5 =	vadd.s32 v3, v5;
	_ =	sdelay $0x3  }
0x464: {  	s12 =	simm.s32 $0xC400  }
0x465: {  	[tilespmem:s12], [sflag:$0x1] =	stream.indirect_vreg.gather [hbm4b:s1+s4], $0x80, v5, vm0, $0xb8;
	[tilespmem:$0xDC00] =	vst v63  }
0x466: {  	s14 =	simm.s32 $0xCC00  }
0x467: {  	[tilespmem:s14], [sflag:$0x1] =	stream.indirect_vreg.gather [hbm4b:s7+s4], $0x80, v5, vm0, $0xb8;
	[tilespmem:$0xDC00] =	vst v63  }
0x468: {  	s0 =	simm.s32 $0xD400  }
0x469: {  	[tilespmem:s0], [sflag:$0x1] =	stream.indirect_vreg.gather [hbm4b:s8+s4], $0x80, v5, vm0, $0xb8;
	[tilespmem:$0xDC00] =	vst v63  }
0x46a: {  	_ =	swait.ge [sflag:s26], $0xD800  }
0x46b: {  	[sflag:s26] =	ssyncset.done $0x0  }
0x46c: {  	s0 =	simm.s32 $0x400;
	s28 =	rddreg [dreg:$0x16];
	[sflag:s26] =	ssyncadd.s32 $0xFFFF2800  }
0x46d: {  	[hbm4b:s28+s4] =	stream.linear.scatter [tilespmem:s0], [sflag:$0x2], $0xD800, $0x38;
	[tilespmem:$0xDC00] =	vst v63  }
0x46e: {  	_ =	swait.ge [sflag:s17], $0xD800  }
0x46f: {  	[sflag:s17] =	ssyncset.done $0x0  }
0x470: {  	[sflag:s17] =	ssyncadd.s32 $0xFFFF2800  }
0x471: {  	v5 =	vld [tilespmem:$0x348];
	_ =	sdelay $0x4  }
0x472: {  	v6 =	vshrl.u32 v5, $0x3  }
0x473: {  	v6 =	vmul.u32 $0x30, v6  }
0x474: {  	v5 =	vand.u32 $0x7, v5  }
0x475: {  	v5 =	vor.u32 v5, v6  }
0x476: {  	v6 =	vperm.xlane v5, v2;
	_ =	sdelay $0x1  }
0x477: {  	v6 =	vadd.s32 v3, v6;
	_ =	sdelay $0x3  }
0x478: {  	v5 =	vperm.xlane v5, v4  }
0x479: {  	[tilespmem:s0], [sflag:$0x1] =	stream.indirect_vreg.gather [hbm4b:s1+s4], $0x80, v6, vm0, $0xb8;
	[tilespmem:$0xDC00] =	vst v63  }
0x47a: {  	s28 =	simm.s32 $0xC00;
	v5 =	vadd.s32 v3, v5  }
0x47b: {  	[tilespmem:s28], [sflag:$0x1] =	stream.indirect_vreg.gather [hbm4b:s7+s4], $0x80, v6, vm0, $0xb8;
	[tilespmem:$0xDC00] =	vst v63  }
0x47c: {  	s28 =	simm.s32 $0x1400  }
0x47d: {  	[tilespmem:s28], [sflag:$0x1] =	stream.indirect_vreg.gather [hbm4b:s8+s4], $0x80, v6, vm0, $0xb8;
	[tilespmem:$0xDC00] =	vst v63  }
0x47e: {  	_ = 	snop  }
0x47f: {  	[tilespmem:s19], [sflag:$0x1] =	stream.indirect_vreg.gather [hbm4b:s1+s4], $0x80, v5, vm0, $0xb8;
	[tilespmem:$0xDC00] =	vst v63  }
0x480: {  	_ = 	snop  }
0x481: {  	[tilespmem:s20], [sflag:$0x1] =	stream.indirect_vreg.gather [hbm4b:s7+s4], $0x80, v5, vm0, $0xb8;
	[tilespmem:$0xDC00] =	vst v63  }
0x482: {  	_ = 	snop  }
0x483: {  	[tilespmem:s24], [sflag:$0x1] =	stream.indirect_vreg.gather [hbm4b:s8+s4], $0x80, v5, vm0, $0xb8;
	[tilespmem:$0xDC00] =	vst v63  }
0x484: {  	v5 =	vld [tilespmem:$0x358];
	_ =	sdelay $0x4  }
0x485: {  	v6 =	vshrl.u32 v5, $0x3  }
0x486: {  	v6 =	vmul.u32 $0x30, v6  }
0x487: {  	v5 =	vand.u32 $0x7, v5  }
0x488: {  	v5 =	vor.u32 v5, v6  }
0x489: {  	v6 =	vperm.xlane v5, v2;
	_ =	sdelay $0x1  }
0x48a: {  	v6 =	vadd.s32 v3, v6;
	_ =	sdelay $0x3  }
0x48b: {  	s20 =	simm.s32 $0x3400;
	v5 =	vperm.xlane v5, v4  }
0x48c: {  	[tilespmem:s20], [sflag:$0x1] =	stream.indirect_vreg.gather [hbm4b:s1+s4], $0x80, v6, vm0, $0xb8;
	[tilespmem:$0xDC00] =	vst v63  }
0x48d: {  	v5 =	vadd.s32 v3, v5  }
0x48e: {  	[tilespmem:s15], [sflag:$0x1] =	stream.indirect_vreg.gather [hbm4b:s7+s4], $0x80, v6, vm0, $0xb8;
	[tilespmem:$0xDC00] =	vst v63  }
0x48f: {  	_ = 	snop  }
0x490: {  	[tilespmem:s31], [sflag:$0x1] =	stream.indirect_vreg.gather [hbm4b:s8+s4], $0x80, v6, vm0, $0xb8;
	[tilespmem:$0xDC00] =	vst v63  }
0x491: {  	_ = 	snop  }
0x492: {  	[tilespmem:s2], [sflag:$0x1] =	stream.indirect_vreg.gather [hbm4b:s1+s4], $0x80, v5, vm0, $0xb8;
	[tilespmem:$0xDC00] =	vst v63  }
0x493: {  	_ = 	snop  }
0x494: {  	[tilespmem:s25], [sflag:$0x1] =	stream.indirect_vreg.gather [hbm4b:s7+s4], $0x80, v5, vm0, $0xb8;
	[tilespmem:$0xDC00] =	vst v63  }
0x495: {  	_ = 	snop  }
0x496: {  	[tilespmem:s30], [sflag:$0x1] =	stream.indirect_vreg.gather [hbm4b:s8+s4], $0x80, v5, vm0, $0xb8;
	[tilespmem:$0xDC00] =	vst v63  }
0x497: {  	v5 =	vld [tilespmem:$0x368];
	_ =	sdelay $0x4  }
0x498: {  	v6 =	vshrl.u32 v5, $0x3  }
0x499: {  	v6 =	vmul.u32 $0x30, v6  }
0x49a: {  	v5 =	vand.u32 $0x7, v5  }
0x49b: {  	v5 =	vor.u32 v5, v6  }
0x49c: {  	v6 =	vperm.xlane v5, v2;
	_ =	sdelay $0x1  }
0x49d: {  	v6 =	vadd.s32 v3, v6;
	_ =	sdelay $0x3  }
0x49e: {  	v5 =	vperm.xlane v5, v4  }
0x49f: {  	[tilespmem:s18], [sflag:$0x1] =	stream.indirect_vreg.gather [hbm4b:s1+s4], $0x80, v6, vm0, $0xb8;
	[tilespmem:$0xDC00] =	vst v63  }
0x4a0: {  	v5 =	vadd.s32 v3, v5  }
0x4a1: {  	[tilespmem:s21], [sflag:$0x1] =	stream.indirect_vreg.gather [hbm4b:s7+s4], $0x80, v6, vm0, $0xb8;
	[tilespmem:$0xDC00] =	vst v63  }
0x4a2: {  	_ = 	snop  }
0x4a3: {  	[tilespmem:s29], [sflag:$0x1] =	stream.indirect_vreg.gather [hbm4b:s8+s4], $0x80, v6, vm0, $0xb8;
	[tilespmem:$0xDC00] =	vst v63  }
0x4a4: {  	s29 =	simm.s32 $0x7C00  }
0x4a5: {  	[tilespmem:s29], [sflag:$0x1] =	stream.indirect_vreg.gather [hbm4b:s1+s4], $0x80, v5, vm0, $0xb8;
	[tilespmem:$0xDC00] =	vst v63  }
0x4a6: {  	s30 =	simm.s32 $0x8400  }
0x4a7: {  	[tilespmem:s30], [sflag:$0x1] =	stream.indirect_vreg.gather [hbm4b:s7+s4], $0x80, v5, vm0, $0xb8;
	[tilespmem:$0xDC00] =	vst v63  }
0x4a8: {  	s28 =	simm.s32 $0x8C00  }
0x4a9: {  	[tilespmem:s28], [sflag:$0x1] =	stream.indirect_vreg.gather [hbm4b:s8+s4], $0x80, v5, vm0, $0xb8;
	[tilespmem:$0xDC00] =	vst v63  }
0x4aa: {  	v5 =	vld [tilespmem:$0x378];
	_ =	sdelay $0x4  }
0x4ab: {  	v6 =	vshrl.u32 v5, $0x3  }
0x4ac: {  	v6 =	vmul.u32 $0x30, v6  }
0x4ad: {  	v5 =	vand.u32 $0x7, v5  }
0x4ae: {  	v5 =	vor.u32 v5, v6  }
0x4af: {  	v6 =	vperm.xlane v5, v2;
	_ =	sdelay $0x1  }
0x4b0: {  	v6 =	vadd.s32 v3, v6;
	_ =	sdelay $0x3  }
0x4b1: {  	s28 =	simm.s32 $0x9400;
	v5 =	vperm.xlane v5, v4  }
0x4b2: {  	[tilespmem:s28], [sflag:$0x1] =	stream.indirect_vreg.gather [hbm4b:s1+s4], $0x80, v6, vm0, $0xb8;
	[tilespmem:$0xDC00] =	vst v63  }
0x4b3: {  	v5 =	vadd.s32 v3, v5  }
0x4b4: {  	[tilespmem:s22], [sflag:$0x1] =	stream.indirect_vreg.gather [hbm4b:s7+s4], $0x80, v6, vm0, $0xb8;
	[tilespmem:$0xDC00] =	vst v63  }
0x4b5: {  	_ = 	snop  }
0x4b6: {  	[tilespmem:s3], [sflag:$0x1] =	stream.indirect_vreg.gather [hbm4b:s8+s4], $0x80, v6, vm0, $0xb8;
	[tilespmem:$0xDC00] =	vst v63  }
0x4b7: {  	_ = 	snop  }
0x4b8: {  	[tilespmem:s6], [sflag:$0x1] =	stream.indirect_vreg.gather [hbm4b:s1+s4], $0x80, v5, vm0, $0xb8;
	[tilespmem:$0xDC00] =	vst v63  }
0x4b9: {  	_ = 	snop  }
0x4ba: {  	[tilespmem:s23], [sflag:$0x1] =	stream.indirect_vreg.gather [hbm4b:s7+s4], $0x80, v5, vm0, $0xb8;
	[tilespmem:$0xDC00] =	vst v63  }
0x4bb: {  	s3 =	simm.s32 $0xBC00  }
0x4bc: {  	[tilespmem:s3], [sflag:$0x1] =	stream.indirect_vreg.gather [hbm4b:s8+s4], $0x80, v5, vm0, $0xb8;
	[tilespmem:$0xDC00] =	vst v63  }
0x4bd: {  	v5 =	vld.msk [tilespmem:$0x388], $0xff;
	_ =	sdelay $0x4  }
0x4be: {  	v6 =	vshrl.u32 v5, $0x3  }
0x4bf: {  	v6 =	vmul.u32 $0x30, v6  }
0x4c0: {  	v5 =	vand.u32 $0x7, v5  }
0x4c1: {  	v5 =	vor.u32 v5, v6  }
0x4c2: {  	v5 =	vperm.xlane v5, v2;
	_ =	sdelay $0x1  }
0x4c3: {  	v5 =	vadd.s32 v3, v5;
	_ =	sdelay $0x4  }
0x4c4: {  	[tilespmem:s12], [sflag:$0x1] =	stream.indirect_vreg.gather [hbm4b:s1+s4], $0x80, v5, vm0, $0xb8;
	[tilespmem:$0xDC00] =	vst v63  }
0x4c5: {  	_ = 	snop  }
0x4c6: {  	[tilespmem:s14], [sflag:$0x1] =	stream.indirect_vreg.gather [hbm4b:s7+s4], $0x80, v5, vm0, $0xb8;
	[tilespmem:$0xDC00] =	vst v63  }
0x4c7: {  	s14 =	simm.s32 $0xD400  }
0x4c8: {  	[tilespmem:s14], [sflag:$0x1] =	stream.indirect_vreg.gather [hbm4b:s8+s4], $0x80, v5, vm0, $0xb8;
	[tilespmem:$0xDC00] =	vst v63  }
0x4c9: {  	_ =	swait.ge [sflag:s26], $0xD800  }
0x4ca: {  	[sflag:s26] =	ssyncset.done $0x0  }
0x4cb: {  	s0 =	simm.s32 $0x400;
	s28 =	rddreg [dreg:$0x17];
	[sflag:s26] =	ssyncadd.s32 $0xFFFF2800  }
0x4cc: {  	[hbm4b:s28+s4] =	stream.linear.scatter [tilespmem:s0], [sflag:$0x2], $0xD800, $0x38;
	[tilespmem:$0xDC00] =	vst v63  }
0x4cd: {  	_ =	swait.ge [sflag:s17], $0xD800  }
0x4ce: {  	[sflag:s17] =	ssyncset.done $0x0  }
0x4cf: {  	[sflag:s17] =	ssyncadd.s32 $0xFFFF2800  }
0x4d0: {  	v5 =	vld [tilespmem:$0x0];
	_ =	sdelay $0x4  }
0x4d1: {  	v6 =	vshrl.u32 v5, $0x3  }
0x4d2: {  	v6 =	vmul.u32 $0x30, v6  }
0x4d3: {  	v5 =	vand.u32 $0x7, v5  }
0x4d4: {  	v5 =	vor.u32 v5, v6  }
0x4d5: {  	v6 =	vperm.xlane v5, v2;
	_ =	sdelay $0x1  }
0x4d6: {  	v6 =	vadd.s32 v3, v6;
	_ =	sdelay $0x3  }
0x4d7: {  	v5 =	vperm.xlane v5, v4  }
0x4d8: {  	[tilespmem:s0], [sflag:$0x1] =	stream.indirect_vreg.gather [hbm4b:s16+s4], $0x80, v6, vm0, $0xb8;
	[tilespmem:$0xDC00] =	vst v63  }
0x4d9: {  	v5 =	vadd.s32 v3, v5;
	s0 =	simm.s32 $0xC00  }
0x4da: {  	[tilespmem:s0], [sflag:$0x1] =	stream.indirect_vreg.gather [hbm4b:s9+s4], $0x80, v6, vm0, $0xb8;
	[tilespmem:$0xDC00] =	vst v63  }
0x4db: {  	s14 =	simm.s32 $0x1400  }
0x4dc: {  	[tilespmem:s14], [sflag:$0x1] =	stream.indirect_vreg.gather [hbm4b:s10+s4], $0x80, v6, vm0, $0xb8;
	[tilespmem:$0xDC00] =	vst v63  }
0x4dd: {  	s12 =	simm.s32 $0x1C00  }
0x4de: {  	[tilespmem:s12], [sflag:$0x1] =	stream.indirect_vreg.gather [hbm4b:s16+s4], $0x80, v5, vm0, $0xb8;
	[tilespmem:$0xDC00] =	vst v63  }
0x4df: {  	s12 =	simm.s32 $0x2400  }
0x4e0: {  	[tilespmem:s12], [sflag:$0x1] =	stream.indirect_vreg.gather [hbm4b:s9+s4], $0x80, v5, vm0, $0xb8;
	[tilespmem:$0xDC00] =	vst v63  }
0x4e1: {  	s24 =	simm.s32 $0x2C00  }
0x4e2: {  	[tilespmem:s24], [sflag:$0x1] =	stream.indirect_vreg.gather [hbm4b:s10+s4], $0x80, v5, vm0, $0xb8;
	[tilespmem:$0xDC00] =	vst v63  }
0x4e3: {  	v5 =	vld [tilespmem:$0x10];
	_ =	sdelay $0x4  }
0x4e4: {  	v6 =	vshrl.u32 v5, $0x3  }
0x4e5: {  	v6 =	vmul.u32 $0x30, v6  }
0x4e6: {  	v5 =	vand.u32 $0x7, v5  }
0x4e7: {  	v5 =	vor.u32 v5, v6  }
0x4e8: {  	v6 =	vperm.xlane v5, v2;
	_ =	sdelay $0x1  }
0x4e9: {  	v6 =	vadd.s32 v3, v6;
	_ =	sdelay $0x3  }
0x4ea: {  	s19 =	simm.s32 $0x3400;
	v5 =	vperm.xlane v5, v4  }
0x4eb: {  	[tilespmem:s19], [sflag:$0x1] =	stream.indirect_vreg.gather [hbm4b:s16+s4], $0x80, v6, vm0, $0xb8;
	[tilespmem:$0xDC00] =	vst v63  }
0x4ec: {  	s20 =	simm.s32 $0x3C00;
	v5 =	vadd.s32 v3, v5  }
0x4ed: {  	[tilespmem:s20], [sflag:$0x1] =	stream.indirect_vreg.gather [hbm4b:s9+s4], $0x80, v6, vm0, $0xb8;
	[tilespmem:$0xDC00] =	vst v63  }
0x4ee: {  	s19 =	simm.s32 $0x4400  }
0x4ef: {  	[tilespmem:s19], [sflag:$0x1] =	stream.indirect_vreg.gather [hbm4b:s10+s4], $0x80, v6, vm0, $0xb8;
	[tilespmem:$0xDC00] =	vst v63  }
0x4f0: {  	s15 =	simm.s32 $0x4C00  }
0x4f1: {  	[tilespmem:s15], [sflag:$0x1] =	stream.indirect_vreg.gather [hbm4b:s16+s4], $0x80, v5, vm0, $0xb8;
	[tilespmem:$0xDC00] =	vst v63  }
0x4f2: {  	s31 =	simm.s32 $0x5400  }
0x4f3: {  	[tilespmem:s31], [sflag:$0x1] =	stream.indirect_vreg.gather [hbm4b:s9+s4], $0x80, v5, vm0, $0xb8;
	[tilespmem:$0xDC00] =	vst v63  }
0x4f4: {  	s25 =	simm.s32 $0x5C00  }
0x4f5: {  	[tilespmem:s25], [sflag:$0x1] =	stream.indirect_vreg.gather [hbm4b:s10+s4], $0x80, v5, vm0, $0xb8;
	[tilespmem:$0xDC00] =	vst v63  }
0x4f6: {  	v5 =	vld [tilespmem:$0x20];
	_ =	sdelay $0x4  }
0x4f7: {  	v6 =	vshrl.u32 v5, $0x3  }
0x4f8: {  	v6 =	vmul.u32 $0x30, v6  }
0x4f9: {  	v5 =	vand.u32 $0x7, v5  }
0x4fa: {  	v5 =	vor.u32 v5, v6  }
0x4fb: {  	v6 =	vperm.xlane v5, v2;
	_ =	sdelay $0x1  }
0x4fc: {  	v6 =	vadd.s32 v3, v6;
	_ =	sdelay $0x3  }
0x4fd: {  	s18 =	simm.s32 $0x6400;
	v5 =	vperm.xlane v5, v4  }
0x4fe: {  	[tilespmem:s18], [sflag:$0x1] =	stream.indirect_vreg.gather [hbm4b:s16+s4], $0x80, v6, vm0, $0xb8;
	[tilespmem:$0xDC00] =	vst v63  }
0x4ff: {  	s21 =	simm.s32 $0x6C00;
	v5 =	vadd.s32 v3, v5  }
0x500: {  	[tilespmem:s21], [sflag:$0x1] =	stream.indirect_vreg.gather [hbm4b:s9+s4], $0x80, v6, vm0, $0xb8;
	[tilespmem:$0xDC00] =	vst v63  }
0x501: {  	s15 =	simm.s32 $0x7400  }
0x502: {  	[tilespmem:s15], [sflag:$0x1] =	stream.indirect_vreg.gather [hbm4b:s10+s4], $0x80, v6, vm0, $0xb8;
	[tilespmem:$0xDC00] =	vst v63  }
0x503: {  	s29 =	simm.s32 $0x7C00  }
0x504: {  	[tilespmem:s29], [sflag:$0x1] =	stream.indirect_vreg.gather [hbm4b:s16+s4], $0x80, v5, vm0, $0xb8;
	[tilespmem:$0xDC00] =	vst v63  }
0x505: {  	s2 =	simm.s32 $0x8400  }
0x506: {  	[tilespmem:s2], [sflag:$0x1] =	stream.indirect_vreg.gather [hbm4b:s9+s4], $0x80, v5, vm0, $0xb8;
	[tilespmem:$0xDC00] =	vst v63  }
0x507: {  	s18 =	simm.s32 $0x8C00  }
0x508: {  	[tilespmem:s18], [sflag:$0x1] =	stream.indirect_vreg.gather [hbm4b:s10+s4], $0x80, v5, vm0, $0xb8;
	[tilespmem:$0xDC00] =	vst v63  }
0x509: {  	v5 =	vld [tilespmem:$0x30];
	_ =	sdelay $0x4  }
0x50a: {  	v6 =	vshrl.u32 v5, $0x3  }
0x50b: {  	v6 =	vmul.u32 $0x30, v6  }
0x50c: {  	v5 =	vand.u32 $0x7, v5  }
0x50d: {  	v5 =	vor.u32 v5, v6  }
0x50e: {  	v6 =	vperm.xlane v5, v2;
	_ =	sdelay $0x1  }
0x50f: {  	v6 =	vadd.s32 v3, v6;
	_ =	sdelay $0x3  }
0x510: {  	s30 =	simm.s32 $0x9400;
	v5 =	vperm.xlane v5, v4  }
0x511: {  	[tilespmem:s30], [sflag:$0x1] =	stream.indirect_vreg.gather [hbm4b:s16+s4], $0x80, v6, vm0, $0xb8;
	[tilespmem:$0xDC00] =	vst v63  }
0x512: {  	s22 =	simm.s32 $0x9C00;
	v5 =	vadd.s32 v3, v5  }
0x513: {  	[tilespmem:s22], [sflag:$0x1] =	stream.indirect_vreg.gather [hbm4b:s9+s4], $0x80, v6, vm0, $0xb8;
	[tilespmem:$0xDC00] =	vst v63  }
0x514: {  	s22 =	simm.s32 $0xA400  }
0x515: {  	[tilespmem:s22], [sflag:$0x1] =	stream.indirect_vreg.gather [hbm4b:s10+s4], $0x80, v6, vm0, $0xb8;
	[tilespmem:$0xDC00] =	vst v63  }
0x516: {  	s6 =	simm.s32 $0xAC00  }
0x517: {  	[tilespmem:s6], [sflag:$0x1] =	stream.indirect_vreg.gather [hbm4b:s16+s4], $0x80, v5, vm0, $0xb8;
	[tilespmem:$0xDC00] =	vst v63  }
0x518: {  	s23 =	simm.s32 $0xB400  }
0x519: {  	[tilespmem:s23], [sflag:$0x1] =	stream.indirect_vreg.gather [hbm4b:s9+s4], $0x80, v5, vm0, $0xb8;
	[tilespmem:$0xDC00] =	vst v63  }
0x51a: {  	s25 =	simm.s32 $0xBC00  }
0x51b: {  	[tilespmem:s25], [sflag:$0x1] =	stream.indirect_vreg.gather [hbm4b:s10+s4], $0x80, v5, vm0, $0xb8;
	[tilespmem:$0xDC00] =	vst v63  }
0x51c: {  	v5 =	vld.msk [tilespmem:$0x40], $0xff;
	_ =	sdelay $0x4  }
0x51d: {  	v6 =	vshrl.u32 v5, $0x3  }
0x51e: {  	v6 =	vmul.u32 $0x30, v6  }
0x51f: {  	v5 =	vand.u32 $0x7, v5  }
0x520: {  	v5 =	vor.u32 v5, v6  }
0x521: {  	v5 =	vperm.xlane v5, v2;
	_ =	sdelay $0x1  }
0x522: {  	v5 =	vadd.s32 v3, v5;
	_ =	sdelay $0x3  }
0x523: {  	s6 =	simm.s32 $0xC400  }
0x524: {  	[tilespmem:s6], [sflag:$0x1] =	stream.indirect_vreg.gather [hbm4b:s16+s4], $0x80, v5, vm0, $0xb8;
	[tilespmem:$0xDC00] =	vst v63  }
0x525: {  	s1 =	simm.s32 $0xCC00  }
0x526: {  	[tilespmem:s1], [sflag:$0x1] =	stream.indirect_vreg.gather [hbm4b:s9+s4], $0x80, v5, vm0, $0xb8;
	[tilespmem:$0xDC00] =	vst v63  }
0x527: {  	s3 =	simm.s32 $0xD400  }
0x528: {  	[tilespmem:s3], [sflag:$0x1] =	stream.indirect_vreg.gather [hbm4b:s10+s4], $0x80, v5, vm0, $0xb8;
	[tilespmem:$0xDC00] =	vst v63  }
0x529: {  	_ =	swait.ge [sflag:s26], $0xD800  }
0x52a: {  	[sflag:s26] =	ssyncset.done $0x0  }
0x52b: {  	s15 =	simm.s32 $0x400;
	s28 =	rddreg [dreg:$0x18];
	[sflag:s26] =	ssyncadd.s32 $0xFFFF2800  }
0x52c: {  	[hbm4b:s28+s4] =	stream.linear.scatter [tilespmem:s15], [sflag:$0x2], $0xD800, $0x38;
	[tilespmem:$0xDC00] =	vst v63  }
0x52d: {  	_ =	swait.ge [sflag:s17], $0xD800  }
0x52e: {  	[sflag:s17] =	ssyncset.done $0x0  }
0x52f: {  	[sflag:s17] =	ssyncadd.s32 $0xFFFF2800  }
0x530: {  	v5 =	vld [tilespmem:$0x48];
	_ =	sdelay $0x4  }
0x531: {  	v6 =	vshrl.u32 v5, $0x3  }
0x532: {  	v6 =	vmul.u32 $0x30, v6  }
0x533: {  	v5 =	vand.u32 $0x7, v5  }
0x534: {  	v5 =	vor.u32 v5, v6  }
0x535: {  	v6 =	vperm.xlane v5, v2;
	_ =	sdelay $0x1  }
0x536: {  	v6 =	vadd.s32 v3, v6;
	_ =	sdelay $0x3  }
0x537: {  	v5 =	vperm.xlane v5, v4  }
0x538: {  	[tilespmem:s15], [sflag:$0x1] =	stream.indirect_vreg.gather [hbm4b:s16+s4], $0x80, v6, vm0, $0xb8;
	[tilespmem:$0xDC00] =	vst v63  }
0x539: {  	v5 =	vadd.s32 v3, v5  }
0x53a: {  	[tilespmem:s0], [sflag:$0x1] =	stream.indirect_vreg.gather [hbm4b:s9+s4], $0x80, v6, vm0, $0xb8;
	[tilespmem:$0xDC00] =	vst v63  }
0x53b: {  	_ = 	snop  }
0x53c: {  	[tilespmem:s14], [sflag:$0x1] =	stream.indirect_vreg.gather [hbm4b:s10+s4], $0x80, v6, vm0, $0xb8;
	[tilespmem:$0xDC00] =	vst v63  }
0x53d: {  	s18 =	simm.s32 $0x1C00  }
0x53e: {  	[tilespmem:s18], [sflag:$0x1] =	stream.indirect_vreg.gather [hbm4b:s16+s4], $0x80, v5, vm0, $0xb8;
	[tilespmem:$0xDC00] =	vst v63  }
0x53f: {  	s15 =	simm.s32 $0x2400  }
0x540: {  	[tilespmem:s15], [sflag:$0x1] =	stream.indirect_vreg.gather [hbm4b:s9+s4], $0x80, v5, vm0, $0xb8;
	[tilespmem:$0xDC00] =	vst v63  }
0x541: {  	s22 =	simm.s32 $0x2C00  }
0x542: {  	[tilespmem:s22], [sflag:$0x1] =	stream.indirect_vreg.gather [hbm4b:s10+s4], $0x80, v5, vm0, $0xb8;
	[tilespmem:$0xDC00] =	vst v63  }
0x543: {  	v5 =	vld [tilespmem:$0x58];
	_ =	sdelay $0x4  }
0x544: {  	v6 =	vshrl.u32 v5, $0x3  }
0x545: {  	v6 =	vmul.u32 $0x30, v6  }
0x546: {  	v5 =	vand.u32 $0x7, v5  }
0x547: {  	v5 =	vor.u32 v5, v6  }
0x548: {  	v6 =	vperm.xlane v5, v2;
	_ =	sdelay $0x1  }
0x549: {  	v6 =	vadd.s32 v3, v6;
	_ =	sdelay $0x3  }
0x54a: {  	s24 =	simm.s32 $0x3400;
	v5 =	vperm.xlane v5, v4  }
0x54b: {  	[tilespmem:s24], [sflag:$0x1] =	stream.indirect_vreg.gather [hbm4b:s16+s4], $0x80, v6, vm0, $0xb8;
	[tilespmem:$0xDC00] =	vst v63  }
0x54c: {  	s20 =	simm.s32 $0x3C00;
	v5 =	vadd.s32 v3, v5  }
0x54d: {  	[tilespmem:s20], [sflag:$0x1] =	stream.indirect_vreg.gather [hbm4b:s9+s4], $0x80, v6, vm0, $0xb8;
	[tilespmem:$0xDC00] =	vst v63  }
0x54e: {  	s1 =	simm.s32 $0x4400  }
0x54f: {  	[tilespmem:s1], [sflag:$0x1] =	stream.indirect_vreg.gather [hbm4b:s10+s4], $0x80, v6, vm0, $0xb8;
	[tilespmem:$0xDC00] =	vst v63  }
0x550: {  	s18 =	simm.s32 $0x4C00  }
0x551: {  	[tilespmem:s18], [sflag:$0x1] =	stream.indirect_vreg.gather [hbm4b:s16+s4], $0x80, v5, vm0, $0xb8;
	[tilespmem:$0xDC00] =	vst v63  }
0x552: {  	s31 =	simm.s32 $0x5400  }
0x553: {  	[tilespmem:s31], [sflag:$0x1] =	stream.indirect_vreg.gather [hbm4b:s9+s4], $0x80, v5, vm0, $0xb8;
	[tilespmem:$0xDC00] =	vst v63  }
0x554: {  	s25 =	simm.s32 $0x5C00  }
0x555: {  	[tilespmem:s25], [sflag:$0x1] =	stream.indirect_vreg.gather [hbm4b:s10+s4], $0x80, v5, vm0, $0xb8;
	[tilespmem:$0xDC00] =	vst v63  }
0x556: {  	v5 =	vld [tilespmem:$0x68];
	_ =	sdelay $0x4  }
0x557: {  	v6 =	vshrl.u32 v5, $0x3  }
0x558: {  	v6 =	vmul.u32 $0x30, v6  }
0x559: {  	v5 =	vand.u32 $0x7, v5  }
0x55a: {  	v5 =	vor.u32 v5, v6  }
0x55b: {  	v6 =	vperm.xlane v5, v2;
	_ =	sdelay $0x1  }
0x55c: {  	v6 =	vadd.s32 v3, v6;
	_ =	sdelay $0x3  }
0x55d: {  	s23 =	simm.s32 $0x6400;
	v5 =	vperm.xlane v5, v4  }
0x55e: {  	[tilespmem:s23], [sflag:$0x1] =	stream.indirect_vreg.gather [hbm4b:s16+s4], $0x80, v6, vm0, $0xb8;
	[tilespmem:$0xDC00] =	vst v63  }
0x55f: {  	s21 =	simm.s32 $0x6C00;
	v5 =	vadd.s32 v3, v5  }
0x560: {  	[tilespmem:s21], [sflag:$0x1] =	stream.indirect_vreg.gather [hbm4b:s9+s4], $0x80, v6, vm0, $0xb8;
	[tilespmem:$0xDC00] =	vst v63  }
0x561: {  	s19 =	simm.s32 $0x7400  }
0x562: {  	[tilespmem:s19], [sflag:$0x1] =	stream.indirect_vreg.gather [hbm4b:s10+s4], $0x80, v6, vm0, $0xb8;
	[tilespmem:$0xDC00] =	vst v63  }
0x563: {  	s29 =	simm.s32 $0x7C00  }
0x564: {  	[tilespmem:s29], [sflag:$0x1] =	stream.indirect_vreg.gather [hbm4b:s16+s4], $0x80, v5, vm0, $0xb8;
	[tilespmem:$0xDC00] =	vst v63  }
0x565: {  	s31 =	simm.s32 $0x8400  }
0x566: {  	[tilespmem:s31], [sflag:$0x1] =	stream.indirect_vreg.gather [hbm4b:s9+s4], $0x80, v5, vm0, $0xb8;
	[tilespmem:$0xDC00] =	vst v63  }
0x567: {  	s12 =	simm.s32 $0x8C00  }
0x568: {  	[tilespmem:s12], [sflag:$0x1] =	stream.indirect_vreg.gather [hbm4b:s10+s4], $0x80, v5, vm0, $0xb8;
	[tilespmem:$0xDC00] =	vst v63  }
0x569: {  	v5 =	vld [tilespmem:$0x78];
	_ =	sdelay $0x4  }
0x56a: {  	v6 =	vshrl.u32 v5, $0x3  }
0x56b: {  	v6 =	vmul.u32 $0x30, v6  }
0x56c: {  	v5 =	vand.u32 $0x7, v5  }
0x56d: {  	v5 =	vor.u32 v5, v6  }
0x56e: {  	v6 =	vperm.xlane v5, v2;
	_ =	sdelay $0x1  }
0x56f: {  	v6 =	vadd.s32 v3, v6;
	_ =	sdelay $0x3  }
0x570: {  	s12 =	simm.s32 $0x9400;
	v5 =	vperm.xlane v5, v4  }
0x571: {  	[tilespmem:s12], [sflag:$0x1] =	stream.indirect_vreg.gather [hbm4b:s16+s4], $0x80, v6, vm0, $0xb8;
	[tilespmem:$0xDC00] =	vst v63  }
0x572: {  	s24 =	simm.s32 $0x9C00;
	v5 =	vadd.s32 v3, v5  }
0x573: {  	[tilespmem:s24], [sflag:$0x1] =	stream.indirect_vreg.gather [hbm4b:s9+s4], $0x80, v6, vm0, $0xb8;
	[tilespmem:$0xDC00] =	vst v63  }
0x574: {  	s6 =	simm.s32 $0xA400  }
0x575: {  	[tilespmem:s6], [sflag:$0x1] =	stream.indirect_vreg.gather [hbm4b:s10+s4], $0x80, v6, vm0, $0xb8;
	[tilespmem:$0xDC00] =	vst v63  }
0x576: {  	s20 =	simm.s32 $0xAC00  }
0x577: {  	[tilespmem:s20], [sflag:$0x1] =	stream.indirect_vreg.gather [hbm4b:s16+s4], $0x80, v5, vm0, $0xb8;
	[tilespmem:$0xDC00] =	vst v63  }
0x578: {  	s30 =	simm.s32 $0xB400  }
0x579: {  	[tilespmem:s30], [sflag:$0x1] =	stream.indirect_vreg.gather [hbm4b:s9+s4], $0x80, v5, vm0, $0xb8;
	[tilespmem:$0xDC00] =	vst v63  }
0x57a: {  	s3 =	simm.s32 $0xBC00  }
0x57b: {  	[tilespmem:s3], [sflag:$0x1] =	stream.indirect_vreg.gather [hbm4b:s10+s4], $0x80, v5, vm0, $0xb8;
	[tilespmem:$0xDC00] =	vst v63  }
0x57c: {  	v5 =	vld.msk [tilespmem:$0x88], $0xff;
	_ =	sdelay $0x4  }
0x57d: {  	v6 =	vshrl.u32 v5, $0x3  }
0x57e: {  	v6 =	vmul.u32 $0x30, v6  }
0x57f: {  	v5 =	vand.u32 $0x7, v5  }
0x580: {  	v5 =	vor.u32 v5, v6  }
0x581: {  	v5 =	vperm.xlane v5, v2;
	_ =	sdelay $0x1  }
0x582: {  	v5 =	vadd.s32 v3, v5;
	_ =	sdelay $0x3  }
0x583: {  	s20 =	simm.s32 $0xC400  }
0x584: {  	[tilespmem:s20], [sflag:$0x1] =	stream.indirect_vreg.gather [hbm4b:s16+s4], $0x80, v5, vm0, $0xb8;
	[tilespmem:$0xDC00] =	vst v63  }
0x585: {  	s30 =	simm.s32 $0xCC00  }
0x586: {  	[tilespmem:s30], [sflag:$0x1] =	stream.indirect_vreg.gather [hbm4b:s9+s4], $0x80, v5, vm0, $0xb8;
	[tilespmem:$0xDC00] =	vst v63  }
0x587: {  	s30 =	simm.s32 $0xD400  }
0x588: {  	[tilespmem:s30], [sflag:$0x1] =	stream.indirect_vreg.gather [hbm4b:s10+s4], $0x80, v5, vm0, $0xb8;
	[tilespmem:$0xDC00] =	vst v63  }
0x589: {  	_ =	swait.ge [sflag:s26], $0xD800  }
0x58a: {  	[sflag:s26] =	ssyncset.done $0x0  }
0x58b: {  	s2 =	simm.s32 $0x400;
	s28 =	rddreg [dreg:$0x19];
	[sflag:s26] =	ssyncadd.s32 $0xFFFF2800  }
0x58c: {  	[hbm4b:s28+s4] =	stream.linear.scatter [tilespmem:s2], [sflag:$0x2], $0xD800, $0x38;
	[tilespmem:$0xDC00] =	vst v63  }
0x58d: {  	_ =	swait.ge [sflag:s17], $0xD800  }
0x58e: {  	[sflag:s17] =	ssyncset.done $0x0  }
0x58f: {  	[sflag:s17] =	ssyncadd.s32 $0xFFFF2800  }
0x590: {  	v5 =	vld [tilespmem:$0x100];
	_ =	sdelay $0x4  }
0x591: {  	v6 =	vshrl.u32 v5, $0x3  }
0x592: {  	v6 =	vmul.u32 $0x30, v6  }
0x593: {  	v5 =	vand.u32 $0x7, v5  }
0x594: {  	v5 =	vor.u32 v5, v6  }
0x595: {  	v6 =	vperm.xlane v5, v2;
	_ =	sdelay $0x1  }
0x596: {  	v6 =	vadd.s32 v3, v6;
	_ =	sdelay $0x3  }
0x597: {  	v5 =	vperm.xlane v5, v4  }
0x598: {  	[tilespmem:s2], [sflag:$0x1] =	stream.indirect_vreg.gather [hbm4b:s5+s4], $0x80, v6, vm0, $0xb8;
	[tilespmem:$0xDC00] =	vst v63  }
0x599: {  	v5 =	vadd.s32 v3, v5  }
0x59a: {  	[tilespmem:s0], [sflag:$0x1] =	stream.indirect_vreg.gather [hbm4b:s11+s4], $0x80, v6, vm0, $0xb8;
	[tilespmem:$0xDC00] =	vst v63  }
0x59b: {  	_ = 	snop  }
0x59c: {  	[tilespmem:s14], [sflag:$0x1] =	stream.indirect_vreg.gather [hbm4b:s13+s4], $0x80, v6, vm0, $0xb8;
	[tilespmem:$0xDC00] =	vst v63  }
0x59d: {  	s14 =	simm.s32 $0x1C00  }
0x59e: {  	[tilespmem:s14], [sflag:$0x1] =	stream.indirect_vreg.gather [hbm4b:s5+s4], $0x80, v5, vm0, $0xb8;
	[tilespmem:$0xDC00] =	vst v63  }
0x59f: {  	_ = 	snop  }
0x5a0: {  	[tilespmem:s15], [sflag:$0x1] =	stream.indirect_vreg.gather [hbm4b:s11+s4], $0x80, v5, vm0, $0xb8;
	[tilespmem:$0xDC00] =	vst v63  }
0x5a1: {  	_ = 	snop  }
0x5a2: {  	[tilespmem:s22], [sflag:$0x1] =	stream.indirect_vreg.gather [hbm4b:s13+s4], $0x80, v5, vm0, $0xb8;
	[tilespmem:$0xDC00] =	vst v63  }
0x5a3: {  	v5 =	vld [tilespmem:$0x110];
	_ =	sdelay $0x4  }
0x5a4: {  	v6 =	vshrl.u32 v5, $0x3  }
0x5a5: {  	v6 =	vmul.u32 $0x30, v6  }
0x5a6: {  	v5 =	vand.u32 $0x7, v5  }
0x5a7: {  	v5 =	vor.u32 v5, v6  }
0x5a8: {  	v6 =	vperm.xlane v5, v2;
	_ =	sdelay $0x1  }
0x5a9: {  	v6 =	vadd.s32 v3, v6;
	_ =	sdelay $0x3  }
0x5aa: {  	s2 =	simm.s32 $0x3400;
	v5 =	vperm.xlane v5, v4  }
0x5ab: {  	[tilespmem:s2], [sflag:$0x1] =	stream.indirect_vreg.gather [hbm4b:s5+s4], $0x80, v6, vm0, $0xb8;
	[tilespmem:$0xDC00] =	vst v63  }
0x5ac: {  	s14 =	simm.s32 $0x3C00;
	v5 =	vadd.s32 v3, v5  }
0x5ad: {  	[tilespmem:s14], [sflag:$0x1] =	stream.indirect_vreg.gather [hbm4b:s11+s4], $0x80, v6, vm0, $0xb8;
	[tilespmem:$0xDC00] =	vst v63  }
0x5ae: {  	_ = 	snop  }
0x5af: {  	[tilespmem:s1], [sflag:$0x1] =	stream.indirect_vreg.gather [hbm4b:s13+s4], $0x80, v6, vm0, $0xb8;
	[tilespmem:$0xDC00] =	vst v63  }
0x5b0: {  	_ = 	snop  }
0x5b1: {  	[tilespmem:s18], [sflag:$0x1] =	stream.indirect_vreg.gather [hbm4b:s5+s4], $0x80, v5, vm0, $0xb8;
	[tilespmem:$0xDC00] =	vst v63  }
0x5b2: {  	s1 =	simm.s32 $0x5400  }
0x5b3: {  	[tilespmem:s1], [sflag:$0x1] =	stream.indirect_vreg.gather [hbm4b:s11+s4], $0x80, v5, vm0, $0xb8;
	[tilespmem:$0xDC00] =	vst v63  }
0x5b4: {  	_ = 	snop  }
0x5b5: {  	[tilespmem:s25], [sflag:$0x1] =	stream.indirect_vreg.gather [hbm4b:s13+s4], $0x80, v5, vm0, $0xb8;
	[tilespmem:$0xDC00] =	vst v63  }
0x5b6: {  	v5 =	vld [tilespmem:$0x120];
	_ =	sdelay $0x4  }
0x5b7: {  	v6 =	vshrl.u32 v5, $0x3  }
0x5b8: {  	v6 =	vmul.u32 $0x30, v6  }
0x5b9: {  	v5 =	vand.u32 $0x7, v5  }
0x5ba: {  	v5 =	vor.u32 v5, v6  }
0x5bb: {  	v6 =	vperm.xlane v5, v2;
	_ =	sdelay $0x1  }
0x5bc: {  	v6 =	vadd.s32 v3, v6;
	_ =	sdelay $0x3  }
0x5bd: {  	v5 =	vperm.xlane v5, v4  }
0x5be: {  	[tilespmem:s23], [sflag:$0x1] =	stream.indirect_vreg.gather [hbm4b:s5+s4], $0x80, v6, vm0, $0xb8;
	[tilespmem:$0xDC00] =	vst v63  }
0x5bf: {  	s21 =	simm.s32 $0x6C00;
	v5 =	vadd.s32 v3, v5  }
0x5c0: {  	[tilespmem:s21], [sflag:$0x1] =	stream.indirect_vreg.gather [hbm4b:s11+s4], $0x80, v6, vm0, $0xb8;
	[tilespmem:$0xDC00] =	vst v63  }
0x5c1: {  	s19 =	simm.s32 $0x7400  }
0x5c2: {  	[tilespmem:s19], [sflag:$0x1] =	stream.indirect_vreg.gather [hbm4b:s13+s4], $0x80, v6, vm0, $0xb8;
	[tilespmem:$0xDC00] =	vst v63  }
0x5c3: {  	s29 =	simm.s32 $0x7C00  }
0x5c4: {  	[tilespmem:s29], [sflag:$0x1] =	stream.indirect_vreg.gather [hbm4b:s5+s4], $0x80, v5, vm0, $0xb8;
	[tilespmem:$0xDC00] =	vst v63  }
0x5c5: {  	_ = 	snop  }
0x5c6: {  	[tilespmem:s31], [sflag:$0x1] =	stream.indirect_vreg.gather [hbm4b:s11+s4], $0x80, v5, vm0, $0xb8;
	[tilespmem:$0xDC00] =	vst v63  }
0x5c7: {  	s31 =	simm.s32 $0x8C00  }
0x5c8: {  	[tilespmem:s31], [sflag:$0x1] =	stream.indirect_vreg.gather [hbm4b:s13+s4], $0x80, v5, vm0, $0xb8;
	[tilespmem:$0xDC00] =	vst v63  }
0x5c9: {  	v5 =	vld [tilespmem:$0x130];
	_ =	sdelay $0x4  }
0x5ca: {  	v6 =	vshrl.u32 v5, $0x3  }
0x5cb: {  	v6 =	vmul.u32 $0x30, v6  }
0x5cc: {  	v5 =	vand.u32 $0x7, v5  }
0x5cd: {  	v5 =	vor.u32 v5, v6  }
0x5ce: {  	v6 =	vperm.xlane v5, v2;
	_ =	sdelay $0x1  }
0x5cf: {  	v6 =	vadd.s32 v3, v6;
	_ =	sdelay $0x3  }
0x5d0: {  	v5 =	vperm.xlane v5, v4  }
0x5d1: {  	[tilespmem:s12], [sflag:$0x1] =	stream.indirect_vreg.gather [hbm4b:s5+s4], $0x80, v6, vm0, $0xb8;
	[tilespmem:$0xDC00] =	vst v63  }
0x5d2: {  	v5 =	vadd.s32 v3, v5  }
0x5d3: {  	[tilespmem:s24], [sflag:$0x1] =	stream.indirect_vreg.gather [hbm4b:s11+s4], $0x80, v6, vm0, $0xb8;
	[tilespmem:$0xDC00] =	vst v63  }
0x5d4: {  	_ = 	snop  }
0x5d5: {  	[tilespmem:s6], [sflag:$0x1] =	stream.indirect_vreg.gather [hbm4b:s13+s4], $0x80, v6, vm0, $0xb8;
	[tilespmem:$0xDC00] =	vst v63  }
0x5d6: {  	s2 =	simm.s32 $0xAC00  }
0x5d7: {  	[tilespmem:s2], [sflag:$0x1] =	stream.indirect_vreg.gather [hbm4b:s5+s4], $0x80, v5, vm0, $0xb8;
	[tilespmem:$0xDC00] =	vst v63  }
0x5d8: {  	s12 =	simm.s32 $0xB400  }
0x5d9: {  	[tilespmem:s12], [sflag:$0x1] =	stream.indirect_vreg.gather [hbm4b:s11+s4], $0x80, v5, vm0, $0xb8;
	[tilespmem:$0xDC00] =	vst v63  }
0x5da: {  	_ = 	snop  }
0x5db: {  	[tilespmem:s3], [sflag:$0x1] =	stream.indirect_vreg.gather [hbm4b:s13+s4], $0x80, v5, vm0, $0xb8;
	[tilespmem:$0xDC00] =	vst v63  }
0x5dc: {  	v5 =	vld.msk [tilespmem:$0x140], $0xff;
	_ =	sdelay $0x4  }
0x5dd: {  	v6 =	vshrl.u32 v5, $0x3  }
0x5de: {  	v6 =	vmul.u32 $0x30, v6  }
0x5df: {  	v5 =	vand.u32 $0x7, v5  }
0x5e0: {  	v5 =	vor.u32 v5, v6  }
0x5e1: {  	v5 =	vperm.xlane v5, v2;
	_ =	sdelay $0x1  }
0x5e2: {  	v5 =	vadd.s32 v3, v5;
	_ =	sdelay $0x4  }
0x5e3: {  	[tilespmem:s20], [sflag:$0x1] =	stream.indirect_vreg.gather [hbm4b:s5+s4], $0x80, v5, vm0, $0xb8;
	[tilespmem:$0xDC00] =	vst v63  }
0x5e4: {  	s14 =	simm.s32 $0xCC00  }
0x5e5: {  	[tilespmem:s14], [sflag:$0x1] =	stream.indirect_vreg.gather [hbm4b:s11+s4], $0x80, v5, vm0, $0xb8;
	[tilespmem:$0xDC00] =	vst v63  }
0x5e6: {  	s20 =	simm.s32 $0xD400  }
0x5e7: {  	[tilespmem:s20], [sflag:$0x1] =	stream.indirect_vreg.gather [hbm4b:s13+s4], $0x80, v5, vm0, $0xb8;
	[tilespmem:$0xDC00] =	vst v63  }
0x5e8: {  	_ =	swait.ge [sflag:s26], $0xD800  }
0x5e9: {  	s28 =	sld [smem:$0x7FD]  }
0x5ea: {  	[sflag:s26] =	ssyncset.done $0x0  }
0x5eb: {  	s3 =	simm.s32 $0x400;
	[sflag:s26] =	ssyncadd.s32 $0xFFFF2800  }
0x5ec: {  	[hbm4b:s28+s4] =	stream.linear.scatter [tilespmem:s3], [sflag:$0x2], $0xD800, $0x38;
	[tilespmem:$0xDC00] =	vst v63  }
0x5ed: {  	_ =	swait.ge [sflag:s17], $0xD800  }
0x5ee: {  	[sflag:s17] =	ssyncset.done $0x0  }
0x5ef: {  	[sflag:s17] =	ssyncadd.s32 $0xFFFF2800  }
0x5f0: {  	v5 =	vld [tilespmem:$0x148];
	_ =	sdelay $0x4  }
0x5f1: {  	v6 =	vshrl.u32 v5, $0x3  }
0x5f2: {  	v6 =	vmul.u32 $0x30, v6  }
0x5f3: {  	v5 =	vand.u32 $0x7, v5  }
0x5f4: {  	v5 =	vor.u32 v5, v6  }
0x5f5: {  	v6 =	vperm.xlane v5, v2;
	_ =	sdelay $0x1  }
0x5f6: {  	v6 =	vadd.s32 v3, v6;
	_ =	sdelay $0x3  }
0x5f7: {  	v5 =	vperm.xlane v5, v4  }
0x5f8: {  	[tilespmem:s3], [sflag:$0x1] =	stream.indirect_vreg.gather [hbm4b:s5+s4], $0x80, v6, vm0, $0xb8;
	[tilespmem:$0xDC00] =	vst v63  }
0x5f9: {  	s16 =	simm.s32 $0xC00;
	v5 =	vadd.s32 v3, v5  }
0x5fa: {  	[tilespmem:s16], [sflag:$0x1] =	stream.indirect_vreg.gather [hbm4b:s11+s4], $0x80, v6, vm0, $0xb8;
	[tilespmem:$0xDC00] =	vst v63  }
0x5fb: {  	s30 =	simm.s32 $0x1400  }
0x5fc: {  	[tilespmem:s30], [sflag:$0x1] =	stream.indirect_vreg.gather [hbm4b:s13+s4], $0x80, v6, vm0, $0xb8;
	[tilespmem:$0xDC00] =	vst v63  }
0x5fd: {  	s30 =	simm.s32 $0x1C00  }
0x5fe: {  	[tilespmem:s30], [sflag:$0x1] =	stream.indirect_vreg.gather [hbm4b:s5+s4], $0x80, v5, vm0, $0xb8;
	[tilespmem:$0xDC00] =	vst v63  }
0x5ff: {  	s15 =	simm.s32 $0x2400  }
0x600: {  	[tilespmem:s15], [sflag:$0x1] =	stream.indirect_vreg.gather [hbm4b:s11+s4], $0x80, v5, vm0, $0xb8;
	[tilespmem:$0xDC00] =	vst v63  }
0x601: {  	s22 =	simm.s32 $0x2C00  }
0x602: {  	[tilespmem:s22], [sflag:$0x1] =	stream.indirect_vreg.gather [hbm4b:s13+s4], $0x80, v5, vm0, $0xb8;
	[tilespmem:$0xDC00] =	vst v63  }
0x603: {  	v5 =	vld [tilespmem:$0x158];
	_ =	sdelay $0x4  }
0x604: {  	v6 =	vshrl.u32 v5, $0x3  }
0x605: {  	v6 =	vmul.u32 $0x30, v6  }
0x606: {  	v5 =	vand.u32 $0x7, v5  }
0x607: {  	v5 =	vor.u32 v5, v6  }
0x608: {  	v6 =	vperm.xlane v5, v2;
	_ =	sdelay $0x1  }
0x609: {  	v6 =	vadd.s32 v3, v6;
	_ =	sdelay $0x3  }
0x60a: {  	s20 =	simm.s32 $0x3400;
	v5 =	vperm.xlane v5, v4  }
0x60b: {  	[tilespmem:s20], [sflag:$0x1] =	stream.indirect_vreg.gather [hbm4b:s5+s4], $0x80, v6, vm0, $0xb8;
	[tilespmem:$0xDC00] =	vst v63  }
0x60c: {  	s22 =	simm.s32 $0x3C00;
	v5 =	vadd.s32 v3, v5  }
0x60d: {  	[tilespmem:s22], [sflag:$0x1] =	stream.indirect_vreg.gather [hbm4b:s11+s4], $0x80, v6, vm0, $0xb8;
	[tilespmem:$0xDC00] =	vst v63  }
0x60e: {  	s15 =	simm.s32 $0x4400  }
0x60f: {  	[tilespmem:s15], [sflag:$0x1] =	stream.indirect_vreg.gather [hbm4b:s13+s4], $0x80, v6, vm0, $0xb8;
	[tilespmem:$0xDC00] =	vst v63  }
0x610: {  	s20 =	simm.s32 $0x4C00  }
0x611: {  	[tilespmem:s20], [sflag:$0x1] =	stream.indirect_vreg.gather [hbm4b:s5+s4], $0x80, v5, vm0, $0xb8;
	[tilespmem:$0xDC00] =	vst v63  }
0x612: {  	_ = 	snop  }
0x613: {  	[tilespmem:s1], [sflag:$0x1] =	stream.indirect_vreg.gather [hbm4b:s11+s4], $0x80, v5, vm0, $0xb8;
	[tilespmem:$0xDC00] =	vst v63  }
0x614: {  	s22 =	simm.s32 $0x5C00  }
0x615: {  	[tilespmem:s22], [sflag:$0x1] =	stream.indirect_vreg.gather [hbm4b:s13+s4], $0x80, v5, vm0, $0xb8;
	[tilespmem:$0xDC00] =	vst v63  }
0x616: {  	v5 =	vld [tilespmem:$0x168];
	_ =	sdelay $0x4  }
0x617: {  	v6 =	vshrl.u32 v5, $0x3  }
0x618: {  	v6 =	vmul.u32 $0x30, v6  }
0x619: {  	v5 =	vand.u32 $0x7, v5  }
0x61a: {  	v5 =	vor.u32 v5, v6  }
0x61b: {  	v6 =	vperm.xlane v5, v2;
	_ =	sdelay $0x1  }
0x61c: {  	v6 =	vadd.s32 v3, v6;
	_ =	sdelay $0x3  }
0x61d: {  	s23 =	simm.s32 $0x6400;
	v5 =	vperm.xlane v5, v4  }
0x61e: {  	[tilespmem:s23], [sflag:$0x1] =	stream.indirect_vreg.gather [hbm4b:s5+s4], $0x80, v6, vm0, $0xb8;
	[tilespmem:$0xDC00] =	vst v63  }
0x61f: {  	s21 =	simm.s32 $0x6C00;
	v5 =	vadd.s32 v3, v5  }
0x620: {  	[tilespmem:s21], [sflag:$0x1] =	stream.indirect_vreg.gather [hbm4b:s11+s4], $0x80, v6, vm0, $0xb8;
	[tilespmem:$0xDC00] =	vst v63  }
0x621: {  	s19 =	simm.s32 $0x7400  }
0x622: {  	[tilespmem:s19], [sflag:$0x1] =	stream.indirect_vreg.gather [hbm4b:s13+s4], $0x80, v6, vm0, $0xb8;
	[tilespmem:$0xDC00] =	vst v63  }
0x623: {  	s29 =	simm.s32 $0x7C00  }
0x624: {  	[tilespmem:s29], [sflag:$0x1] =	stream.indirect_vreg.gather [hbm4b:s5+s4], $0x80, v5, vm0, $0xb8;
	[tilespmem:$0xDC00] =	vst v63  }
0x625: {  	s18 =	simm.s32 $0x8400  }
0x626: {  	[tilespmem:s18], [sflag:$0x1] =	stream.indirect_vreg.gather [hbm4b:s11+s4], $0x80, v5, vm0, $0xb8;
	[tilespmem:$0xDC00] =	vst v63  }
0x627: {  	s23 =	simm.s32 $0x8C00  }
0x628: {  	[tilespmem:s23], [sflag:$0x1] =	stream.indirect_vreg.gather [hbm4b:s13+s4], $0x80, v5, vm0, $0xb8;
	[tilespmem:$0xDC00] =	vst v63  }
0x629: {  	v5 =	vld [tilespmem:$0x178];
	_ =	sdelay $0x4  }
0x62a: {  	v6 =	vshrl.u32 v5, $0x3  }
0x62b: {  	v6 =	vmul.u32 $0x30, v6  }
0x62c: {  	v5 =	vand.u32 $0x7, v5  }
0x62d: {  	v5 =	vor.u32 v5, v6  }
0x62e: {  	v6 =	vperm.xlane v5, v2;
	_ =	sdelay $0x1  }
0x62f: {  	v6 =	vadd.s32 v3, v6;
	_ =	sdelay $0x3  }
0x630: {  	s31 =	simm.s32 $0x9400;
	v5 =	vperm.xlane v5, v4  }
0x631: {  	[tilespmem:s31], [sflag:$0x1] =	stream.indirect_vreg.gather [hbm4b:s5+s4], $0x80, v6, vm0, $0xb8;
	[tilespmem:$0xDC00] =	vst v63  }
0x632: {  	s24 =	simm.s32 $0x9C00;
	v5 =	vadd.s32 v3, v5  }
0x633: {  	[tilespmem:s24], [sflag:$0x1] =	stream.indirect_vreg.gather [hbm4b:s11+s4], $0x80, v6, vm0, $0xb8;
	[tilespmem:$0xDC00] =	vst v63  }
0x634: {  	s6 =	simm.s32 $0xA400  }
0x635: {  	[tilespmem:s6], [sflag:$0x1] =	stream.indirect_vreg.gather [hbm4b:s13+s4], $0x80, v6, vm0, $0xb8;
	[tilespmem:$0xDC00] =	vst v63  }
0x636: {  	s2 =	simm.s32 $0xAC00  }
0x637: {  	[tilespmem:s2], [sflag:$0x1] =	stream.indirect_vreg.gather [hbm4b:s5+s4], $0x80, v5, vm0, $0xb8;
	[tilespmem:$0xDC00] =	vst v63  }
0x638: {  	s6 =	simm.s32 $0xB400  }
0x639: {  	[tilespmem:s6], [sflag:$0x1] =	stream.indirect_vreg.gather [hbm4b:s11+s4], $0x80, v5, vm0, $0xb8;
	[tilespmem:$0xDC00] =	vst v63  }
0x63a: {  	s24 =	simm.s32 $0xBC00  }
0x63b: {  	[tilespmem:s24], [sflag:$0x1] =	stream.indirect_vreg.gather [hbm4b:s13+s4], $0x80, v5, vm0, $0xb8;
	[tilespmem:$0xDC00] =	vst v63  }
0x63c: {  	v5 =	vld.msk [tilespmem:$0x188], $0xff;
	_ =	sdelay $0x4  }
0x63d: {  	v6 =	vshrl.u32 v5, $0x3  }
0x63e: {  	v6 =	vmul.u32 $0x30, v6  }
0x63f: {  	v5 =	vand.u32 $0x7, v5  }
0x640: {  	v5 =	vor.u32 v5, v6  }
0x641: {  	v5 =	vperm.xlane v5, v2;
	_ =	sdelay $0x1  }
0x642: {  	v5 =	vadd.s32 v3, v5;
	_ =	sdelay $0x3  }
0x643: {  	s25 =	simm.s32 $0xC400  }
0x644: {  	[tilespmem:s25], [sflag:$0x1] =	stream.indirect_vreg.gather [hbm4b:s5+s4], $0x80, v5, vm0, $0xb8;
	[tilespmem:$0xDC00] =	vst v63  }
0x645: {  	s12 =	simm.s32 $0xCC00  }
0x646: {  	[tilespmem:s12], [sflag:$0x1] =	stream.indirect_vreg.gather [hbm4b:s11+s4], $0x80, v5, vm0, $0xb8;
	[tilespmem:$0xDC00] =	vst v63  }
0x647: {  	s14 =	simm.s32 $0xD400  }
0x648: {  	[tilespmem:s14], [sflag:$0x1] =	stream.indirect_vreg.gather [hbm4b:s13+s4], $0x80, v5, vm0, $0xb8;
	[tilespmem:$0xDC00] =	vst v63  }
0x649: {  	_ =	swait.ge [sflag:s26], $0xD800  }
0x64a: {  	[sflag:s26] =	ssyncset.done $0x0  }
0x64b: {  	s0 =	simm.s32 $0x400;
	s28 =	rddreg [dreg:$0x1a];
	[sflag:s26] =	ssyncadd.s32 $0xFFFF2800  }
0x64c: {  	[hbm4b:s28+s4] =	stream.linear.scatter [tilespmem:s0], [sflag:$0x2], $0xD800, $0x38;
	[tilespmem:$0xDC00] =	vst v63  }
0x64d: {  	_ =	swait.ge [sflag:s17], $0xD800  }
0x64e: {  	[sflag:s17] =	ssyncset.done $0x0  }
0x64f: {  	[sflag:s17] =	ssyncadd.s32 $0xFFFF2800  }
0x650: {  	v5 =	vld [tilespmem:$0x190];
	_ =	sdelay $0x4  }
0x651: {  	v6 =	vshrl.u32 v5, $0x3  }
0x652: {  	v6 =	vmul.u32 $0x30, v6  }
0x653: {  	v5 =	vand.u32 $0x7, v5  }
0x654: {  	v5 =	vor.u32 v5, v6  }
0x655: {  	v6 =	vperm.xlane v5, v2;
	_ =	sdelay $0x1  }
0x656: {  	v6 =	vadd.s32 v3, v6;
	_ =	sdelay $0x3  }
0x657: {  	v5 =	vperm.xlane v5, v4  }
0x658: {  	[tilespmem:s0], [sflag:$0x1] =	stream.indirect_vreg.gather [hbm4b:s5+s4], $0x80, v6, vm0, $0xb8;
	[tilespmem:$0xDC00] =	vst v63  }
0x659: {  	s6 =	simm.s32 $0xC00;
	v5 =	vadd.s32 v3, v5  }
0x65a: {  	[tilespmem:s6], [sflag:$0x1] =	stream.indirect_vreg.gather [hbm4b:s11+s4], $0x80, v6, vm0, $0xb8;
	[tilespmem:$0xDC00] =	vst v63  }
0x65b: {  	s16 =	simm.s32 $0x1400  }
0x65c: {  	[tilespmem:s16], [sflag:$0x1] =	stream.indirect_vreg.gather [hbm4b:s13+s4], $0x80, v6, vm0, $0xb8;
	[tilespmem:$0xDC00] =	vst v63  }
0x65d: {  	_ = 	snop  }
0x65e: {  	[tilespmem:s30], [sflag:$0x1] =	stream.indirect_vreg.gather [hbm4b:s5+s4], $0x80, v5, vm0, $0xb8;
	[tilespmem:$0xDC00] =	vst v63  }
0x65f: {  	s16 =	simm.s32 $0x2400  }
0x660: {  	[tilespmem:s16], [sflag:$0x1] =	stream.indirect_vreg.gather [hbm4b:s11+s4], $0x80, v5, vm0, $0xb8;
	[tilespmem:$0xDC00] =	vst v63  }
0x661: {  	s6 =	simm.s32 $0x2C00  }
0x662: {  	[tilespmem:s6], [sflag:$0x1] =	stream.indirect_vreg.gather [hbm4b:s13+s4], $0x80, v5, vm0, $0xb8;
	[tilespmem:$0xDC00] =	vst v63  }
0x663: {  	v5 =	vld [tilespmem:$0x1A0];
	_ =	sdelay $0x4  }
0x664: {  	v6 =	vshrl.u32 v5, $0x3  }
0x665: {  	v6 =	vmul.u32 $0x30, v6  }
0x666: {  	v5 =	vand.u32 $0x7, v5  }
0x667: {  	v5 =	vor.u32 v5, v6  }
0x668: {  	v6 =	vperm.xlane v5, v2;
	_ =	sdelay $0x1  }
0x669: {  	v6 =	vadd.s32 v3, v6;
	_ =	sdelay $0x3  }
0x66a: {  	s16 =	simm.s32 $0x3400;
	v5 =	vperm.xlane v5, v4  }
0x66b: {  	[tilespmem:s16], [sflag:$0x1] =	stream.indirect_vreg.gather [hbm4b:s5+s4], $0x80, v6, vm0, $0xb8;
	[tilespmem:$0xDC00] =	vst v63  }
0x66c: {  	s6 =	simm.s32 $0x3C00;
	v5 =	vadd.s32 v3, v5  }
0x66d: {  	[tilespmem:s6], [sflag:$0x1] =	stream.indirect_vreg.gather [hbm4b:s11+s4], $0x80, v6, vm0, $0xb8;
	[tilespmem:$0xDC00] =	vst v63  }
0x66e: {  	s16 =	simm.s32 $0x4400  }
0x66f: {  	[tilespmem:s16], [sflag:$0x1] =	stream.indirect_vreg.gather [hbm4b:s13+s4], $0x80, v6, vm0, $0xb8;
	[tilespmem:$0xDC00] =	vst v63  }
0x670: {  	s20 =	simm.s32 $0x4C00  }
0x671: {  	[tilespmem:s20], [sflag:$0x1] =	stream.indirect_vreg.gather [hbm4b:s5+s4], $0x80, v5, vm0, $0xb8;
	[tilespmem:$0xDC00] =	vst v63  }
0x672: {  	_ = 	snop  }
0x673: {  	[tilespmem:s1], [sflag:$0x1] =	stream.indirect_vreg.gather [hbm4b:s11+s4], $0x80, v5, vm0, $0xb8;
	[tilespmem:$0xDC00] =	vst v63  }
0x674: {  	s6 =	simm.s32 $0x5C00  }
0x675: {  	[tilespmem:s6], [sflag:$0x1] =	stream.indirect_vreg.gather [hbm4b:s13+s4], $0x80, v5, vm0, $0xb8;
	[tilespmem:$0xDC00] =	vst v63  }
0x676: {  	v5 =	vld [tilespmem:$0x1B0];
	_ =	sdelay $0x4  }
0x677: {  	v6 =	vshrl.u32 v5, $0x3  }
0x678: {  	v6 =	vmul.u32 $0x30, v6  }
0x679: {  	v5 =	vand.u32 $0x7, v5  }
0x67a: {  	v5 =	vor.u32 v5, v6  }
0x67b: {  	v6 =	vperm.xlane v5, v2;
	_ =	sdelay $0x1  }
0x67c: {  	v6 =	vadd.s32 v3, v6;
	_ =	sdelay $0x3  }
0x67d: {  	s22 =	simm.s32 $0x6400;
	v5 =	vperm.xlane v5, v4  }
0x67e: {  	[tilespmem:s22], [sflag:$0x1] =	stream.indirect_vreg.gather [hbm4b:s5+s4], $0x80, v6, vm0, $0xb8;
	[tilespmem:$0xDC00] =	vst v63  }
0x67f: {  	s21 =	simm.s32 $0x6C00;
	v5 =	vadd.s32 v3, v5  }
0x680: {  	[tilespmem:s21], [sflag:$0x1] =	stream.indirect_vreg.gather [hbm4b:s11+s4], $0x80, v6, vm0, $0xb8;
	[tilespmem:$0xDC00] =	vst v63  }
0x681: {  	s19 =	simm.s32 $0x7400  }
0x682: {  	[tilespmem:s19], [sflag:$0x1] =	stream.indirect_vreg.gather [hbm4b:s13+s4], $0x80, v6, vm0, $0xb8;
	[tilespmem:$0xDC00] =	vst v63  }
0x683: {  	s29 =	simm.s32 $0x7C00  }
0x684: {  	[tilespmem:s29], [sflag:$0x1] =	stream.indirect_vreg.gather [hbm4b:s5+s4], $0x80, v5, vm0, $0xb8;
	[tilespmem:$0xDC00] =	vst v63  }
0x685: {  	s18 =	simm.s32 $0x8400  }
0x686: {  	[tilespmem:s18], [sflag:$0x1] =	stream.indirect_vreg.gather [hbm4b:s11+s4], $0x80, v5, vm0, $0xb8;
	[tilespmem:$0xDC00] =	vst v63  }
0x687: {  	s20 =	simm.s32 $0x8C00  }
0x688: {  	[tilespmem:s20], [sflag:$0x1] =	stream.indirect_vreg.gather [hbm4b:s13+s4], $0x80, v5, vm0, $0xb8;
	[tilespmem:$0xDC00] =	vst v63  }
0x689: {  	v5 =	vld [tilespmem:$0x1C0];
	_ =	sdelay $0x4  }
0x68a: {  	v6 =	vshrl.u32 v5, $0x3  }
0x68b: {  	v6 =	vmul.u32 $0x30, v6  }
0x68c: {  	v5 =	vand.u32 $0x7, v5  }
0x68d: {  	v5 =	vor.u32 v5, v6  }
0x68e: {  	v6 =	vperm.xlane v5, v2;
	_ =	sdelay $0x1  }
0x68f: {  	v6 =	vadd.s32 v3, v6;
	_ =	sdelay $0x3  }
0x690: {  	s21 =	simm.s32 $0x9400;
	v5 =	vperm.xlane v5, v4  }
0x691: {  	[tilespmem:s21], [sflag:$0x1] =	stream.indirect_vreg.gather [hbm4b:s5+s4], $0x80, v6, vm0, $0xb8;
	[tilespmem:$0xDC00] =	vst v63  }
0x692: {  	s23 =	simm.s32 $0x9C00;
	v5 =	vadd.s32 v3, v5  }
0x693: {  	[tilespmem:s23], [sflag:$0x1] =	stream.indirect_vreg.gather [hbm4b:s11+s4], $0x80, v6, vm0, $0xb8;
	[tilespmem:$0xDC00] =	vst v63  }
0x694: {  	s15 =	simm.s32 $0xA400  }
0x695: {  	[tilespmem:s15], [sflag:$0x1] =	stream.indirect_vreg.gather [hbm4b:s13+s4], $0x80, v6, vm0, $0xb8;
	[tilespmem:$0xDC00] =	vst v63  }
0x696: {  	s3 =	simm.s32 $0xAC00  }
0x697: {  	[tilespmem:s3], [sflag:$0x1] =	stream.indirect_vreg.gather [hbm4b:s5+s4], $0x80, v5, vm0, $0xb8;
	[tilespmem:$0xDC00] =	vst v63  }
0x698: {  	s31 =	simm.s32 $0xB400  }
0x699: {  	[tilespmem:s31], [sflag:$0x1] =	stream.indirect_vreg.gather [hbm4b:s11+s4], $0x80, v5, vm0, $0xb8;
	[tilespmem:$0xDC00] =	vst v63  }
0x69a: {  	s24 =	simm.s32 $0xBC00  }
0x69b: {  	[tilespmem:s24], [sflag:$0x1] =	stream.indirect_vreg.gather [hbm4b:s13+s4], $0x80, v5, vm0, $0xb8;
	[tilespmem:$0xDC00] =	vst v63  }
0x69c: {  	v5 =	vld.msk [tilespmem:$0x1D0], $0xff;
	_ =	sdelay $0x4  }
0x69d: {  	v6 =	vshrl.u32 v5, $0x3  }
0x69e: {  	v6 =	vmul.u32 $0x30, v6  }
0x69f: {  	v5 =	vand.u32 $0x7, v5  }
0x6a0: {  	v5 =	vor.u32 v5, v6  }
0x6a1: {  	v5 =	vperm.xlane v5, v2;
	_ =	sdelay $0x1  }
0x6a2: {  	v5 =	vadd.s32 v3, v5;
	_ =	sdelay $0x3  }
0x6a3: {  	s25 =	simm.s32 $0xC400  }
0x6a4: {  	[tilespmem:s25], [sflag:$0x1] =	stream.indirect_vreg.gather [hbm4b:s5+s4], $0x80, v5, vm0, $0xb8;
	[tilespmem:$0xDC00] =	vst v63  }
0x6a5: {  	s12 =	simm.s32 $0xCC00  }
0x6a6: {  	[tilespmem:s12], [sflag:$0x1] =	stream.indirect_vreg.gather [hbm4b:s11+s4], $0x80, v5, vm0, $0xb8;
	[tilespmem:$0xDC00] =	vst v63  }
0x6a7: {  	s14 =	simm.s32 $0xD400  }
0x6a8: {  	[tilespmem:s14], [sflag:$0x1] =	stream.indirect_vreg.gather [hbm4b:s13+s4], $0x80, v5, vm0, $0xb8;
	[tilespmem:$0xDC00] =	vst v63  }
0x6a9: {  	_ =	swait.ge [sflag:s26], $0xD800  }
0x6aa: {  	[sflag:s26] =	ssyncset.done $0x0  }
0x6ab: {  	s20 =	simm.s32 $0x400;
	s28 =	rddreg [dreg:$0x1b];
	[sflag:s26] =	ssyncadd.s32 $0xFFFF2800  }
0x6ac: {  	[hbm4b:s28+s4] =	stream.linear.scatter [tilespmem:s20], [sflag:$0x2], $0xD800, $0x38;
	[tilespmem:$0xDC00] =	vst v63  }
0x6ad: {  	_ =	swait.ge [sflag:s17], $0xD800  }
0x6ae: {  	[sflag:s17] =	ssyncset.done $0x0  }
0x6af: {  	[sflag:s17] =	ssyncadd.s32 $0xFFFF2800  }
0x6b0: {  	v5 =	vld [tilespmem:$0x1D8];
	_ =	sdelay $0x4  }
0x6b1: {  	v6 =	vshrl.u32 v5, $0x3  }
0x6b2: {  	v6 =	vmul.u32 $0x30, v6  }
0x6b3: {  	v5 =	vand.u32 $0x7, v5  }
0x6b4: {  	v5 =	vor.u32 v5, v6  }
0x6b5: {  	v6 =	vperm.xlane v5, v2;
	_ =	sdelay $0x1  }
0x6b6: {  	v6 =	vadd.s32 v3, v6;
	_ =	sdelay $0x3  }
0x6b7: {  	v5 =	vperm.xlane v5, v4  }
0x6b8: {  	[tilespmem:s20], [sflag:$0x1] =	stream.indirect_vreg.gather [hbm4b:s5+s4], $0x80, v6, vm0, $0xb8;
	[tilespmem:$0xDC00] =	vst v63  }
0x6b9: {  	s21 =	simm.s32 $0xC00;
	v5 =	vadd.s32 v3, v5  }
0x6ba: {  	[tilespmem:s21], [sflag:$0x1] =	stream.indirect_vreg.gather [hbm4b:s11+s4], $0x80, v6, vm0, $0xb8;
	[tilespmem:$0xDC00] =	vst v63  }
0x6bb: {  	s0 =	simm.s32 $0x1400  }
0x6bc: {  	[tilespmem:s0], [sflag:$0x1] =	stream.indirect_vreg.gather [hbm4b:s13+s4], $0x80, v6, vm0, $0xb8;
	[tilespmem:$0xDC00] =	vst v63  }
0x6bd: {  	s30 =	simm.s32 $0x1C00  }
0x6be: {  	[tilespmem:s30], [sflag:$0x1] =	stream.indirect_vreg.gather [hbm4b:s5+s4], $0x80, v5, vm0, $0xb8;
	[tilespmem:$0xDC00] =	vst v63  }
0x6bf: {  	s29 =	simm.s32 $0x2400  }
0x6c0: {  	[tilespmem:s29], [sflag:$0x1] =	stream.indirect_vreg.gather [hbm4b:s11+s4], $0x80, v5, vm0, $0xb8;
	[tilespmem:$0xDC00] =	vst v63  }
0x6c1: {  	s3 =	simm.s32 $0x2C00  }
0x6c2: {  	[tilespmem:s3], [sflag:$0x1] =	stream.indirect_vreg.gather [hbm4b:s13+s4], $0x80, v5, vm0, $0xb8;
	[tilespmem:$0xDC00] =	vst v63  }
0x6c3: {  	v5 =	vld [tilespmem:$0x1E8];
	_ =	sdelay $0x4  }
0x6c4: {  	v6 =	vshrl.u32 v5, $0x3  }
0x6c5: {  	v6 =	vmul.u32 $0x30, v6  }
0x6c6: {  	v5 =	vand.u32 $0x7, v5  }
0x6c7: {  	v5 =	vor.u32 v5, v6  }
0x6c8: {  	v6 =	vperm.xlane v5, v2;
	_ =	sdelay $0x1  }
0x6c9: {  	v6 =	vadd.s32 v3, v6;
	_ =	sdelay $0x3  }
0x6ca: {  	s24 =	simm.s32 $0x3400;
	v5 =	vperm.xlane v5, v4  }
0x6cb: {  	[tilespmem:s24], [sflag:$0x1] =	stream.indirect_vreg.gather [hbm4b:s5+s4], $0x80, v6, vm0, $0xb8;
	[tilespmem:$0xDC00] =	vst v63  }
0x6cc: {  	s20 =	simm.s32 $0x3C00;
	v5 =	vadd.s32 v3, v5  }
0x6cd: {  	[tilespmem:s20], [sflag:$0x1] =	stream.indirect_vreg.gather [hbm4b:s11+s4], $0x80, v6, vm0, $0xb8;
	[tilespmem:$0xDC00] =	vst v63  }
0x6ce: {  	s14 =	simm.s32 $0x4400  }
0x6cf: {  	[tilespmem:s14], [sflag:$0x1] =	stream.indirect_vreg.gather [hbm4b:s13+s4], $0x80, v6, vm0, $0xb8;
	[tilespmem:$0xDC00] =	vst v63  }
0x6d0: {  	s15 =	simm.s32 $0x4C00  }
0x6d1: {  	[tilespmem:s15], [sflag:$0x1] =	stream.indirect_vreg.gather [hbm4b:s5+s4], $0x80, v5, vm0, $0xb8;
	[tilespmem:$0xDC00] =	vst v63  }
0x6d2: {  	s2 =	simm.s32 $0x5400  }
0x6d3: {  	[tilespmem:s2], [sflag:$0x1] =	stream.indirect_vreg.gather [hbm4b:s11+s4], $0x80, v5, vm0, $0xb8;
	[tilespmem:$0xDC00] =	vst v63  }
0x6d4: {  	s12 =	simm.s32 $0x5C00  }
0x6d5: {  	[tilespmem:s12], [sflag:$0x1] =	stream.indirect_vreg.gather [hbm4b:s13+s4], $0x80, v5, vm0, $0xb8;
	[tilespmem:$0xDC00] =	vst v63  }
0x6d6: {  	v5 =	vld [tilespmem:$0x1F8];
	_ =	sdelay $0x4  }
0x6d7: {  	v6 =	vshrl.u32 v5, $0x3  }
0x6d8: {  	v6 =	vmul.u32 $0x30, v6  }
0x6d9: {  	v5 =	vand.u32 $0x7, v5  }
0x6da: {  	v5 =	vor.u32 v5, v6  }
0x6db: {  	v6 =	vperm.xlane v5, v2;
	_ =	sdelay $0x1  }
0x6dc: {  	v6 =	vadd.s32 v3, v6;
	_ =	sdelay $0x3  }
0x6dd: {  	s25 =	simm.s32 $0x6400;
	v5 =	vperm.xlane v5, v4  }
0x6de: {  	[tilespmem:s25], [sflag:$0x1] =	stream.indirect_vreg.gather [hbm4b:s5+s4], $0x80, v6, vm0, $0xb8;
	[tilespmem:$0xDC00] =	vst v63  }
0x6df: {  	s16 =	simm.s32 $0x6C00;
	v5 =	vadd.s32 v3, v5  }
0x6e0: {  	[tilespmem:s16], [sflag:$0x1] =	stream.indirect_vreg.gather [hbm4b:s11+s4], $0x80, v6, vm0, $0xb8;
	[tilespmem:$0xDC00] =	vst v63  }
0x6e1: {  	s19 =	simm.s32 $0x7400  }
0x6e2: {  	[tilespmem:s19], [sflag:$0x1] =	stream.indirect_vreg.gather [hbm4b:s13+s4], $0x80, v6, vm0, $0xb8;
	[tilespmem:$0xDC00] =	vst v63  }
0x6e3: {  	s6 =	simm.s32 $0x7C00  }
0x6e4: {  	[tilespmem:s6], [sflag:$0x1] =	stream.indirect_vreg.gather [hbm4b:s5+s4], $0x80, v5, vm0, $0xb8;
	[tilespmem:$0xDC00] =	vst v63  }
0x6e5: {  	s18 =	simm.s32 $0x8400  }
0x6e6: {  	[tilespmem:s18], [sflag:$0x1] =	stream.indirect_vreg.gather [hbm4b:s11+s4], $0x80, v5, vm0, $0xb8;
	[tilespmem:$0xDC00] =	vst v63  }
0x6e7: {  	s19 =	simm.s32 $0x8C00  }
0x6e8: {  	[tilespmem:s19], [sflag:$0x1] =	stream.indirect_vreg.gather [hbm4b:s13+s4], $0x80, v5, vm0, $0xb8;
	[tilespmem:$0xDC00] =	vst v63  }
0x6e9: {  	v5 =	vld [tilespmem:$0x208];
	_ =	sdelay $0x4  }
0x6ea: {  	v6 =	vshrl.u32 v5, $0x3  }
0x6eb: {  	v6 =	vmul.u32 $0x30, v6  }
0x6ec: {  	v5 =	vand.u32 $0x7, v5  }
0x6ed: {  	v5 =	vor.u32 v5, v6  }
0x6ee: {  	v6 =	vperm.xlane v5, v2;
	_ =	sdelay $0x1  }
0x6ef: {  	v6 =	vadd.s32 v3, v6;
	_ =	sdelay $0x3  }
0x6f0: {  	s30 =	simm.s32 $0x9400;
	v5 =	vperm.xlane v5, v4  }
0x6f1: {  	[tilespmem:s30], [sflag:$0x1] =	stream.indirect_vreg.gather [hbm4b:s5+s4], $0x80, v6, vm0, $0xb8;
	[tilespmem:$0xDC00] =	vst v63  }
0x6f2: {  	s22 =	simm.s32 $0x9C00;
	v5 =	vadd.s32 v3, v5  }
0x6f3: {  	[tilespmem:s22], [sflag:$0x1] =	stream.indirect_vreg.gather [hbm4b:s11+s4], $0x80, v6, vm0, $0xb8;
	[tilespmem:$0xDC00] =	vst v63  }
0x6f4: {  	s2 =	simm.s32 $0xA400  }
0x6f5: {  	[tilespmem:s2], [sflag:$0x1] =	stream.indirect_vreg.gather [hbm4b:s13+s4], $0x80, v6, vm0, $0xb8;
	[tilespmem:$0xDC00] =	vst v63  }
0x6f6: {  	s23 =	simm.s32 $0xAC00  }
0x6f7: {  	[tilespmem:s23], [sflag:$0x1] =	stream.indirect_vreg.gather [hbm4b:s5+s4], $0x80, v5, vm0, $0xb8;
	[tilespmem:$0xDC00] =	vst v63  }
0x6f8: {  	s23 =	simm.s32 $0xB400  }
0x6f9: {  	[tilespmem:s23], [sflag:$0x1] =	stream.indirect_vreg.gather [hbm4b:s11+s4], $0x80, v5, vm0, $0xb8;
	[tilespmem:$0xDC00] =	vst v63  }
0x6fa: {  	s16 =	simm.s32 $0xBC00  }
0x6fb: {  	[tilespmem:s16], [sflag:$0x1] =	stream.indirect_vreg.gather [hbm4b:s13+s4], $0x80, v5, vm0, $0xb8;
	[tilespmem:$0xDC00] =	vst v63  }
0x6fc: {  	v5 =	vld.msk [tilespmem:$0x218], $0xff;
	_ =	sdelay $0x4  }
0x6fd: {  	v6 =	vshrl.u32 v5, $0x3  }
0x6fe: {  	v6 =	vmul.u32 $0x30, v6  }
0x6ff: {  	v5 =	vand.u32 $0x7, v5  }
0x700: {  	v5 =	vor.u32 v5, v6  }
0x701: {  	v5 =	vperm.xlane v5, v2;
	_ =	sdelay $0x1  }
0x702: {  	v5 =	vadd.s32 v3, v5;
	_ =	sdelay $0x3  }
0x703: {  	s6 =	simm.s32 $0xC400  }
0x704: {  	[tilespmem:s6], [sflag:$0x1] =	stream.indirect_vreg.gather [hbm4b:s5+s4], $0x80, v5, vm0, $0xb8;
	[tilespmem:$0xDC00] =	vst v63  }
0x705: {  	s31 =	simm.s32 $0xCC00  }
0x706: {  	[tilespmem:s31], [sflag:$0x1] =	stream.indirect_vreg.gather [hbm4b:s11+s4], $0x80, v5, vm0, $0xb8;
	[tilespmem:$0xDC00] =	vst v63  }
0x707: {  	s0 =	simm.s32 $0xD400  }
0x708: {  	[tilespmem:s0], [sflag:$0x1] =	stream.indirect_vreg.gather [hbm4b:s13+s4], $0x80, v5, vm0, $0xb8;
	[tilespmem:$0xDC00] =	vst v63  }
0x709: {  	_ =	swait.ge [sflag:s26], $0xD800  }
0x70a: {  	[sflag:s26] =	ssyncset.done $0x0  }
0x70b: {  	s1 =	simm.s32 $0x400;
	s28 =	rddreg [dreg:$0x1c];
	[sflag:s26] =	ssyncadd.s32 $0xFFFF2800  }
0x70c: {  	[hbm4b:s28+s4] =	stream.linear.scatter [tilespmem:s1], [sflag:$0x2], $0xD800, $0x38;
	[tilespmem:$0xDC00] =	vst v63  }
0x70d: {  	_ =	swait.ge [sflag:s17], $0xD800  }
0x70e: {  	[sflag:s17] =	ssyncset.done $0x0  }
0x70f: {  	[sflag:s17] =	ssyncadd.s32 $0xFFFF2800  }
0x710: {  	v5 =	vld [tilespmem:$0x220];
	_ =	sdelay $0x4  }
0x711: {  	v6 =	vshrl.u32 v5, $0x3  }
0x712: {  	v6 =	vmul.u32 $0x30, v6  }
0x713: {  	v5 =	vand.u32 $0x7, v5  }
0x714: {  	v5 =	vor.u32 v5, v6  }
0x715: {  	v6 =	vperm.xlane v5, v2;
	_ =	sdelay $0x1  }
0x716: {  	v6 =	vadd.s32 v3, v6;
	_ =	sdelay $0x3  }
0x717: {  	v5 =	vperm.xlane v5, v4  }
0x718: {  	[tilespmem:s1], [sflag:$0x1] =	stream.indirect_vreg.gather [hbm4b:s5+s4], $0x80, v6, vm0, $0xb8;
	[tilespmem:$0xDC00] =	vst v63  }
0x719: {  	v5 =	vadd.s32 v3, v5  }
0x71a: {  	[tilespmem:s21], [sflag:$0x1] =	stream.indirect_vreg.gather [hbm4b:s11+s4], $0x80, v6, vm0, $0xb8;
	[tilespmem:$0xDC00] =	vst v63  }
0x71b: {  	s21 =	simm.s32 $0x1400  }
0x71c: {  	[tilespmem:s21], [sflag:$0x1] =	stream.indirect_vreg.gather [hbm4b:s13+s4], $0x80, v6, vm0, $0xb8;
	[tilespmem:$0xDC00] =	vst v63  }
0x71d: {  	s21 =	simm.s32 $0x1C00  }
0x71e: {  	[tilespmem:s21], [sflag:$0x1] =	stream.indirect_vreg.gather [hbm4b:s5+s4], $0x80, v5, vm0, $0xb8;
	[tilespmem:$0xDC00] =	vst v63  }
0x71f: {  	_ = 	snop  }
0x720: {  	[tilespmem:s29], [sflag:$0x1] =	stream.indirect_vreg.gather [hbm4b:s11+s4], $0x80, v5, vm0, $0xb8;
	[tilespmem:$0xDC00] =	vst v63  }
0x721: {  	_ = 	snop  }
0x722: {  	[tilespmem:s3], [sflag:$0x1] =	stream.indirect_vreg.gather [hbm4b:s13+s4], $0x80, v5, vm0, $0xb8;
	[tilespmem:$0xDC00] =	vst v63  }
0x723: {  	v5 =	vld [tilespmem:$0x230];
	_ =	sdelay $0x4  }
0x724: {  	v6 =	vshrl.u32 v5, $0x3  }
0x725: {  	v6 =	vmul.u32 $0x30, v6  }
0x726: {  	v5 =	vand.u32 $0x7, v5  }
0x727: {  	v5 =	vor.u32 v5, v6  }
0x728: {  	v6 =	vperm.xlane v5, v2;
	_ =	sdelay $0x1  }
0x729: {  	v6 =	vadd.s32 v3, v6;
	_ =	sdelay $0x3  }
0x72a: {  	v5 =	vperm.xlane v5, v4  }
0x72b: {  	[tilespmem:s24], [sflag:$0x1] =	stream.indirect_vreg.gather [hbm4b:s5+s4], $0x80, v6, vm0, $0xb8;
	[tilespmem:$0xDC00] =	vst v63  }
0x72c: {  	v5 =	vadd.s32 v3, v5  }
0x72d: {  	[tilespmem:s20], [sflag:$0x1] =	stream.indirect_vreg.gather [hbm4b:s11+s4], $0x80, v6, vm0, $0xb8;
	[tilespmem:$0xDC00] =	vst v63  }
0x72e: {  	_ = 	snop  }
0x72f: {  	[tilespmem:s14], [sflag:$0x1] =	stream.indirect_vreg.gather [hbm4b:s13+s4], $0x80, v6, vm0, $0xb8;
	[tilespmem:$0xDC00] =	vst v63  }
0x730: {  	_ = 	snop  }
0x731: {  	[tilespmem:s15], [sflag:$0x1] =	stream.indirect_vreg.gather [hbm4b:s5+s4], $0x80, v5, vm0, $0xb8;
	[tilespmem:$0xDC00] =	vst v63  }
0x732: {  	s24 =	simm.s32 $0x5400  }
0x733: {  	[tilespmem:s24], [sflag:$0x1] =	stream.indirect_vreg.gather [hbm4b:s11+s4], $0x80, v5, vm0, $0xb8;
	[tilespmem:$0xDC00] =	vst v63  }
0x734: {  	_ = 	snop  }
0x735: {  	[tilespmem:s12], [sflag:$0x1] =	stream.indirect_vreg.gather [hbm4b:s13+s4], $0x80, v5, vm0, $0xb8;
	[tilespmem:$0xDC00] =	vst v63  }
0x736: {  	v5 =	vld [tilespmem:$0x240];
	_ =	sdelay $0x4  }
0x737: {  	v6 =	vshrl.u32 v5, $0x3  }
0x738: {  	v6 =	vmul.u32 $0x30, v6  }
0x739: {  	v5 =	vand.u32 $0x7, v5  }
0x73a: {  	v5 =	vor.u32 v5, v6  }
0x73b: {  	v6 =	vperm.xlane v5, v2;
	_ =	sdelay $0x1  }
0x73c: {  	v6 =	vadd.s32 v3, v6;
	_ =	sdelay $0x3  }
0x73d: {  	v5 =	vperm.xlane v5, v4  }
0x73e: {  	[tilespmem:s25], [sflag:$0x1] =	stream.indirect_vreg.gather [hbm4b:s5+s4], $0x80, v6, vm0, $0xb8;
	[tilespmem:$0xDC00] =	vst v63  }
0x73f: {  	v5 =	vadd.s32 v3, v5;
	s25 =	simm.s32 $0x6C00  }
0x740: {  	[tilespmem:s25], [sflag:$0x1] =	stream.indirect_vreg.gather [hbm4b:s11+s4], $0x80, v6, vm0, $0xb8;
	[tilespmem:$0xDC00] =	vst v63  }
0x741: {  	s25 =	simm.s32 $0x7400  }
0x742: {  	[tilespmem:s25], [sflag:$0x1] =	stream.indirect_vreg.gather [hbm4b:s13+s4], $0x80, v6, vm0, $0xb8;
	[tilespmem:$0xDC00] =	vst v63  }
0x743: {  	s25 =	simm.s32 $0x7C00  }
0x744: {  	[tilespmem:s25], [sflag:$0x1] =	stream.indirect_vreg.gather [hbm4b:s5+s4], $0x80, v5, vm0, $0xb8;
	[tilespmem:$0xDC00] =	vst v63  }
0x745: {  	_ = 	snop  }
0x746: {  	[tilespmem:s18], [sflag:$0x1] =	stream.indirect_vreg.gather [hbm4b:s11+s4], $0x80, v5, vm0, $0xb8;
	[tilespmem:$0xDC00] =	vst v63  }
0x747: {  	_ = 	snop  }
0x748: {  	[tilespmem:s19], [sflag:$0x1] =	stream.indirect_vreg.gather [hbm4b:s13+s4], $0x80, v5, vm0, $0xb8;
	[tilespmem:$0xDC00] =	vst v63  }
0x749: {  	v5 =	vld [tilespmem:$0x250];
	_ =	sdelay $0x4  }
0x74a: {  	v6 =	vshrl.u32 v5, $0x3  }
0x74b: {  	v6 =	vmul.u32 $0x30, v6  }
0x74c: {  	v5 =	vand.u32 $0x7, v5  }
0x74d: {  	v5 =	vor.u32 v5, v6  }
0x74e: {  	v6 =	vperm.xlane v5, v2;
	_ =	sdelay $0x1  }
0x74f: {  	v6 =	vadd.s32 v3, v6;
	_ =	sdelay $0x3  }
0x750: {  	v5 =	vperm.xlane v5, v4  }
0x751: {  	[tilespmem:s30], [sflag:$0x1] =	stream.indirect_vreg.gather [hbm4b:s5+s4], $0x80, v6, vm0, $0xb8;
	[tilespmem:$0xDC00] =	vst v63  }
0x752: {  	v5 =	vadd.s32 v3, v5  }
0x753: {  	[tilespmem:s22], [sflag:$0x1] =	stream.indirect_vreg.gather [hbm4b:s11+s4], $0x80, v6, vm0, $0xb8;
	[tilespmem:$0xDC00] =	vst v63  }
0x754: {  	_ = 	snop  }
0x755: {  	[tilespmem:s2], [sflag:$0x1] =	stream.indirect_vreg.gather [hbm4b:s13+s4], $0x80, v6, vm0, $0xb8;
	[tilespmem:$0xDC00] =	vst v63  }
0x756: {  	s28 =	simm.s32 $0xAC00  }
0x757: {  	[tilespmem:s28], [sflag:$0x1] =	stream.indirect_vreg.gather [hbm4b:s5+s4], $0x80, v5, vm0, $0xb8;
	[tilespmem:$0xDC00] =	vst v63  }
0x758: {  	_ = 	snop  }
0x759: {  	[tilespmem:s23], [sflag:$0x1] =	stream.indirect_vreg.gather [hbm4b:s11+s4], $0x80, v5, vm0, $0xb8;
	[tilespmem:$0xDC00] =	vst v63  }
0x75a: {  	_ = 	snop  }
0x75b: {  	[tilespmem:s16], [sflag:$0x1] =	stream.indirect_vreg.gather [hbm4b:s13+s4], $0x80, v5, vm0, $0xb8;
	[tilespmem:$0xDC00] =	vst v63  }
0x75c: {  	v5 =	vld.msk [tilespmem:$0x260], $0xff;
	_ =	sdelay $0x4  }
0x75d: {  	v6 =	vshrl.u32 v5, $0x3  }
0x75e: {  	v6 =	vmul.u32 $0x30, v6  }
0x75f: {  	v5 =	vand.u32 $0x7, v5  }
0x760: {  	v5 =	vor.u32 v5, v6  }
0x761: {  	v5 =	vperm.xlane v5, v2;
	_ =	sdelay $0x1  }
0x762: {  	v5 =	vadd.s32 v3, v5;
	_ =	sdelay $0x4  }
0x763: {  	[tilespmem:s6], [sflag:$0x1] =	stream.indirect_vreg.gather [hbm4b:s5+s4], $0x80, v5, vm0, $0xb8;
	[tilespmem:$0xDC00] =	vst v63  }
0x764: {  	s16 =	simm.s32 $0xCC00  }
0x765: {  	[tilespmem:s16], [sflag:$0x1] =	stream.indirect_vreg.gather [hbm4b:s11+s4], $0x80, v5, vm0, $0xb8;
	[tilespmem:$0xDC00] =	vst v63  }
0x766: {  	_ = 	snop  }
0x767: {  	[tilespmem:s0], [sflag:$0x1] =	stream.indirect_vreg.gather [hbm4b:s13+s4], $0x80, v5, vm0, $0xb8;
	[tilespmem:$0xDC00] =	vst v63  }
0x768: {  	_ =	swait.ge [sflag:s26], $0xD800  }
0x769: {  	[sflag:s26] =	ssyncset.done $0x0  }
0x76a: {  	s16 =	simm.s32 $0x400;
	s28 =	rddreg [dreg:$0x1d];
	[sflag:s26] =	ssyncadd.s32 $0xFFFF2800  }
0x76b: {  	[hbm4b:s28+s4] =	stream.linear.scatter [tilespmem:s16], [sflag:$0x2], $0xD800, $0x38;
	[tilespmem:$0xDC00] =	vst v63  }
0x76c: {  	_ =	swait.ge [sflag:s17], $0xD800  }
0x76d: {  	[sflag:s17] =	ssyncset.done $0x0  }
0x76e: {  	[sflag:s17] =	ssyncadd.s32 $0xFFFF2800  }
0x76f: {  	v5 =	vld [tilespmem:$0x268];
	_ =	sdelay $0x4  }
0x770: {  	v6 =	vshrl.u32 v5, $0x3  }
0x771: {  	v6 =	vmul.u32 $0x30, v6  }
0x772: {  	v5 =	vand.u32 $0x7, v5  }
0x773: {  	v5 =	vor.u32 v5, v6  }
0x774: {  	v6 =	vperm.xlane v5, v2;
	_ =	sdelay $0x1  }
0x775: {  	v6 =	vadd.s32 v3, v6;
	_ =	sdelay $0x3  }
0x776: {  	v5 =	vperm.xlane v5, v4  }
0x777: {  	[tilespmem:s16], [sflag:$0x1] =	stream.indirect_vreg.gather [hbm4b:s5+s4], $0x80, v6, vm0, $0xb8;
	[tilespmem:$0xDC00] =	vst v63  }
0x778: {  	s31 =	simm.s32 $0xC00;
	v5 =	vadd.s32 v3, v5  }
0x779: {  	[tilespmem:s31], [sflag:$0x1] =	stream.indirect_vreg.gather [hbm4b:s11+s4], $0x80, v6, vm0, $0xb8;
	[tilespmem:$0xDC00] =	vst v63  }
0x77a: {  	s28 =	simm.s32 $0x1400  }
0x77b: {  	[tilespmem:s28], [sflag:$0x1] =	stream.indirect_vreg.gather [hbm4b:s13+s4], $0x80, v6, vm0, $0xb8;
	[tilespmem:$0xDC00] =	vst v63  }
0x77c: {  	s21 =	simm.s32 $0x1C00  }
0x77d: {  	[tilespmem:s21], [sflag:$0x1] =	stream.indirect_vreg.gather [hbm4b:s5+s4], $0x80, v5, vm0, $0xb8;
	[tilespmem:$0xDC00] =	vst v63  }
0x77e: {  	s29 =	simm.s32 $0x2400  }
0x77f: {  	[tilespmem:s29], [sflag:$0x1] =	stream.indirect_vreg.gather [hbm4b:s11+s4], $0x80, v5, vm0, $0xb8;
	[tilespmem:$0xDC00] =	vst v63  }
0x780: {  	s3 =	simm.s32 $0x2C00  }
0x781: {  	[tilespmem:s3], [sflag:$0x1] =	stream.indirect_vreg.gather [hbm4b:s13+s4], $0x80, v5, vm0, $0xb8;
	[tilespmem:$0xDC00] =	vst v63  }
0x782: {  	v5 =	vld [tilespmem:$0x278];
	_ =	sdelay $0x4  }
0x783: {  	v6 =	vshrl.u32 v5, $0x3  }
0x784: {  	v6 =	vmul.u32 $0x30, v6  }
0x785: {  	v5 =	vand.u32 $0x7, v5  }
0x786: {  	v5 =	vor.u32 v5, v6  }
0x787: {  	v6 =	vperm.xlane v5, v2;
	_ =	sdelay $0x1  }
0x788: {  	v6 =	vadd.s32 v3, v6;
	_ =	sdelay $0x3  }
0x789: {  	s1 =	simm.s32 $0x3400;
	v5 =	vperm.xlane v5, v4  }
0x78a: {  	[tilespmem:s1], [sflag:$0x1] =	stream.indirect_vreg.gather [hbm4b:s5+s4], $0x80, v6, vm0, $0xb8;
	[tilespmem:$0xDC00] =	vst v63  }
0x78b: {  	s20 =	simm.s32 $0x3C00;
	v5 =	vadd.s32 v3, v5  }
0x78c: {  	[tilespmem:s20], [sflag:$0x1] =	stream.indirect_vreg.gather [hbm4b:s11+s4], $0x80, v6, vm0, $0xb8;
	[tilespmem:$0xDC00] =	vst v63  }
0x78d: {  	s14 =	simm.s32 $0x4400  }
0x78e: {  	[tilespmem:s14], [sflag:$0x1] =	stream.indirect_vreg.gather [hbm4b:s13+s4], $0x80, v6, vm0, $0xb8;
	[tilespmem:$0xDC00] =	vst v63  }
0x78f: {  	s15 =	simm.s32 $0x4C00  }
0x790: {  	[tilespmem:s15], [sflag:$0x1] =	stream.indirect_vreg.gather [hbm4b:s5+s4], $0x80, v5, vm0, $0xb8;
	[tilespmem:$0xDC00] =	vst v63  }
0x791: {  	s15 =	simm.s32 $0x5400  }
0x792: {  	[tilespmem:s15], [sflag:$0x1] =	stream.indirect_vreg.gather [hbm4b:s11+s4], $0x80, v5, vm0, $0xb8;
	[tilespmem:$0xDC00] =	vst v63  }
0x793: {  	s12 =	simm.s32 $0x5C00  }
0x794: {  	[tilespmem:s12], [sflag:$0x1] =	stream.indirect_vreg.gather [hbm4b:s13+s4], $0x80, v5, vm0, $0xb8;
	[tilespmem:$0xDC00] =	vst v63  }
0x795: {  	v5 =	vld [tilespmem:$0x288];
	_ =	sdelay $0x4  }
0x796: {  	v6 =	vshrl.u32 v5, $0x3  }
0x797: {  	v6 =	vmul.u32 $0x30, v6  }
0x798: {  	v5 =	vand.u32 $0x7, v5  }
0x799: {  	v5 =	vor.u32 v5, v6  }
0x79a: {  	v6 =	vperm.xlane v5, v2;
	_ =	sdelay $0x1  }
0x79b: {  	v6 =	vadd.s32 v3, v6;
	_ =	sdelay $0x3  }
0x79c: {  	s24 =	simm.s32 $0x6400;
	v5 =	vperm.xlane v5, v4  }
0x79d: {  	[tilespmem:s24], [sflag:$0x1] =	stream.indirect_vreg.gather [hbm4b:s5+s4], $0x80, v6, vm0, $0xb8;
	[tilespmem:$0xDC00] =	vst v63  }
0x79e: {  	s20 =	simm.s32 $0x6C00;
	v5 =	vadd.s32 v3, v5  }
0x79f: {  	[tilespmem:s20], [sflag:$0x1] =	stream.indirect_vreg.gather [hbm4b:s11+s4], $0x80, v6, vm0, $0xb8;
	[tilespmem:$0xDC00] =	vst v63  }
0x7a0: {  	s21 =	simm.s32 $0x7400  }
0x7a1: {  	[tilespmem:s21], [sflag:$0x1] =	stream.indirect_vreg.gather [hbm4b:s13+s4], $0x80, v6, vm0, $0xb8;
	[tilespmem:$0xDC00] =	vst v63  }
0x7a2: {  	s24 =	simm.s32 $0x7C00  }
0x7a3: {  	[tilespmem:s24], [sflag:$0x1] =	stream.indirect_vreg.gather [hbm4b:s5+s4], $0x80, v5, vm0, $0xb8;
	[tilespmem:$0xDC00] =	vst v63  }
0x7a4: {  	s18 =	simm.s32 $0x8400  }
0x7a5: {  	[tilespmem:s18], [sflag:$0x1] =	stream.indirect_vreg.gather [hbm4b:s11+s4], $0x80, v5, vm0, $0xb8;
	[tilespmem:$0xDC00] =	vst v63  }
0x7a6: {  	s19 =	simm.s32 $0x8C00  }
0x7a7: {  	[tilespmem:s19], [sflag:$0x1] =	stream.indirect_vreg.gather [hbm4b:s13+s4], $0x80, v5, vm0, $0xb8;
	[tilespmem:$0xDC00] =	vst v63  }
0x7a8: {  	v5 =	vld [tilespmem:$0x298];
	_ =	sdelay $0x4  }
0x7a9: {  	v6 =	vshrl.u32 v5, $0x3  }
0x7aa: {  	v6 =	vmul.u32 $0x30, v6  }
0x7ab: {  	v5 =	vand.u32 $0x7, v5  }
0x7ac: {  	v5 =	vor.u32 v5, v6  }
0x7ad: {  	v6 =	vperm.xlane v5, v2;
	_ =	sdelay $0x1  }
0x7ae: {  	v6 =	vadd.s32 v3, v6;
	_ =	sdelay $0x3  }
0x7af: {  	s25 =	simm.s32 $0x9400;
	v5 =	vperm.xlane v5, v4  }
0x7b0: {  	[tilespmem:s25], [sflag:$0x1] =	stream.indirect_vreg.gather [hbm4b:s5+s4], $0x80, v6, vm0, $0xb8;
	[tilespmem:$0xDC00] =	vst v63  }
0x7b1: {  	s22 =	simm.s32 $0x9C00;
	v5 =	vadd.s32 v3, v5  }
0x7b2: {  	[tilespmem:s22], [sflag:$0x1] =	stream.indirect_vreg.gather [hbm4b:s11+s4], $0x80, v6, vm0, $0xb8;
	[tilespmem:$0xDC00] =	vst v63  }
0x7b3: {  	s2 =	simm.s32 $0xA400  }
0x7b4: {  	[tilespmem:s2], [sflag:$0x1] =	stream.indirect_vreg.gather [hbm4b:s13+s4], $0x80, v6, vm0, $0xb8;
	[tilespmem:$0xDC00] =	vst v63  }
0x7b5: {  	s29 =	simm.s32 $0xAC00  }
0x7b6: {  	[tilespmem:s29], [sflag:$0x1] =	stream.indirect_vreg.gather [hbm4b:s5+s4], $0x80, v5, vm0, $0xb8;
	[tilespmem:$0xDC00] =	vst v63  }
0x7b7: {  	s23 =	simm.s32 $0xB400  }
0x7b8: {  	[tilespmem:s23], [sflag:$0x1] =	stream.indirect_vreg.gather [hbm4b:s11+s4], $0x80, v5, vm0, $0xb8;
	[tilespmem:$0xDC00] =	vst v63  }
0x7b9: {  	s30 =	simm.s32 $0xBC00  }
0x7ba: {  	[tilespmem:s30], [sflag:$0x1] =	stream.indirect_vreg.gather [hbm4b:s13+s4], $0x80, v5, vm0, $0xb8;
	[tilespmem:$0xDC00] =	vst v63  }
0x7bb: {  	v5 =	vld.msk [tilespmem:$0x2A8], $0xff;
	_ =	sdelay $0x4  }
0x7bc: {  	v6 =	vshrl.u32 v5, $0x3  }
0x7bd: {  	v6 =	vmul.u32 $0x30, v6  }
0x7be: {  	v5 =	vand.u32 $0x7, v5  }
0x7bf: {  	v5 =	vor.u32 v5, v6  }
0x7c0: {  	v5 =	vperm.xlane v5, v2;
	_ =	sdelay $0x1  }
0x7c1: {  	v5 =	vadd.s32 v3, v5;
	_ =	sdelay $0x3  }
0x7c2: {  	s6 =	simm.s32 $0xC400  }
0x7c3: {  	[tilespmem:s6], [sflag:$0x1] =	stream.indirect_vreg.gather [hbm4b:s5+s4], $0x80, v5, vm0, $0xb8;
	[tilespmem:$0xDC00] =	vst v63  }
0x7c4: {  	s31 =	simm.s32 $0xCC00  }
0x7c5: {  	[tilespmem:s31], [sflag:$0x1] =	stream.indirect_vreg.gather [hbm4b:s11+s4], $0x80, v5, vm0, $0xb8;
	[tilespmem:$0xDC00] =	vst v63  }
0x7c6: {  	s0 =	simm.s32 $0xD400  }
0x7c7: {  	[tilespmem:s0], [sflag:$0x1] =	stream.indirect_vreg.gather [hbm4b:s13+s4], $0x80, v5, vm0, $0xb8;
	[tilespmem:$0xDC00] =	vst v63  }
0x7c8: {  	_ =	swait.ge [sflag:s26], $0xD800  }
0x7c9: {  	[sflag:s26] =	ssyncset.done $0x0  }
0x7ca: {  	s16 =	simm.s32 $0x400;
	s28 =	rddreg [dreg:$0x1e];
	[sflag:s26] =	ssyncadd.s32 $0xFFFF2800  }
0x7cb: {  	[hbm4b:s28+s4] =	stream.linear.scatter [tilespmem:s16], [sflag:$0x2], $0xD800, $0x38;
	[tilespmem:$0xDC00] =	vst v63  }
0x7cc: {  	s28 =	sld [smem:$0x7FC];
	_ =	sdelay $0x2  }
0x7cd: {  	p0 =	sne.s32 s28, $0x1  }
.Ltmp0:
0x7ce: {  	_ = 	snop;
	(pc) =	sbr.rel @p0 .LBB2_1-.Ltmp0, $4  }
0x7cf: {  	_ = 	snop  }
0x7d0: {  	_ =	swait.ge [sflag:s17], $0xD800  }
0x7d1: {  	[sflag:s17] =	ssyncset.done $0x0  }
0x7d2: {  	[sflag:s17] =	ssyncadd.s32 $0xFFFF2800;
	s28 =	sadd.s32 $0xFFFFFFFF, s28  }
0x7d3: {  	_ =	sfence.sel $0x180000  }
0x7d4: {  	[bflag:$0x0] =	sbarrier.arrive $0xFFFF  }
0x7d5: {  	_ =	strace $0x90000047  }
0x7d6: {  	s0 =	stileid.u32;
	[bflag:$0x2] =	sbarrier.arrive $0xFFFF  }
0x7d7: {  	p0 =	sne.s32 s0, $0x0;
	s0 =	rddreg [dreg:$0x8]  }
0x7d8: {  	s0 =	sadd.s32 @!p0 $0x100000, s0  }
0x7d9: {  	[sflag:s0] =	ssyncadd.tile.s32 @!p0 $0x1;
	_ =	shalt  }
.Lfunc_end2:
_tile_overlayer_lowered:
.L_overlay_start_2:
0x7da: {  	(tag) =	ssettag $0x2  }
0x7db: {  	s0 =	rddreg [dreg:$0x0];
	s2 =	stileid.u32  }
0x7dc: {  	s1 =	rddreg [dreg:$0x1];
	p0 =	sne.s32 s2, $0x0  }
0x7dd: {  	s3 =	rddreg [dreg:$0x2];
	[bflag:$0x3] =	sbarrier.arrive $0xFFFF;
	s2 =	simm.s32 @!p0 $0x1C02  }
0x7de: {  	[timem:s3], [sflag:s2] =	dma.local @!p0 [hbm:s0], s1  }
0x7df: {  	s0 =	simm.s32 @!p0 $0x2  }
0x7e0: {  	_ =	swait.ge @!p0 [sflag:s0], s1  }
0x7e1: {  	s1 =	ssub.s32 @!p0 $0x0, s1;
	[sflag:s0] =	ssyncset.done @!p0 $0x0  }
0x7e2: {  	[sflag:s0] =	ssyncadd.s32 @!p0 s1  }
0x7e3: {  	[bflag:$0x3] =	sbarrier.arrive $0xFFFF  }
0x7e4: {  	_ =	shalt  }

</sc_bundles>
